<compile_context>
chip_gen: v7x
topology: tpu7x:2x2x1
jax: 0.10.2.dev20260603
libtpu: 0.0.44.dev20260713+nightly
codegen_flags: <defaults>
</compile_context>

<pallas_src>
import jax
import jax.numpy as jnp
from jax import lax
from jax.experimental import pallas as pl
from jax.experimental.pallas import tpu as pltpu
from jax.experimental.pallas import tpu_sc as plsc

N = 10000
E = 160000
D = 128
ALPHA = 0.2

NW = 32
NPW = 320
NPAD = NW * NPW
EPW = E // NW
BCAP = 288
ABUF = NW * BCAP
CAP = 5888
SZ = CAP + 128
BR = 64
NEG = -3.4e38
HUGE = 0x7FFFFFFF


def _tc_body(x_ref, w_ref, a2_ref, wh_ref, st_ref, cs_ref):
    i = pl.program_id(0)
    wh = jnp.dot(x_ref[...], w_ref[...], preferred_element_type=jnp.float32)
    wh_ref[...] = wh
    st_ref[...] = jnp.dot(wh, a2_ref[...], preferred_element_type=jnp.float32)

    @pl.when(i == 0)
    def _():
        cs_ref[...] = jnp.zeros_like(cs_ref)

    cs_ref[...] += jnp.sum(wh, axis=0, keepdims=True)


def _tc_call(X, W, A2):
    return pl.pallas_call(
        _tc_body,
        grid=(10,),
        in_specs=[
            pl.BlockSpec((1000, D), lambda i: (i, 0)),
            pl.BlockSpec((D, D), lambda i: (0, 0)),
            pl.BlockSpec((D, 2), lambda i: (0, 0)),
        ],
        out_specs=[
            pl.BlockSpec((1000, D), lambda i: (i, 0)),
            pl.BlockSpec((1000, 2), lambda i: (i, 0)),
            pl.BlockSpec((1, D), lambda i: (0, 0)),
        ],
        out_shape=[
            jax.ShapeDtypeStruct((N, D), jnp.float32),
            jax.ShapeDtypeStruct((N, 2), jnp.float32),
            jax.ShapeDtypeStruct((1, D), jnp.float32),
        ],
    )(X, W, A2)


def _pa_body(src_hbm, dst_hbm, abuf_hbm, acnt_hbm, src_v, dst_v, ab_v, ac_v):
    wid = lax.axis_index("c") * 16 + lax.axis_index("s")
    iota = lax.iota(jnp.int32, 16)
    zi = jnp.zeros((16,), jnp.int32)

    pltpu.sync_copy(src_hbm.at[pl.ds(wid * EPW, EPW)], src_v.at[pl.ds(0, EPW)])
    pltpu.sync_copy(dst_hbm.at[pl.ds(wid * EPW, EPW)], dst_v.at[pl.ds(0, EPW)])

    for q in range(3):
        ac_v[pl.ds(q * 16, 16)] = zi

    def _scan(j, _):
        sv = src_v[pl.ds(j * 16, 16)]
        dv = dst_v[pl.ds(j * 16, 16)]
        valid = j * 16 + iota < EPW
        key = jnp.where(valid, sv * 16384 + dv, jnp.int32(HUGE))
        sk, _si = plsc.sort_key_val(key, iota)
        vs = sk < HUGE
        own = jnp.where(vs, ((sk >> 14) * 6554) >> 21, jnp.int32(32))
        prev = own[jnp.clip(iota - 1, 0, 15)]
        neq = (own != prev) | (iota == 0)
        start = plsc.cummax(jnp.where(neq, iota, 0))
        rank = iota - start
        base = plsc.load_gather(ac_v, [own])
        slot = jnp.minimum(base + rank, BCAP - 1)
        pos = jnp.minimum(own, NW - 1) * BCAP + slot
        plsc.store_scatter(ab_v, [pos], sk, mask=vs)
        nxt = own[jnp.clip(iota + 1, 0, 15)]
        is_last = ((own != nxt) | (iota == 15)) & vs
        plsc.store_scatter(ac_v, [own], jnp.minimum(slot + 1, BCAP),
                           mask=is_last)
        return 0

    lax.fori_loop(0, (EPW + 15) // 16, _scan, 0)

    pltpu.sync_copy(ab_v, abuf_hbm.at[pl.ds(wid * ABUF, ABUF)])
    pltpu.sync_copy(ac_v.at[pl.ds(0, 32)], acnt_hbm.at[pl.ds(wid * 32, 32)])


def _pa_call(src, dst):
    mesh = plsc.VectorSubcoreMesh(core_axis_name="c", subcore_axis_name="s")
    f = pl.kernel(
        _pa_body,
        out_type=[
            jax.ShapeDtypeStruct((NW * ABUF,), jnp.int32),
            jax.ShapeDtypeStruct((NW * 32,), jnp.int32),
        ],
        mesh=mesh,
        compiler_params=pltpu.CompilerParams(needs_layout_passes=False),
        scratch_types=[
            pltpu.VMEM((EPW + 16,), jnp.int32),
            pltpu.VMEM((EPW + 16,), jnp.int32),
            pltpu.VMEM((ABUF,), jnp.int32),
            pltpu.VMEM((48,), jnp.int32),
        ],
    )
    return f(src, dst)


def _pb_body(abuf_hbm, acnt_hbm, s_hbm, t_hbm, wh_hbm, cs_hbm, out_hbm,
             s_v, t_v, cs_v, ac_all, bb_v, src_s, dst_s, e_s, att_s,
             hist, rp, cur, m_arr, rz_arr, stamp, dstb, dstb2, gbuf, gbuf2,
             out_v, sem, sem2, sem3):
    wid = lax.axis_index("c") * 16 + lax.axis_index("s")
    lo = wid * NPW
    iota = lax.iota(jnp.int32, 16)
    zf = jnp.zeros((16,), jnp.float32)
    zi = jnp.zeros((16,), jnp.int32)

    def spl(x):
        return jnp.full((16,), x)

    def g1(ref, i):
        return plsc.load_gather(ref, [spl(i)])

    def s1(ref, i, x):
        xv = x if getattr(x, "shape", ()) == (16,) else spl(x)
        plsc.store_scatter(ref, [spl(i)], xv)

    pltpu.sync_copy(s_hbm, s_v)
    pltpu.sync_copy(t_hbm, t_v)
    pltpu.sync_copy(cs_hbm, cs_v)
    pltpu.sync_copy(acnt_hbm, ac_all)

    def _ld(s2, _):
        pltpu.async_copy(abuf_hbm.at[pl.ds(s2 * ABUF + wid * BCAP, BCAP)],
                         bb_v.at[pl.ds(s2 * BCAP, BCAP)], sem3)
        return 0
    lax.fori_loop(0, NW, _ld, 0)

    def _mz(j, _):
        hist[pl.ds(j * 16, 16)] = zi
        return 0
    lax.fori_loop(0, (NPW + 16) // 16, _mz, 0)

    def _ms(j, _):
        stamp[pl.ds(j * 16, 16)] = zi - 1
        return 0
    lax.fori_loop(0, N // 16, _ms, 0)

    def _md(j, _):
        dst_s[pl.ds(j * 16, 16)] = zi
        return 0
    lax.fori_loop(0, SZ // 16, _md, 0)

    def _mo(i, _):
        for c in range(8):
            out_v[i, pl.ds(c * 16, 16)] = zf
        return 0
    lax.fori_loop(0, NPW, _mo, 0)

    def _ldw(s2, _):
        pltpu.make_async_copy(
            abuf_hbm.at[pl.ds(s2 * ABUF + wid * BCAP, BCAP)],
            bb_v.at[pl.ds(s2 * BCAP, BCAP)], sem3).wait()
        return 0
    lax.fori_loop(0, NW, _ldw, 0)

    def _h_seg(s2, _):
        cnt_s = g1(ac_all, s2 * 32 + wid)[0]

        def _h(j, _):
            kv = bb_v[pl.ds(s2 * BCAP + j * 16, 16)]
            key = jnp.where(j * 16 + iota < cnt_s, kv, jnp.int32(HUGE))
            sk, _si = plsc.sort_key_val(key, iota)
            vs = sk < HUGE
            row = jnp.where(vs, (sk >> 14) - lo, jnp.int32(NPW))
            prev = row[jnp.clip(iota - 1, 0, 15)]
            neq = (row != prev) | (iota == 0)
            start = plsc.cummax(jnp.where(neq, iota, 0))
            rank = iota - start
            base = plsc.load_gather(hist, [row])
            nxt = row[jnp.clip(iota + 1, 0, 15)]
            is_last = (row != nxt) | (iota == 15)
            plsc.store_scatter(hist, [row], base + rank + 1, mask=is_last)
            return 0

        lax.fori_loop(0, (cnt_s + 15) // 16, _h, 0)
        return 0
    lax.fori_loop(0, NW, _h_seg, 0)

    def _p(k, acc):
        v = hist[pl.ds(k * 16, 16)]
        c = plsc.cumsum(v)
        rp[pl.ds(k * 16, 16)] = spl(acc) + c - v
        cur[pl.ds(k * 16, 16)] = spl(acc) + c - v
        return acc + c[15]
    cnt = lax.fori_loop(0, NPW // 16, _p, jnp.int32(0))
    s1(rp, NPW, cnt)

    def _pl_seg(s2, _):
        cnt_s = g1(ac_all, s2 * 32 + wid)[0]

        def _pl2(j, _):
            kv = bb_v[pl.ds(s2 * BCAP + j * 16, 16)]
            key = jnp.where(j * 16 + iota < cnt_s, kv, jnp.int32(HUGE))
            sk, _si = plsc.sort_key_val(key, iota)
            vs = sk < HUGE
            row = jnp.where(vs, (sk >> 14) - lo, jnp.int32(NPW))
            prev = row[jnp.clip(iota - 1, 0, 15)]
            neq = (row != prev) | (iota == 0)
            start = plsc.cummax(jnp.where(neq, iota, 0))
            rank = iota - start
            base = plsc.load_gather(cur, [row])
            pos = jnp.clip(base + rank, 0, SZ - 1)
            plsc.store_scatter(src_s, [pos], sk >> 14, mask=vs)
            plsc.store_scatter(dst_s, [pos], sk & 16383, mask=vs)
            nxt = row[jnp.clip(iota + 1, 0, 15)]
            is_last = (row != nxt) | (iota == 15)
            plsc.store_scatter(cur, [row], base + rank + 1, mask=is_last)
            return 0

        lax.fori_loop(0, (cnt_s + 15) // 16, _pl2, 0)
        return 0
    lax.fori_loop(0, NW, _pl_seg, 0)

    nv = ((cnt + 2 * BR - 1) // (2 * BR)) * (2 * BR // 16)

    def _e(j, _):
        idxc = jnp.minimum(j * 16 + iota, cnt - 1)
        sv = plsc.load_gather(src_s, [idxc])
        dv = plsc.load_gather(dst_s, [idxc])
        z = plsc.load_gather(s_v, [sv]) + plsc.load_gather(t_v, [dv])
        e_s[pl.ds(j * 16, 16)] = jnp.where(z > 0, z, ALPHA * z)
        return 0
    lax.fori_loop(0, nv, _e, 0)

    negv = jnp.full((16,), NEG, jnp.float32)

    def _d(j, _):
        idxv = j * 16 + iota
        idxc = jnp.minimum(idxv, cnt - 1)
        valid = idxv < cnt
        sv = plsc.load_gather(src_s, [idxc])
        dv = plsc.load_gather(dst_s, [idxc])
        sl = jnp.clip(sv - lo, 0, NPW - 1)
        key2 = jnp.where(valid, dv * 512 + sl, jnp.int32(HUGE))
        sk, si = plsc.sort_key_val(key2, iota)
        gidx = j * 16 + si
        prev = sk[jnp.clip(iota - 1, 0, 15)]
        eqprev = (sk == prev) & (iota > 0) & (sk < HUGE)
        plsc.store_scatter(e_s, [jnp.clip(gidx, 0, SZ - 1)], negv,
                           mask=eqprev)
        rp0 = plsc.load_gather(rp, [sl])
        old = plsc.load_gather(stamp, [dv])
        dupb = valid & (old >= rp0)
        plsc.store_scatter(e_s, [idxc], negv, mask=dupb)
        nxt = sk[jnp.clip(iota + 1, 0, 15)]
        is_last = (((sk >> 9) != (nxt >> 9)) | (iota == 15)) & (sk < HUGE)
        plsc.store_scatter(stamp, [jnp.clip(sk >> 9, 0, N - 1)], gidx,
                           mask=is_last)
        return 0
    lax.fori_loop(0, (cnt + 15) // 16, _d, 0)

    def _r(i, _):
        r01 = plsc.load_gather(rp, [i + iota])
        r0 = r01[0]
        r1 = r01[1]

        @pl.when(r1 > r0)
        def _():
            nch = (r1 - r0 + 15) // 16

            def _m(c2, m):
                idxv = r0 + c2 * 16 + iota
                ev = plsc.load_gather(e_s, [jnp.minimum(idxv, r1 - 1)])
                return jnp.maximum(m, jnp.max(jnp.where(idxv < r1, ev, NEG)))

            m = lax.fori_loop(0, nch, _m, jnp.float32(NEG))

            def _z(c2, za):
                idxv = r0 + c2 * 16 + iota
                ev = plsc.load_gather(e_s, [jnp.minimum(idxv, r1 - 1)])
                return za + jnp.sum(jnp.where(idxv < r1, jnp.exp(ev - m), 0.0))

            zs = lax.fori_loop(0, nch, _z, jnp.float32(0.0))
            s1(m_arr, i, m)
            s1(rz_arr, i, 1.0 / spl(zs))
        return 0
    lax.fori_loop(0, NPW, _r, 0)

    def _a(j, _):
        idxv = j * 16 + iota
        idxc = jnp.minimum(idxv, cnt - 1)
        sv = plsc.load_gather(src_s, [idxc])
        sl = jnp.clip(sv - lo, 0, NPW - 1)
        mrow = plsc.load_gather(m_arr, [sl])
        rz = plsc.load_gather(rz_arr, [sl])
        ev = plsc.load_gather(e_s, [idxc])
        att = jnp.where(idxv < cnt, jnp.exp(ev - mrow) * rz, 0.0)
        att_s[pl.ds(j * 16, 16)] = att
        return 0
    lax.fori_loop(0, nv, _a, 0)

    nb2 = ((cnt + 2 * BR - 1) // (2 * BR)) * 2

    def _fill(b, dref):
        base = b * BR
        for q in range(BR // 16):
            dref[pl.ds(q * 16, 16)] = dst_s[pl.ds(base + q * 16, 16)]

    @pl.when(nb2 > 0)
    def _():
        _fill(0, dstb)
        pltpu.async_copy(wh_hbm.at[dstb], gbuf, sem)

    def _accum_from(gb, base, carry):
        def _acc(l, c9):
            r = base + l
            al = g1(att_s, r)
            sl = jnp.clip(g1(src_s, r)[0] - lo, 0, NPW - 1)
            cur_row = c9[8]
            is_new = sl != cur_row

            @pl.when(is_new)
            def _():
                for c in range(8):
                    seg = pl.ds(c * 16, 16)
                    out_v[cur_row, seg] = out_v[cur_row, seg] + c9[c]

            keep = jnp.where(is_new, 0.0, 1.0)
            acc = tuple(c9[c] * keep + al * gb[l, pl.ds(c * 16, 16)]
                        for c in range(8))
            return acc + (sl,)
        return lax.fori_loop(0, BR, _acc, carry)

    def _b(p, carry):
        b0 = 2 * p
        pltpu.make_async_copy(wh_hbm.at[dstb], gbuf, sem).wait()
        _fill(b0 + 1, dstb2)
        pltpu.async_copy(wh_hbm.at[dstb2], gbuf2, sem2)
        carry = _accum_from(gbuf, b0 * BR, carry)
        pltpu.make_async_copy(wh_hbm.at[dstb2], gbuf2, sem2).wait()

        @pl.when(b0 + 2 < nb2)
        def _():
            _fill(b0 + 2, dstb)
            pltpu.async_copy(wh_hbm.at[dstb], gbuf, sem)
        return _accum_from(gbuf2, (b0 + 1) * BR, carry)

    carry0 = tuple(zf for _ in range(8)) + (jnp.int32(0),)
    carry = lax.fori_loop(0, nb2 // 2, _b, carry0)
    last_row = carry[8]
    for c in range(8):
        seg = pl.ds(c * 16, 16)
        out_v[last_row, seg] = out_v[last_row, seg] + carry[c]

    def _f(i, _):
        r01 = plsc.load_gather(rp, [i + iota])

        @pl.when(r01[1] == r01[0])
        def _():
            for c in range(8):
                out_v[i, pl.ds(c * 16, 16)] = cs_v[pl.ds(c * 16, 16)] * (1.0 / N)
        return 0
    lax.fori_loop(0, NPW, _f, 0)

    pltpu.sync_copy(out_v, out_hbm.at[pl.ds(lo, NPW)])


def _pb_call(abuf, acnt, s, t, wh, cs):
    mesh = plsc.VectorSubcoreMesh(core_axis_name="c", subcore_axis_name="s")
    f = pl.kernel(
        _pb_body,
        out_type=jax.ShapeDtypeStruct((NPAD, D), jnp.float32),
        mesh=mesh,
        compiler_params=pltpu.CompilerParams(needs_layout_passes=False),
        scratch_types=[
            pltpu.VMEM((N,), jnp.float32),
            pltpu.VMEM((N,), jnp.float32),
            pltpu.VMEM((D,), jnp.float32),
            pltpu.VMEM((NW * 32,), jnp.int32),
            pltpu.VMEM((ABUF,), jnp.int32),
            pltpu.VMEM((SZ,), jnp.int32),
            pltpu.VMEM((SZ,), jnp.int32),
            pltpu.VMEM((SZ,), jnp.float32),
            pltpu.VMEM((SZ,), jnp.float32),
            pltpu.VMEM((NPW + 16,), jnp.int32),
            pltpu.VMEM((NPW + 16,), jnp.int32),
            pltpu.VMEM((NPW + 16,), jnp.int32),
            pltpu.VMEM((NPW,), jnp.float32),
            pltpu.VMEM((NPW,), jnp.float32),
            pltpu.VMEM((N,), jnp.int32),
            pltpu.VMEM((BR,), jnp.int32),
            pltpu.VMEM((BR,), jnp.int32),
            pltpu.VMEM((BR, D), jnp.float32),
            pltpu.VMEM((BR, D), jnp.float32),
            pltpu.VMEM((NPW, D), jnp.float32),
            pltpu.SemaphoreType.DMA,
            pltpu.SemaphoreType.DMA,
            pltpu.SemaphoreType.DMA,
        ],
    )
    return f(abuf, acnt, s, t, wh, cs)


@jax.jit
def kernel(X, edges, W, a):
    A2 = jnp.concatenate([a[:D], a[D:]], axis=1)
    wh, st, cs = _tc_call(X, W, A2)
    abuf, acnt = _pa_call(edges[0], edges[1])
    out = _pb_call(abuf, acnt, st[:, 0], st[:, 1], wh, cs.reshape(D))
    return out[:N]

# --- scband reference (transcript-rebuilt; emitter-appended) ---
"""Pipeline reference for scband-graph-attention-layer-5205500363117 (READ-ONLY COPY).

The authoritative reference and input builder live on the scoring server;
editing this copy changes nothing except your own understanding.
"""

import jax, jax.numpy as jnp
import numpy as np

N = 10000
E = 160000
D_IN = 128
D_OUT = 128
ALPHA = 0.2


def _xavier_uniform(key, shape, gain):
    fan_in, fan_out = shape[0], shape[1]
    bound = gain * np.sqrt(6.0 / (fan_in + fan_out))
    return jax.random.uniform(key, shape, dtype=jnp.float32, minval=-bound, maxval=bound)


def setup_inputs(seed: int = 0) -> dict:
    key = jax.random.key(seed)
    k1, k2, k3, k4 = jax.random.split(key, 4)
    X = jax.random.normal(k1, (N, D_IN), dtype=jnp.float32)
    edges = jax.random.randint(k2, (2, E), 0, N, dtype=jnp.int32)
    W = _xavier_uniform(k3, (D_IN, D_OUT), gain=1.414)
    a = _xavier_uniform(k4, (2 * D_OUT, 1), gain=1.414)
    return {"X": X, "edges": edges, "W": W, "a": a}


def reference(X, edges, W, a):
    # dropout p=0.0 -> identity (both dropout_X and dropout_Att)
    Wh = jnp.matmul(X, W)                                    # [N, D_OUT]
    Whij = jnp.concatenate([Wh[edges[0]], Wh[edges[1]]], axis=1)  # [E, 2*D_OUT]
    e = jax.nn.leaky_relu(jnp.matmul(Whij, a), negative_slope=ALPHA)  # [E, 1]
    attention = jnp.full((N, N), -9000000000000000.0, dtype=jnp.float32)
    attention = attention.at[edges[0], edges[1]].set(e[:, 0])
    attention = jax.nn.softmax(attention, axis=1)
    h_prime = jnp.matmul(attention, Wh)                      # [N, D_OUT]
    return h_prime

if __name__ == "__main__":
    import jax
    _d = setup_inputs()
    print(jax.jit(kernel)(*tuple(_d.values())))

</pallas_src>

<mosaic_0001>
#map = affine_map<(d0, d1) -> (0)>
module attributes {stable_mosaic.version = 14 : i64} {
  func.func @_pa_body(%arg0: i32, %arg1: i32, %arg2: memref<160000xi32, #tpu.memory_space<hbm>>, %arg3: memref<160000xi32, #tpu.memory_space<hbm>>, %arg4: memref<294912xi32, #tpu.memory_space<hbm>>, %arg5: memref<1024xi32, #tpu.memory_space<hbm>>, %arg6: memref<5016xi32, #tpu.memory_space<vmem>>, %arg7: memref<5016xi32, #tpu.memory_space<vmem>>, %arg8: memref<9216xi32, #tpu.memory_space<vmem>>, %arg9: memref<48xi32, #tpu.memory_space<vmem>>) attributes {dimension_semantics = [#tpu.dimension_semantics<core_parallel>, #tpu.dimension_semantics<subcore_parallel>], iteration_bounds = array<i64: 2, 16>, scalar_prefetch = 0 : i64, scratch_operands = 4 : i64, tpu.core_type = #tpu.core_type<sc_vector_subcore>, window_params = [{transform_indices = #map}, {transform_indices = #map}, {transform_indices = #map}, {transform_indices = #map}]} {
    %mul3A = arith.constant 16 : i32
    %mul3A_0 = arith.muli %arg0, %mul3A : i32
    %add3A = arith.addi %mul3A_0, %arg1 : i32
    %iota3A = tpu.iota {dimensions = array<i32: 0>} : vector<16xi32>
    %broadcast_in_dim3A = arith.constant 0 : i32
    %broadcast_in_dim3A_1 = vector.broadcast %broadcast_in_dim3A : i32 to vector<16xi32>
    %mul3A_2 = arith.constant 5000 : i32
    %mul3A_3 = arith.muli %add3A, %mul3A_2 : i32
    "tpu.region"() ({
      %run_scoped3A = tpu.sem_alloc : memref<!tpu.dma_semaphore, #tpu.memory_space<semaphore_mem>>
      %dma_start3A = arith.constant 0 : i32
      %dma_start3A_21 = tpu.memref_slice %arg6[%dma_start3A] : memref<5016xi32, #tpu.memory_space<vmem>> -> memref<5000xi32, #tpu.memory_space<vmem>>
      %dma_start3A_22 = tpu.memref_slice %arg2[%mul3A_3] : memref<160000xi32, #tpu.memory_space<hbm>> -> memref<5000xi32, #tpu.memory_space<hbm>>
      %dma_start3A_23 = arith.constant 0 : i32
      %dma_start3A_24 = tpu.memref_slice %arg6[%dma_start3A_23] : memref<5016xi32, #tpu.memory_space<vmem>> -> memref<5000xi32, #tpu.memory_space<vmem>>
      %dma_start3A_25 = tpu.memref_slice %arg2[%mul3A_3] : memref<160000xi32, #tpu.memory_space<hbm>> -> memref<5000xi32, #tpu.memory_space<hbm>>
      tpu.enqueue_dma source(%dma_start3A_25 : memref<5000xi32, #tpu.memory_space<hbm>>) target(%dma_start3A_24 : memref<5000xi32, #tpu.memory_space<vmem>>) target_semaphore(%run_scoped3A : memref<!tpu.dma_semaphore, #tpu.memory_space<semaphore_mem>>)
      %dma_wait3A = arith.constant 0 : i32
      %dma_wait3A_26 = tpu.memref_slice %arg6[%dma_wait3A] : memref<5016xi32, #tpu.memory_space<vmem>> -> memref<5000xi32, #tpu.memory_space<vmem>>
      %dma_wait3A_27 = tpu.memref_slice %arg2[%mul3A_3] : memref<160000xi32, #tpu.memory_space<hbm>> -> memref<5000xi32, #tpu.memory_space<hbm>>
      %dma_wait3A_28 = arith.constant 0 : i32
      %dma_wait3A_29 = tpu.memref_slice %arg6[%dma_wait3A_28] : memref<5016xi32, #tpu.memory_space<vmem>> -> memref<5000xi32, #tpu.memory_space<vmem>>
      %dma_wait3A_30 = tpu.memref_slice %arg2[%mul3A_3] : memref<160000xi32, #tpu.memory_space<hbm>> -> memref<5000xi32, #tpu.memory_space<hbm>>
      tpu.wait_dma2 semaphore(%run_scoped3A : memref<!tpu.dma_semaphore, #tpu.memory_space<semaphore_mem>>) src(%dma_wait3A_30 : memref<5000xi32, #tpu.memory_space<hbm>>) dst(%dma_wait3A_29 : memref<5000xi32, #tpu.memory_space<vmem>>)
      tpu.yield
    }) : () -> ()
    %mul3A_4 = arith.constant 5000 : i32
    %mul3A_5 = arith.muli %add3A, %mul3A_4 : i32
    "tpu.region"() ({
      %run_scoped3A = tpu.sem_alloc : memref<!tpu.dma_semaphore, #tpu.memory_space<semaphore_mem>>
      %dma_start3A = arith.constant 0 : i32
      %dma_start3A_21 = tpu.memref_slice %arg7[%dma_start3A] : memref<5016xi32, #tpu.memory_space<vmem>> -> memref<5000xi32, #tpu.memory_space<vmem>>
      %dma_start3A_22 = tpu.memref_slice %arg3[%mul3A_5] : memref<160000xi32, #tpu.memory_space<hbm>> -> memref<5000xi32, #tpu.memory_space<hbm>>
      %dma_start3A_23 = arith.constant 0 : i32
      %dma_start3A_24 = tpu.memref_slice %arg7[%dma_start3A_23] : memref<5016xi32, #tpu.memory_space<vmem>> -> memref<5000xi32, #tpu.memory_space<vmem>>
      %dma_start3A_25 = tpu.memref_slice %arg3[%mul3A_5] : memref<160000xi32, #tpu.memory_space<hbm>> -> memref<5000xi32, #tpu.memory_space<hbm>>
      tpu.enqueue_dma source(%dma_start3A_25 : memref<5000xi32, #tpu.memory_space<hbm>>) target(%dma_start3A_24 : memref<5000xi32, #tpu.memory_space<vmem>>) target_semaphore(%run_scoped3A : memref<!tpu.dma_semaphore, #tpu.memory_space<semaphore_mem>>)
      %dma_wait3A = arith.constant 0 : i32
      %dma_wait3A_26 = tpu.memref_slice %arg7[%dma_wait3A] : memref<5016xi32, #tpu.memory_space<vmem>> -> memref<5000xi32, #tpu.memory_space<vmem>>
      %dma_wait3A_27 = tpu.memref_slice %arg3[%mul3A_5] : memref<160000xi32, #tpu.memory_space<hbm>> -> memref<5000xi32, #tpu.memory_space<hbm>>
      %dma_wait3A_28 = arith.constant 0 : i32
      %dma_wait3A_29 = tpu.memref_slice %arg7[%dma_wait3A_28] : memref<5016xi32, #tpu.memory_space<vmem>> -> memref<5000xi32, #tpu.memory_space<vmem>>
      %dma_wait3A_30 = tpu.memref_slice %arg3[%mul3A_5] : memref<160000xi32, #tpu.memory_space<hbm>> -> memref<5000xi32, #tpu.memory_space<hbm>>
      tpu.wait_dma2 semaphore(%run_scoped3A : memref<!tpu.dma_semaphore, #tpu.memory_space<semaphore_mem>>) src(%dma_wait3A_30 : memref<5000xi32, #tpu.memory_space<hbm>>) dst(%dma_wait3A_29 : memref<5000xi32, #tpu.memory_space<vmem>>)
      tpu.yield
    }) : () -> ()
    %swap3A = arith.constant 0 : index
    %swap3A_6 = tpu.vector_load %arg9[%swap3A] {strides = array<i32>} : memref<48xi32, #tpu.memory_space<vmem>>, vector<16xi32>,
    tpu.vector_store %arg9[%swap3A], %broadcast_in_dim3A_1 {strides = array<i32>} : memref<48xi32, #tpu.memory_space<vmem>>, vector<16xi32>,
    %swap3A_7 = arith.constant 16 : index
    %swap3A_8 = tpu.vector_load %arg9[%swap3A_7] {strides = array<i32>} : memref<48xi32, #tpu.memory_space<vmem>>, vector<16xi32>,
    tpu.vector_store %arg9[%swap3A_7], %broadcast_in_dim3A_1 {strides = array<i32>} : memref<48xi32, #tpu.memory_space<vmem>>, vector<16xi32>,
    %swap3A_9 = arith.constant 32 : index
    %swap3A_10 = tpu.vector_load %arg9[%swap3A_9] {strides = array<i32>} : memref<48xi32, #tpu.memory_space<vmem>>, vector<16xi32>,
    tpu.vector_store %arg9[%swap3A_9], %broadcast_in_dim3A_1 {strides = array<i32>} : memref<48xi32, #tpu.memory_space<vmem>>, vector<16xi32>,
    %scan3A = arith.constant 0 : i32
    %scan3A_11 = arith.constant 0 : i32
    %scan3A_12 = arith.constant 313 : i32
    %scan3A_13 = arith.addi %scan3A_11, %scan3A_12 : i32
    %scan3A_14 = arith.constant 1 : i32
    %scan3A_15 = scf.for %scan3A_21 = %scan3A_11 to %scan3A_13 step %scan3A_14 iter_args(%scan3A_22 = %scan3A) -> (i32)  : i32 {
      %mul3A_23 = arith.constant 16 : i32
      %mul3A_24 = arith.muli %scan3A_21, %mul3A_23 : i32
      %get3A = arith.index_cast %mul3A_24 : i32 to index
      %get3A_25 = tpu.vector_load %arg6[%get3A] {strides = array<i32>} : memref<5016xi32, #tpu.memory_space<vmem>>, vector<16xi32>,
      %mul3A_26 = arith.constant 16 : i32
      %mul3A_27 = arith.muli %scan3A_21, %mul3A_26 : i32
      %get3A_28 = arith.index_cast %mul3A_27 : i32 to index
      %get3A_29 = tpu.vector_load %arg7[%get3A_28] {strides = array<i32>} : memref<5016xi32, #tpu.memory_space<vmem>>, vector<16xi32>,
      %mul3A_30 = arith.constant 16 : i32
      %mul3A_31 = arith.muli %scan3A_21, %mul3A_30 : i32
      %add3A_32 = vector.broadcast %mul3A_31 : i32 to vector<16xi32>
      %add3A_33 = arith.addi %add3A_32, %iota3A : vector<16xi32>
      %lt3A = arith.constant 5000 : i32
      %lt3A_34 = vector.broadcast %lt3A : i32 to vector<16xi32>
      %lt3A_35 = arith.cmpi slt, %add3A_33, %lt3A_34 : vector<16xi32>
      %mul3A_36 = arith.constant 16384 : i32
      %mul3A_37 = vector.broadcast %mul3A_36 : i32 to vector<16xi32>
      %mul3A_38 = arith.muli %get3A_25, %mul3A_37 : vector<16xi32>
      %add3A_39 = arith.addi %mul3A_38, %get3A_29 : vector<16xi32>
      %jit3A = arith.constant 2147483647 : i32
      %broadcast_in_dim3A_40 = vector.broadcast %jit3A : i32 to vector<16xi32>
      %select_n3A = arith.select %lt3A_35, %add3A_39, %broadcast_in_dim3A_40 : vector<16xi1>, vector<16xi32>
      %masked_sort3A = arith.constant dense<true> : vector<16xi1>
      %masked_sort3A_41 = arith.constant -2147483648 : i32
      %masked_sort3A_42 = vector.broadcast %masked_sort3A_41 : i32 to vector<16xi32>
      %masked_sort3A_43 = arith.xori %select_n3A, %masked_sort3A_42 : vector<16xi32>
      %masked_sort3A_44, %masked_sort3A_45, %masked_sort3A_46 = tpu.sort %masked_sort3A_43, %iota3A masked %masked_sort3A : (vector<16xi32>, vector<16xi32>, vector<16xi1>) -> (vector<16xi1>, vector<16xi32>, vector<16xi32>)
      %masked_sort3A_47 = arith.xori %masked_sort3A_45, %masked_sort3A_42 : vector<16xi32>
      %lt3A_48 = arith.constant 2147483647 : i32
      %lt3A_49 = vector.broadcast %lt3A_48 : i32 to vector<16xi32>
      %lt3A_50 = arith.cmpi slt, %masked_sort3A_47, %lt3A_49 : vector<16xi32>
      %shift_right_arithmetic3A = arith.constant 14 : i32
      %shift_right_arithmetic3A_51 = vector.broadcast %shift_right_arithmetic3A : i32 to vector<16xi32>
      %shift_right_arithmetic3A_52 = arith.shrsi %masked_sort3A_47, %shift_right_arithmetic3A_51 : vector<16xi32>
      %mul3A_53 = arith.constant 6554 : i32
      %mul3A_54 = vector.broadcast %mul3A_53 : i32 to vector<16xi32>
      %mul3A_55 = arith.muli %shift_right_arithmetic3A_52, %mul3A_54 : vector<16xi32>
      %shift_right_arithmetic3A_56 = arith.constant 21 : i32
      %shift_right_arithmetic3A_57 = vector.broadcast %shift_right_arithmetic3A_56 : i32 to vector<16xi32>
      %shift_right_arithmetic3A_58 = arith.shrsi %mul3A_55, %shift_right_arithmetic3A_57 : vector<16xi32>
      %jit3A_59 = arith.constant 32 : i32
      %broadcast_in_dim3A_60 = vector.broadcast %jit3A_59 : i32 to vector<16xi32>
      %select_n3A_61 = arith.select %lt3A_50, %shift_right_arithmetic3A_58, %broadcast_in_dim3A_60 : vector<16xi1>, vector<16xi32>
      %sub3A = arith.constant 1 : i32
      %sub3A_62 = vector.broadcast %sub3A : i32 to vector<16xi32>
      %sub3A_63 = arith.subi %iota3A, %sub3A_62 : vector<16xi32>
      %jit3A_64 = arith.constant 0 : i32
      %jit3A_65 = arith.constant 15 : i32
      %max3A = vector.broadcast %jit3A_64 : i32 to vector<16xi32>
      %max3A_66 = arith.maxsi %max3A, %sub3A_63 : vector<16xi32>
      %min3A = vector.broadcast %jit3A_65 : i32 to vector<16xi32>
      %min3A_67 = arith.minsi %min3A, %max3A_66 : vector<16xi32>
      %lt3A_68 = arith.constant 0 : i32
      %lt3A_69 = vector.broadcast %lt3A_68 : i32 to vector<16xi32>
      %lt3A_70 = arith.cmpi slt, %min3A_67, %lt3A_69 : vector<16xi32>
      %add3A_71 = arith.constant 16 : i32
      %add3A_72 = vector.broadcast %add3A_71 : i32 to vector<16xi32>
      %add3A_73 = arith.addi %min3A_67, %add3A_72 : vector<16xi32>
      %select_n3A_74 = arith.select %lt3A_70, %add3A_73, %min3A_67 : vector<16xi1>, vector<16xi32>
      %broadcast_in_dim3A_75 = vector.shape_cast %select_n3A_74 : vector<16xi32> to vector<16x1xi32>
      %gather3A = vector.shape_cast %broadcast_in_dim3A_75 : vector<16x1xi32> to vector<16xi32>
      %gather3A_76 = tpu.dynamic_gather %select_n3A_61[%gather3A] in [0] : vector<16xi32>, vector<16xi32> -> vector<16xi32>
      %ne3A = arith.cmpi ne, %select_n3A_61, %gather3A_76 : vector<16xi32>
      %eq3A = arith.constant 0 : i32
      %eq3A_77 = vector.broadcast %eq3A : i32 to vector<16xi32>
      %eq3A_78 = arith.cmpi eq, %iota3A, %eq3A_77 : vector<16xi32>
      %or3A = arith.ori %ne3A, %eq3A_78 : vector<16xi1>
      %jit3A_79 = arith.constant 0 : i32
      %broadcast_in_dim3A_80 = vector.broadcast %jit3A_79 : i32 to vector<16xi32>
      %select_n3A_81 = arith.select %or3A, %iota3A, %broadcast_in_dim3A_80 : vector<16xi1>, vector<16xi32>
      %broadcast_in_dim3A_82 = arith.constant true
      %broadcast_in_dim3A_83 = vector.broadcast %broadcast_in_dim3A_82 : i1 to vector<16xi1>
      %masked_cummax3A = arith.constant -2147483648 : i32
      %masked_cummax3A_84 = vector.broadcast %masked_cummax3A : i32 to vector<16xi32>
      %masked_cummax3A_85 = arith.xori %select_n3A_81, %masked_cummax3A_84 : vector<16xi32>
      %masked_cummax3A_86 = tpu.scan <max>, %masked_cummax3A_85 masked %broadcast_in_dim3A_83 : vector<16xi32>, vector<16xi1> -> vector<16xi32>
      %masked_cummax3A_87 = arith.xori %masked_cummax3A_86, %masked_cummax3A_84 : vector<16xi32>
      %sub3A_88 = arith.subi %iota3A, %masked_cummax3A_87 : vector<16xi32>
      %gather3A_89 = tpu.vector_load_idx %arg9[%select_n3A_61] : memref<48xi32, #tpu.memory_space<vmem>>[vector<16xi32>], vector<16xi32>,
      %add3A_90 = arith.addi %gather3A_89, %sub3A_88 : vector<16xi32>
      %min3A_91 = arith.constant 287 : i32
      %min3A_92 = vector.broadcast %min3A_91 : i32 to vector<16xi32>
      %min3A_93 = arith.minsi %add3A_90, %min3A_92 : vector<16xi32>
      %min3A_94 = arith.constant 31 : i32
      %min3A_95 = vector.broadcast %min3A_94 : i32 to vector<16xi32>
      %min3A_96 = arith.minsi %select_n3A_61, %min3A_95 : vector<16xi32>
      %mul3A_97 = arith.constant 288 : i32
      %mul3A_98 = vector.broadcast %mul3A_97 : i32 to vector<16xi32>
      %mul3A_99 = arith.muli %min3A_96, %mul3A_98 : vector<16xi32>
      %add3A_100 = arith.addi %mul3A_99, %min3A_93 : vector<16xi32>
      tpu.vector_store_idx %arg8[%add3A_100], %masked_sort3A_47 masked %lt3A_50 : memref<9216xi32, #tpu.memory_space<vmem>>[vector<16xi32>], vector<16xi32>, vector<16xi1>
      %add3A_101 = arith.constant 1 : i32
      %add3A_102 = vector.broadcast %add3A_101 : i32 to vector<16xi32>
      %add3A_103 = arith.addi %iota3A, %add3A_102 : vector<16xi32>
      %jit3A_104 = arith.constant 0 : i32
      %jit3A_105 = arith.constant 15 : i32
      %max3A_106 = vector.broadcast %jit3A_104 : i32 to vector<16xi32>
      %max3A_107 = arith.maxsi %max3A_106, %add3A_103 : vector<16xi32>
      %min3A_108 = vector.broadcast %jit3A_105 : i32 to vector<16xi32>
      %min3A_109 = arith.minsi %min3A_108, %max3A_107 : vector<16xi32>
      %lt3A_110 = arith.constant 0 : i32
      %lt3A_111 = vector.broadcast %lt3A_110 : i32 to vector<16xi32>
      %lt3A_112 = arith.cmpi slt, %min3A_109, %lt3A_111 : vector<16xi32>
      %add3A_113 = arith.constant 16 : i32
      %add3A_114 = vector.broadcast %add3A_113 : i32 to vector<16xi32>
      %add3A_115 = arith.addi %min3A_109, %add3A_114 : vector<16xi32>
      %select_n3A_116 = arith.select %lt3A_112, %add3A_115, %min3A_109 : vector<16xi1>, vector<16xi32>
      %broadcast_in_dim3A_117 = vector.shape_cast %select_n3A_116 : vector<16xi32> to vector<16x1xi32>
      %gather3A_118 = vector.shape_cast %broadcast_in_dim3A_117 : vector<16x1xi32> to vector<16xi32>
      %gather3A_119 = tpu.dynamic_gather %select_n3A_61[%gather3A_118] in [0] : vector<16xi32>, vector<16xi32> -> vector<16xi32>
      %ne3A_120 = arith.cmpi ne, %select_n3A_61, %gather3A_119 : vector<16xi32>
      %eq3A_121 = arith.constant 15 : i32
      %eq3A_122 = vector.broadcast %eq3A_121 : i32 to vector<16xi32>
      %eq3A_123 = arith.cmpi eq, %iota3A, %eq3A_122 : vector<16xi32>
      %or3A_124 = arith.ori %ne3A_120, %eq3A_123 : vector<16xi1>
      %and3A = arith.andi %or3A_124, %lt3A_50 : vector<16xi1>
      %add3A_125 = arith.constant 1 : i32
      %add3A_126 = vector.broadcast %add3A_125 : i32 to vector<16xi32>
      %add3A_127 = arith.addi %min3A_93, %add3A_126 : vector<16xi32>
      %min3A_128 = arith.constant 288 : i32
      %min3A_129 = vector.broadcast %min3A_128 : i32 to vector<16xi32>
      %min3A_130 = arith.minsi %add3A_127, %min3A_129 : vector<16xi32>
      tpu.vector_store_idx %arg9[%select_n3A_61], %min3A_130 masked %and3A : memref<48xi32, #tpu.memory_space<vmem>>[vector<16xi32>], vector<16xi32>, vector<16xi1>
      %scan3A_131 = arith.constant 0 : i32
      scf.yield %scan3A_131 : i32
    }
    %scan3A_16 = arith.constant 313 : i32
    %mul3A_17 = arith.constant 9216 : i32
    %mul3A_18 = arith.muli %add3A, %mul3A_17 : i32
    "tpu.region"() ({
      %run_scoped3A = tpu.sem_alloc : memref<!tpu.dma_semaphore, #tpu.memory_space<semaphore_mem>>
      %dma_start3A = tpu.memref_slice %arg4[%mul3A_18] : memref<294912xi32, #tpu.memory_space<hbm>> -> memref<9216xi32, #tpu.memory_space<hbm>>
      %dma_start3A_21 = tpu.memref_slice %arg4[%mul3A_18] : memref<294912xi32, #tpu.memory_space<hbm>> -> memref<9216xi32, #tpu.memory_space<hbm>>
      tpu.enqueue_dma source(%arg8 : memref<9216xi32, #tpu.memory_space<vmem>>) target(%dma_start3A_21 : memref<9216xi32, #tpu.memory_space<hbm>>) target_semaphore(%run_scoped3A : memref<!tpu.dma_semaphore, #tpu.memory_space<semaphore_mem>>)
      %dma_wait3A = tpu.memref_slice %arg4[%mul3A_18] : memref<294912xi32, #tpu.memory_space<hbm>> -> memref<9216xi32, #tpu.memory_space<hbm>>
      %dma_wait3A_22 = tpu.memref_slice %arg4[%mul3A_18] : memref<294912xi32, #tpu.memory_space<hbm>> -> memref<9216xi32, #tpu.memory_space<hbm>>
      tpu.wait_dma2 semaphore(%run_scoped3A : memref<!tpu.dma_semaphore, #tpu.memory_space<semaphore_mem>>) src(%arg8 : memref<9216xi32, #tpu.memory_space<vmem>>) dst(%dma_wait3A_22 : memref<9216xi32, #tpu.memory_space<hbm>>)
      tpu.yield
    }) : () -> ()
    %mul3A_19 = arith.constant 32 : i32
    %mul3A_20 = arith.muli %add3A, %mul3A_19 : i32
    "tpu.region"() ({
      %run_scoped3A = tpu.sem_alloc : memref<!tpu.dma_semaphore, #tpu.memory_space<semaphore_mem>>
      %dma_start3A = arith.constant 0 : i32
      %dma_start3A_21 = tpu.memref_slice %arg9[%dma_start3A] : memref<48xi32, #tpu.memory_space<vmem>> -> memref<32xi32, #tpu.memory_space<vmem>>
      %dma_start3A_22 = tpu.memref_slice %arg5[%mul3A_20] : memref<1024xi32, #tpu.memory_space<hbm>> -> memref<32xi32, #tpu.memory_space<hbm>>
      %dma_start3A_23 = tpu.memref_slice %arg5[%mul3A_20] : memref<1024xi32, #tpu.memory_space<hbm>> -> memref<32xi32, #tpu.memory_space<hbm>>
      %dma_start3A_24 = arith.constant 0 : i32
      %dma_start3A_25 = tpu.memref_slice %arg9[%dma_start3A_24] : memref<48xi32, #tpu.memory_space<vmem>> -> memref<32xi32, #tpu.memory_space<vmem>>
      tpu.enqueue_dma source(%dma_start3A_25 : memref<32xi32, #tpu.memory_space<vmem>>) target(%dma_start3A_23 : memref<32xi32, #tpu.memory_space<hbm>>) target_semaphore(%run_scoped3A : memref<!tpu.dma_semaphore, #tpu.memory_space<semaphore_mem>>)
      %dma_wait3A = arith.constant 0 : i32
      %dma_wait3A_26 = tpu.memref_slice %arg9[%dma_wait3A] : memref<48xi32, #tpu.memory_space<vmem>> -> memref<32xi32, #tpu.memory_space<vmem>>
      %dma_wait3A_27 = tpu.memref_slice %arg5[%mul3A_20] : memref<1024xi32, #tpu.memory_space<hbm>> -> memref<32xi32, #tpu.memory_space<hbm>>
      %dma_wait3A_28 = tpu.memref_slice %arg5[%mul3A_20] : memref<1024xi32, #tpu.memory_space<hbm>> -> memref<32xi32, #tpu.memory_space<hbm>>
      %dma_wait3A_29 = arith.constant 0 : i32
      %dma_wait3A_30 = tpu.memref_slice %arg9[%dma_wait3A_29] : memref<48xi32, #tpu.memory_space<vmem>> -> memref<32xi32, #tpu.memory_space<vmem>>
      tpu.wait_dma2 semaphore(%run_scoped3A : memref<!tpu.dma_semaphore, #tpu.memory_space<semaphore_mem>>) src(%dma_wait3A_30 : memref<32xi32, #tpu.memory_space<vmem>>) dst(%dma_wait3A_28 : memref<32xi32, #tpu.memory_space<hbm>>)
      tpu.yield
    }) : () -> ()
    return
  }
}

#map = affine_map<(d0, d1) -> (0)>
#map1 = affine_map<(d0, d1) -> (0, 0)>
module attributes {stable_mosaic.version = 14 : i64} {
  func.func @_pb_body(%arg0: i32, %arg1: i32, %arg2: memref<294912xi32, #tpu.memory_space<hbm>>, %arg3: memref<1024xi32, #tpu.memory_space<hbm>>, %arg4: memref<10000xf32, #tpu.memory_space<hbm>>, %arg5: memref<10000xf32, #tpu.memory_space<hbm>>, %arg6: memref<10000x128xf32, #tpu.memory_space<hbm>>, %arg7: memref<128xf32, #tpu.memory_space<hbm>>, %arg8: memref<10240x128xf32, #tpu.memory_space<hbm>>, %arg9: memref<10000xf32, #tpu.memory_space<vmem>>, %arg10: memref<10000xf32, #tpu.memory_space<vmem>>, %arg11: memref<128xf32, #tpu.memory_space<vmem>>, %arg12: memref<1024xi32, #tpu.memory_space<vmem>>, %arg13: memref<9216xi32, #tpu.memory_space<vmem>>, %arg14: memref<6016xi32, #tpu.memory_space<vmem>>, %arg15: memref<6016xi32, #tpu.memory_space<vmem>>, %arg16: memref<6016xf32, #tpu.memory_space<vmem>>, %arg17: memref<6016xf32, #tpu.memory_space<vmem>>, %arg18: memref<336xi32, #tpu.memory_space<vmem>>, %arg19: memref<336xi32, #tpu.memory_space<vmem>>, %arg20: memref<336xi32, #tpu.memory_space<vmem>>, %arg21: memref<320xf32, #tpu.memory_space<vmem>>, %arg22: memref<320xf32, #tpu.memory_space<vmem>>, %arg23: memref<10000xi32, #tpu.memory_space<vmem>>, %arg24: memref<64xi32, #tpu.memory_space<vmem>>, %arg25: memref<64xi32, #tpu.memory_space<vmem>>, %arg26: memref<64x128xf32, #tpu.memory_space<vmem>>, %arg27: memref<64x128xf32, #tpu.memory_space<vmem>>, %arg28: memref<320x128xf32, #tpu.memory_space<vmem>>, %arg29: memref<!tpu.dma_semaphore, #tpu.memory_space<semaphore_mem>>, %arg30: memref<!tpu.dma_semaphore, #tpu.memory_space<semaphore_mem>>, %arg31: memref<!tpu.dma_semaphore, #tpu.memory_space<semaphore_mem>>) attributes {dimension_semantics = [#tpu.dimension_semantics<core_parallel>, #tpu.dimension_semantics<subcore_parallel>], iteration_bounds = array<i64: 2, 16>, scalar_prefetch = 0 : i64, scratch_operands = 23 : i64, tpu.core_type = #tpu.core_type<sc_vector_subcore>, window_params = [{transform_indices = #map}, {transform_indices = #map}, {transform_indices = #map}, {transform_indices = #map}, {transform_indices = #map1}, {transform_indices = #map}, {transform_indices = #map1}]} {
    %mul3A = arith.constant 16 : i32
    %mul3A_0 = arith.muli %arg0, %mul3A : i32
    %add3A = arith.addi %mul3A_0, %arg1 : i32
    %mul3A_1 = arith.constant 320 : i32
    %mul3A_2 = arith.muli %add3A, %mul3A_1 : i32
    %iota3A = tpu.iota {dimensions = array<i32: 0>} : vector<16xi32>
    %broadcast_in_dim3A = arith.constant 0.000000e+00 : f32
    %broadcast_in_dim3A_3 = vector.broadcast %broadcast_in_dim3A : f32 to vector<16xf32>
    %broadcast_in_dim3A_4 = arith.constant 0 : i32
    %broadcast_in_dim3A_5 = vector.broadcast %broadcast_in_dim3A_4 : i32 to vector<16xi32>
    "tpu.region"() ({
      %run_scoped3A = tpu.sem_alloc : memref<!tpu.dma_semaphore, #tpu.memory_space<semaphore_mem>>
      tpu.enqueue_dma source(%arg4 : memref<10000xf32, #tpu.memory_space<hbm>>) target(%arg9 : memref<10000xf32, #tpu.memory_space<vmem>>) target_semaphore(%run_scoped3A : memref<!tpu.dma_semaphore, #tpu.memory_space<semaphore_mem>>)
      tpu.wait_dma2 semaphore(%run_scoped3A : memref<!tpu.dma_semaphore, #tpu.memory_space<semaphore_mem>>) src(%arg4 : memref<10000xf32, #tpu.memory_space<hbm>>) dst(%arg9 : memref<10000xf32, #tpu.memory_space<vmem>>)
      tpu.yield
    }) : () -> ()
    "tpu.region"() ({
      %run_scoped3A = tpu.sem_alloc : memref<!tpu.dma_semaphore, #tpu.memory_space<semaphore_mem>>
      tpu.enqueue_dma source(%arg5 : memref<10000xf32, #tpu.memory_space<hbm>>) target(%arg10 : memref<10000xf32, #tpu.memory_space<vmem>>) target_semaphore(%run_scoped3A : memref<!tpu.dma_semaphore, #tpu.memory_space<semaphore_mem>>)
      tpu.wait_dma2 semaphore(%run_scoped3A : memref<!tpu.dma_semaphore, #tpu.memory_space<semaphore_mem>>) src(%arg5 : memref<10000xf32, #tpu.memory_space<hbm>>) dst(%arg10 : memref<10000xf32, #tpu.memory_space<vmem>>)
      tpu.yield
    }) : () -> ()
    "tpu.region"() ({
      %run_scoped3A = tpu.sem_alloc : memref<!tpu.dma_semaphore, #tpu.memory_space<semaphore_mem>>
      tpu.enqueue_dma source(%arg7 : memref<128xf32, #tpu.memory_space<hbm>>) target(%arg11 : memref<128xf32, #tpu.memory_space<vmem>>) target_semaphore(%run_scoped3A : memref<!tpu.dma_semaphore, #tpu.memory_space<semaphore_mem>>)
      tpu.wait_dma2 semaphore(%run_scoped3A : memref<!tpu.dma_semaphore, #tpu.memory_space<semaphore_mem>>) src(%arg7 : memref<128xf32, #tpu.memory_space<hbm>>) dst(%arg11 : memref<128xf32, #tpu.memory_space<vmem>>)
      tpu.yield
    }) : () -> ()
    "tpu.region"() ({
      %run_scoped3A = tpu.sem_alloc : memref<!tpu.dma_semaphore, #tpu.memory_space<semaphore_mem>>
      tpu.enqueue_dma source(%arg3 : memref<1024xi32, #tpu.memory_space<hbm>>) target(%arg12 : memref<1024xi32, #tpu.memory_space<vmem>>) target_semaphore(%run_scoped3A : memref<!tpu.dma_semaphore, #tpu.memory_space<semaphore_mem>>)
      tpu.wait_dma2 semaphore(%run_scoped3A : memref<!tpu.dma_semaphore, #tpu.memory_space<semaphore_mem>>) src(%arg3 : memref<1024xi32, #tpu.memory_space<hbm>>) dst(%arg12 : memref<1024xi32, #tpu.memory_space<vmem>>)
      tpu.yield
    }) : () -> ()
    %scan3A = arith.constant 0 : i32
    %scan3A_6 = arith.constant 0 : i32
    %scan3A_7 = arith.constant 32 : i32
    %scan3A_8 = arith.addi %scan3A_6, %scan3A_7 : i32
    %scan3A_9 = arith.constant 1 : i32
    %scan3A_10 = scf.for %scan3A_292 = %scan3A_6 to %scan3A_8 step %scan3A_9 iter_args(%scan3A_293 = %scan3A) -> (i32)  : i32 {
      %mul3A_294 = arith.constant 9216 : i32
      %mul3A_295 = arith.muli %scan3A_292, %mul3A_294 : i32
      %mul3A_296 = arith.constant 288 : i32
      %mul3A_297 = arith.muli %add3A, %mul3A_296 : i32
      %add3A_298 = arith.addi %mul3A_295, %mul3A_297 : i32
      %mul3A_299 = arith.constant 288 : i32
      %mul3A_300 = arith.muli %scan3A_292, %mul3A_299 : i32
      %dma_start3A = tpu.memref_slice %arg13[%mul3A_300] : memref<9216xi32, #tpu.memory_space<vmem>> -> memref<288xi32, #tpu.memory_space<vmem>>
      %dma_start3A_301 = tpu.memref_slice %arg2[%add3A_298] : memref<294912xi32, #tpu.memory_space<hbm>> -> memref<288xi32, #tpu.memory_space<hbm>>
      %dma_start3A_302 = tpu.memref_slice %arg13[%mul3A_300] : memref<9216xi32, #tpu.memory_space<vmem>> -> memref<288xi32, #tpu.memory_space<vmem>>
      %dma_start3A_303 = tpu.memref_slice %arg2[%add3A_298] : memref<294912xi32, #tpu.memory_space<hbm>> -> memref<288xi32, #tpu.memory_space<hbm>>
      tpu.enqueue_dma source(%dma_start3A_303 : memref<288xi32, #tpu.memory_space<hbm>>) target(%dma_start3A_302 : memref<288xi32, #tpu.memory_space<vmem>>) target_semaphore(%arg31 : memref<!tpu.dma_semaphore, #tpu.memory_space<semaphore_mem>>)
      %scan3A_304 = arith.constant 0 : i32
      scf.yield %scan3A_304 : i32
    }
    %scan3A_11 = arith.constant 32 : i32
    %scan3A_12 = arith.constant 0 : i32
    %scan3A_13 = arith.constant 0 : i32
    %scan3A_14 = arith.constant 21 : i32
    %scan3A_15 = arith.addi %scan3A_13, %scan3A_14 : i32
    %scan3A_16 = arith.constant 1 : i32
    %scan3A_17 = scf.for %scan3A_292 = %scan3A_13 to %scan3A_15 step %scan3A_16 iter_args(%scan3A_293 = %scan3A_12) -> (i32)  : i32 {
      %mul3A_294 = arith.constant 16 : i32
      %mul3A_295 = arith.muli %scan3A_292, %mul3A_294 : i32
      %swap3A_296 = arith.index_cast %mul3A_295 : i32 to index
      %swap3A_297 = tpu.vector_load %arg18[%swap3A_296] {strides = array<i32>} : memref<336xi32, #tpu.memory_space<vmem>>, vector<16xi32>,
      tpu.vector_store %arg18[%swap3A_296], %broadcast_in_dim3A_5 {strides = array<i32>} : memref<336xi32, #tpu.memory_space<vmem>>, vector<16xi32>,
      %scan3A_298 = arith.constant 0 : i32
      scf.yield %scan3A_298 : i32
    }
    %scan3A_18 = arith.constant 21 : i32
    %scan3A_19 = arith.constant 0 : i32
    %scan3A_20 = arith.constant 0 : i32
    %scan3A_21 = arith.constant 625 : i32
    %scan3A_22 = arith.addi %scan3A_20, %scan3A_21 : i32
    %scan3A_23 = arith.constant 1 : i32
    %scan3A_24 = scf.for %scan3A_292 = %scan3A_20 to %scan3A_22 step %scan3A_23 iter_args(%scan3A_293 = %scan3A_19) -> (i32)  : i32 {
      %sub3A_294 = arith.constant 1 : i32
      %sub3A_295 = vector.broadcast %sub3A_294 : i32 to vector<16xi32>
      %sub3A_296 = arith.subi %broadcast_in_dim3A_5, %sub3A_295 : vector<16xi32>
      %mul3A_297 = arith.constant 16 : i32
      %mul3A_298 = arith.muli %scan3A_292, %mul3A_297 : i32
      %swap3A_299 = arith.index_cast %mul3A_298 : i32 to index
      %swap3A_300 = tpu.vector_load %arg23[%swap3A_299] {strides = array<i32>} : memref<10000xi32, #tpu.memory_space<vmem>>, vector<16xi32>,
      tpu.vector_store %arg23[%swap3A_299], %sub3A_296 {strides = array<i32>} : memref<10000xi32, #tpu.memory_space<vmem>>, vector<16xi32>,
      %scan3A_301 = arith.constant 0 : i32
      scf.yield %scan3A_301 : i32
    }
    %scan3A_25 = arith.constant 625 : i32
    %scan3A_26 = arith.constant 0 : i32
    %scan3A_27 = arith.constant 0 : i32
    %scan3A_28 = arith.constant 376 : i32
    %scan3A_29 = arith.addi %scan3A_27, %scan3A_28 : i32
    %scan3A_30 = arith.constant 1 : i32
    %scan3A_31 = scf.for %scan3A_292 = %scan3A_27 to %scan3A_29 step %scan3A_30 iter_args(%scan3A_293 = %scan3A_26) -> (i32)  : i32 {
      %mul3A_294 = arith.constant 16 : i32
      %mul3A_295 = arith.muli %scan3A_292, %mul3A_294 : i32
      %swap3A_296 = arith.index_cast %mul3A_295 : i32 to index
      %swap3A_297 = tpu.vector_load %arg15[%swap3A_296] {strides = array<i32>} : memref<6016xi32, #tpu.memory_space<vmem>>, vector<16xi32>,
      tpu.vector_store %arg15[%swap3A_296], %broadcast_in_dim3A_5 {strides = array<i32>} : memref<6016xi32, #tpu.memory_space<vmem>>, vector<16xi32>,
      %scan3A_298 = arith.constant 0 : i32
      scf.yield %scan3A_298 : i32
    }
    %scan3A_32 = arith.constant 376 : i32
    %scan3A_33 = arith.constant 0 : i32
    %scan3A_34 = arith.constant 0 : i32
    %scan3A_35 = arith.constant 320 : i32
    %scan3A_36 = arith.addi %scan3A_34, %scan3A_35 : i32
    %scan3A_37 = arith.constant 1 : i32
    %scan3A_38 = scf.for %scan3A_292 = %scan3A_34 to %scan3A_36 step %scan3A_37 iter_args(%scan3A_293 = %scan3A_33) -> (i32)  : i32 {
      %swap3A_294 = arith.index_cast %scan3A_292 : i32 to index
      %swap3A_295 = arith.constant 0 : index
      %swap3A_296 = tpu.vector_load %arg28[%swap3A_294, %swap3A_295] {strides = array<i32>} : memref<320x128xf32, #tpu.memory_space<vmem>>, vector<16xf32>,
      tpu.vector_store %arg28[%swap3A_294, %swap3A_295], %broadcast_in_dim3A_3 {strides = array<i32>} : memref<320x128xf32, #tpu.memory_space<vmem>>, vector<16xf32>,
      %swap3A_297 = arith.index_cast %scan3A_292 : i32 to index
      %swap3A_298 = arith.constant 16 : index
      %swap3A_299 = tpu.vector_load %arg28[%swap3A_297, %swap3A_298] {strides = array<i32>} : memref<320x128xf32, #tpu.memory_space<vmem>>, vector<16xf32>,
      tpu.vector_store %arg28[%swap3A_297, %swap3A_298], %broadcast_in_dim3A_3 {strides = array<i32>} : memref<320x128xf32, #tpu.memory_space<vmem>>, vector<16xf32>,
      %swap3A_300 = arith.index_cast %scan3A_292 : i32 to index
      %swap3A_301 = arith.constant 32 : index
      %swap3A_302 = tpu.vector_load %arg28[%swap3A_300, %swap3A_301] {strides = array<i32>} : memref<320x128xf32, #tpu.memory_space<vmem>>, vector<16xf32>,
      tpu.vector_store %arg28[%swap3A_300, %swap3A_301], %broadcast_in_dim3A_3 {strides = array<i32>} : memref<320x128xf32, #tpu.memory_space<vmem>>, vector<16xf32>,
      %swap3A_303 = arith.index_cast %scan3A_292 : i32 to index
      %swap3A_304 = arith.constant 48 : index
      %swap3A_305 = tpu.vector_load %arg28[%swap3A_303, %swap3A_304] {strides = array<i32>} : memref<320x128xf32, #tpu.memory_space<vmem>>, vector<16xf32>,
      tpu.vector_store %arg28[%swap3A_303, %swap3A_304], %broadcast_in_dim3A_3 {strides = array<i32>} : memref<320x128xf32, #tpu.memory_space<vmem>>, vector<16xf32>,
      %swap3A_306 = arith.index_cast %scan3A_292 : i32 to index
      %swap3A_307 = arith.constant 64 : index
      %swap3A_308 = tpu.vector_load %arg28[%swap3A_306, %swap3A_307] {strides = array<i32>} : memref<320x128xf32, #tpu.memory_space<vmem>>, vector<16xf32>,
      tpu.vector_store %arg28[%swap3A_306, %swap3A_307], %broadcast_in_dim3A_3 {strides = array<i32>} : memref<320x128xf32, #tpu.memory_space<vmem>>, vector<16xf32>,
      %swap3A_309 = arith.index_cast %scan3A_292 : i32 to index
      %swap3A_310 = arith.constant 80 : index
      %swap3A_311 = tpu.vector_load %arg28[%swap3A_309, %swap3A_310] {strides = array<i32>} : memref<320x128xf32, #tpu.memory_space<vmem>>, vector<16xf32>,
      tpu.vector_store %arg28[%swap3A_309, %swap3A_310], %broadcast_in_dim3A_3 {strides = array<i32>} : memref<320x128xf32, #tpu.memory_space<vmem>>, vector<16xf32>,
      %swap3A_312 = arith.index_cast %scan3A_292 : i32 to index
      %swap3A_313 = arith.constant 96 : index
      %swap3A_314 = tpu.vector_load %arg28[%swap3A_312, %swap3A_313] {strides = array<i32>} : memref<320x128xf32, #tpu.memory_space<vmem>>, vector<16xf32>,
      tpu.vector_store %arg28[%swap3A_312, %swap3A_313], %broadcast_in_dim3A_3 {strides = array<i32>} : memref<320x128xf32, #tpu.memory_space<vmem>>, vector<16xf32>,
      %swap3A_315 = arith.index_cast %scan3A_292 : i32 to index
      %swap3A_316 = arith.constant 112 : index
      %swap3A_317 = tpu.vector_load %arg28[%swap3A_315, %swap3A_316] {strides = array<i32>} : memref<320x128xf32, #tpu.memory_space<vmem>>, vector<16xf32>,
      tpu.vector_store %arg28[%swap3A_315, %swap3A_316], %broadcast_in_dim3A_3 {strides = array<i32>} : memref<320x128xf32, #tpu.memory_space<vmem>>, vector<16xf32>,
      %scan3A_318 = arith.constant 0 : i32
      scf.yield %scan3A_318 : i32
    }
    %scan3A_39 = arith.constant 320 : i32
    %scan3A_40 = arith.constant 0 : i32
    %scan3A_41 = arith.constant 0 : i32
    %scan3A_42 = arith.constant 32 : i32
    %scan3A_43 = arith.addi %scan3A_41, %scan3A_42 : i32
    %scan3A_44 = arith.constant 1 : i32
    %scan3A_45 = scf.for %scan3A_292 = %scan3A_41 to %scan3A_43 step %scan3A_44 iter_args(%scan3A_293 = %scan3A_40) -> (i32)  : i32 {
      %mul3A_294 = arith.constant 9216 : i32
      %mul3A_295 = arith.muli %scan3A_292, %mul3A_294 : i32
      %mul3A_296 = arith.constant 288 : i32
      %mul3A_297 = arith.muli %add3A, %mul3A_296 : i32
      %add3A_298 = arith.addi %mul3A_295, %mul3A_297 : i32
      %mul3A_299 = arith.constant 288 : i32
      %mul3A_300 = arith.muli %scan3A_292, %mul3A_299 : i32
      %dma_wait3A = tpu.memref_slice %arg13[%mul3A_300] : memref<9216xi32, #tpu.memory_space<vmem>> -> memref<288xi32, #tpu.memory_space<vmem>>
      %dma_wait3A_301 = tpu.memref_slice %arg2[%add3A_298] : memref<294912xi32, #tpu.memory_space<hbm>> -> memref<288xi32, #tpu.memory_space<hbm>>
      %dma_wait3A_302 = tpu.memref_slice %arg13[%mul3A_300] : memref<9216xi32, #tpu.memory_space<vmem>> -> memref<288xi32, #tpu.memory_space<vmem>>
      %dma_wait3A_303 = tpu.memref_slice %arg2[%add3A_298] : memref<294912xi32, #tpu.memory_space<hbm>> -> memref<288xi32, #tpu.memory_space<hbm>>
      tpu.wait_dma2 semaphore(%arg31 : memref<!tpu.dma_semaphore, #tpu.memory_space<semaphore_mem>>) src(%dma_wait3A_303 : memref<288xi32, #tpu.memory_space<hbm>>) dst(%dma_wait3A_302 : memref<288xi32, #tpu.memory_space<vmem>>)
      %scan3A_304 = arith.constant 0 : i32
      scf.yield %scan3A_304 : i32
    }
    %scan3A_46 = arith.constant 32 : i32
    %scan3A_47 = arith.constant 0 : i32
    %scan3A_48 = arith.constant 0 : i32
    %scan3A_49 = arith.constant 32 : i32
    %scan3A_50 = arith.addi %scan3A_48, %scan3A_49 : i32
    %scan3A_51 = arith.constant 1 : i32
    %scan3A_52 = scf.for %scan3A_292 = %scan3A_48 to %scan3A_50 step %scan3A_51 iter_args(%scan3A_293 = %scan3A_47) -> (i32)  : i32 {
      %mul3A_294 = arith.constant 32 : i32
      %mul3A_295 = arith.muli %scan3A_292, %mul3A_294 : i32
      %add3A_296 = arith.addi %mul3A_295, %add3A : i32
      %broadcast_in_dim3A_297 = vector.broadcast %add3A_296 : i32 to vector<16xi32>
      %gather3A = tpu.vector_load_idx %arg12[%broadcast_in_dim3A_297] : memref<1024xi32, #tpu.memory_space<vmem>>[vector<16xi32>], vector<16xi32>,
      %slice3A = vector.extract_strided_slice %gather3A {offsets = [0], sizes = [1], strides = [1]} : vector<16xi32> to vector<1xi32>
      %squeeze3A = vector.extract %slice3A[0] : i32 from vector<1xi32>
      %add3A_298 = arith.constant 15 : i32
      %add3A_299 = arith.addi %squeeze3A, %add3A_298 : i32
      %jit3A_300 = arith.constant 16 : i32
      %div3A_301 = arith.divsi %add3A_299, %jit3A_300 : i32
      %sign3A_302 = arith.constant 0 : i32
      %sign3A_303 = arith.cmpi sgt, %add3A_299, %sign3A_302 : i32
      %sign3A_304 = arith.extui %sign3A_303 : i1 to i32
      %sign3A_305 = arith.constant 0 : i32
      %sign3A_306 = arith.cmpi slt, %add3A_299, %sign3A_305 : i32
      %sign3A_307 = arith.extui %sign3A_306 : i1 to i32
      %sign3A_308 = arith.subi %sign3A_304, %sign3A_307 : i32
      %sign3A_309 = arith.constant 0 : i32
      %sign3A_310 = arith.cmpi sgt, %jit3A_300, %sign3A_309 : i32
      %sign3A_311 = arith.extui %sign3A_310 : i1 to i32
      %sign3A_312 = arith.constant 0 : i32
      %sign3A_313 = arith.cmpi slt, %jit3A_300, %sign3A_312 : i32
      %sign3A_314 = arith.extui %sign3A_313 : i1 to i32
      %sign3A_315 = arith.subi %sign3A_311, %sign3A_314 : i32
      %ne3A_316 = arith.cmpi ne, %sign3A_308, %sign3A_315 : i32
      %rem3A_317 = arith.remsi %add3A_299, %jit3A_300 : i32
      %ne3A_318 = arith.constant 0 : i32
      %ne3A_319 = arith.cmpi ne, %rem3A_317, %ne3A_318 : i32
      %and3A_320 = arith.andi %ne3A_316, %ne3A_319 : i1
      %sub3A_321 = arith.constant 1 : i32
      %sub3A_322 = arith.subi %div3A_301, %sub3A_321 : i32
      %select_n3A_323 = arith.select %and3A_320, %sub3A_322, %div3A_301 : i32
      %while3A_324 = arith.constant 0 : i32
      %while3A_325 = arith.constant 0 : i32
      %while3A_326 = arith.subi %select_n3A_323, %while3A_324 : i32
      %while3A_327 = arith.addi %while3A_324, %while3A_326 : i32
      %while3A_328 = arith.constant 1 : i32
      %while3A_329 = arith.divsi %while3A_326, %while3A_328 : i32
      %while3A_330 = arith.muli %while3A_329, %while3A_328 : i32
      %while3A_331 = arith.addi %while3A_324, %while3A_330 : i32
      %while3A_332 = arith.constant 1 : i32
      %while3A_333 = scf.for %while3A_337 = %while3A_324 to %while3A_331 step %while3A_332 iter_args(%while3A_338 = %while3A_325) -> (i32)  : i32 {
        %mul3A_339 = arith.constant 288 : i32
        %mul3A_340 = arith.muli %scan3A_292, %mul3A_339 : i32
        %mul3A_341 = arith.constant 16 : i32
        %mul3A_342 = arith.muli %while3A_337, %mul3A_341 : i32
        %add3A_343 = arith.addi %mul3A_340, %mul3A_342 : i32
        %get3A_344 = arith.index_cast %add3A_343 : i32 to index
        %get3A_345 = tpu.vector_load %arg13[%get3A_344] {strides = array<i32>} : memref<9216xi32, #tpu.memory_space<vmem>>, vector<16xi32>,
        %mul3A_346 = arith.constant 16 : i32
        %mul3A_347 = arith.muli %while3A_337, %mul3A_346 : i32
        %add3A_348 = vector.broadcast %mul3A_347 : i32 to vector<16xi32>
        %add3A_349 = arith.addi %add3A_348, %iota3A : vector<16xi32>
        %lt3A = vector.broadcast %squeeze3A : i32 to vector<16xi32>
        %lt3A_350 = arith.cmpi slt, %add3A_349, %lt3A : vector<16xi32>
        %jit3A_351 = arith.constant 2147483647 : i32
        %broadcast_in_dim3A_352 = vector.broadcast %jit3A_351 : i32 to vector<16xi32>
        %select_n3A_353 = arith.select %lt3A_350, %get3A_345, %broadcast_in_dim3A_352 : vector<16xi1>, vector<16xi32>
        %masked_sort3A = arith.constant dense<true> : vector<16xi1>
        %masked_sort3A_354 = arith.constant -2147483648 : i32
        %masked_sort3A_355 = vector.broadcast %masked_sort3A_354 : i32 to vector<16xi32>
        %masked_sort3A_356 = arith.xori %select_n3A_353, %masked_sort3A_355 : vector<16xi32>
        %masked_sort3A_357, %masked_sort3A_358, %masked_sort3A_359 = tpu.sort %masked_sort3A_356, %iota3A masked %masked_sort3A : (vector<16xi32>, vector<16xi32>, vector<16xi1>) -> (vector<16xi1>, vector<16xi32>, vector<16xi32>)
        %masked_sort3A_360 = arith.xori %masked_sort3A_358, %masked_sort3A_355 : vector<16xi32>
        %lt3A_361 = arith.constant 2147483647 : i32
        %lt3A_362 = vector.broadcast %lt3A_361 : i32 to vector<16xi32>
        %lt3A_363 = arith.cmpi slt, %masked_sort3A_360, %lt3A_362 : vector<16xi32>
        %shift_right_arithmetic3A = arith.constant 14 : i32
        %shift_right_arithmetic3A_364 = vector.broadcast %shift_right_arithmetic3A : i32 to vector<16xi32>
        %shift_right_arithmetic3A_365 = arith.shrsi %masked_sort3A_360, %shift_right_arithmetic3A_364 : vector<16xi32>
        %sub3A_366 = vector.broadcast %mul3A_2 : i32 to vector<16xi32>
        %sub3A_367 = arith.subi %shift_right_arithmetic3A_365, %sub3A_366 : vector<16xi32>
        %jit3A_368 = arith.constant 320 : i32
        %broadcast_in_dim3A_369 = vector.broadcast %jit3A_368 : i32 to vector<16xi32>
        %select_n3A_370 = arith.select %lt3A_363, %sub3A_367, %broadcast_in_dim3A_369 : vector<16xi1>, vector<16xi32>
        %sub3A_371 = arith.constant 1 : i32
        %sub3A_372 = vector.broadcast %sub3A_371 : i32 to vector<16xi32>
        %sub3A_373 = arith.subi %iota3A, %sub3A_372 : vector<16xi32>
        %jit3A_374 = arith.constant 0 : i32
        %jit3A_375 = arith.constant 15 : i32
        %max3A = vector.broadcast %jit3A_374 : i32 to vector<16xi32>
        %max3A_376 = arith.maxsi %max3A, %sub3A_373 : vector<16xi32>
        %min3A = vector.broadcast %jit3A_375 : i32 to vector<16xi32>
        %min3A_377 = arith.minsi %min3A, %max3A_376 : vector<16xi32>
        %lt3A_378 = arith.constant 0 : i32
        %lt3A_379 = vector.broadcast %lt3A_378 : i32 to vector<16xi32>
        %lt3A_380 = arith.cmpi slt, %min3A_377, %lt3A_379 : vector<16xi32>
        %add3A_381 = arith.constant 16 : i32
        %add3A_382 = vector.broadcast %add3A_381 : i32 to vector<16xi32>
        %add3A_383 = arith.addi %min3A_377, %add3A_382 : vector<16xi32>
        %select_n3A_384 = arith.select %lt3A_380, %add3A_383, %min3A_377 : vector<16xi1>, vector<16xi32>
        %broadcast_in_dim3A_385 = vector.shape_cast %select_n3A_384 : vector<16xi32> to vector<16x1xi32>
        %gather3A_386 = vector.shape_cast %broadcast_in_dim3A_385 : vector<16x1xi32> to vector<16xi32>
        %gather3A_387 = tpu.dynamic_gather %select_n3A_370[%gather3A_386] in [0] : vector<16xi32>, vector<16xi32> -> vector<16xi32>
        %ne3A_388 = arith.cmpi ne, %select_n3A_370, %gather3A_387 : vector<16xi32>
        %eq3A = arith.constant 0 : i32
        %eq3A_389 = vector.broadcast %eq3A : i32 to vector<16xi32>
        %eq3A_390 = arith.cmpi eq, %iota3A, %eq3A_389 : vector<16xi32>
        %or3A = arith.ori %ne3A_388, %eq3A_390 : vector<16xi1>
        %jit3A_391 = arith.constant 0 : i32
        %broadcast_in_dim3A_392 = vector.broadcast %jit3A_391 : i32 to vector<16xi32>
        %select_n3A_393 = arith.select %or3A, %iota3A, %broadcast_in_dim3A_392 : vector<16xi1>, vector<16xi32>
        %broadcast_in_dim3A_394 = arith.constant true
        %broadcast_in_dim3A_395 = vector.broadcast %broadcast_in_dim3A_394 : i1 to vector<16xi1>
        %masked_cummax3A = arith.constant -2147483648 : i32
        %masked_cummax3A_396 = vector.broadcast %masked_cummax3A : i32 to vector<16xi32>
        %masked_cummax3A_397 = arith.xori %select_n3A_393, %masked_cummax3A_396 : vector<16xi32>
        %masked_cummax3A_398 = tpu.scan <max>, %masked_cummax3A_397 masked %broadcast_in_dim3A_395 : vector<16xi32>, vector<16xi1> -> vector<16xi32>
        %masked_cummax3A_399 = arith.xori %masked_cummax3A_398, %masked_cummax3A_396 : vector<16xi32>
        %sub3A_400 = arith.subi %iota3A, %masked_cummax3A_399 : vector<16xi32>
        %gather3A_401 = tpu.vector_load_idx %arg18[%select_n3A_370] : memref<336xi32, #tpu.memory_space<vmem>>[vector<16xi32>], vector<16xi32>,
        %add3A_402 = arith.constant 1 : i32
        %add3A_403 = vector.broadcast %add3A_402 : i32 to vector<16xi32>
        %add3A_404 = arith.addi %iota3A, %add3A_403 : vector<16xi32>
        %jit3A_405 = arith.constant 0 : i32
        %jit3A_406 = arith.constant 15 : i32
        %max3A_407 = vector.broadcast %jit3A_405 : i32 to vector<16xi32>
        %max3A_408 = arith.maxsi %max3A_407, %add3A_404 : vector<16xi32>
        %min3A_409 = vector.broadcast %jit3A_406 : i32 to vector<16xi32>
        %min3A_410 = arith.minsi %min3A_409, %max3A_408 : vector<16xi32>
        %lt3A_411 = arith.constant 0 : i32
        %lt3A_412 = vector.broadcast %lt3A_411 : i32 to vector<16xi32>
        %lt3A_413 = arith.cmpi slt, %min3A_410, %lt3A_412 : vector<16xi32>
        %add3A_414 = arith.constant 16 : i32
        %add3A_415 = vector.broadcast %add3A_414 : i32 to vector<16xi32>
        %add3A_416 = arith.addi %min3A_410, %add3A_415 : vector<16xi32>
        %select_n3A_417 = arith.select %lt3A_413, %add3A_416, %min3A_410 : vector<16xi1>, vector<16xi32>
        %broadcast_in_dim3A_418 = vector.shape_cast %select_n3A_417 : vector<16xi32> to vector<16x1xi32>
        %gather3A_419 = vector.shape_cast %broadcast_in_dim3A_418 : vector<16x1xi32> to vector<16xi32>
        %gather3A_420 = tpu.dynamic_gather %select_n3A_370[%gather3A_419] in [0] : vector<16xi32>, vector<16xi32> -> vector<16xi32>
        %ne3A_421 = arith.cmpi ne, %select_n3A_370, %gather3A_420 : vector<16xi32>
        %eq3A_422 = arith.constant 15 : i32
        %eq3A_423 = vector.broadcast %eq3A_422 : i32 to vector<16xi32>
        %eq3A_424 = arith.cmpi eq, %iota3A, %eq3A_423 : vector<16xi32>
        %or3A_425 = arith.ori %ne3A_421, %eq3A_424 : vector<16xi1>
        %add3A_426 = arith.addi %gather3A_401, %sub3A_400 : vector<16xi32>
        %add3A_427 = arith.constant 1 : i32
        %add3A_428 = vector.broadcast %add3A_427 : i32 to vector<16xi32>
        %add3A_429 = arith.addi %add3A_426, %add3A_428 : vector<16xi32>
        tpu.vector_store_idx %arg18[%select_n3A_370], %add3A_429 masked %or3A_425 : memref<336xi32, #tpu.memory_space<vmem>>[vector<16xi32>], vector<16xi32>, vector<16xi1>
        %while3A_430 = arith.constant 0 : i32
        scf.yield %while3A_430 : i32
      }
      %while3A_334 = arith.constant 1 : i32
      %while3A_335 = scf.for %while3A_337 = %while3A_331 to %while3A_327 step %while3A_334 iter_args(%while3A_338 = %while3A_333) -> (i32)  : i32 {
        %mul3A_339 = arith.constant 288 : i32
        %mul3A_340 = arith.muli %scan3A_292, %mul3A_339 : i32
        %mul3A_341 = arith.constant 16 : i32
        %mul3A_342 = arith.muli %while3A_337, %mul3A_341 : i32
        %add3A_343 = arith.addi %mul3A_340, %mul3A_342 : i32
        %get3A_344 = arith.index_cast %add3A_343 : i32 to index
        %get3A_345 = tpu.vector_load %arg13[%get3A_344] {strides = array<i32>} : memref<9216xi32, #tpu.memory_space<vmem>>, vector<16xi32>,
        %mul3A_346 = arith.constant 16 : i32
        %mul3A_347 = arith.muli %while3A_337, %mul3A_346 : i32
        %add3A_348 = vector.broadcast %mul3A_347 : i32 to vector<16xi32>
        %add3A_349 = arith.addi %add3A_348, %iota3A : vector<16xi32>
        %lt3A = vector.broadcast %squeeze3A : i32 to vector<16xi32>
        %lt3A_350 = arith.cmpi slt, %add3A_349, %lt3A : vector<16xi32>
        %jit3A_351 = arith.constant 2147483647 : i32
        %broadcast_in_dim3A_352 = vector.broadcast %jit3A_351 : i32 to vector<16xi32>
        %select_n3A_353 = arith.select %lt3A_350, %get3A_345, %broadcast_in_dim3A_352 : vector<16xi1>, vector<16xi32>
        %masked_sort3A = arith.constant dense<true> : vector<16xi1>
        %masked_sort3A_354 = arith.constant -2147483648 : i32
        %masked_sort3A_355 = vector.broadcast %masked_sort3A_354 : i32 to vector<16xi32>
        %masked_sort3A_356 = arith.xori %select_n3A_353, %masked_sort3A_355 : vector<16xi32>
        %masked_sort3A_357, %masked_sort3A_358, %masked_sort3A_359 = tpu.sort %masked_sort3A_356, %iota3A masked %masked_sort3A : (vector<16xi32>, vector<16xi32>, vector<16xi1>) -> (vector<16xi1>, vector<16xi32>, vector<16xi32>)
        %masked_sort3A_360 = arith.xori %masked_sort3A_358, %masked_sort3A_355 : vector<16xi32>
        %lt3A_361 = arith.constant 2147483647 : i32
        %lt3A_362 = vector.broadcast %lt3A_361 : i32 to vector<16xi32>
        %lt3A_363 = arith.cmpi slt, %masked_sort3A_360, %lt3A_362 : vector<16xi32>
        %shift_right_arithmetic3A = arith.constant 14 : i32
        %shift_right_arithmetic3A_364 = vector.broadcast %shift_right_arithmetic3A : i32 to vector<16xi32>
        %shift_right_arithmetic3A_365 = arith.shrsi %masked_sort3A_360, %shift_right_arithmetic3A_364 : vector<16xi32>
        %sub3A_366 = vector.broadcast %mul3A_2 : i32 to vector<16xi32>
        %sub3A_367 = arith.subi %shift_right_arithmetic3A_365, %sub3A_366 : vector<16xi32>
        %jit3A_368 = arith.constant 320 : i32
        %broadcast_in_dim3A_369 = vector.broadcast %jit3A_368 : i32 to vector<16xi32>
        %select_n3A_370 = arith.select %lt3A_363, %sub3A_367, %broadcast_in_dim3A_369 : vector<16xi1>, vector<16xi32>
        %sub3A_371 = arith.constant 1 : i32
        %sub3A_372 = vector.broadcast %sub3A_371 : i32 to vector<16xi32>
        %sub3A_373 = arith.subi %iota3A, %sub3A_372 : vector<16xi32>
        %jit3A_374 = arith.constant 0 : i32
        %jit3A_375 = arith.constant 15 : i32
        %max3A = vector.broadcast %jit3A_374 : i32 to vector<16xi32>
        %max3A_376 = arith.maxsi %max3A, %sub3A_373 : vector<16xi32>
        %min3A = vector.broadcast %jit3A_375 : i32 to vector<16xi32>
        %min3A_377 = arith.minsi %min3A, %max3A_376 : vector<16xi32>
        %lt3A_378 = arith.constant 0 : i32
        %lt3A_379 = vector.broadcast %lt3A_378 : i32 to vector<16xi32>
        %lt3A_380 = arith.cmpi slt, %min3A_377, %lt3A_379 : vector<16xi32>
        %add3A_381 = arith.constant 16 : i32
        %add3A_382 = vector.broadcast %add3A_381 : i32 to vector<16xi32>
        %add3A_383 = arith.addi %min3A_377, %add3A_382 : vector<16xi32>
        %select_n3A_384 = arith.select %lt3A_380, %add3A_383, %min3A_377 : vector<16xi1>, vector<16xi32>
        %broadcast_in_dim3A_385 = vector.shape_cast %select_n3A_384 : vector<16xi32> to vector<16x1xi32>
        %gather3A_386 = vector.shape_cast %broadcast_in_dim3A_385 : vector<16x1xi32> to vector<16xi32>
        %gather3A_387 = tpu.dynamic_gather %select_n3A_370[%gather3A_386] in [0] : vector<16xi32>, vector<16xi32> -> vector<16xi32>
        %ne3A_388 = arith.cmpi ne, %select_n3A_370, %gather3A_387 : vector<16xi32>
        %eq3A = arith.constant 0 : i32
        %eq3A_389 = vector.broadcast %eq3A : i32 to vector<16xi32>
        %eq3A_390 = arith.cmpi eq, %iota3A, %eq3A_389 : vector<16xi32>
        %or3A = arith.ori %ne3A_388, %eq3A_390 : vector<16xi1>
        %jit3A_391 = arith.constant 0 : i32
        %broadcast_in_dim3A_392 = vector.broadcast %jit3A_391 : i32 to vector<16xi32>
        %select_n3A_393 = arith.select %or3A, %iota3A, %broadcast_in_dim3A_392 : vector<16xi1>, vector<16xi32>
        %broadcast_in_dim3A_394 = arith.constant true
        %broadcast_in_dim3A_395 = vector.broadcast %broadcast_in_dim3A_394 : i1 to vector<16xi1>
        %masked_cummax3A = arith.constant -2147483648 : i32
        %masked_cummax3A_396 = vector.broadcast %masked_cummax3A : i32 to vector<16xi32>
        %masked_cummax3A_397 = arith.xori %select_n3A_393, %masked_cummax3A_396 : vector<16xi32>
        %masked_cummax3A_398 = tpu.scan <max>, %masked_cummax3A_397 masked %broadcast_in_dim3A_395 : vector<16xi32>, vector<16xi1> -> vector<16xi32>
        %masked_cummax3A_399 = arith.xori %masked_cummax3A_398, %masked_cummax3A_396 : vector<16xi32>
        %sub3A_400 = arith.subi %iota3A, %masked_cummax3A_399 : vector<16xi32>
        %gather3A_401 = tpu.vector_load_idx %arg18[%select_n3A_370] : memref<336xi32, #tpu.memory_space<vmem>>[vector<16xi32>], vector<16xi32>,
        %add3A_402 = arith.constant 1 : i32
        %add3A_403 = vector.broadcast %add3A_402 : i32 to vector<16xi32>
        %add3A_404 = arith.addi %iota3A, %add3A_403 : vector<16xi32>
        %jit3A_405 = arith.constant 0 : i32
        %jit3A_406 = arith.constant 15 : i32
        %max3A_407 = vector.broadcast %jit3A_405 : i32 to vector<16xi32>
        %max3A_408 = arith.maxsi %max3A_407, %add3A_404 : vector<16xi32>
        %min3A_409 = vector.broadcast %jit3A_406 : i32 to vector<16xi32>
        %min3A_410 = arith.minsi %min3A_409, %max3A_408 : vector<16xi32>
        %lt3A_411 = arith.constant 0 : i32
        %lt3A_412 = vector.broadcast %lt3A_411 : i32 to vector<16xi32>
        %lt3A_413 = arith.cmpi slt, %min3A_410, %lt3A_412 : vector<16xi32>
        %add3A_414 = arith.constant 16 : i32
        %add3A_415 = vector.broadcast %add3A_414 : i32 to vector<16xi32>
        %add3A_416 = arith.addi %min3A_410, %add3A_415 : vector<16xi32>
        %select_n3A_417 = arith.select %lt3A_413, %add3A_416, %min3A_410 : vector<16xi1>, vector<16xi32>
        %broadcast_in_dim3A_418 = vector.shape_cast %select_n3A_417 : vector<16xi32> to vector<16x1xi32>
        %gather3A_419 = vector.shape_cast %broadcast_in_dim3A_418 : vector<16x1xi32> to vector<16xi32>
        %gather3A_420 = tpu.dynamic_gather %select_n3A_370[%gather3A_419] in [0] : vector<16xi32>, vector<16xi32> -> vector<16xi32>
        %ne3A_421 = arith.cmpi ne, %select_n3A_370, %gather3A_420 : vector<16xi32>
        %eq3A_422 = arith.constant 15 : i32
        %eq3A_423 = vector.broadcast %eq3A_422 : i32 to vector<16xi32>
        %eq3A_424 = arith.cmpi eq, %iota3A, %eq3A_423 : vector<16xi32>
        %or3A_425 = arith.ori %ne3A_421, %eq3A_424 : vector<16xi1>
        %add3A_426 = arith.addi %gather3A_401, %sub3A_400 : vector<16xi32>
        %add3A_427 = arith.constant 1 : i32
        %add3A_428 = vector.broadcast %add3A_427 : i32 to vector<16xi32>
        %add3A_429 = arith.addi %add3A_426, %add3A_428 : vector<16xi32>
        tpu.vector_store_idx %arg18[%select_n3A_370], %add3A_429 masked %or3A_425 : memref<336xi32, #tpu.memory_space<vmem>>[vector<16xi32>], vector<16xi32>, vector<16xi1>
        %while3A_430 = arith.constant 0 : i32
        scf.yield %while3A_430 : i32
      }
      %scan3A_336 = arith.constant 0 : i32
      scf.yield %scan3A_336 : i32
    }
    %scan3A_53 = arith.constant 32 : i32
    %scan3A_54 = arith.constant 0 : i32
    %scan3A_55 = arith.constant 0 : i32
    %scan3A_56 = arith.constant 20 : i32
    %scan3A_57 = arith.addi %scan3A_55, %scan3A_56 : i32
    %scan3A_58 = arith.constant 1 : i32
    %scan3A_59 = scf.for %scan3A_292 = %scan3A_55 to %scan3A_57 step %scan3A_58 iter_args(%scan3A_293 = %scan3A_54) -> (i32)  : i32 {
      %mul3A_294 = arith.constant 16 : i32
      %mul3A_295 = arith.muli %scan3A_292, %mul3A_294 : i32
      %get3A_296 = arith.index_cast %mul3A_295 : i32 to index
      %get3A_297 = tpu.vector_load %arg18[%get3A_296] {strides = array<i32>} : memref<336xi32, #tpu.memory_space<vmem>>, vector<16xi32>,
      %broadcast_in_dim3A_298 = arith.constant true
      %broadcast_in_dim3A_299 = vector.broadcast %broadcast_in_dim3A_298 : i1 to vector<16xi1>
      %masked_cumsum3A = tpu.scan <sum>, %get3A_297 masked %broadcast_in_dim3A_299 : vector<16xi32>, vector<16xi1> -> vector<16xi32>
      %broadcast_in_dim3A_300 = vector.broadcast %scan3A_293 : i32 to vector<16xi32>
      %add3A_301 = arith.addi %broadcast_in_dim3A_300, %masked_cumsum3A : vector<16xi32>
      %sub3A_302 = arith.subi %add3A_301, %get3A_297 : vector<16xi32>
      %mul3A_303 = arith.constant 16 : i32
      %mul3A_304 = arith.muli %scan3A_292, %mul3A_303 : i32
      %swap3A_305 = arith.index_cast %mul3A_304 : i32 to index
      %swap3A_306 = tpu.vector_load %arg19[%swap3A_305] {strides = array<i32>} : memref<336xi32, #tpu.memory_space<vmem>>, vector<16xi32>,
      tpu.vector_store %arg19[%swap3A_305], %sub3A_302 {strides = array<i32>} : memref<336xi32, #tpu.memory_space<vmem>>, vector<16xi32>,
      %broadcast_in_dim3A_307 = vector.broadcast %scan3A_293 : i32 to vector<16xi32>
      %add3A_308 = arith.addi %broadcast_in_dim3A_307, %masked_cumsum3A : vector<16xi32>
      %sub3A_309 = arith.subi %add3A_308, %get3A_297 : vector<16xi32>
      %mul3A_310 = arith.constant 16 : i32
      %mul3A_311 = arith.muli %scan3A_292, %mul3A_310 : i32
      %swap3A_312 = arith.index_cast %mul3A_311 : i32 to index
      %swap3A_313 = tpu.vector_load %arg20[%swap3A_312] {strides = array<i32>} : memref<336xi32, #tpu.memory_space<vmem>>, vector<16xi32>,
      tpu.vector_store %arg20[%swap3A_312], %sub3A_309 {strides = array<i32>} : memref<336xi32, #tpu.memory_space<vmem>>, vector<16xi32>,
      %slice3A = vector.extract_strided_slice %masked_cumsum3A {offsets = [15], sizes = [1], strides = [1]} : vector<16xi32> to vector<1xi32>
      %squeeze3A = vector.extract %slice3A[0] : i32 from vector<1xi32>
      %add3A_314 = arith.addi %scan3A_293, %squeeze3A : i32
      scf.yield %add3A_314 : i32
    }
    %scan3A_60 = arith.constant 20 : i32
    %broadcast_in_dim3A_61 = vector.broadcast %scan3A_59 : i32 to vector<16xi32>
    %broadcast_in_dim3A_62 = arith.constant 320 : i32
    %broadcast_in_dim3A_63 = vector.broadcast %broadcast_in_dim3A_62 : i32 to vector<16xi32>
    tpu.vector_store_idx %arg19[%broadcast_in_dim3A_63], %broadcast_in_dim3A_61 : memref<336xi32, #tpu.memory_space<vmem>>[vector<16xi32>], vector<16xi32>,
    %scan3A_64 = arith.constant 0 : i32
    %scan3A_65 = arith.constant 0 : i32
    %scan3A_66 = arith.constant 32 : i32
    %scan3A_67 = arith.addi %scan3A_65, %scan3A_66 : i32
    %scan3A_68 = arith.constant 1 : i32
    %scan3A_69 = scf.for %scan3A_292 = %scan3A_65 to %scan3A_67 step %scan3A_68 iter_args(%scan3A_293 = %scan3A_64) -> (i32)  : i32 {
      %mul3A_294 = arith.constant 32 : i32
      %mul3A_295 = arith.muli %scan3A_292, %mul3A_294 : i32
      %add3A_296 = arith.addi %mul3A_295, %add3A : i32
      %broadcast_in_dim3A_297 = vector.broadcast %add3A_296 : i32 to vector<16xi32>
      %gather3A = tpu.vector_load_idx %arg12[%broadcast_in_dim3A_297] : memref<1024xi32, #tpu.memory_space<vmem>>[vector<16xi32>], vector<16xi32>,
      %slice3A = vector.extract_strided_slice %gather3A {offsets = [0], sizes = [1], strides = [1]} : vector<16xi32> to vector<1xi32>
      %squeeze3A = vector.extract %slice3A[0] : i32 from vector<1xi32>
      %add3A_298 = arith.constant 15 : i32
      %add3A_299 = arith.addi %squeeze3A, %add3A_298 : i32
      %jit3A_300 = arith.constant 16 : i32
      %div3A_301 = arith.divsi %add3A_299, %jit3A_300 : i32
      %sign3A_302 = arith.constant 0 : i32
      %sign3A_303 = arith.cmpi sgt, %add3A_299, %sign3A_302 : i32
      %sign3A_304 = arith.extui %sign3A_303 : i1 to i32
      %sign3A_305 = arith.constant 0 : i32
      %sign3A_306 = arith.cmpi slt, %add3A_299, %sign3A_305 : i32
      %sign3A_307 = arith.extui %sign3A_306 : i1 to i32
      %sign3A_308 = arith.subi %sign3A_304, %sign3A_307 : i32
      %sign3A_309 = arith.constant 0 : i32
      %sign3A_310 = arith.cmpi sgt, %jit3A_300, %sign3A_309 : i32
      %sign3A_311 = arith.extui %sign3A_310 : i1 to i32
      %sign3A_312 = arith.constant 0 : i32
      %sign3A_313 = arith.cmpi slt, %jit3A_300, %sign3A_312 : i32
      %sign3A_314 = arith.extui %sign3A_313 : i1 to i32
      %sign3A_315 = arith.subi %sign3A_311, %sign3A_314 : i32
      %ne3A_316 = arith.cmpi ne, %sign3A_308, %sign3A_315 : i32
      %rem3A_317 = arith.remsi %add3A_299, %jit3A_300 : i32
      %ne3A_318 = arith.constant 0 : i32
      %ne3A_319 = arith.cmpi ne, %rem3A_317, %ne3A_318 : i32
      %and3A_320 = arith.andi %ne3A_316, %ne3A_319 : i1
      %sub3A_321 = arith.constant 1 : i32
      %sub3A_322 = arith.subi %div3A_301, %sub3A_321 : i32
      %select_n3A_323 = arith.select %and3A_320, %sub3A_322, %div3A_301 : i32
      %while3A_324 = arith.constant 0 : i32
      %while3A_325 = arith.constant 0 : i32
      %while3A_326 = arith.subi %select_n3A_323, %while3A_324 : i32
      %while3A_327 = arith.addi %while3A_324, %while3A_326 : i32
      %while3A_328 = arith.constant 1 : i32
      %while3A_329 = arith.divsi %while3A_326, %while3A_328 : i32
      %while3A_330 = arith.muli %while3A_329, %while3A_328 : i32
      %while3A_331 = arith.addi %while3A_324, %while3A_330 : i32
      %while3A_332 = arith.constant 1 : i32
      %while3A_333 = scf.for %while3A_337 = %while3A_324 to %while3A_331 step %while3A_332 iter_args(%while3A_338 = %while3A_325) -> (i32)  : i32 {
        %mul3A_339 = arith.constant 288 : i32
        %mul3A_340 = arith.muli %scan3A_292, %mul3A_339 : i32
        %mul3A_341 = arith.constant 16 : i32
        %mul3A_342 = arith.muli %while3A_337, %mul3A_341 : i32
        %add3A_343 = arith.addi %mul3A_340, %mul3A_342 : i32
        %get3A_344 = arith.index_cast %add3A_343 : i32 to index
        %get3A_345 = tpu.vector_load %arg13[%get3A_344] {strides = array<i32>} : memref<9216xi32, #tpu.memory_space<vmem>>, vector<16xi32>,
        %mul3A_346 = arith.constant 16 : i32
        %mul3A_347 = arith.muli %while3A_337, %mul3A_346 : i32
        %add3A_348 = vector.broadcast %mul3A_347 : i32 to vector<16xi32>
        %add3A_349 = arith.addi %add3A_348, %iota3A : vector<16xi32>
        %lt3A = vector.broadcast %squeeze3A : i32 to vector<16xi32>
        %lt3A_350 = arith.cmpi slt, %add3A_349, %lt3A : vector<16xi32>
        %jit3A_351 = arith.constant 2147483647 : i32
        %broadcast_in_dim3A_352 = vector.broadcast %jit3A_351 : i32 to vector<16xi32>
        %select_n3A_353 = arith.select %lt3A_350, %get3A_345, %broadcast_in_dim3A_352 : vector<16xi1>, vector<16xi32>
        %masked_sort3A = arith.constant dense<true> : vector<16xi1>
        %masked_sort3A_354 = arith.constant -2147483648 : i32
        %masked_sort3A_355 = vector.broadcast %masked_sort3A_354 : i32 to vector<16xi32>
        %masked_sort3A_356 = arith.xori %select_n3A_353, %masked_sort3A_355 : vector<16xi32>
        %masked_sort3A_357, %masked_sort3A_358, %masked_sort3A_359 = tpu.sort %masked_sort3A_356, %iota3A masked %masked_sort3A : (vector<16xi32>, vector<16xi32>, vector<16xi1>) -> (vector<16xi1>, vector<16xi32>, vector<16xi32>)
        %masked_sort3A_360 = arith.xori %masked_sort3A_358, %masked_sort3A_355 : vector<16xi32>
        %lt3A_361 = arith.constant 2147483647 : i32
        %lt3A_362 = vector.broadcast %lt3A_361 : i32 to vector<16xi32>
        %lt3A_363 = arith.cmpi slt, %masked_sort3A_360, %lt3A_362 : vector<16xi32>
        %shift_right_arithmetic3A = arith.constant 14 : i32
        %shift_right_arithmetic3A_364 = vector.broadcast %shift_right_arithmetic3A : i32 to vector<16xi32>
        %shift_right_arithmetic3A_365 = arith.shrsi %masked_sort3A_360, %shift_right_arithmetic3A_364 : vector<16xi32>
        %sub3A_366 = vector.broadcast %mul3A_2 : i32 to vector<16xi32>
        %sub3A_367 = arith.subi %shift_right_arithmetic3A_365, %sub3A_366 : vector<16xi32>
        %jit3A_368 = arith.constant 320 : i32
        %broadcast_in_dim3A_369 = vector.broadcast %jit3A_368 : i32 to vector<16xi32>
        %select_n3A_370 = arith.select %lt3A_363, %sub3A_367, %broadcast_in_dim3A_369 : vector<16xi1>, vector<16xi32>
        %sub3A_371 = arith.constant 1 : i32
        %sub3A_372 = vector.broadcast %sub3A_371 : i32 to vector<16xi32>
        %sub3A_373 = arith.subi %iota3A, %sub3A_372 : vector<16xi32>
        %jit3A_374 = arith.constant 0 : i32
        %jit3A_375 = arith.constant 15 : i32
        %max3A = vector.broadcast %jit3A_374 : i32 to vector<16xi32>
        %max3A_376 = arith.maxsi %max3A, %sub3A_373 : vector<16xi32>
        %min3A = vector.broadcast %jit3A_375 : i32 to vector<16xi32>
        %min3A_377 = arith.minsi %min3A, %max3A_376 : vector<16xi32>
        %lt3A_378 = arith.constant 0 : i32
        %lt3A_379 = vector.broadcast %lt3A_378 : i32 to vector<16xi32>
        %lt3A_380 = arith.cmpi slt, %min3A_377, %lt3A_379 : vector<16xi32>
        %add3A_381 = arith.constant 16 : i32
        %add3A_382 = vector.broadcast %add3A_381 : i32 to vector<16xi32>
        %add3A_383 = arith.addi %min3A_377, %add3A_382 : vector<16xi32>
        %select_n3A_384 = arith.select %lt3A_380, %add3A_383, %min3A_377 : vector<16xi1>, vector<16xi32>
        %broadcast_in_dim3A_385 = vector.shape_cast %select_n3A_384 : vector<16xi32> to vector<16x1xi32>
        %gather3A_386 = vector.shape_cast %broadcast_in_dim3A_385 : vector<16x1xi32> to vector<16xi32>
        %gather3A_387 = tpu.dynamic_gather %select_n3A_370[%gather3A_386] in [0] : vector<16xi32>, vector<16xi32> -> vector<16xi32>
        %ne3A_388 = arith.cmpi ne, %select_n3A_370, %gather3A_387 : vector<16xi32>
        %eq3A = arith.constant 0 : i32
        %eq3A_389 = vector.broadcast %eq3A : i32 to vector<16xi32>
        %eq3A_390 = arith.cmpi eq, %iota3A, %eq3A_389 : vector<16xi32>
        %or3A = arith.ori %ne3A_388, %eq3A_390 : vector<16xi1>
        %jit3A_391 = arith.constant 0 : i32
        %broadcast_in_dim3A_392 = vector.broadcast %jit3A_391 : i32 to vector<16xi32>
        %select_n3A_393 = arith.select %or3A, %iota3A, %broadcast_in_dim3A_392 : vector<16xi1>, vector<16xi32>
        %broadcast_in_dim3A_394 = arith.constant true
        %broadcast_in_dim3A_395 = vector.broadcast %broadcast_in_dim3A_394 : i1 to vector<16xi1>
        %masked_cummax3A = arith.constant -2147483648 : i32
        %masked_cummax3A_396 = vector.broadcast %masked_cummax3A : i32 to vector<16xi32>
        %masked_cummax3A_397 = arith.xori %select_n3A_393, %masked_cummax3A_396 : vector<16xi32>
        %masked_cummax3A_398 = tpu.scan <max>, %masked_cummax3A_397 masked %broadcast_in_dim3A_395 : vector<16xi32>, vector<16xi1> -> vector<16xi32>
        %masked_cummax3A_399 = arith.xori %masked_cummax3A_398, %masked_cummax3A_396 : vector<16xi32>
        %sub3A_400 = arith.subi %iota3A, %masked_cummax3A_399 : vector<16xi32>
        %gather3A_401 = tpu.vector_load_idx %arg20[%select_n3A_370] : memref<336xi32, #tpu.memory_space<vmem>>[vector<16xi32>], vector<16xi32>,
        %add3A_402 = arith.addi %gather3A_401, %sub3A_400 : vector<16xi32>
        %jit3A_403 = arith.constant 0 : i32
        %jit3A_404 = arith.constant 6015 : i32
        %max3A_405 = vector.broadcast %jit3A_403 : i32 to vector<16xi32>
        %max3A_406 = arith.maxsi %max3A_405, %add3A_402 : vector<16xi32>
        %min3A_407 = vector.broadcast %jit3A_404 : i32 to vector<16xi32>
        %min3A_408 = arith.minsi %min3A_407, %max3A_406 : vector<16xi32>
        %shift_right_arithmetic3A_409 = arith.constant 14 : i32
        %shift_right_arithmetic3A_410 = vector.broadcast %shift_right_arithmetic3A_409 : i32 to vector<16xi32>
        %shift_right_arithmetic3A_411 = arith.shrsi %masked_sort3A_360, %shift_right_arithmetic3A_410 : vector<16xi32>
        tpu.vector_store_idx %arg14[%min3A_408], %shift_right_arithmetic3A_411 masked %lt3A_363 : memref<6016xi32, #tpu.memory_space<vmem>>[vector<16xi32>], vector<16xi32>, vector<16xi1>
        %and3A_412 = arith.constant 16383 : i32
        %and3A_413 = vector.broadcast %and3A_412 : i32 to vector<16xi32>
        %and3A_414 = arith.andi %masked_sort3A_360, %and3A_413 : vector<16xi32>
        tpu.vector_store_idx %arg15[%min3A_408], %and3A_414 masked %lt3A_363 : memref<6016xi32, #tpu.memory_space<vmem>>[vector<16xi32>], vector<16xi32>, vector<16xi1>
        %add3A_415 = arith.constant 1 : i32
        %add3A_416 = vector.broadcast %add3A_415 : i32 to vector<16xi32>
        %add3A_417 = arith.addi %iota3A, %add3A_416 : vector<16xi32>
        %jit3A_418 = arith.constant 0 : i32
        %jit3A_419 = arith.constant 15 : i32
        %max3A_420 = vector.broadcast %jit3A_418 : i32 to vector<16xi32>
        %max3A_421 = arith.maxsi %max3A_420, %add3A_417 : vector<16xi32>
        %min3A_422 = vector.broadcast %jit3A_419 : i32 to vector<16xi32>
        %min3A_423 = arith.minsi %min3A_422, %max3A_421 : vector<16xi32>
        %lt3A_424 = arith.constant 0 : i32
        %lt3A_425 = vector.broadcast %lt3A_424 : i32 to vector<16xi32>
        %lt3A_426 = arith.cmpi slt, %min3A_423, %lt3A_425 : vector<16xi32>
        %add3A_427 = arith.constant 16 : i32
        %add3A_428 = vector.broadcast %add3A_427 : i32 to vector<16xi32>
        %add3A_429 = arith.addi %min3A_423, %add3A_428 : vector<16xi32>
        %select_n3A_430 = arith.select %lt3A_426, %add3A_429, %min3A_423 : vector<16xi1>, vector<16xi32>
        %broadcast_in_dim3A_431 = vector.shape_cast %select_n3A_430 : vector<16xi32> to vector<16x1xi32>
        %gather3A_432 = vector.shape_cast %broadcast_in_dim3A_431 : vector<16x1xi32> to vector<16xi32>
        %gather3A_433 = tpu.dynamic_gather %select_n3A_370[%gather3A_432] in [0] : vector<16xi32>, vector<16xi32> -> vector<16xi32>
        %ne3A_434 = arith.cmpi ne, %select_n3A_370, %gather3A_433 : vector<16xi32>
        %eq3A_435 = arith.constant 15 : i32
        %eq3A_436 = vector.broadcast %eq3A_435 : i32 to vector<16xi32>
        %eq3A_437 = arith.cmpi eq, %iota3A, %eq3A_436 : vector<16xi32>
        %or3A_438 = arith.ori %ne3A_434, %eq3A_437 : vector<16xi1>
        %add3A_439 = arith.addi %gather3A_401, %sub3A_400 : vector<16xi32>
        %add3A_440 = arith.constant 1 : i32
        %add3A_441 = vector.broadcast %add3A_440 : i32 to vector<16xi32>
        %add3A_442 = arith.addi %add3A_439, %add3A_441 : vector<16xi32>
        tpu.vector_store_idx %arg20[%select_n3A_370], %add3A_442 masked %or3A_438 : memref<336xi32, #tpu.memory_space<vmem>>[vector<16xi32>], vector<16xi32>, vector<16xi1>
        %while3A_443 = arith.constant 0 : i32
        scf.yield %while3A_443 : i32
      }
      %while3A_334 = arith.constant 1 : i32
      %while3A_335 = scf.for %while3A_337 = %while3A_331 to %while3A_327 step %while3A_334 iter_args(%while3A_338 = %while3A_333) -> (i32)  : i32 {
        %mul3A_339 = arith.constant 288 : i32
        %mul3A_340 = arith.muli %scan3A_292, %mul3A_339 : i32
        %mul3A_341 = arith.constant 16 : i32
        %mul3A_342 = arith.muli %while3A_337, %mul3A_341 : i32
        %add3A_343 = arith.addi %mul3A_340, %mul3A_342 : i32
        %get3A_344 = arith.index_cast %add3A_343 : i32 to index
        %get3A_345 = tpu.vector_load %arg13[%get3A_344] {strides = array<i32>} : memref<9216xi32, #tpu.memory_space<vmem>>, vector<16xi32>,
        %mul3A_346 = arith.constant 16 : i32
        %mul3A_347 = arith.muli %while3A_337, %mul3A_346 : i32
        %add3A_348 = vector.broadcast %mul3A_347 : i32 to vector<16xi32>
        %add3A_349 = arith.addi %add3A_348, %iota3A : vector<16xi32>
        %lt3A = vector.broadcast %squeeze3A : i32 to vector<16xi32>
        %lt3A_350 = arith.cmpi slt, %add3A_349, %lt3A : vector<16xi32>
        %jit3A_351 = arith.constant 2147483647 : i32
        %broadcast_in_dim3A_352 = vector.broadcast %jit3A_351 : i32 to vector<16xi32>
        %select_n3A_353 = arith.select %lt3A_350, %get3A_345, %broadcast_in_dim3A_352 : vector<16xi1>, vector<16xi32>
        %masked_sort3A = arith.constant dense<true> : vector<16xi1>
        %masked_sort3A_354 = arith.constant -2147483648 : i32
        %masked_sort3A_355 = vector.broadcast %masked_sort3A_354 : i32 to vector<16xi32>
        %masked_sort3A_356 = arith.xori %select_n3A_353, %masked_sort3A_355 : vector<16xi32>
        %masked_sort3A_357, %masked_sort3A_358, %masked_sort3A_359 = tpu.sort %masked_sort3A_356, %iota3A masked %masked_sort3A : (vector<16xi32>, vector<16xi32>, vector<16xi1>) -> (vector<16xi1>, vector<16xi32>, vector<16xi32>)
        %masked_sort3A_360 = arith.xori %masked_sort3A_358, %masked_sort3A_355 : vector<16xi32>
        %lt3A_361 = arith.constant 2147483647 : i32
        %lt3A_362 = vector.broadcast %lt3A_361 : i32 to vector<16xi32>
        %lt3A_363 = arith.cmpi slt, %masked_sort3A_360, %lt3A_362 : vector<16xi32>
        %shift_right_arithmetic3A = arith.constant 14 : i32
        %shift_right_arithmetic3A_364 = vector.broadcast %shift_right_arithmetic3A : i32 to vector<16xi32>
        %shift_right_arithmetic3A_365 = arith.shrsi %masked_sort3A_360, %shift_right_arithmetic3A_364 : vector<16xi32>
        %sub3A_366 = vector.broadcast %mul3A_2 : i32 to vector<16xi32>
        %sub3A_367 = arith.subi %shift_right_arithmetic3A_365, %sub3A_366 : vector<16xi32>
        %jit3A_368 = arith.constant 320 : i32
        %broadcast_in_dim3A_369 = vector.broadcast %jit3A_368 : i32 to vector<16xi32>
        %select_n3A_370 = arith.select %lt3A_363, %sub3A_367, %broadcast_in_dim3A_369 : vector<16xi1>, vector<16xi32>
        %sub3A_371 = arith.constant 1 : i32
        %sub3A_372 = vector.broadcast %sub3A_371 : i32 to vector<16xi32>
        %sub3A_373 = arith.subi %iota3A, %sub3A_372 : vector<16xi32>
        %jit3A_374 = arith.constant 0 : i32
        %jit3A_375 = arith.constant 15 : i32
        %max3A = vector.broadcast %jit3A_374 : i32 to vector<16xi32>
        %max3A_376 = arith.maxsi %max3A, %sub3A_373 : vector<16xi32>
        %min3A = vector.broadcast %jit3A_375 : i32 to vector<16xi32>
        %min3A_377 = arith.minsi %min3A, %max3A_376 : vector<16xi32>
        %lt3A_378 = arith.constant 0 : i32
        %lt3A_379 = vector.broadcast %lt3A_378 : i32 to vector<16xi32>
        %lt3A_380 = arith.cmpi slt, %min3A_377, %lt3A_379 : vector<16xi32>
        %add3A_381 = arith.constant 16 : i32
        %add3A_382 = vector.broadcast %add3A_381 : i32 to vector<16xi32>
        %add3A_383 = arith.addi %min3A_377, %add3A_382 : vector<16xi32>
        %select_n3A_384 = arith.select %lt3A_380, %add3A_383, %min3A_377 : vector<16xi1>, vector<16xi32>
        %broadcast_in_dim3A_385 = vector.shape_cast %select_n3A_384 : vector<16xi32> to vector<16x1xi32>
        %gather3A_386 = vector.shape_cast %broadcast_in_dim3A_385 : vector<16x1xi32> to vector<16xi32>
        %gather3A_387 = tpu.dynamic_gather %select_n3A_370[%gather3A_386] in [0] : vector<16xi32>, vector<16xi32> -> vector<16xi32>
        %ne3A_388 = arith.cmpi ne, %select_n3A_370, %gather3A_387 : vector<16xi32>
        %eq3A = arith.constant 0 : i32
        %eq3A_389 = vector.broadcast %eq3A : i32 to vector<16xi32>
        %eq3A_390 = arith.cmpi eq, %iota3A, %eq3A_389 : vector<16xi32>
        %or3A = arith.ori %ne3A_388, %eq3A_390 : vector<16xi1>
        %jit3A_391 = arith.constant 0 : i32
        %broadcast_in_dim3A_392 = vector.broadcast %jit3A_391 : i32 to vector<16xi32>
        %select_n3A_393 = arith.select %or3A, %iota3A, %broadcast_in_dim3A_392 : vector<16xi1>, vector<16xi32>
        %broadcast_in_dim3A_394 = arith.constant true
        %broadcast_in_dim3A_395 = vector.broadcast %broadcast_in_dim3A_394 : i1 to vector<16xi1>
        %masked_cummax3A = arith.constant -2147483648 : i32
        %masked_cummax3A_396 = vector.broadcast %masked_cummax3A : i32 to vector<16xi32>
        %masked_cummax3A_397 = arith.xori %select_n3A_393, %masked_cummax3A_396 : vector<16xi32>
        %masked_cummax3A_398 = tpu.scan <max>, %masked_cummax3A_397 masked %broadcast_in_dim3A_395 : vector<16xi32>, vector<16xi1> -> vector<16xi32>
        %masked_cummax3A_399 = arith.xori %masked_cummax3A_398, %masked_cummax3A_396 : vector<16xi32>
        %sub3A_400 = arith.subi %iota3A, %masked_cummax3A_399 : vector<16xi32>
        %gather3A_401 = tpu.vector_load_idx %arg20[%select_n3A_370] : memref<336xi32, #tpu.memory_space<vmem>>[vector<16xi32>], vector<16xi32>,
        %add3A_402 = arith.addi %gather3A_401, %sub3A_400 : vector<16xi32>
        %jit3A_403 = arith.constant 0 : i32
        %jit3A_404 = arith.constant 6015 : i32
        %max3A_405 = vector.broadcast %jit3A_403 : i32 to vector<16xi32>
        %max3A_406 = arith.maxsi %max3A_405, %add3A_402 : vector<16xi32>
        %min3A_407 = vector.broadcast %jit3A_404 : i32 to vector<16xi32>
        %min3A_408 = arith.minsi %min3A_407, %max3A_406 : vector<16xi32>
        %shift_right_arithmetic3A_409 = arith.constant 14 : i32
        %shift_right_arithmetic3A_410 = vector.broadcast %shift_right_arithmetic3A_409 : i32 to vector<16xi32>
        %shift_right_arithmetic3A_411 = arith.shrsi %masked_sort3A_360, %shift_right_arithmetic3A_410 : vector<16xi32>
        tpu.vector_store_idx %arg14[%min3A_408], %shift_right_arithmetic3A_411 masked %lt3A_363 : memref<6016xi32, #tpu.memory_space<vmem>>[vector<16xi32>], vector<16xi32>, vector<16xi1>
        %and3A_412 = arith.constant 16383 : i32
        %and3A_413 = vector.broadcast %and3A_412 : i32 to vector<16xi32>
        %and3A_414 = arith.andi %masked_sort3A_360, %and3A_413 : vector<16xi32>
        tpu.vector_store_idx %arg15[%min3A_408], %and3A_414 masked %lt3A_363 : memref<6016xi32, #tpu.memory_space<vmem>>[vector<16xi32>], vector<16xi32>, vector<16xi1>
        %add3A_415 = arith.constant 1 : i32
        %add3A_416 = vector.broadcast %add3A_415 : i32 to vector<16xi32>
        %add3A_417 = arith.addi %iota3A, %add3A_416 : vector<16xi32>
        %jit3A_418 = arith.constant 0 : i32
        %jit3A_419 = arith.constant 15 : i32
        %max3A_420 = vector.broadcast %jit3A_418 : i32 to vector<16xi32>
        %max3A_421 = arith.maxsi %max3A_420, %add3A_417 : vector<16xi32>
        %min3A_422 = vector.broadcast %jit3A_419 : i32 to vector<16xi32>
        %min3A_423 = arith.minsi %min3A_422, %max3A_421 : vector<16xi32>
        %lt3A_424 = arith.constant 0 : i32
        %lt3A_425 = vector.broadcast %lt3A_424 : i32 to vector<16xi32>
        %lt3A_426 = arith.cmpi slt, %min3A_423, %lt3A_425 : vector<16xi32>
        %add3A_427 = arith.constant 16 : i32
        %add3A_428 = vector.broadcast %add3A_427 : i32 to vector<16xi32>
        %add3A_429 = arith.addi %min3A_423, %add3A_428 : vector<16xi32>
        %select_n3A_430 = arith.select %lt3A_426, %add3A_429, %min3A_423 : vector<16xi1>, vector<16xi32>
        %broadcast_in_dim3A_431 = vector.shape_cast %select_n3A_430 : vector<16xi32> to vector<16x1xi32>
        %gather3A_432 = vector.shape_cast %broadcast_in_dim3A_431 : vector<16x1xi32> to vector<16xi32>
        %gather3A_433 = tpu.dynamic_gather %select_n3A_370[%gather3A_432] in [0] : vector<16xi32>, vector<16xi32> -> vector<16xi32>
        %ne3A_434 = arith.cmpi ne, %select_n3A_370, %gather3A_433 : vector<16xi32>
        %eq3A_435 = arith.constant 15 : i32
        %eq3A_436 = vector.broadcast %eq3A_435 : i32 to vector<16xi32>
        %eq3A_437 = arith.cmpi eq, %iota3A, %eq3A_436 : vector<16xi32>
        %or3A_438 = arith.ori %ne3A_434, %eq3A_437 : vector<16xi1>
        %add3A_439 = arith.addi %gather3A_401, %sub3A_400 : vector<16xi32>
        %add3A_440 = arith.constant 1 : i32
        %add3A_441 = vector.broadcast %add3A_440 : i32 to vector<16xi32>
        %add3A_442 = arith.addi %add3A_439, %add3A_441 : vector<16xi32>
        tpu.vector_store_idx %arg20[%select_n3A_370], %add3A_442 masked %or3A_438 : memref<336xi32, #tpu.memory_space<vmem>>[vector<16xi32>], vector<16xi32>, vector<16xi1>
        %while3A_443 = arith.constant 0 : i32
        scf.yield %while3A_443 : i32
      }
      %scan3A_336 = arith.constant 0 : i32
      scf.yield %scan3A_336 : i32
    }
    %scan3A_70 = arith.constant 32 : i32
    %add3A_71 = arith.constant 128 : i32
    %add3A_72 = arith.addi %scan3A_59, %add3A_71 : i32
    %sub3A = arith.constant 1 : i32
    %sub3A_73 = arith.subi %add3A_72, %sub3A : i32
    %jit3A = arith.constant 128 : i32
    %div3A = arith.divsi %sub3A_73, %jit3A : i32
    %sign3A = arith.constant 0 : i32
    %sign3A_74 = arith.cmpi sgt, %sub3A_73, %sign3A : i32
    %sign3A_75 = arith.extui %sign3A_74 : i1 to i32
    %sign3A_76 = arith.constant 0 : i32
    %sign3A_77 = arith.cmpi slt, %sub3A_73, %sign3A_76 : i32
    %sign3A_78 = arith.extui %sign3A_77 : i1 to i32
    %sign3A_79 = arith.subi %sign3A_75, %sign3A_78 : i32
    %sign3A_80 = arith.constant 0 : i32
    %sign3A_81 = arith.cmpi sgt, %jit3A, %sign3A_80 : i32
    %sign3A_82 = arith.extui %sign3A_81 : i1 to i32
    %sign3A_83 = arith.constant 0 : i32
    %sign3A_84 = arith.cmpi slt, %jit3A, %sign3A_83 : i32
    %sign3A_85 = arith.extui %sign3A_84 : i1 to i32
    %sign3A_86 = arith.subi %sign3A_82, %sign3A_85 : i32
    %ne3A = arith.cmpi ne, %sign3A_79, %sign3A_86 : i32
    %rem3A = arith.remsi %sub3A_73, %jit3A : i32
    %ne3A_87 = arith.constant 0 : i32
    %ne3A_88 = arith.cmpi ne, %rem3A, %ne3A_87 : i32
    %and3A = arith.andi %ne3A, %ne3A_88 : i1
    %sub3A_89 = arith.constant 1 : i32
    %sub3A_90 = arith.subi %div3A, %sub3A_89 : i32
    %select_n3A = arith.select %and3A, %sub3A_90, %div3A : i32
    %mul3A_91 = arith.constant 8 : i32
    %mul3A_92 = arith.muli %select_n3A, %mul3A_91 : i32
    %while3A = arith.constant 0 : i32
    %while3A_93 = arith.constant 0 : i32
    %while3A_94 = arith.subi %mul3A_92, %while3A : i32
    %while3A_95 = arith.addi %while3A, %while3A_94 : i32
    %while3A_96 = arith.constant 1 : i32
    %while3A_97 = arith.divsi %while3A_94, %while3A_96 : i32
    %while3A_98 = arith.muli %while3A_97, %while3A_96 : i32
    %while3A_99 = arith.addi %while3A, %while3A_98 : i32
    %while3A_100 = arith.constant 1 : i32
    %while3A_101 = scf.for %while3A_292 = %while3A to %while3A_99 step %while3A_100 iter_args(%while3A_293 = %while3A_93) -> (i32)  : i32 {
      %mul3A_294 = arith.constant 16 : i32
      %mul3A_295 = arith.muli %while3A_292, %mul3A_294 : i32
      %add3A_296 = vector.broadcast %mul3A_295 : i32 to vector<16xi32>
      %add3A_297 = arith.addi %add3A_296, %iota3A : vector<16xi32>
      %sub3A_298 = arith.constant 1 : i32
      %sub3A_299 = arith.subi %scan3A_59, %sub3A_298 : i32
      %min3A = vector.broadcast %sub3A_299 : i32 to vector<16xi32>
      %min3A_300 = arith.minsi %add3A_297, %min3A : vector<16xi32>
      %gather3A = tpu.vector_load_idx %arg14[%min3A_300] : memref<6016xi32, #tpu.memory_space<vmem>>[vector<16xi32>], vector<16xi32>,
      %gather3A_301 = tpu.vector_load_idx %arg15[%min3A_300] : memref<6016xi32, #tpu.memory_space<vmem>>[vector<16xi32>], vector<16xi32>,
      %gather3A_302 = tpu.vector_load_idx %arg9[%gather3A] : memref<10000xf32, #tpu.memory_space<vmem>>[vector<16xi32>], vector<16xf32>,
      %gather3A_303 = tpu.vector_load_idx %arg10[%gather3A_301] : memref<10000xf32, #tpu.memory_space<vmem>>[vector<16xi32>], vector<16xf32>,
      %add3A_304 = arith.addf %gather3A_302, %gather3A_303 : vector<16xf32>
      %gt3A_305 = arith.constant 0.000000e+00 : f32
      %gt3A_306 = vector.broadcast %gt3A_305 : f32 to vector<16xf32>
      %gt3A_307 = arith.cmpf ogt, %add3A_304, %gt3A_306 : vector<16xf32>
      %mul3A_308 = arith.constant 2.000000e-01 : f32
      %mul3A_309 = vector.broadcast %mul3A_308 : f32 to vector<16xf32>
      %mul3A_310 = arith.mulf %mul3A_309, %add3A_304 : vector<16xf32>
      %select_n3A_311 = arith.select %gt3A_307, %add3A_304, %mul3A_310 : vector<16xi1>, vector<16xf32>
      %mul3A_312 = arith.constant 16 : i32
      %mul3A_313 = arith.muli %while3A_292, %mul3A_312 : i32
      %swap3A_314 = arith.index_cast %mul3A_313 : i32 to index
      %swap3A_315 = tpu.vector_load %arg16[%swap3A_314] {strides = array<i32>} : memref<6016xf32, #tpu.memory_space<vmem>>, vector<16xf32>,
      tpu.vector_store %arg16[%swap3A_314], %select_n3A_311 {strides = array<i32>} : memref<6016xf32, #tpu.memory_space<vmem>>, vector<16xf32>,
      %while3A_316 = arith.constant 0 : i32
      scf.yield %while3A_316 : i32
    }
    %while3A_102 = arith.constant 1 : i32
    %while3A_103 = scf.for %while3A_292 = %while3A_99 to %while3A_95 step %while3A_102 iter_args(%while3A_293 = %while3A_101) -> (i32)  : i32 {
      %mul3A_294 = arith.constant 16 : i32
      %mul3A_295 = arith.muli %while3A_292, %mul3A_294 : i32
      %add3A_296 = vector.broadcast %mul3A_295 : i32 to vector<16xi32>
      %add3A_297 = arith.addi %add3A_296, %iota3A : vector<16xi32>
      %sub3A_298 = arith.constant 1 : i32
      %sub3A_299 = arith.subi %scan3A_59, %sub3A_298 : i32
      %min3A = vector.broadcast %sub3A_299 : i32 to vector<16xi32>
      %min3A_300 = arith.minsi %add3A_297, %min3A : vector<16xi32>
      %gather3A = tpu.vector_load_idx %arg14[%min3A_300] : memref<6016xi32, #tpu.memory_space<vmem>>[vector<16xi32>], vector<16xi32>,
      %gather3A_301 = tpu.vector_load_idx %arg15[%min3A_300] : memref<6016xi32, #tpu.memory_space<vmem>>[vector<16xi32>], vector<16xi32>,
      %gather3A_302 = tpu.vector_load_idx %arg9[%gather3A] : memref<10000xf32, #tpu.memory_space<vmem>>[vector<16xi32>], vector<16xf32>,
      %gather3A_303 = tpu.vector_load_idx %arg10[%gather3A_301] : memref<10000xf32, #tpu.memory_space<vmem>>[vector<16xi32>], vector<16xf32>,
      %add3A_304 = arith.addf %gather3A_302, %gather3A_303 : vector<16xf32>
      %gt3A_305 = arith.constant 0.000000e+00 : f32
      %gt3A_306 = vector.broadcast %gt3A_305 : f32 to vector<16xf32>
      %gt3A_307 = arith.cmpf ogt, %add3A_304, %gt3A_306 : vector<16xf32>
      %mul3A_308 = arith.constant 2.000000e-01 : f32
      %mul3A_309 = vector.broadcast %mul3A_308 : f32 to vector<16xf32>
      %mul3A_310 = arith.mulf %mul3A_309, %add3A_304 : vector<16xf32>
      %select_n3A_311 = arith.select %gt3A_307, %add3A_304, %mul3A_310 : vector<16xi1>, vector<16xf32>
      %mul3A_312 = arith.constant 16 : i32
      %mul3A_313 = arith.muli %while3A_292, %mul3A_312 : i32
      %swap3A_314 = arith.index_cast %mul3A_313 : i32 to index
      %swap3A_315 = tpu.vector_load %arg16[%swap3A_314] {strides = array<i32>} : memref<6016xf32, #tpu.memory_space<vmem>>, vector<16xf32>,
      tpu.vector_store %arg16[%swap3A_314], %select_n3A_311 {strides = array<i32>} : memref<6016xf32, #tpu.memory_space<vmem>>, vector<16xf32>,
      %while3A_316 = arith.constant 0 : i32
      scf.yield %while3A_316 : i32
    }
    %broadcast_in_dim3A_104 = arith.constant -3.400000e+38 : f32
    %broadcast_in_dim3A_105 = vector.broadcast %broadcast_in_dim3A_104 : f32 to vector<16xf32>
    %add3A_106 = arith.constant 15 : i32
    %add3A_107 = arith.addi %scan3A_59, %add3A_106 : i32
    %jit3A_108 = arith.constant 16 : i32
    %div3A_109 = arith.divsi %add3A_107, %jit3A_108 : i32
    %sign3A_110 = arith.constant 0 : i32
    %sign3A_111 = arith.cmpi sgt, %add3A_107, %sign3A_110 : i32
    %sign3A_112 = arith.extui %sign3A_111 : i1 to i32
    %sign3A_113 = arith.constant 0 : i32
    %sign3A_114 = arith.cmpi slt, %add3A_107, %sign3A_113 : i32
    %sign3A_115 = arith.extui %sign3A_114 : i1 to i32
    %sign3A_116 = arith.subi %sign3A_112, %sign3A_115 : i32
    %sign3A_117 = arith.constant 0 : i32
    %sign3A_118 = arith.cmpi sgt, %jit3A_108, %sign3A_117 : i32
    %sign3A_119 = arith.extui %sign3A_118 : i1 to i32
    %sign3A_120 = arith.constant 0 : i32
    %sign3A_121 = arith.cmpi slt, %jit3A_108, %sign3A_120 : i32
    %sign3A_122 = arith.extui %sign3A_121 : i1 to i32
    %sign3A_123 = arith.subi %sign3A_119, %sign3A_122 : i32
    %ne3A_124 = arith.cmpi ne, %sign3A_116, %sign3A_123 : i32
    %rem3A_125 = arith.remsi %add3A_107, %jit3A_108 : i32
    %ne3A_126 = arith.constant 0 : i32
    %ne3A_127 = arith.cmpi ne, %rem3A_125, %ne3A_126 : i32
    %and3A_128 = arith.andi %ne3A_124, %ne3A_127 : i1
    %sub3A_129 = arith.constant 1 : i32
    %sub3A_130 = arith.subi %div3A_109, %sub3A_129 : i32
    %select_n3A_131 = arith.select %and3A_128, %sub3A_130, %div3A_109 : i32
    %while3A_132 = arith.constant 0 : i32
    %while3A_133 = arith.constant 0 : i32
    %while3A_134 = arith.subi %select_n3A_131, %while3A_132 : i32
    %while3A_135 = arith.addi %while3A_132, %while3A_134 : i32
    %while3A_136 = arith.constant 1 : i32
    %while3A_137 = arith.divsi %while3A_134, %while3A_136 : i32
    %while3A_138 = arith.muli %while3A_137, %while3A_136 : i32
    %while3A_139 = arith.addi %while3A_132, %while3A_138 : i32
    %while3A_140 = arith.constant 1 : i32
    %while3A_141 = scf.for %while3A_292 = %while3A_132 to %while3A_139 step %while3A_140 iter_args(%while3A_293 = %while3A_133) -> (i32)  : i32 {
      %mul3A_294 = arith.constant 16 : i32
      %mul3A_295 = arith.muli %while3A_292, %mul3A_294 : i32
      %add3A_296 = vector.broadcast %mul3A_295 : i32 to vector<16xi32>
      %add3A_297 = arith.addi %add3A_296, %iota3A : vector<16xi32>
      %sub3A_298 = arith.constant 1 : i32
      %sub3A_299 = arith.subi %scan3A_59, %sub3A_298 : i32
      %min3A = vector.broadcast %sub3A_299 : i32 to vector<16xi32>
      %min3A_300 = arith.minsi %add3A_297, %min3A : vector<16xi32>
      %lt3A = vector.broadcast %scan3A_59 : i32 to vector<16xi32>
      %lt3A_301 = arith.cmpi slt, %add3A_297, %lt3A : vector<16xi32>
      %gather3A = tpu.vector_load_idx %arg14[%min3A_300] : memref<6016xi32, #tpu.memory_space<vmem>>[vector<16xi32>], vector<16xi32>,
      %gather3A_302 = tpu.vector_load_idx %arg15[%min3A_300] : memref<6016xi32, #tpu.memory_space<vmem>>[vector<16xi32>], vector<16xi32>,
      %sub3A_303 = vector.broadcast %mul3A_2 : i32 to vector<16xi32>
      %sub3A_304 = arith.subi %gather3A, %sub3A_303 : vector<16xi32>
      %jit3A_305 = arith.constant 0 : i32
      %jit3A_306 = arith.constant 319 : i32
      %max3A = vector.broadcast %jit3A_305 : i32 to vector<16xi32>
      %max3A_307 = arith.maxsi %max3A, %sub3A_304 : vector<16xi32>
      %min3A_308 = vector.broadcast %jit3A_306 : i32 to vector<16xi32>
      %min3A_309 = arith.minsi %min3A_308, %max3A_307 : vector<16xi32>
      %mul3A_310 = arith.constant 512 : i32
      %mul3A_311 = vector.broadcast %mul3A_310 : i32 to vector<16xi32>
      %mul3A_312 = arith.muli %gather3A_302, %mul3A_311 : vector<16xi32>
      %add3A_313 = arith.addi %mul3A_312, %min3A_309 : vector<16xi32>
      %jit3A_314 = arith.constant 2147483647 : i32
      %broadcast_in_dim3A_315 = vector.broadcast %jit3A_314 : i32 to vector<16xi32>
      %select_n3A_316 = arith.select %lt3A_301, %add3A_313, %broadcast_in_dim3A_315 : vector<16xi1>, vector<16xi32>
      %masked_sort3A = arith.constant dense<true> : vector<16xi1>
      %masked_sort3A_317 = arith.constant -2147483648 : i32
      %masked_sort3A_318 = vector.broadcast %masked_sort3A_317 : i32 to vector<16xi32>
      %masked_sort3A_319 = arith.xori %select_n3A_316, %masked_sort3A_318 : vector<16xi32>
      %masked_sort3A_320, %masked_sort3A_321, %masked_sort3A_322 = tpu.sort %masked_sort3A_319, %iota3A masked %masked_sort3A : (vector<16xi32>, vector<16xi32>, vector<16xi1>) -> (vector<16xi1>, vector<16xi32>, vector<16xi32>)
      %masked_sort3A_323 = arith.xori %masked_sort3A_321, %masked_sort3A_318 : vector<16xi32>
      %mul3A_324 = arith.constant 16 : i32
      %mul3A_325 = arith.muli %while3A_292, %mul3A_324 : i32
      %add3A_326 = vector.broadcast %mul3A_325 : i32 to vector<16xi32>
      %add3A_327 = arith.addi %add3A_326, %masked_sort3A_322 : vector<16xi32>
      %sub3A_328 = arith.constant 1 : i32
      %sub3A_329 = vector.broadcast %sub3A_328 : i32 to vector<16xi32>
      %sub3A_330 = arith.subi %iota3A, %sub3A_329 : vector<16xi32>
      %jit3A_331 = arith.constant 0 : i32
      %jit3A_332 = arith.constant 15 : i32
      %max3A_333 = vector.broadcast %jit3A_331 : i32 to vector<16xi32>
      %max3A_334 = arith.maxsi %max3A_333, %sub3A_330 : vector<16xi32>
      %min3A_335 = vector.broadcast %jit3A_332 : i32 to vector<16xi32>
      %min3A_336 = arith.minsi %min3A_335, %max3A_334 : vector<16xi32>
      %lt3A_337 = arith.constant 0 : i32
      %lt3A_338 = vector.broadcast %lt3A_337 : i32 to vector<16xi32>
      %lt3A_339 = arith.cmpi slt, %min3A_336, %lt3A_338 : vector<16xi32>
      %add3A_340 = arith.constant 16 : i32
      %add3A_341 = vector.broadcast %add3A_340 : i32 to vector<16xi32>
      %add3A_342 = arith.addi %min3A_336, %add3A_341 : vector<16xi32>
      %select_n3A_343 = arith.select %lt3A_339, %add3A_342, %min3A_336 : vector<16xi1>, vector<16xi32>
      %broadcast_in_dim3A_344 = vector.shape_cast %select_n3A_343 : vector<16xi32> to vector<16x1xi32>
      %gather3A_345 = vector.shape_cast %broadcast_in_dim3A_344 : vector<16x1xi32> to vector<16xi32>
      %gather3A_346 = tpu.dynamic_gather %masked_sort3A_323[%gather3A_345] in [0] : vector<16xi32>, vector<16xi32> -> vector<16xi32>
      %eq3A = arith.cmpi eq, %masked_sort3A_323, %gather3A_346 : vector<16xi32>
      %gt3A_347 = arith.constant 0 : i32
      %gt3A_348 = vector.broadcast %gt3A_347 : i32 to vector<16xi32>
      %gt3A_349 = arith.cmpi sgt, %iota3A, %gt3A_348 : vector<16xi32>
      %and3A_350 = arith.andi %eq3A, %gt3A_349 : vector<16xi1>
      %lt3A_351 = arith.constant 2147483647 : i32
      %lt3A_352 = vector.broadcast %lt3A_351 : i32 to vector<16xi32>
      %lt3A_353 = arith.cmpi slt, %masked_sort3A_323, %lt3A_352 : vector<16xi32>
      %and3A_354 = arith.andi %and3A_350, %lt3A_353 : vector<16xi1>
      %jit3A_355 = arith.constant 0 : i32
      %jit3A_356 = arith.constant 6015 : i32
      %max3A_357 = vector.broadcast %jit3A_355 : i32 to vector<16xi32>
      %max3A_358 = arith.maxsi %max3A_357, %add3A_327 : vector<16xi32>
      %min3A_359 = vector.broadcast %jit3A_356 : i32 to vector<16xi32>
      %min3A_360 = arith.minsi %min3A_359, %max3A_358 : vector<16xi32>
      tpu.vector_store_idx %arg16[%min3A_360], %broadcast_in_dim3A_105 masked %and3A_354 : memref<6016xf32, #tpu.memory_space<vmem>>[vector<16xi32>], vector<16xf32>, vector<16xi1>
      %gather3A_361 = tpu.vector_load_idx %arg19[%min3A_309] : memref<336xi32, #tpu.memory_space<vmem>>[vector<16xi32>], vector<16xi32>,
      %gather3A_362 = tpu.vector_load_idx %arg23[%gather3A_302] : memref<10000xi32, #tpu.memory_space<vmem>>[vector<16xi32>], vector<16xi32>,
      %ge3A = arith.cmpi sge, %gather3A_362, %gather3A_361 : vector<16xi32>
      %and3A_363 = arith.andi %lt3A_301, %ge3A : vector<16xi1>
      tpu.vector_store_idx %arg16[%min3A_300], %broadcast_in_dim3A_105 masked %and3A_363 : memref<6016xf32, #tpu.memory_space<vmem>>[vector<16xi32>], vector<16xf32>, vector<16xi1>
      %add3A_364 = arith.constant 1 : i32
      %add3A_365 = vector.broadcast %add3A_364 : i32 to vector<16xi32>
      %add3A_366 = arith.addi %iota3A, %add3A_365 : vector<16xi32>
      %jit3A_367 = arith.constant 0 : i32
      %jit3A_368 = arith.constant 15 : i32
      %max3A_369 = vector.broadcast %jit3A_367 : i32 to vector<16xi32>
      %max3A_370 = arith.maxsi %max3A_369, %add3A_366 : vector<16xi32>
      %min3A_371 = vector.broadcast %jit3A_368 : i32 to vector<16xi32>
      %min3A_372 = arith.minsi %min3A_371, %max3A_370 : vector<16xi32>
      %lt3A_373 = arith.constant 0 : i32
      %lt3A_374 = vector.broadcast %lt3A_373 : i32 to vector<16xi32>
      %lt3A_375 = arith.cmpi slt, %min3A_372, %lt3A_374 : vector<16xi32>
      %add3A_376 = arith.constant 16 : i32
      %add3A_377 = vector.broadcast %add3A_376 : i32 to vector<16xi32>
      %add3A_378 = arith.addi %min3A_372, %add3A_377 : vector<16xi32>
      %select_n3A_379 = arith.select %lt3A_375, %add3A_378, %min3A_372 : vector<16xi1>, vector<16xi32>
      %broadcast_in_dim3A_380 = vector.shape_cast %select_n3A_379 : vector<16xi32> to vector<16x1xi32>
      %gather3A_381 = vector.shape_cast %broadcast_in_dim3A_380 : vector<16x1xi32> to vector<16xi32>
      %gather3A_382 = tpu.dynamic_gather %masked_sort3A_323[%gather3A_381] in [0] : vector<16xi32>, vector<16xi32> -> vector<16xi32>
      %shift_right_arithmetic3A = arith.constant 9 : i32
      %shift_right_arithmetic3A_383 = vector.broadcast %shift_right_arithmetic3A : i32 to vector<16xi32>
      %shift_right_arithmetic3A_384 = arith.shrsi %masked_sort3A_323, %shift_right_arithmetic3A_383 : vector<16xi32>
      %shift_right_arithmetic3A_385 = arith.constant 9 : i32
      %shift_right_arithmetic3A_386 = vector.broadcast %shift_right_arithmetic3A_385 : i32 to vector<16xi32>
      %shift_right_arithmetic3A_387 = arith.shrsi %gather3A_382, %shift_right_arithmetic3A_386 : vector<16xi32>
      %ne3A_388 = arith.cmpi ne, %shift_right_arithmetic3A_384, %shift_right_arithmetic3A_387 : vector<16xi32>
      %eq3A_389 = arith.constant 15 : i32
      %eq3A_390 = vector.broadcast %eq3A_389 : i32 to vector<16xi32>
      %eq3A_391 = arith.cmpi eq, %iota3A, %eq3A_390 : vector<16xi32>
      %or3A = arith.ori %ne3A_388, %eq3A_391 : vector<16xi1>
      %lt3A_392 = arith.constant 2147483647 : i32
      %lt3A_393 = vector.broadcast %lt3A_392 : i32 to vector<16xi32>
      %lt3A_394 = arith.cmpi slt, %masked_sort3A_323, %lt3A_393 : vector<16xi32>
      %and3A_395 = arith.andi %or3A, %lt3A_394 : vector<16xi1>
      %shift_right_arithmetic3A_396 = arith.constant 9 : i32
      %shift_right_arithmetic3A_397 = vector.broadcast %shift_right_arithmetic3A_396 : i32 to vector<16xi32>
      %shift_right_arithmetic3A_398 = arith.shrsi %masked_sort3A_323, %shift_right_arithmetic3A_397 : vector<16xi32>
      %jit3A_399 = arith.constant 0 : i32
      %jit3A_400 = arith.constant 9999 : i32
      %max3A_401 = vector.broadcast %jit3A_399 : i32 to vector<16xi32>
      %max3A_402 = arith.maxsi %max3A_401, %shift_right_arithmetic3A_398 : vector<16xi32>
      %min3A_403 = vector.broadcast %jit3A_400 : i32 to vector<16xi32>
      %min3A_404 = arith.minsi %min3A_403, %max3A_402 : vector<16xi32>
      tpu.vector_store_idx %arg23[%min3A_404], %add3A_327 masked %and3A_395 : memref<10000xi32, #tpu.memory_space<vmem>>[vector<16xi32>], vector<16xi32>, vector<16xi1>
      %while3A_405 = arith.constant 0 : i32
      scf.yield %while3A_405 : i32
    }
    %while3A_142 = arith.constant 1 : i32
    %while3A_143 = scf.for %while3A_292 = %while3A_139 to %while3A_135 step %while3A_142 iter_args(%while3A_293 = %while3A_141) -> (i32)  : i32 {
      %mul3A_294 = arith.constant 16 : i32
      %mul3A_295 = arith.muli %while3A_292, %mul3A_294 : i32
      %add3A_296 = vector.broadcast %mul3A_295 : i32 to vector<16xi32>
      %add3A_297 = arith.addi %add3A_296, %iota3A : vector<16xi32>
      %sub3A_298 = arith.constant 1 : i32
      %sub3A_299 = arith.subi %scan3A_59, %sub3A_298 : i32
      %min3A = vector.broadcast %sub3A_299 : i32 to vector<16xi32>
      %min3A_300 = arith.minsi %add3A_297, %min3A : vector<16xi32>
      %lt3A = vector.broadcast %scan3A_59 : i32 to vector<16xi32>
      %lt3A_301 = arith.cmpi slt, %add3A_297, %lt3A : vector<16xi32>
      %gather3A = tpu.vector_load_idx %arg14[%min3A_300] : memref<6016xi32, #tpu.memory_space<vmem>>[vector<16xi32>], vector<16xi32>,
      %gather3A_302 = tpu.vector_load_idx %arg15[%min3A_300] : memref<6016xi32, #tpu.memory_space<vmem>>[vector<16xi32>], vector<16xi32>,
      %sub3A_303 = vector.broadcast %mul3A_2 : i32 to vector<16xi32>
      %sub3A_304 = arith.subi %gather3A, %sub3A_303 : vector<16xi32>
      %jit3A_305 = arith.constant 0 : i32
      %jit3A_306 = arith.constant 319 : i32
      %max3A = vector.broadcast %jit3A_305 : i32 to vector<16xi32>
      %max3A_307 = arith.maxsi %max3A, %sub3A_304 : vector<16xi32>
      %min3A_308 = vector.broadcast %jit3A_306 : i32 to vector<16xi32>
      %min3A_309 = arith.minsi %min3A_308, %max3A_307 : vector<16xi32>
      %mul3A_310 = arith.constant 512 : i32
      %mul3A_311 = vector.broadcast %mul3A_310 : i32 to vector<16xi32>
      %mul3A_312 = arith.muli %gather3A_302, %mul3A_311 : vector<16xi32>
      %add3A_313 = arith.addi %mul3A_312, %min3A_309 : vector<16xi32>
      %jit3A_314 = arith.constant 2147483647 : i32
      %broadcast_in_dim3A_315 = vector.broadcast %jit3A_314 : i32 to vector<16xi32>
      %select_n3A_316 = arith.select %lt3A_301, %add3A_313, %broadcast_in_dim3A_315 : vector<16xi1>, vector<16xi32>
      %masked_sort3A = arith.constant dense<true> : vector<16xi1>
      %masked_sort3A_317 = arith.constant -2147483648 : i32
      %masked_sort3A_318 = vector.broadcast %masked_sort3A_317 : i32 to vector<16xi32>
      %masked_sort3A_319 = arith.xori %select_n3A_316, %masked_sort3A_318 : vector<16xi32>
      %masked_sort3A_320, %masked_sort3A_321, %masked_sort3A_322 = tpu.sort %masked_sort3A_319, %iota3A masked %masked_sort3A : (vector<16xi32>, vector<16xi32>, vector<16xi1>) -> (vector<16xi1>, vector<16xi32>, vector<16xi32>)
      %masked_sort3A_323 = arith.xori %masked_sort3A_321, %masked_sort3A_318 : vector<16xi32>
      %mul3A_324 = arith.constant 16 : i32
      %mul3A_325 = arith.muli %while3A_292, %mul3A_324 : i32
      %add3A_326 = vector.broadcast %mul3A_325 : i32 to vector<16xi32>
      %add3A_327 = arith.addi %add3A_326, %masked_sort3A_322 : vector<16xi32>
      %sub3A_328 = arith.constant 1 : i32
      %sub3A_329 = vector.broadcast %sub3A_328 : i32 to vector<16xi32>
      %sub3A_330 = arith.subi %iota3A, %sub3A_329 : vector<16xi32>
      %jit3A_331 = arith.constant 0 : i32
      %jit3A_332 = arith.constant 15 : i32
      %max3A_333 = vector.broadcast %jit3A_331 : i32 to vector<16xi32>
      %max3A_334 = arith.maxsi %max3A_333, %sub3A_330 : vector<16xi32>
      %min3A_335 = vector.broadcast %jit3A_332 : i32 to vector<16xi32>
      %min3A_336 = arith.minsi %min3A_335, %max3A_334 : vector<16xi32>
      %lt3A_337 = arith.constant 0 : i32
      %lt3A_338 = vector.broadcast %lt3A_337 : i32 to vector<16xi32>
      %lt3A_339 = arith.cmpi slt, %min3A_336, %lt3A_338 : vector<16xi32>
      %add3A_340 = arith.constant 16 : i32
      %add3A_341 = vector.broadcast %add3A_340 : i32 to vector<16xi32>
      %add3A_342 = arith.addi %min3A_336, %add3A_341 : vector<16xi32>
      %select_n3A_343 = arith.select %lt3A_339, %add3A_342, %min3A_336 : vector<16xi1>, vector<16xi32>
      %broadcast_in_dim3A_344 = vector.shape_cast %select_n3A_343 : vector<16xi32> to vector<16x1xi32>
      %gather3A_345 = vector.shape_cast %broadcast_in_dim3A_344 : vector<16x1xi32> to vector<16xi32>
      %gather3A_346 = tpu.dynamic_gather %masked_sort3A_323[%gather3A_345] in [0] : vector<16xi32>, vector<16xi32> -> vector<16xi32>
      %eq3A = arith.cmpi eq, %masked_sort3A_323, %gather3A_346 : vector<16xi32>
      %gt3A_347 = arith.constant 0 : i32
      %gt3A_348 = vector.broadcast %gt3A_347 : i32 to vector<16xi32>
      %gt3A_349 = arith.cmpi sgt, %iota3A, %gt3A_348 : vector<16xi32>
      %and3A_350 = arith.andi %eq3A, %gt3A_349 : vector<16xi1>
      %lt3A_351 = arith.constant 2147483647 : i32
      %lt3A_352 = vector.broadcast %lt3A_351 : i32 to vector<16xi32>
      %lt3A_353 = arith.cmpi slt, %masked_sort3A_323, %lt3A_352 : vector<16xi32>
      %and3A_354 = arith.andi %and3A_350, %lt3A_353 : vector<16xi1>
      %jit3A_355 = arith.constant 0 : i32
      %jit3A_356 = arith.constant 6015 : i32
      %max3A_357 = vector.broadcast %jit3A_355 : i32 to vector<16xi32>
      %max3A_358 = arith.maxsi %max3A_357, %add3A_327 : vector<16xi32>
      %min3A_359 = vector.broadcast %jit3A_356 : i32 to vector<16xi32>
      %min3A_360 = arith.minsi %min3A_359, %max3A_358 : vector<16xi32>
      tpu.vector_store_idx %arg16[%min3A_360], %broadcast_in_dim3A_105 masked %and3A_354 : memref<6016xf32, #tpu.memory_space<vmem>>[vector<16xi32>], vector<16xf32>, vector<16xi1>
      %gather3A_361 = tpu.vector_load_idx %arg19[%min3A_309] : memref<336xi32, #tpu.memory_space<vmem>>[vector<16xi32>], vector<16xi32>,
      %gather3A_362 = tpu.vector_load_idx %arg23[%gather3A_302] : memref<10000xi32, #tpu.memory_space<vmem>>[vector<16xi32>], vector<16xi32>,
      %ge3A = arith.cmpi sge, %gather3A_362, %gather3A_361 : vector<16xi32>
      %and3A_363 = arith.andi %lt3A_301, %ge3A : vector<16xi1>
      tpu.vector_store_idx %arg16[%min3A_300], %broadcast_in_dim3A_105 masked %and3A_363 : memref<6016xf32, #tpu.memory_space<vmem>>[vector<16xi32>], vector<16xf32>, vector<16xi1>
      %add3A_364 = arith.constant 1 : i32
      %add3A_365 = vector.broadcast %add3A_364 : i32 to vector<16xi32>
      %add3A_366 = arith.addi %iota3A, %add3A_365 : vector<16xi32>
      %jit3A_367 = arith.constant 0 : i32
      %jit3A_368 = arith.constant 15 : i32
      %max3A_369 = vector.broadcast %jit3A_367 : i32 to vector<16xi32>
      %max3A_370 = arith.maxsi %max3A_369, %add3A_366 : vector<16xi32>
      %min3A_371 = vector.broadcast %jit3A_368 : i32 to vector<16xi32>
      %min3A_372 = arith.minsi %min3A_371, %max3A_370 : vector<16xi32>
      %lt3A_373 = arith.constant 0 : i32
      %lt3A_374 = vector.broadcast %lt3A_373 : i32 to vector<16xi32>
      %lt3A_375 = arith.cmpi slt, %min3A_372, %lt3A_374 : vector<16xi32>
      %add3A_376 = arith.constant 16 : i32
      %add3A_377 = vector.broadcast %add3A_376 : i32 to vector<16xi32>
      %add3A_378 = arith.addi %min3A_372, %add3A_377 : vector<16xi32>
      %select_n3A_379 = arith.select %lt3A_375, %add3A_378, %min3A_372 : vector<16xi1>, vector<16xi32>
      %broadcast_in_dim3A_380 = vector.shape_cast %select_n3A_379 : vector<16xi32> to vector<16x1xi32>
      %gather3A_381 = vector.shape_cast %broadcast_in_dim3A_380 : vector<16x1xi32> to vector<16xi32>
      %gather3A_382 = tpu.dynamic_gather %masked_sort3A_323[%gather3A_381] in [0] : vector<16xi32>, vector<16xi32> -> vector<16xi32>
      %shift_right_arithmetic3A = arith.constant 9 : i32
      %shift_right_arithmetic3A_383 = vector.broadcast %shift_right_arithmetic3A : i32 to vector<16xi32>
      %shift_right_arithmetic3A_384 = arith.shrsi %masked_sort3A_323, %shift_right_arithmetic3A_383 : vector<16xi32>
      %shift_right_arithmetic3A_385 = arith.constant 9 : i32
      %shift_right_arithmetic3A_386 = vector.broadcast %shift_right_arithmetic3A_385 : i32 to vector<16xi32>
      %shift_right_arithmetic3A_387 = arith.shrsi %gather3A_382, %shift_right_arithmetic3A_386 : vector<16xi32>
      %ne3A_388 = arith.cmpi ne, %shift_right_arithmetic3A_384, %shift_right_arithmetic3A_387 : vector<16xi32>
      %eq3A_389 = arith.constant 15 : i32
      %eq3A_390 = vector.broadcast %eq3A_389 : i32 to vector<16xi32>
      %eq3A_391 = arith.cmpi eq, %iota3A, %eq3A_390 : vector<16xi32>
      %or3A = arith.ori %ne3A_388, %eq3A_391 : vector<16xi1>
      %lt3A_392 = arith.constant 2147483647 : i32
      %lt3A_393 = vector.broadcast %lt3A_392 : i32 to vector<16xi32>
      %lt3A_394 = arith.cmpi slt, %masked_sort3A_323, %lt3A_393 : vector<16xi32>
      %and3A_395 = arith.andi %or3A, %lt3A_394 : vector<16xi1>
      %shift_right_arithmetic3A_396 = arith.constant 9 : i32
      %shift_right_arithmetic3A_397 = vector.broadcast %shift_right_arithmetic3A_396 : i32 to vector<16xi32>
      %shift_right_arithmetic3A_398 = arith.shrsi %masked_sort3A_323, %shift_right_arithmetic3A_397 : vector<16xi32>
      %jit3A_399 = arith.constant 0 : i32
      %jit3A_400 = arith.constant 9999 : i32
      %max3A_401 = vector.broadcast %jit3A_399 : i32 to vector<16xi32>
      %max3A_402 = arith.maxsi %max3A_401, %shift_right_arithmetic3A_398 : vector<16xi32>
      %min3A_403 = vector.broadcast %jit3A_400 : i32 to vector<16xi32>
      %min3A_404 = arith.minsi %min3A_403, %max3A_402 : vector<16xi32>
      tpu.vector_store_idx %arg23[%min3A_404], %add3A_327 masked %and3A_395 : memref<10000xi32, #tpu.memory_space<vmem>>[vector<16xi32>], vector<16xi32>, vector<16xi1>
      %while3A_405 = arith.constant 0 : i32
      scf.yield %while3A_405 : i32
    }
    %scan3A_144 = arith.constant 0 : i32
    %scan3A_145 = arith.constant 0 : i32
    %scan3A_146 = arith.constant 320 : i32
    %scan3A_147 = arith.addi %scan3A_145, %scan3A_146 : i32
    %scan3A_148 = arith.constant 1 : i32
    %scan3A_149 = scf.for %scan3A_292 = %scan3A_145 to %scan3A_147 step %scan3A_148 iter_args(%scan3A_293 = %scan3A_144) -> (i32)  : i32 {
      %add3A_294 = vector.broadcast %scan3A_292 : i32 to vector<16xi32>
      %add3A_295 = arith.addi %add3A_294, %iota3A : vector<16xi32>
      %gather3A = tpu.vector_load_idx %arg19[%add3A_295] : memref<336xi32, #tpu.memory_space<vmem>>[vector<16xi32>], vector<16xi32>,
      %slice3A = vector.extract_strided_slice %gather3A {offsets = [0], sizes = [1], strides = [1]} : vector<16xi32> to vector<1xi32>
      %squeeze3A = vector.extract %slice3A[0] : i32 from vector<1xi32>
      %slice3A_296 = vector.extract_strided_slice %gather3A {offsets = [1], sizes = [1], strides = [1]} : vector<16xi32> to vector<1xi32>
      %squeeze3A_297 = vector.extract %slice3A_296[0] : i32 from vector<1xi32>
      %gt3A_298 = arith.cmpi sgt, %squeeze3A_297, %squeeze3A : i32
      %convert_element_type3A_299 = arith.extui %gt3A_298 : i1 to i32
      %cond3A_300 = arith.constant 0 : i32
      %cond3A_301 = arith.cmpi ne, %convert_element_type3A_299, %cond3A_300 : i32
      scf.if %cond3A_301 {
        %sub3A_303 = arith.subi %squeeze3A_297, %squeeze3A : i32
        %add3A_304 = arith.constant 15 : i32
        %add3A_305 = arith.addi %sub3A_303, %add3A_304 : i32
        %jit3A_306 = arith.constant 16 : i32
        %div3A_307 = arith.divsi %add3A_305, %jit3A_306 : i32
        %sign3A_308 = arith.constant 0 : i32
        %sign3A_309 = arith.cmpi sgt, %add3A_305, %sign3A_308 : i32
        %sign3A_310 = arith.extui %sign3A_309 : i1 to i32
        %sign3A_311 = arith.constant 0 : i32
        %sign3A_312 = arith.cmpi slt, %add3A_305, %sign3A_311 : i32
        %sign3A_313 = arith.extui %sign3A_312 : i1 to i32
        %sign3A_314 = arith.subi %sign3A_310, %sign3A_313 : i32
        %sign3A_315 = arith.constant 0 : i32
        %sign3A_316 = arith.cmpi sgt, %jit3A_306, %sign3A_315 : i32
        %sign3A_317 = arith.extui %sign3A_316 : i1 to i32
        %sign3A_318 = arith.constant 0 : i32
        %sign3A_319 = arith.cmpi slt, %jit3A_306, %sign3A_318 : i32
        %sign3A_320 = arith.extui %sign3A_319 : i1 to i32
        %sign3A_321 = arith.subi %sign3A_317, %sign3A_320 : i32
        %ne3A_322 = arith.cmpi ne, %sign3A_314, %sign3A_321 : i32
        %rem3A_323 = arith.remsi %add3A_305, %jit3A_306 : i32
        %ne3A_324 = arith.constant 0 : i32
        %ne3A_325 = arith.cmpi ne, %rem3A_323, %ne3A_324 : i32
        %and3A_326 = arith.andi %ne3A_322, %ne3A_325 : i1
        %sub3A_327 = arith.constant 1 : i32
        %sub3A_328 = arith.subi %div3A_307, %sub3A_327 : i32
        %select_n3A_329 = arith.select %and3A_326, %sub3A_328, %div3A_307 : i32
        %while3A_330 = arith.constant 0 : i32
        %while3A_331 = arith.constant -3.400000e+38 : f32
        %while3A_332 = arith.subi %select_n3A_329, %while3A_330 : i32
        %while3A_333 = arith.addi %while3A_330, %while3A_332 : i32
        %while3A_334 = arith.constant 1 : i32
        %while3A_335 = arith.divsi %while3A_332, %while3A_334 : i32
        %while3A_336 = arith.muli %while3A_335, %while3A_334 : i32
        %while3A_337 = arith.addi %while3A_330, %while3A_336 : i32
        %while3A_338 = arith.constant 1 : i32
        %while3A_339 = scf.for %while3A_361 = %while3A_330 to %while3A_337 step %while3A_338 iter_args(%while3A_362 = %while3A_331) -> (f32)  : i32 {
          %mul3A_363 = arith.constant 16 : i32
          %mul3A_364 = arith.muli %while3A_361, %mul3A_363 : i32
          %add3A_365 = arith.addi %squeeze3A, %mul3A_364 : i32
          %add3A_366 = vector.broadcast %add3A_365 : i32 to vector<16xi32>
          %add3A_367 = arith.addi %add3A_366, %iota3A : vector<16xi32>
          %sub3A_368 = arith.constant 1 : i32
          %sub3A_369 = arith.subi %squeeze3A_297, %sub3A_368 : i32
          %min3A = vector.broadcast %sub3A_369 : i32 to vector<16xi32>
          %min3A_370 = arith.minsi %add3A_367, %min3A : vector<16xi32>
          %gather3A_371 = tpu.vector_load_idx %arg16[%min3A_370] : memref<6016xf32, #tpu.memory_space<vmem>>[vector<16xi32>], vector<16xf32>,
          %lt3A = vector.broadcast %squeeze3A_297 : i32 to vector<16xi32>
          %lt3A_372 = arith.cmpi slt, %add3A_367, %lt3A : vector<16xi32>
          %jit3A_373 = arith.constant -3.400000e+38 : f32
          %broadcast_in_dim3A_374 = vector.broadcast %jit3A_373 : f32 to vector<16xf32>
          %select_n3A_375 = arith.select %lt3A_372, %gather3A_371, %broadcast_in_dim3A_374 : vector<16xi1>, vector<16xf32>
          %reduce_max3A = arith.constant true
          %reduce_max3A_376 = vector.broadcast %reduce_max3A : i1 to vector<16xi1>
          %reduce_max3A_377 = tpu.scan <max>, %select_n3A_375 masked %reduce_max3A_376 : vector<16xf32>, vector<16xi1> -> vector<16xf32>
          %reduce_max3A_378 = vector.extract %reduce_max3A_377[15] : f32 from vector<16xf32>
          %max3A = arith.maximumf %while3A_362, %reduce_max3A_378 : f32
          scf.yield %max3A : f32
        }
        %while3A_340 = arith.constant 1 : i32
        %while3A_341 = scf.for %while3A_361 = %while3A_337 to %while3A_333 step %while3A_340 iter_args(%while3A_362 = %while3A_339) -> (f32)  : i32 {
          %mul3A_363 = arith.constant 16 : i32
          %mul3A_364 = arith.muli %while3A_361, %mul3A_363 : i32
          %add3A_365 = arith.addi %squeeze3A, %mul3A_364 : i32
          %add3A_366 = vector.broadcast %add3A_365 : i32 to vector<16xi32>
          %add3A_367 = arith.addi %add3A_366, %iota3A : vector<16xi32>
          %sub3A_368 = arith.constant 1 : i32
          %sub3A_369 = arith.subi %squeeze3A_297, %sub3A_368 : i32
          %min3A = vector.broadcast %sub3A_369 : i32 to vector<16xi32>
          %min3A_370 = arith.minsi %add3A_367, %min3A : vector<16xi32>
          %gather3A_371 = tpu.vector_load_idx %arg16[%min3A_370] : memref<6016xf32, #tpu.memory_space<vmem>>[vector<16xi32>], vector<16xf32>,
          %lt3A = vector.broadcast %squeeze3A_297 : i32 to vector<16xi32>
          %lt3A_372 = arith.cmpi slt, %add3A_367, %lt3A : vector<16xi32>
          %jit3A_373 = arith.constant -3.400000e+38 : f32
          %broadcast_in_dim3A_374 = vector.broadcast %jit3A_373 : f32 to vector<16xf32>
          %select_n3A_375 = arith.select %lt3A_372, %gather3A_371, %broadcast_in_dim3A_374 : vector<16xi1>, vector<16xf32>
          %reduce_max3A = arith.constant true
          %reduce_max3A_376 = vector.broadcast %reduce_max3A : i1 to vector<16xi1>
          %reduce_max3A_377 = tpu.scan <max>, %select_n3A_375 masked %reduce_max3A_376 : vector<16xf32>, vector<16xi1> -> vector<16xf32>
          %reduce_max3A_378 = vector.extract %reduce_max3A_377[15] : f32 from vector<16xf32>
          %max3A = arith.maximumf %while3A_362, %reduce_max3A_378 : f32
          scf.yield %max3A : f32
        }
        %while3A_342 = arith.constant 0 : i32
        %while3A_343 = arith.constant 0.000000e+00 : f32
        %while3A_344 = arith.subi %select_n3A_329, %while3A_342 : i32
        %while3A_345 = arith.addi %while3A_342, %while3A_344 : i32
        %while3A_346 = arith.constant 1 : i32
        %while3A_347 = arith.divsi %while3A_344, %while3A_346 : i32
        %while3A_348 = arith.muli %while3A_347, %while3A_346 : i32
        %while3A_349 = arith.addi %while3A_342, %while3A_348 : i32
        %while3A_350 = arith.constant 1 : i32
        %while3A_351 = scf.for %while3A_361 = %while3A_342 to %while3A_349 step %while3A_350 iter_args(%while3A_362 = %while3A_343) -> (f32)  : i32 {
          %mul3A_363 = arith.constant 16 : i32
          %mul3A_364 = arith.muli %while3A_361, %mul3A_363 : i32
          %add3A_365 = arith.addi %squeeze3A, %mul3A_364 : i32
          %add3A_366 = vector.broadcast %add3A_365 : i32 to vector<16xi32>
          %add3A_367 = arith.addi %add3A_366, %iota3A : vector<16xi32>
          %sub3A_368 = arith.constant 1 : i32
          %sub3A_369 = arith.subi %squeeze3A_297, %sub3A_368 : i32
          %min3A = vector.broadcast %sub3A_369 : i32 to vector<16xi32>
          %min3A_370 = arith.minsi %add3A_367, %min3A : vector<16xi32>
          %gather3A_371 = tpu.vector_load_idx %arg16[%min3A_370] : memref<6016xf32, #tpu.memory_space<vmem>>[vector<16xi32>], vector<16xf32>,
          %lt3A = vector.broadcast %squeeze3A_297 : i32 to vector<16xi32>
          %lt3A_372 = arith.cmpi slt, %add3A_367, %lt3A : vector<16xi32>
          %sub3A_373 = vector.broadcast %while3A_341 : f32 to vector<16xf32>
          %sub3A_374 = arith.subf %gather3A_371, %sub3A_373 : vector<16xf32>
          %exp3A = math.exp %sub3A_374 : vector<16xf32>
          %jit3A_375 = arith.constant 0.000000e+00 : f32
          %broadcast_in_dim3A_376 = vector.broadcast %jit3A_375 : f32 to vector<16xf32>
          %select_n3A_377 = arith.select %lt3A_372, %exp3A, %broadcast_in_dim3A_376 : vector<16xi1>, vector<16xf32>
          %reduce_sum3A = arith.constant true
          %reduce_sum3A_378 = vector.broadcast %reduce_sum3A : i1 to vector<16xi1>
          %reduce_sum3A_379 = tpu.scan <sum>, %select_n3A_377 masked %reduce_sum3A_378 : vector<16xf32>, vector<16xi1> -> vector<16xf32>
          %reduce_sum3A_380 = vector.extract %reduce_sum3A_379[15] : f32 from vector<16xf32>
          %add3A_381 = arith.addf %while3A_362, %reduce_sum3A_380 : f32
          scf.yield %add3A_381 : f32
        }
        %while3A_352 = arith.constant 1 : i32
        %while3A_353 = scf.for %while3A_361 = %while3A_349 to %while3A_345 step %while3A_352 iter_args(%while3A_362 = %while3A_351) -> (f32)  : i32 {
          %mul3A_363 = arith.constant 16 : i32
          %mul3A_364 = arith.muli %while3A_361, %mul3A_363 : i32
          %add3A_365 = arith.addi %squeeze3A, %mul3A_364 : i32
          %add3A_366 = vector.broadcast %add3A_365 : i32 to vector<16xi32>
          %add3A_367 = arith.addi %add3A_366, %iota3A : vector<16xi32>
          %sub3A_368 = arith.constant 1 : i32
          %sub3A_369 = arith.subi %squeeze3A_297, %sub3A_368 : i32
          %min3A = vector.broadcast %sub3A_369 : i32 to vector<16xi32>
          %min3A_370 = arith.minsi %add3A_367, %min3A : vector<16xi32>
          %gather3A_371 = tpu.vector_load_idx %arg16[%min3A_370] : memref<6016xf32, #tpu.memory_space<vmem>>[vector<16xi32>], vector<16xf32>,
          %lt3A = vector.broadcast %squeeze3A_297 : i32 to vector<16xi32>
          %lt3A_372 = arith.cmpi slt, %add3A_367, %lt3A : vector<16xi32>
          %sub3A_373 = vector.broadcast %while3A_341 : f32 to vector<16xf32>
          %sub3A_374 = arith.subf %gather3A_371, %sub3A_373 : vector<16xf32>
          %exp3A = math.exp %sub3A_374 : vector<16xf32>
          %jit3A_375 = arith.constant 0.000000e+00 : f32
          %broadcast_in_dim3A_376 = vector.broadcast %jit3A_375 : f32 to vector<16xf32>
          %select_n3A_377 = arith.select %lt3A_372, %exp3A, %broadcast_in_dim3A_376 : vector<16xi1>, vector<16xf32>
          %reduce_sum3A = arith.constant true
          %reduce_sum3A_378 = vector.broadcast %reduce_sum3A : i1 to vector<16xi1>
          %reduce_sum3A_379 = tpu.scan <sum>, %select_n3A_377 masked %reduce_sum3A_378 : vector<16xf32>, vector<16xi1> -> vector<16xf32>
          %reduce_sum3A_380 = vector.extract %reduce_sum3A_379[15] : f32 from vector<16xf32>
          %add3A_381 = arith.addf %while3A_362, %reduce_sum3A_380 : f32
          scf.yield %add3A_381 : f32
        }
        %broadcast_in_dim3A_354 = vector.broadcast %while3A_341 : f32 to vector<16xf32>
        %broadcast_in_dim3A_355 = vector.broadcast %scan3A_292 : i32 to vector<16xi32>
        tpu.vector_store_idx %arg21[%broadcast_in_dim3A_355], %broadcast_in_dim3A_354 : memref<320xf32, #tpu.memory_space<vmem>>[vector<16xi32>], vector<16xf32>,
        %broadcast_in_dim3A_356 = vector.broadcast %while3A_353 : f32 to vector<16xf32>
        %div3A_357 = arith.constant 1.000000e+00 : f32
        %div3A_358 = vector.broadcast %div3A_357 : f32 to vector<16xf32>
        %div3A_359 = arith.divf %div3A_358, %broadcast_in_dim3A_356 : vector<16xf32>
        %broadcast_in_dim3A_360 = vector.broadcast %scan3A_292 : i32 to vector<16xi32>
        tpu.vector_store_idx %arg22[%broadcast_in_dim3A_360], %div3A_359 : memref<320xf32, #tpu.memory_space<vmem>>[vector<16xi32>], vector<16xf32>,
      } else {
      }
      %scan3A_302 = arith.constant 0 : i32
      scf.yield %scan3A_302 : i32
    }
    %scan3A_150 = arith.constant 320 : i32
    %while3A_151 = arith.constant 0 : i32
    %while3A_152 = arith.constant 0 : i32
    %while3A_153 = arith.subi %mul3A_92, %while3A_151 : i32
    %while3A_154 = arith.addi %while3A_151, %while3A_153 : i32
    %while3A_155 = arith.constant 1 : i32
    %while3A_156 = arith.divsi %while3A_153, %while3A_155 : i32
    %while3A_157 = arith.muli %while3A_156, %while3A_155 : i32
    %while3A_158 = arith.addi %while3A_151, %while3A_157 : i32
    %while3A_159 = arith.constant 1 : i32
    %while3A_160 = scf.for %while3A_292 = %while3A_151 to %while3A_158 step %while3A_159 iter_args(%while3A_293 = %while3A_152) -> (i32)  : i32 {
      %mul3A_294 = arith.constant 16 : i32
      %mul3A_295 = arith.muli %while3A_292, %mul3A_294 : i32
      %add3A_296 = vector.broadcast %mul3A_295 : i32 to vector<16xi32>
      %add3A_297 = arith.addi %add3A_296, %iota3A : vector<16xi32>
      %sub3A_298 = arith.constant 1 : i32
      %sub3A_299 = arith.subi %scan3A_59, %sub3A_298 : i32
      %min3A = vector.broadcast %sub3A_299 : i32 to vector<16xi32>
      %min3A_300 = arith.minsi %add3A_297, %min3A : vector<16xi32>
      %gather3A = tpu.vector_load_idx %arg14[%min3A_300] : memref<6016xi32, #tpu.memory_space<vmem>>[vector<16xi32>], vector<16xi32>,
      %sub3A_301 = vector.broadcast %mul3A_2 : i32 to vector<16xi32>
      %sub3A_302 = arith.subi %gather3A, %sub3A_301 : vector<16xi32>
      %jit3A_303 = arith.constant 0 : i32
      %jit3A_304 = arith.constant 319 : i32
      %max3A = vector.broadcast %jit3A_303 : i32 to vector<16xi32>
      %max3A_305 = arith.maxsi %max3A, %sub3A_302 : vector<16xi32>
      %min3A_306 = vector.broadcast %jit3A_304 : i32 to vector<16xi32>
      %min3A_307 = arith.minsi %min3A_306, %max3A_305 : vector<16xi32>
      %gather3A_308 = tpu.vector_load_idx %arg21[%min3A_307] : memref<320xf32, #tpu.memory_space<vmem>>[vector<16xi32>], vector<16xf32>,
      %gather3A_309 = tpu.vector_load_idx %arg22[%min3A_307] : memref<320xf32, #tpu.memory_space<vmem>>[vector<16xi32>], vector<16xf32>,
      %gather3A_310 = tpu.vector_load_idx %arg16[%min3A_300] : memref<6016xf32, #tpu.memory_space<vmem>>[vector<16xi32>], vector<16xf32>,
      %lt3A = vector.broadcast %scan3A_59 : i32 to vector<16xi32>
      %lt3A_311 = arith.cmpi slt, %add3A_297, %lt3A : vector<16xi32>
      %sub3A_312 = arith.subf %gather3A_310, %gather3A_308 : vector<16xf32>
      %exp3A = math.exp %sub3A_312 : vector<16xf32>
      %mul3A_313 = arith.mulf %exp3A, %gather3A_309 : vector<16xf32>
      %jit3A_314 = arith.constant 0.000000e+00 : f32
      %broadcast_in_dim3A_315 = vector.broadcast %jit3A_314 : f32 to vector<16xf32>
      %select_n3A_316 = arith.select %lt3A_311, %mul3A_313, %broadcast_in_dim3A_315 : vector<16xi1>, vector<16xf32>
      %mul3A_317 = arith.constant 16 : i32
      %mul3A_318 = arith.muli %while3A_292, %mul3A_317 : i32
      %swap3A_319 = arith.index_cast %mul3A_318 : i32 to index
      %swap3A_320 = tpu.vector_load %arg17[%swap3A_319] {strides = array<i32>} : memref<6016xf32, #tpu.memory_space<vmem>>, vector<16xf32>,
      tpu.vector_store %arg17[%swap3A_319], %select_n3A_316 {strides = array<i32>} : memref<6016xf32, #tpu.memory_space<vmem>>, vector<16xf32>,
      %while3A_321 = arith.constant 0 : i32
      scf.yield %while3A_321 : i32
    }
    %while3A_161 = arith.constant 1 : i32
    %while3A_162 = scf.for %while3A_292 = %while3A_158 to %while3A_154 step %while3A_161 iter_args(%while3A_293 = %while3A_160) -> (i32)  : i32 {
      %mul3A_294 = arith.constant 16 : i32
      %mul3A_295 = arith.muli %while3A_292, %mul3A_294 : i32
      %add3A_296 = vector.broadcast %mul3A_295 : i32 to vector<16xi32>
      %add3A_297 = arith.addi %add3A_296, %iota3A : vector<16xi32>
      %sub3A_298 = arith.constant 1 : i32
      %sub3A_299 = arith.subi %scan3A_59, %sub3A_298 : i32
      %min3A = vector.broadcast %sub3A_299 : i32 to vector<16xi32>
      %min3A_300 = arith.minsi %add3A_297, %min3A : vector<16xi32>
      %gather3A = tpu.vector_load_idx %arg14[%min3A_300] : memref<6016xi32, #tpu.memory_space<vmem>>[vector<16xi32>], vector<16xi32>,
      %sub3A_301 = vector.broadcast %mul3A_2 : i32 to vector<16xi32>
      %sub3A_302 = arith.subi %gather3A, %sub3A_301 : vector<16xi32>
      %jit3A_303 = arith.constant 0 : i32
      %jit3A_304 = arith.constant 319 : i32
      %max3A = vector.broadcast %jit3A_303 : i32 to vector<16xi32>
      %max3A_305 = arith.maxsi %max3A, %sub3A_302 : vector<16xi32>
      %min3A_306 = vector.broadcast %jit3A_304 : i32 to vector<16xi32>
      %min3A_307 = arith.minsi %min3A_306, %max3A_305 : vector<16xi32>
      %gather3A_308 = tpu.vector_load_idx %arg21[%min3A_307] : memref<320xf32, #tpu.memory_space<vmem>>[vector<16xi32>], vector<16xf32>,
      %gather3A_309 = tpu.vector_load_idx %arg22[%min3A_307] : memref<320xf32, #tpu.memory_space<vmem>>[vector<16xi32>], vector<16xf32>,
      %gather3A_310 = tpu.vector_load_idx %arg16[%min3A_300] : memref<6016xf32, #tpu.memory_space<vmem>>[vector<16xi32>], vector<16xf32>,
      %lt3A = vector.broadcast %scan3A_59 : i32 to vector<16xi32>
      %lt3A_311 = arith.cmpi slt, %add3A_297, %lt3A : vector<16xi32>
      %sub3A_312 = arith.subf %gather3A_310, %gather3A_308 : vector<16xf32>
      %exp3A = math.exp %sub3A_312 : vector<16xf32>
      %mul3A_313 = arith.mulf %exp3A, %gather3A_309 : vector<16xf32>
      %jit3A_314 = arith.constant 0.000000e+00 : f32
      %broadcast_in_dim3A_315 = vector.broadcast %jit3A_314 : f32 to vector<16xf32>
      %select_n3A_316 = arith.select %lt3A_311, %mul3A_313, %broadcast_in_dim3A_315 : vector<16xi1>, vector<16xf32>
      %mul3A_317 = arith.constant 16 : i32
      %mul3A_318 = arith.muli %while3A_292, %mul3A_317 : i32
      %swap3A_319 = arith.index_cast %mul3A_318 : i32 to index
      %swap3A_320 = tpu.vector_load %arg17[%swap3A_319] {strides = array<i32>} : memref<6016xf32, #tpu.memory_space<vmem>>, vector<16xf32>,
      tpu.vector_store %arg17[%swap3A_319], %select_n3A_316 {strides = array<i32>} : memref<6016xf32, #tpu.memory_space<vmem>>, vector<16xf32>,
      %while3A_321 = arith.constant 0 : i32
      scf.yield %while3A_321 : i32
    }
    %add3A_163 = arith.constant 128 : i32
    %add3A_164 = arith.addi %scan3A_59, %add3A_163 : i32
    %sub3A_165 = arith.constant 1 : i32
    %sub3A_166 = arith.subi %add3A_164, %sub3A_165 : i32
    %jit3A_167 = arith.constant 128 : i32
    %div3A_168 = arith.divsi %sub3A_166, %jit3A_167 : i32
    %sign3A_169 = arith.constant 0 : i32
    %sign3A_170 = arith.cmpi sgt, %sub3A_166, %sign3A_169 : i32
    %sign3A_171 = arith.extui %sign3A_170 : i1 to i32
    %sign3A_172 = arith.constant 0 : i32
    %sign3A_173 = arith.cmpi slt, %sub3A_166, %sign3A_172 : i32
    %sign3A_174 = arith.extui %sign3A_173 : i1 to i32
    %sign3A_175 = arith.subi %sign3A_171, %sign3A_174 : i32
    %sign3A_176 = arith.constant 0 : i32
    %sign3A_177 = arith.cmpi sgt, %jit3A_167, %sign3A_176 : i32
    %sign3A_178 = arith.extui %sign3A_177 : i1 to i32
    %sign3A_179 = arith.constant 0 : i32
    %sign3A_180 = arith.cmpi slt, %jit3A_167, %sign3A_179 : i32
    %sign3A_181 = arith.extui %sign3A_180 : i1 to i32
    %sign3A_182 = arith.subi %sign3A_178, %sign3A_181 : i32
    %ne3A_183 = arith.cmpi ne, %sign3A_175, %sign3A_182 : i32
    %rem3A_184 = arith.remsi %sub3A_166, %jit3A_167 : i32
    %ne3A_185 = arith.constant 0 : i32
    %ne3A_186 = arith.cmpi ne, %rem3A_184, %ne3A_185 : i32
    %and3A_187 = arith.andi %ne3A_183, %ne3A_186 : i1
    %sub3A_188 = arith.constant 1 : i32
    %sub3A_189 = arith.subi %div3A_168, %sub3A_188 : i32
    %select_n3A_190 = arith.select %and3A_187, %sub3A_189, %div3A_168 : i32
    %mul3A_191 = arith.constant 2 : i32
    %mul3A_192 = arith.muli %select_n3A_190, %mul3A_191 : i32
    %gt3A = arith.constant 0 : i32
    %gt3A_193 = arith.cmpi sgt, %mul3A_192, %gt3A : i32
    %convert_element_type3A = arith.extui %gt3A_193 : i1 to i32
    %cond3A = arith.constant 0 : i32
    %cond3A_194 = arith.cmpi ne, %convert_element_type3A, %cond3A : i32
    scf.if %cond3A_194 {
      %get3A_292 = arith.constant 0 : index
      %get3A_293 = tpu.vector_load %arg15[%get3A_292] {strides = array<i32>} : memref<6016xi32, #tpu.memory_space<vmem>>, vector<16xi32>,
      %swap3A_294 = arith.constant 0 : index
      %swap3A_295 = tpu.vector_load %arg24[%swap3A_294] {strides = array<i32>} : memref<64xi32, #tpu.memory_space<vmem>>, vector<16xi32>,
      tpu.vector_store %arg24[%swap3A_294], %get3A_293 {strides = array<i32>} : memref<64xi32, #tpu.memory_space<vmem>>, vector<16xi32>,
      %get3A_296 = arith.constant 16 : index
      %get3A_297 = tpu.vector_load %arg15[%get3A_296] {strides = array<i32>} : memref<6016xi32, #tpu.memory_space<vmem>>, vector<16xi32>,
      %swap3A_298 = arith.constant 16 : index
      %swap3A_299 = tpu.vector_load %arg24[%swap3A_298] {strides = array<i32>} : memref<64xi32, #tpu.memory_space<vmem>>, vector<16xi32>,
      tpu.vector_store %arg24[%swap3A_298], %get3A_297 {strides = array<i32>} : memref<64xi32, #tpu.memory_space<vmem>>, vector<16xi32>,
      %get3A_300 = arith.constant 32 : index
      %get3A_301 = tpu.vector_load %arg15[%get3A_300] {strides = array<i32>} : memref<6016xi32, #tpu.memory_space<vmem>>, vector<16xi32>,
      %swap3A_302 = arith.constant 32 : index
      %swap3A_303 = tpu.vector_load %arg24[%swap3A_302] {strides = array<i32>} : memref<64xi32, #tpu.memory_space<vmem>>, vector<16xi32>,
      tpu.vector_store %arg24[%swap3A_302], %get3A_301 {strides = array<i32>} : memref<64xi32, #tpu.memory_space<vmem>>, vector<16xi32>,
      %get3A_304 = arith.constant 48 : index
      %get3A_305 = tpu.vector_load %arg15[%get3A_304] {strides = array<i32>} : memref<6016xi32, #tpu.memory_space<vmem>>, vector<16xi32>,
      %swap3A_306 = arith.constant 48 : index
      %swap3A_307 = tpu.vector_load %arg24[%swap3A_306] {strides = array<i32>} : memref<64xi32, #tpu.memory_space<vmem>>, vector<16xi32>,
      tpu.vector_store %arg24[%swap3A_306], %get3A_305 {strides = array<i32>} : memref<64xi32, #tpu.memory_space<vmem>>, vector<16xi32>,
      %dma_start3A = arith.constant 0 : i32
      %dma_start3A_308 = arith.constant 0 : i32
      %dma_start3A_309 = tpu.memref_slice %arg6[%dma_start3A, %dma_start3A_308] : memref<10000x128xf32, #tpu.memory_space<hbm>> -> memref<10000x128xf32, #tpu.memory_space<hbm>>
      tpu.enqueue_indirect_dma source(%dma_start3A_309 : memref<10000x128xf32, #tpu.memory_space<hbm>>) target(%arg26 : memref<64x128xf32, #tpu.memory_space<vmem>>) offsets(%arg24 : memref<64xi32, #tpu.memory_space<vmem>>) semaphore(%arg29 : memref<!tpu.dma_semaphore, #tpu.memory_space<semaphore_mem>>)
    } else {
    }
    %jit3A_195 = arith.constant 2 : i32
    %div3A_196 = arith.divsi %mul3A_192, %jit3A_195 : i32
    %sign3A_197 = arith.constant 0 : i32
    %sign3A_198 = arith.cmpi sgt, %mul3A_192, %sign3A_197 : i32
    %sign3A_199 = arith.extui %sign3A_198 : i1 to i32
    %sign3A_200 = arith.constant 0 : i32
    %sign3A_201 = arith.cmpi slt, %mul3A_192, %sign3A_200 : i32
    %sign3A_202 = arith.extui %sign3A_201 : i1 to i32
    %sign3A_203 = arith.subi %sign3A_199, %sign3A_202 : i32
    %sign3A_204 = arith.constant 0 : i32
    %sign3A_205 = arith.cmpi sgt, %jit3A_195, %sign3A_204 : i32
    %sign3A_206 = arith.extui %sign3A_205 : i1 to i32
    %sign3A_207 = arith.constant 0 : i32
    %sign3A_208 = arith.cmpi slt, %jit3A_195, %sign3A_207 : i32
    %sign3A_209 = arith.extui %sign3A_208 : i1 to i32
    %sign3A_210 = arith.subi %sign3A_206, %sign3A_209 : i32
    %ne3A_211 = arith.cmpi ne, %sign3A_203, %sign3A_210 : i32
    %rem3A_212 = arith.remsi %mul3A_192, %jit3A_195 : i32
    %ne3A_213 = arith.constant 0 : i32
    %ne3A_214 = arith.cmpi ne, %rem3A_212, %ne3A_213 : i32
    %and3A_215 = arith.andi %ne3A_211, %ne3A_214 : i1
    %sub3A_216 = arith.constant 1 : i32
    %sub3A_217 = arith.subi %div3A_196, %sub3A_216 : i32
    %select_n3A_218 = arith.select %and3A_215, %sub3A_217, %div3A_196 : i32
    %while3A_219 = arith.constant 0 : i32
    %while3A_220 = arith.constant 0 : i32
    %while3A_221 = arith.subi %select_n3A_218, %while3A_219 : i32
    %while3A_222 = arith.addi %while3A_219, %while3A_221 : i32
    %while3A_223 = arith.constant 1 : i32
    %while3A_224 = arith.divsi %while3A_221, %while3A_223 : i32
    %while3A_225 = arith.muli %while3A_224, %while3A_223 : i32
    %while3A_226 = arith.addi %while3A_219, %while3A_225 : i32
    %while3A_227 = arith.constant 1 : i32
    %while3A_228:9 = scf.for %while3A_292 = %while3A_219 to %while3A_226 step %while3A_227 iter_args(%while3A_293 = %broadcast_in_dim3A_3, %while3A_294 = %broadcast_in_dim3A_3, %while3A_295 = %broadcast_in_dim3A_3, %while3A_296 = %broadcast_in_dim3A_3, %while3A_297 = %broadcast_in_dim3A_3, %while3A_298 = %broadcast_in_dim3A_3, %while3A_299 = %broadcast_in_dim3A_3, %while3A_300 = %broadcast_in_dim3A_3, %while3A_301 = %while3A_220) -> (vector<16xf32>, vector<16xf32>, vector<16xf32>, vector<16xf32>, vector<16xf32>, vector<16xf32>, vector<16xf32>, vector<16xf32>, i32)  : i32 {
      %mul3A_302 = arith.constant 2 : i32
      %mul3A_303 = arith.muli %mul3A_302, %while3A_292 : i32
      %dma_wait3A = arith.constant 0 : i32
      %dma_wait3A_304 = arith.constant 0 : i32
      %dma_wait3A_305 = tpu.memref_slice %arg6[%dma_wait3A, %dma_wait3A_304] : memref<10000x128xf32, #tpu.memory_space<hbm>> -> memref<10000x128xf32, #tpu.memory_space<hbm>>
      tpu.wait_indirect_dma semaphore(%arg29 : memref<!tpu.dma_semaphore, #tpu.memory_space<semaphore_mem>>) src(%dma_wait3A_305 : memref<10000x128xf32, #tpu.memory_space<hbm>>) dst(%arg26 : memref<64x128xf32, #tpu.memory_space<vmem>>)
      %add3A_306 = arith.constant 1 : i32
      %add3A_307 = arith.addi %mul3A_303, %add3A_306 : i32
      %mul3A_308 = arith.constant 64 : i32
      %mul3A_309 = arith.muli %add3A_307, %mul3A_308 : i32
      %add3A_310 = arith.constant 0 : i32
      %add3A_311 = arith.addi %mul3A_309, %add3A_310 : i32
      %get3A_312 = arith.index_cast %add3A_311 : i32 to index
      %get3A_313 = tpu.vector_load %arg15[%get3A_312] {strides = array<i32>} : memref<6016xi32, #tpu.memory_space<vmem>>, vector<16xi32>,
      %swap3A_314 = arith.constant 0 : index
      %swap3A_315 = tpu.vector_load %arg25[%swap3A_314] {strides = array<i32>} : memref<64xi32, #tpu.memory_space<vmem>>, vector<16xi32>,
      tpu.vector_store %arg25[%swap3A_314], %get3A_313 {strides = array<i32>} : memref<64xi32, #tpu.memory_space<vmem>>, vector<16xi32>,
      %add3A_316 = arith.constant 16 : i32
      %add3A_317 = arith.addi %mul3A_309, %add3A_316 : i32
      %get3A_318 = arith.index_cast %add3A_317 : i32 to index
      %get3A_319 = tpu.vector_load %arg15[%get3A_318] {strides = array<i32>} : memref<6016xi32, #tpu.memory_space<vmem>>, vector<16xi32>,
      %swap3A_320 = arith.constant 16 : index
      %swap3A_321 = tpu.vector_load %arg25[%swap3A_320] {strides = array<i32>} : memref<64xi32, #tpu.memory_space<vmem>>, vector<16xi32>,
      tpu.vector_store %arg25[%swap3A_320], %get3A_319 {strides = array<i32>} : memref<64xi32, #tpu.memory_space<vmem>>, vector<16xi32>,
      %add3A_322 = arith.constant 32 : i32
      %add3A_323 = arith.addi %mul3A_309, %add3A_322 : i32
      %get3A_324 = arith.index_cast %add3A_323 : i32 to index
      %get3A_325 = tpu.vector_load %arg15[%get3A_324] {strides = array<i32>} : memref<6016xi32, #tpu.memory_space<vmem>>, vector<16xi32>,
      %swap3A_326 = arith.constant 32 : index
      %swap3A_327 = tpu.vector_load %arg25[%swap3A_326] {strides = array<i32>} : memref<64xi32, #tpu.memory_space<vmem>>, vector<16xi32>,
      tpu.vector_store %arg25[%swap3A_326], %get3A_325 {strides = array<i32>} : memref<64xi32, #tpu.memory_space<vmem>>, vector<16xi32>,
      %add3A_328 = arith.constant 48 : i32
      %add3A_329 = arith.addi %mul3A_309, %add3A_328 : i32
      %get3A_330 = arith.index_cast %add3A_329 : i32 to index
      %get3A_331 = tpu.vector_load %arg15[%get3A_330] {strides = array<i32>} : memref<6016xi32, #tpu.memory_space<vmem>>, vector<16xi32>,
      %swap3A_332 = arith.constant 48 : index
      %swap3A_333 = tpu.vector_load %arg25[%swap3A_332] {strides = array<i32>} : memref<64xi32, #tpu.memory_space<vmem>>, vector<16xi32>,
      tpu.vector_store %arg25[%swap3A_332], %get3A_331 {strides = array<i32>} : memref<64xi32, #tpu.memory_space<vmem>>, vector<16xi32>,
      %dma_start3A = arith.constant 0 : i32
      %dma_start3A_334 = arith.constant 0 : i32
      %dma_start3A_335 = tpu.memref_slice %arg6[%dma_start3A, %dma_start3A_334] : memref<10000x128xf32, #tpu.memory_space<hbm>> -> memref<10000x128xf32, #tpu.memory_space<hbm>>
      tpu.enqueue_indirect_dma source(%dma_start3A_335 : memref<10000x128xf32, #tpu.memory_space<hbm>>) target(%arg27 : memref<64x128xf32, #tpu.memory_space<vmem>>) offsets(%arg25 : memref<64xi32, #tpu.memory_space<vmem>>) semaphore(%arg30 : memref<!tpu.dma_semaphore, #tpu.memory_space<semaphore_mem>>)
      %mul3A_336 = arith.constant 64 : i32
      %mul3A_337 = arith.muli %mul3A_303, %mul3A_336 : i32
      %scan3A_338 = arith.constant 0 : i32
      %scan3A_339 = arith.constant 64 : i32
      %scan3A_340 = arith.addi %scan3A_338, %scan3A_339 : i32
      %scan3A_341 = arith.constant 1 : i32
      %scan3A_342:9 = scf.for %scan3A_362 = %scan3A_338 to %scan3A_340 step %scan3A_341 iter_args(%scan3A_363 = %while3A_293, %scan3A_364 = %while3A_294, %scan3A_365 = %while3A_295, %scan3A_366 = %while3A_296, %scan3A_367 = %while3A_297, %scan3A_368 = %while3A_298, %scan3A_369 = %while3A_299, %scan3A_370 = %while3A_300, %scan3A_371 = %while3A_301) -> (vector<16xf32>, vector<16xf32>, vector<16xf32>, vector<16xf32>, vector<16xf32>, vector<16xf32>, vector<16xf32>, vector<16xf32>, i32)  : i32 {
        %add3A_372 = arith.addi %mul3A_337, %scan3A_362 : i32
        %broadcast_in_dim3A_373 = vector.broadcast %add3A_372 : i32 to vector<16xi32>
        %gather3A = tpu.vector_load_idx %arg17[%broadcast_in_dim3A_373] : memref<6016xf32, #tpu.memory_space<vmem>>[vector<16xi32>], vector<16xf32>,
        %broadcast_in_dim3A_374 = vector.broadcast %add3A_372 : i32 to vector<16xi32>
        %gather3A_375 = tpu.vector_load_idx %arg14[%broadcast_in_dim3A_374] : memref<6016xi32, #tpu.memory_space<vmem>>[vector<16xi32>], vector<16xi32>,
        %slice3A = vector.extract_strided_slice %gather3A_375 {offsets = [0], sizes = [1], strides = [1]} : vector<16xi32> to vector<1xi32>
        %squeeze3A = vector.extract %slice3A[0] : i32 from vector<1xi32>
        %sub3A_376 = arith.subi %squeeze3A, %mul3A_2 : i32
        %jit3A_377 = arith.constant 0 : i32
        %jit3A_378 = arith.constant 319 : i32
        %max3A = arith.maxsi %jit3A_377, %sub3A_376 : i32
        %min3A = arith.minsi %jit3A_378, %max3A : i32
        %ne3A_379 = arith.cmpi ne, %min3A, %scan3A_371 : i32
        %convert_element_type3A_380 = arith.extui %ne3A_379 : i1 to i32
        %cond3A_381 = arith.constant 0 : i32
        %cond3A_382 = arith.cmpi ne, %convert_element_type3A_380, %cond3A_381 : i32
        scf.if %cond3A_382 {
          %get3A_442 = arith.index_cast %scan3A_371 : i32 to index
          %get3A_443 = arith.constant 0 : index
          %get3A_444 = tpu.vector_load %arg28[%get3A_442, %get3A_443] {strides = array<i32>} : memref<320x128xf32, #tpu.memory_space<vmem>>, vector<16xf32>,
          %add3A_445 = arith.addf %get3A_444, %scan3A_363 : vector<16xf32>
          %swap3A_446 = arith.index_cast %scan3A_371 : i32 to index
          %swap3A_447 = arith.constant 0 : index
          %swap3A_448 = tpu.vector_load %arg28[%swap3A_446, %swap3A_447] {strides = array<i32>} : memref<320x128xf32, #tpu.memory_space<vmem>>, vector<16xf32>,
          tpu.vector_store %arg28[%swap3A_446, %swap3A_447], %add3A_445 {strides = array<i32>} : memref<320x128xf32, #tpu.memory_space<vmem>>, vector<16xf32>,
          %get3A_449 = arith.index_cast %scan3A_371 : i32 to index
          %get3A_450 = arith.constant 16 : index
          %get3A_451 = tpu.vector_load %arg28[%get3A_449, %get3A_450] {strides = array<i32>} : memref<320x128xf32, #tpu.memory_space<vmem>>, vector<16xf32>,
          %add3A_452 = arith.addf %get3A_451, %scan3A_364 : vector<16xf32>
          %swap3A_453 = arith.index_cast %scan3A_371 : i32 to index
          %swap3A_454 = arith.constant 16 : index
          %swap3A_455 = tpu.vector_load %arg28[%swap3A_453, %swap3A_454] {strides = array<i32>} : memref<320x128xf32, #tpu.memory_space<vmem>>, vector<16xf32>,
          tpu.vector_store %arg28[%swap3A_453, %swap3A_454], %add3A_452 {strides = array<i32>} : memref<320x128xf32, #tpu.memory_space<vmem>>, vector<16xf32>,
          %get3A_456 = arith.index_cast %scan3A_371 : i32 to index
          %get3A_457 = arith.constant 32 : index
          %get3A_458 = tpu.vector_load %arg28[%get3A_456, %get3A_457] {strides = array<i32>} : memref<320x128xf32, #tpu.memory_space<vmem>>, vector<16xf32>,
          %add3A_459 = arith.addf %get3A_458, %scan3A_365 : vector<16xf32>
          %swap3A_460 = arith.index_cast %scan3A_371 : i32 to index
          %swap3A_461 = arith.constant 32 : index
          %swap3A_462 = tpu.vector_load %arg28[%swap3A_460, %swap3A_461] {strides = array<i32>} : memref<320x128xf32, #tpu.memory_space<vmem>>, vector<16xf32>,
          tpu.vector_store %arg28[%swap3A_460, %swap3A_461], %add3A_459 {strides = array<i32>} : memref<320x128xf32, #tpu.memory_space<vmem>>, vector<16xf32>,
          %get3A_463 = arith.index_cast %scan3A_371 : i32 to index
          %get3A_464 = arith.constant 48 : index
          %get3A_465 = tpu.vector_load %arg28[%get3A_463, %get3A_464] {strides = array<i32>} : memref<320x128xf32, #tpu.memory_space<vmem>>, vector<16xf32>,
          %add3A_466 = arith.addf %get3A_465, %scan3A_366 : vector<16xf32>
          %swap3A_467 = arith.index_cast %scan3A_371 : i32 to index
          %swap3A_468 = arith.constant 48 : index
          %swap3A_469 = tpu.vector_load %arg28[%swap3A_467, %swap3A_468] {strides = array<i32>} : memref<320x128xf32, #tpu.memory_space<vmem>>, vector<16xf32>,
          tpu.vector_store %arg28[%swap3A_467, %swap3A_468], %add3A_466 {strides = array<i32>} : memref<320x128xf32, #tpu.memory_space<vmem>>, vector<16xf32>,
          %get3A_470 = arith.index_cast %scan3A_371 : i32 to index
          %get3A_471 = arith.constant 64 : index
          %get3A_472 = tpu.vector_load %arg28[%get3A_470, %get3A_471] {strides = array<i32>} : memref<320x128xf32, #tpu.memory_space<vmem>>, vector<16xf32>,
          %add3A_473 = arith.addf %get3A_472, %scan3A_367 : vector<16xf32>
          %swap3A_474 = arith.index_cast %scan3A_371 : i32 to index
          %swap3A_475 = arith.constant 64 : index
          %swap3A_476 = tpu.vector_load %arg28[%swap3A_474, %swap3A_475] {strides = array<i32>} : memref<320x128xf32, #tpu.memory_space<vmem>>, vector<16xf32>,
          tpu.vector_store %arg28[%swap3A_474, %swap3A_475], %add3A_473 {strides = array<i32>} : memref<320x128xf32, #tpu.memory_space<vmem>>, vector<16xf32>,
          %get3A_477 = arith.index_cast %scan3A_371 : i32 to index
          %get3A_478 = arith.constant 80 : index
          %get3A_479 = tpu.vector_load %arg28[%get3A_477, %get3A_478] {strides = array<i32>} : memref<320x128xf32, #tpu.memory_space<vmem>>, vector<16xf32>,
          %add3A_480 = arith.addf %get3A_479, %scan3A_368 : vector<16xf32>
          %swap3A_481 = arith.index_cast %scan3A_371 : i32 to index
          %swap3A_482 = arith.constant 80 : index
          %swap3A_483 = tpu.vector_load %arg28[%swap3A_481, %swap3A_482] {strides = array<i32>} : memref<320x128xf32, #tpu.memory_space<vmem>>, vector<16xf32>,
          tpu.vector_store %arg28[%swap3A_481, %swap3A_482], %add3A_480 {strides = array<i32>} : memref<320x128xf32, #tpu.memory_space<vmem>>, vector<16xf32>,
          %get3A_484 = arith.index_cast %scan3A_371 : i32 to index
          %get3A_485 = arith.constant 96 : index
          %get3A_486 = tpu.vector_load %arg28[%get3A_484, %get3A_485] {strides = array<i32>} : memref<320x128xf32, #tpu.memory_space<vmem>>, vector<16xf32>,
          %add3A_487 = arith.addf %get3A_486, %scan3A_369 : vector<16xf32>
          %swap3A_488 = arith.index_cast %scan3A_371 : i32 to index
          %swap3A_489 = arith.constant 96 : index
          %swap3A_490 = tpu.vector_load %arg28[%swap3A_488, %swap3A_489] {strides = array<i32>} : memref<320x128xf32, #tpu.memory_space<vmem>>, vector<16xf32>,
          tpu.vector_store %arg28[%swap3A_488, %swap3A_489], %add3A_487 {strides = array<i32>} : memref<320x128xf32, #tpu.memory_space<vmem>>, vector<16xf32>,
          %get3A_491 = arith.index_cast %scan3A_371 : i32 to index
          %get3A_492 = arith.constant 112 : index
          %get3A_493 = tpu.vector_load %arg28[%get3A_491, %get3A_492] {strides = array<i32>} : memref<320x128xf32, #tpu.memory_space<vmem>>, vector<16xf32>,
          %add3A_494 = arith.addf %get3A_493, %scan3A_370 : vector<16xf32>
          %swap3A_495 = arith.index_cast %scan3A_371 : i32 to index
          %swap3A_496 = arith.constant 112 : index
          %swap3A_497 = tpu.vector_load %arg28[%swap3A_495, %swap3A_496] {strides = array<i32>} : memref<320x128xf32, #tpu.memory_space<vmem>>, vector<16xf32>,
          tpu.vector_store %arg28[%swap3A_495, %swap3A_496], %add3A_494 {strides = array<i32>} : memref<320x128xf32, #tpu.memory_space<vmem>>, vector<16xf32>,
        } else {
        }
        %jit3A_383 = arith.constant 0.000000e+00 : f32
        %jit3A_384 = arith.constant 1.000000e+00 : f32
        %select_n3A_385 = arith.select %ne3A_379, %jit3A_383, %jit3A_384 : f32
        %mul3A_386 = vector.broadcast %select_n3A_385 : f32 to vector<16xf32>
        %mul3A_387 = arith.mulf %scan3A_363, %mul3A_386 : vector<16xf32>
        %get3A_388 = arith.index_cast %scan3A_362 : i32 to index
        %get3A_389 = arith.constant 0 : index
        %get3A_390 = tpu.vector_load %arg26[%get3A_388, %get3A_389] {strides = array<i32>} : memref<64x128xf32, #tpu.memory_space<vmem>>, vector<16xf32>,
        %mul3A_391 = arith.mulf %gather3A, %get3A_390 : vector<16xf32>
        %add3A_392 = arith.addf %mul3A_387, %mul3A_391 : vector<16xf32>
        %mul3A_393 = vector.broadcast %select_n3A_385 : f32 to vector<16xf32>
        %mul3A_394 = arith.mulf %scan3A_364, %mul3A_393 : vector<16xf32>
        %get3A_395 = arith.index_cast %scan3A_362 : i32 to index
        %get3A_396 = arith.constant 16 : index
        %get3A_397 = tpu.vector_load %arg26[%get3A_395, %get3A_396] {strides = array<i32>} : memref<64x128xf32, #tpu.memory_space<vmem>>, vector<16xf32>,
        %mul3A_398 = arith.mulf %gather3A, %get3A_397 : vector<16xf32>
        %add3A_399 = arith.addf %mul3A_394, %mul3A_398 : vector<16xf32>
        %mul3A_400 = vector.broadcast %select_n3A_385 : f32 to vector<16xf32>
        %mul3A_401 = arith.mulf %scan3A_365, %mul3A_400 : vector<16xf32>
        %get3A_402 = arith.index_cast %scan3A_362 : i32 to index
        %get3A_403 = arith.constant 32 : index
        %get3A_404 = tpu.vector_load %arg26[%get3A_402, %get3A_403] {strides = array<i32>} : memref<64x128xf32, #tpu.memory_space<vmem>>, vector<16xf32>,
        %mul3A_405 = arith.mulf %gather3A, %get3A_404 : vector<16xf32>
        %add3A_406 = arith.addf %mul3A_401, %mul3A_405 : vector<16xf32>
        %mul3A_407 = vector.broadcast %select_n3A_385 : f32 to vector<16xf32>
        %mul3A_408 = arith.mulf %scan3A_366, %mul3A_407 : vector<16xf32>
        %get3A_409 = arith.index_cast %scan3A_362 : i32 to index
        %get3A_410 = arith.constant 48 : index
        %get3A_411 = tpu.vector_load %arg26[%get3A_409, %get3A_410] {strides = array<i32>} : memref<64x128xf32, #tpu.memory_space<vmem>>, vector<16xf32>,
        %mul3A_412 = arith.mulf %gather3A, %get3A_411 : vector<16xf32>
        %add3A_413 = arith.addf %mul3A_408, %mul3A_412 : vector<16xf32>
        %mul3A_414 = vector.broadcast %select_n3A_385 : f32 to vector<16xf32>
        %mul3A_415 = arith.mulf %scan3A_367, %mul3A_414 : vector<16xf32>
        %get3A_416 = arith.index_cast %scan3A_362 : i32 to index
        %get3A_417 = arith.constant 64 : index
        %get3A_418 = tpu.vector_load %arg26[%get3A_416, %get3A_417] {strides = array<i32>} : memref<64x128xf32, #tpu.memory_space<vmem>>, vector<16xf32>,
        %mul3A_419 = arith.mulf %gather3A, %get3A_418 : vector<16xf32>
        %add3A_420 = arith.addf %mul3A_415, %mul3A_419 : vector<16xf32>
        %mul3A_421 = vector.broadcast %select_n3A_385 : f32 to vector<16xf32>
        %mul3A_422 = arith.mulf %scan3A_368, %mul3A_421 : vector<16xf32>
        %get3A_423 = arith.index_cast %scan3A_362 : i32 to index
        %get3A_424 = arith.constant 80 : index
        %get3A_425 = tpu.vector_load %arg26[%get3A_423, %get3A_424] {strides = array<i32>} : memref<64x128xf32, #tpu.memory_space<vmem>>, vector<16xf32>,
        %mul3A_426 = arith.mulf %gather3A, %get3A_425 : vector<16xf32>
        %add3A_427 = arith.addf %mul3A_422, %mul3A_426 : vector<16xf32>
        %mul3A_428 = vector.broadcast %select_n3A_385 : f32 to vector<16xf32>
        %mul3A_429 = arith.mulf %scan3A_369, %mul3A_428 : vector<16xf32>
        %get3A_430 = arith.index_cast %scan3A_362 : i32 to index
        %get3A_431 = arith.constant 96 : index
        %get3A_432 = tpu.vector_load %arg26[%get3A_430, %get3A_431] {strides = array<i32>} : memref<64x128xf32, #tpu.memory_space<vmem>>, vector<16xf32>,
        %mul3A_433 = arith.mulf %gather3A, %get3A_432 : vector<16xf32>
        %add3A_434 = arith.addf %mul3A_429, %mul3A_433 : vector<16xf32>
        %mul3A_435 = vector.broadcast %select_n3A_385 : f32 to vector<16xf32>
        %mul3A_436 = arith.mulf %scan3A_370, %mul3A_435 : vector<16xf32>
        %get3A_437 = arith.index_cast %scan3A_362 : i32 to index
        %get3A_438 = arith.constant 112 : index
        %get3A_439 = tpu.vector_load %arg26[%get3A_437, %get3A_438] {strides = array<i32>} : memref<64x128xf32, #tpu.memory_space<vmem>>, vector<16xf32>,
        %mul3A_440 = arith.mulf %gather3A, %get3A_439 : vector<16xf32>
        %add3A_441 = arith.addf %mul3A_436, %mul3A_440 : vector<16xf32>
        scf.yield %add3A_392, %add3A_399, %add3A_406, %add3A_413, %add3A_420, %add3A_427, %add3A_434, %add3A_441, %min3A : vector<16xf32>, vector<16xf32>, vector<16xf32>, vector<16xf32>, vector<16xf32>, vector<16xf32>, vector<16xf32>, vector<16xf32>, i32
      }
      %scan3A_343 = arith.constant 64 : i32
      %dma_wait3A_344 = arith.constant 0 : i32
      %dma_wait3A_345 = arith.constant 0 : i32
      %dma_wait3A_346 = tpu.memref_slice %arg6[%dma_wait3A_344, %dma_wait3A_345] : memref<10000x128xf32, #tpu.memory_space<hbm>> -> memref<10000x128xf32, #tpu.memory_space<hbm>>
      tpu.wait_indirect_dma semaphore(%arg30 : memref<!tpu.dma_semaphore, #tpu.memory_space<semaphore_mem>>) src(%dma_wait3A_346 : memref<10000x128xf32, #tpu.memory_space<hbm>>) dst(%arg27 : memref<64x128xf32, #tpu.memory_space<vmem>>)
      %add3A_347 = arith.constant 2 : i32
      %add3A_348 = arith.addi %mul3A_303, %add3A_347 : i32
      %lt3A = arith.cmpi slt, %add3A_348, %mul3A_192 : i32
      %convert_element_type3A_349 = arith.extui %lt3A : i1 to i32
      %cond3A_350 = arith.constant 0 : i32
      %cond3A_351 = arith.cmpi ne, %convert_element_type3A_349, %cond3A_350 : i32
      scf.if %cond3A_351 {
        %add3A_362 = arith.constant 2 : i32
        %add3A_363 = arith.addi %mul3A_303, %add3A_362 : i32
        %mul3A_364 = arith.constant 64 : i32
        %mul3A_365 = arith.muli %add3A_363, %mul3A_364 : i32
        %add3A_366 = arith.constant 0 : i32
        %add3A_367 = arith.addi %mul3A_365, %add3A_366 : i32
        %get3A_368 = arith.index_cast %add3A_367 : i32 to index
        %get3A_369 = tpu.vector_load %arg15[%get3A_368] {strides = array<i32>} : memref<6016xi32, #tpu.memory_space<vmem>>, vector<16xi32>,
        %swap3A_370 = arith.constant 0 : index
        %swap3A_371 = tpu.vector_load %arg24[%swap3A_370] {strides = array<i32>} : memref<64xi32, #tpu.memory_space<vmem>>, vector<16xi32>,
        tpu.vector_store %arg24[%swap3A_370], %get3A_369 {strides = array<i32>} : memref<64xi32, #tpu.memory_space<vmem>>, vector<16xi32>,
        %add3A_372 = arith.constant 16 : i32
        %add3A_373 = arith.addi %mul3A_365, %add3A_372 : i32
        %get3A_374 = arith.index_cast %add3A_373 : i32 to index
        %get3A_375 = tpu.vector_load %arg15[%get3A_374] {strides = array<i32>} : memref<6016xi32, #tpu.memory_space<vmem>>, vector<16xi32>,
        %swap3A_376 = arith.constant 16 : index
        %swap3A_377 = tpu.vector_load %arg24[%swap3A_376] {strides = array<i32>} : memref<64xi32, #tpu.memory_space<vmem>>, vector<16xi32>,
        tpu.vector_store %arg24[%swap3A_376], %get3A_375 {strides = array<i32>} : memref<64xi32, #tpu.memory_space<vmem>>, vector<16xi32>,
        %add3A_378 = arith.constant 32 : i32
        %add3A_379 = arith.addi %mul3A_365, %add3A_378 : i32
        %get3A_380 = arith.index_cast %add3A_379 : i32 to index
        %get3A_381 = tpu.vector_load %arg15[%get3A_380] {strides = array<i32>} : memref<6016xi32, #tpu.memory_space<vmem>>, vector<16xi32>,
        %swap3A_382 = arith.constant 32 : index
        %swap3A_383 = tpu.vector_load %arg24[%swap3A_382] {strides = array<i32>} : memref<64xi32, #tpu.memory_space<vmem>>, vector<16xi32>,
        tpu.vector_store %arg24[%swap3A_382], %get3A_381 {strides = array<i32>} : memref<64xi32, #tpu.memory_space<vmem>>, vector<16xi32>,
        %add3A_384 = arith.constant 48 : i32
        %add3A_385 = arith.addi %mul3A_365, %add3A_384 : i32
        %get3A_386 = arith.index_cast %add3A_385 : i32 to index
        %get3A_387 = tpu.vector_load %arg15[%get3A_386] {strides = array<i32>} : memref<6016xi32, #tpu.memory_space<vmem>>, vector<16xi32>,
        %swap3A_388 = arith.constant 48 : index
        %swap3A_389 = tpu.vector_load %arg24[%swap3A_388] {strides = array<i32>} : memref<64xi32, #tpu.memory_space<vmem>>, vector<16xi32>,
        tpu.vector_store %arg24[%swap3A_388], %get3A_387 {strides = array<i32>} : memref<64xi32, #tpu.memory_space<vmem>>, vector<16xi32>,
        %dma_start3A_390 = arith.constant 0 : i32
        %dma_start3A_391 = arith.constant 0 : i32
        %dma_start3A_392 = tpu.memref_slice %arg6[%dma_start3A_390, %dma_start3A_391] : memref<10000x128xf32, #tpu.memory_space<hbm>> -> memref<10000x128xf32, #tpu.memory_space<hbm>>
        tpu.enqueue_indirect_dma source(%dma_start3A_392 : memref<10000x128xf32, #tpu.memory_space<hbm>>) target(%arg26 : memref<64x128xf32, #tpu.memory_space<vmem>>) offsets(%arg24 : memref<64xi32, #tpu.memory_space<vmem>>) semaphore(%arg29 : memref<!tpu.dma_semaphore, #tpu.memory_space<semaphore_mem>>)
      } else {
      }
      %add3A_352 = arith.constant 1 : i32
      %add3A_353 = arith.addi %mul3A_303, %add3A_352 : i32
      %mul3A_354 = arith.constant 64 : i32
      %mul3A_355 = arith.muli %add3A_353, %mul3A_354 : i32
      %scan3A_356 = arith.constant 0 : i32
      %scan3A_357 = arith.constant 64 : i32
      %scan3A_358 = arith.addi %scan3A_356, %scan3A_357 : i32
      %scan3A_359 = arith.constant 1 : i32
      %scan3A_360:9 = scf.for %scan3A_362 = %scan3A_356 to %scan3A_358 step %scan3A_359 iter_args(%scan3A_363 = %scan3A_342#0, %scan3A_364 = %scan3A_342#1, %scan3A_365 = %scan3A_342#2, %scan3A_366 = %scan3A_342#3, %scan3A_367 = %scan3A_342#4, %scan3A_368 = %scan3A_342#5, %scan3A_369 = %scan3A_342#6, %scan3A_370 = %scan3A_342#7, %scan3A_371 = %scan3A_342#8) -> (vector<16xf32>, vector<16xf32>, vector<16xf32>, vector<16xf32>, vector<16xf32>, vector<16xf32>, vector<16xf32>, vector<16xf32>, i32)  : i32 {
        %add3A_372 = arith.addi %mul3A_355, %scan3A_362 : i32
        %broadcast_in_dim3A_373 = vector.broadcast %add3A_372 : i32 to vector<16xi32>
        %gather3A = tpu.vector_load_idx %arg17[%broadcast_in_dim3A_373] : memref<6016xf32, #tpu.memory_space<vmem>>[vector<16xi32>], vector<16xf32>,
        %broadcast_in_dim3A_374 = vector.broadcast %add3A_372 : i32 to vector<16xi32>
        %gather3A_375 = tpu.vector_load_idx %arg14[%broadcast_in_dim3A_374] : memref<6016xi32, #tpu.memory_space<vmem>>[vector<16xi32>], vector<16xi32>,
        %slice3A = vector.extract_strided_slice %gather3A_375 {offsets = [0], sizes = [1], strides = [1]} : vector<16xi32> to vector<1xi32>
        %squeeze3A = vector.extract %slice3A[0] : i32 from vector<1xi32>
        %sub3A_376 = arith.subi %squeeze3A, %mul3A_2 : i32
        %jit3A_377 = arith.constant 0 : i32
        %jit3A_378 = arith.constant 319 : i32
        %max3A = arith.maxsi %jit3A_377, %sub3A_376 : i32
        %min3A = arith.minsi %jit3A_378, %max3A : i32
        %ne3A_379 = arith.cmpi ne, %min3A, %scan3A_371 : i32
        %convert_element_type3A_380 = arith.extui %ne3A_379 : i1 to i32
        %cond3A_381 = arith.constant 0 : i32
        %cond3A_382 = arith.cmpi ne, %convert_element_type3A_380, %cond3A_381 : i32
        scf.if %cond3A_382 {
          %get3A_442 = arith.index_cast %scan3A_371 : i32 to index
          %get3A_443 = arith.constant 0 : index
          %get3A_444 = tpu.vector_load %arg28[%get3A_442, %get3A_443] {strides = array<i32>} : memref<320x128xf32, #tpu.memory_space<vmem>>, vector<16xf32>,
          %add3A_445 = arith.addf %get3A_444, %scan3A_363 : vector<16xf32>
          %swap3A_446 = arith.index_cast %scan3A_371 : i32 to index
          %swap3A_447 = arith.constant 0 : index
          %swap3A_448 = tpu.vector_load %arg28[%swap3A_446, %swap3A_447] {strides = array<i32>} : memref<320x128xf32, #tpu.memory_space<vmem>>, vector<16xf32>,
          tpu.vector_store %arg28[%swap3A_446, %swap3A_447], %add3A_445 {strides = array<i32>} : memref<320x128xf32, #tpu.memory_space<vmem>>, vector<16xf32>,
          %get3A_449 = arith.index_cast %scan3A_371 : i32 to index
          %get3A_450 = arith.constant 16 : index
          %get3A_451 = tpu.vector_load %arg28[%get3A_449, %get3A_450] {strides = array<i32>} : memref<320x128xf32, #tpu.memory_space<vmem>>, vector<16xf32>,
          %add3A_452 = arith.addf %get3A_451, %scan3A_364 : vector<16xf32>
          %swap3A_453 = arith.index_cast %scan3A_371 : i32 to index
          %swap3A_454 = arith.constant 16 : index
          %swap3A_455 = tpu.vector_load %arg28[%swap3A_453, %swap3A_454] {strides = array<i32>} : memref<320x128xf32, #tpu.memory_space<vmem>>, vector<16xf32>,
          tpu.vector_store %arg28[%swap3A_453, %swap3A_454], %add3A_452 {strides = array<i32>} : memref<320x128xf32, #tpu.memory_space<vmem>>, vector<16xf32>,
          %get3A_456 = arith.index_cast %scan3A_371 : i32 to index
          %get3A_457 = arith.constant 32 : index
          %get3A_458 = tpu.vector_load %arg28[%get3A_456, %get3A_457] {strides = array<i32>} : memref<320x128xf32, #tpu.memory_space<vmem>>, vector<16xf32>,
          %add3A_459 = arith.addf %get3A_458, %scan3A_365 : vector<16xf32>
          %swap3A_460 = arith.index_cast %scan3A_371 : i32 to index
          %swap3A_461 = arith.constant 32 : index
          %swap3A_462 = tpu.vector_load %arg28[%swap3A_460, %swap3A_461] {strides = array<i32>} : memref<320x128xf32, #tpu.memory_space<vmem>>, vector<16xf32>,
          tpu.vector_store %arg28[%swap3A_460, %swap3A_461], %add3A_459 {strides = array<i32>} : memref<320x128xf32, #tpu.memory_space<vmem>>, vector<16xf32>,
          %get3A_463 = arith.index_cast %scan3A_371 : i32 to index
          %get3A_464 = arith.constant 48 : index
          %get3A_465 = tpu.vector_load %arg28[%get3A_463, %get3A_464] {strides = array<i32>} : memref<320x128xf32, #tpu.memory_space<vmem>>, vector<16xf32>,
          %add3A_466 = arith.addf %get3A_465, %scan3A_366 : vector<16xf32>
          %swap3A_467 = arith.index_cast %scan3A_371 : i32 to index
          %swap3A_468 = arith.constant 48 : index
          %swap3A_469 = tpu.vector_load %arg28[%swap3A_467, %swap3A_468] {strides = array<i32>} : memref<320x128xf32, #tpu.memory_space<vmem>>, vector<16xf32>,
          tpu.vector_store %arg28[%swap3A_467, %swap3A_468], %add3A_466 {strides = array<i32>} : memref<320x128xf32, #tpu.memory_space<vmem>>, vector<16xf32>,
          %get3A_470 = arith.index_cast %scan3A_371 : i32 to index
          %get3A_471 = arith.constant 64 : index
          %get3A_472 = tpu.vector_load %arg28[%get3A_470, %get3A_471] {strides = array<i32>} : memref<320x128xf32, #tpu.memory_space<vmem>>, vector<16xf32>,
          %add3A_473 = arith.addf %get3A_472, %scan3A_367 : vector<16xf32>
          %swap3A_474 = arith.index_cast %scan3A_371 : i32 to index
          %swap3A_475 = arith.constant 64 : index
          %swap3A_476 = tpu.vector_load %arg28[%swap3A_474, %swap3A_475] {strides = array<i32>} : memref<320x128xf32, #tpu.memory_space<vmem>>, vector<16xf32>,
          tpu.vector_store %arg28[%swap3A_474, %swap3A_475], %add3A_473 {strides = array<i32>} : memref<320x128xf32, #tpu.memory_space<vmem>>, vector<16xf32>,
          %get3A_477 = arith.index_cast %scan3A_371 : i32 to index
          %get3A_478 = arith.constant 80 : index
          %get3A_479 = tpu.vector_load %arg28[%get3A_477, %get3A_478] {strides = array<i32>} : memref<320x128xf32, #tpu.memory_space<vmem>>, vector<16xf32>,
          %add3A_480 = arith.addf %get3A_479, %scan3A_368 : vector<16xf32>
          %swap3A_481 = arith.index_cast %scan3A_371 : i32 to index
          %swap3A_482 = arith.constant 80 : index
          %swap3A_483 = tpu.vector_load %arg28[%swap3A_481, %swap3A_482] {strides = array<i32>} : memref<320x128xf32, #tpu.memory_space<vmem>>, vector<16xf32>,
          tpu.vector_store %arg28[%swap3A_481, %swap3A_482], %add3A_480 {strides = array<i32>} : memref<320x128xf32, #tpu.memory_space<vmem>>, vector<16xf32>,
          %get3A_484 = arith.index_cast %scan3A_371 : i32 to index
          %get3A_485 = arith.constant 96 : index
          %get3A_486 = tpu.vector_load %arg28[%get3A_484, %get3A_485] {strides = array<i32>} : memref<320x128xf32, #tpu.memory_space<vmem>>, vector<16xf32>,
          %add3A_487 = arith.addf %get3A_486, %scan3A_369 : vector<16xf32>
          %swap3A_488 = arith.index_cast %scan3A_371 : i32 to index
          %swap3A_489 = arith.constant 96 : index
          %swap3A_490 = tpu.vector_load %arg28[%swap3A_488, %swap3A_489] {strides = array<i32>} : memref<320x128xf32, #tpu.memory_space<vmem>>, vector<16xf32>,
          tpu.vector_store %arg28[%swap3A_488, %swap3A_489], %add3A_487 {strides = array<i32>} : memref<320x128xf32, #tpu.memory_space<vmem>>, vector<16xf32>,
          %get3A_491 = arith.index_cast %scan3A_371 : i32 to index
          %get3A_492 = arith.constant 112 : index
          %get3A_493 = tpu.vector_load %arg28[%get3A_491, %get3A_492] {strides = array<i32>} : memref<320x128xf32, #tpu.memory_space<vmem>>, vector<16xf32>,
          %add3A_494 = arith.addf %get3A_493, %scan3A_370 : vector<16xf32>
          %swap3A_495 = arith.index_cast %scan3A_371 : i32 to index
          %swap3A_496 = arith.constant 112 : index
          %swap3A_497 = tpu.vector_load %arg28[%swap3A_495, %swap3A_496] {strides = array<i32>} : memref<320x128xf32, #tpu.memory_space<vmem>>, vector<16xf32>,
          tpu.vector_store %arg28[%swap3A_495, %swap3A_496], %add3A_494 {strides = array<i32>} : memref<320x128xf32, #tpu.memory_space<vmem>>, vector<16xf32>,
        } else {
        }
        %jit3A_383 = arith.constant 0.000000e+00 : f32
        %jit3A_384 = arith.constant 1.000000e+00 : f32
        %select_n3A_385 = arith.select %ne3A_379, %jit3A_383, %jit3A_384 : f32
        %mul3A_386 = vector.broadcast %select_n3A_385 : f32 to vector<16xf32>
        %mul3A_387 = arith.mulf %scan3A_363, %mul3A_386 : vector<16xf32>
        %get3A_388 = arith.index_cast %scan3A_362 : i32 to index
        %get3A_389 = arith.constant 0 : index
        %get3A_390 = tpu.vector_load %arg27[%get3A_388, %get3A_389] {strides = array<i32>} : memref<64x128xf32, #tpu.memory_space<vmem>>, vector<16xf32>,
        %mul3A_391 = arith.mulf %gather3A, %get3A_390 : vector<16xf32>
        %add3A_392 = arith.addf %mul3A_387, %mul3A_391 : vector<16xf32>
        %mul3A_393 = vector.broadcast %select_n3A_385 : f32 to vector<16xf32>
        %mul3A_394 = arith.mulf %scan3A_364, %mul3A_393 : vector<16xf32>
        %get3A_395 = arith.index_cast %scan3A_362 : i32 to index
        %get3A_396 = arith.constant 16 : index
        %get3A_397 = tpu.vector_load %arg27[%get3A_395, %get3A_396] {strides = array<i32>} : memref<64x128xf32, #tpu.memory_space<vmem>>, vector<16xf32>,
        %mul3A_398 = arith.mulf %gather3A, %get3A_397 : vector<16xf32>
        %add3A_399 = arith.addf %mul3A_394, %mul3A_398 : vector<16xf32>
        %mul3A_400 = vector.broadcast %select_n3A_385 : f32 to vector<16xf32>
        %mul3A_401 = arith.mulf %scan3A_365, %mul3A_400 : vector<16xf32>
        %get3A_402 = arith.index_cast %scan3A_362 : i32 to index
        %get3A_403 = arith.constant 32 : index
        %get3A_404 = tpu.vector_load %arg27[%get3A_402, %get3A_403] {strides = array<i32>} : memref<64x128xf32, #tpu.memory_space<vmem>>, vector<16xf32>,
        %mul3A_405 = arith.mulf %gather3A, %get3A_404 : vector<16xf32>
        %add3A_406 = arith.addf %mul3A_401, %mul3A_405 : vector<16xf32>
        %mul3A_407 = vector.broadcast %select_n3A_385 : f32 to vector<16xf32>
        %mul3A_408 = arith.mulf %scan3A_366, %mul3A_407 : vector<16xf32>
        %get3A_409 = arith.index_cast %scan3A_362 : i32 to index
        %get3A_410 = arith.constant 48 : index
        %get3A_411 = tpu.vector_load %arg27[%get3A_409, %get3A_410] {strides = array<i32>} : memref<64x128xf32, #tpu.memory_space<vmem>>, vector<16xf32>,
        %mul3A_412 = arith.mulf %gather3A, %get3A_411 : vector<16xf32>
        %add3A_413 = arith.addf %mul3A_408, %mul3A_412 : vector<16xf32>
        %mul3A_414 = vector.broadcast %select_n3A_385 : f32 to vector<16xf32>
        %mul3A_415 = arith.mulf %scan3A_367, %mul3A_414 : vector<16xf32>
        %get3A_416 = arith.index_cast %scan3A_362 : i32 to index
        %get3A_417 = arith.constant 64 : index
        %get3A_418 = tpu.vector_load %arg27[%get3A_416, %get3A_417] {strides = array<i32>} : memref<64x128xf32, #tpu.memory_space<vmem>>, vector<16xf32>,
        %mul3A_419 = arith.mulf %gather3A, %get3A_418 : vector<16xf32>
        %add3A_420 = arith.addf %mul3A_415, %mul3A_419 : vector<16xf32>
        %mul3A_421 = vector.broadcast %select_n3A_385 : f32 to vector<16xf32>
        %mul3A_422 = arith.mulf %scan3A_368, %mul3A_421 : vector<16xf32>
        %get3A_423 = arith.index_cast %scan3A_362 : i32 to index
        %get3A_424 = arith.constant 80 : index
        %get3A_425 = tpu.vector_load %arg27[%get3A_423, %get3A_424] {strides = array<i32>} : memref<64x128xf32, #tpu.memory_space<vmem>>, vector<16xf32>,
        %mul3A_426 = arith.mulf %gather3A, %get3A_425 : vector<16xf32>
        %add3A_427 = arith.addf %mul3A_422, %mul3A_426 : vector<16xf32>
        %mul3A_428 = vector.broadcast %select_n3A_385 : f32 to vector<16xf32>
        %mul3A_429 = arith.mulf %scan3A_369, %mul3A_428 : vector<16xf32>
        %get3A_430 = arith.index_cast %scan3A_362 : i32 to index
        %get3A_431 = arith.constant 96 : index
        %get3A_432 = tpu.vector_load %arg27[%get3A_430, %get3A_431] {strides = array<i32>} : memref<64x128xf32, #tpu.memory_space<vmem>>, vector<16xf32>,
        %mul3A_433 = arith.mulf %gather3A, %get3A_432 : vector<16xf32>
        %add3A_434 = arith.addf %mul3A_429, %mul3A_433 : vector<16xf32>
        %mul3A_435 = vector.broadcast %select_n3A_385 : f32 to vector<16xf32>
        %mul3A_436 = arith.mulf %scan3A_370, %mul3A_435 : vector<16xf32>
        %get3A_437 = arith.index_cast %scan3A_362 : i32 to index
        %get3A_438 = arith.constant 112 : index
        %get3A_439 = tpu.vector_load %arg27[%get3A_437, %get3A_438] {strides = array<i32>} : memref<64x128xf32, #tpu.memory_space<vmem>>, vector<16xf32>,
        %mul3A_440 = arith.mulf %gather3A, %get3A_439 : vector<16xf32>
        %add3A_441 = arith.addf %mul3A_436, %mul3A_440 : vector<16xf32>
        scf.yield %add3A_392, %add3A_399, %add3A_406, %add3A_413, %add3A_420, %add3A_427, %add3A_434, %add3A_441, %min3A : vector<16xf32>, vector<16xf32>, vector<16xf32>, vector<16xf32>, vector<16xf32>, vector<16xf32>, vector<16xf32>, vector<16xf32>, i32
      }
      %scan3A_361 = arith.constant 64 : i32
      scf.yield %scan3A_360#0, %scan3A_360#1, %scan3A_360#2, %scan3A_360#3, %scan3A_360#4, %scan3A_360#5, %scan3A_360#6, %scan3A_360#7, %scan3A_360#8 : vector<16xf32>, vector<16xf32>, vector<16xf32>, vector<16xf32>, vector<16xf32>, vector<16xf32>, vector<16xf32>, vector<16xf32>, i32
    }
    %while3A_229 = arith.constant 1 : i32
    %while3A_230:9 = scf.for %while3A_292 = %while3A_226 to %while3A_222 step %while3A_229 iter_args(%while3A_293 = %while3A_228#0, %while3A_294 = %while3A_228#1, %while3A_295 = %while3A_228#2, %while3A_296 = %while3A_228#3, %while3A_297 = %while3A_228#4, %while3A_298 = %while3A_228#5, %while3A_299 = %while3A_228#6, %while3A_300 = %while3A_228#7, %while3A_301 = %while3A_228#8) -> (vector<16xf32>, vector<16xf32>, vector<16xf32>, vector<16xf32>, vector<16xf32>, vector<16xf32>, vector<16xf32>, vector<16xf32>, i32)  : i32 {
      %mul3A_302 = arith.constant 2 : i32
      %mul3A_303 = arith.muli %mul3A_302, %while3A_292 : i32
      %dma_wait3A = arith.constant 0 : i32
      %dma_wait3A_304 = arith.constant 0 : i32
      %dma_wait3A_305 = tpu.memref_slice %arg6[%dma_wait3A, %dma_wait3A_304] : memref<10000x128xf32, #tpu.memory_space<hbm>> -> memref<10000x128xf32, #tpu.memory_space<hbm>>
      tpu.wait_indirect_dma semaphore(%arg29 : memref<!tpu.dma_semaphore, #tpu.memory_space<semaphore_mem>>) src(%dma_wait3A_305 : memref<10000x128xf32, #tpu.memory_space<hbm>>) dst(%arg26 : memref<64x128xf32, #tpu.memory_space<vmem>>)
      %add3A_306 = arith.constant 1 : i32
      %add3A_307 = arith.addi %mul3A_303, %add3A_306 : i32
      %mul3A_308 = arith.constant 64 : i32
      %mul3A_309 = arith.muli %add3A_307, %mul3A_308 : i32
      %add3A_310 = arith.constant 0 : i32
      %add3A_311 = arith.addi %mul3A_309, %add3A_310 : i32
      %get3A_312 = arith.index_cast %add3A_311 : i32 to index
      %get3A_313 = tpu.vector_load %arg15[%get3A_312] {strides = array<i32>} : memref<6016xi32, #tpu.memory_space<vmem>>, vector<16xi32>,
      %swap3A_314 = arith.constant 0 : index
      %swap3A_315 = tpu.vector_load %arg25[%swap3A_314] {strides = array<i32>} : memref<64xi32, #tpu.memory_space<vmem>>, vector<16xi32>,
      tpu.vector_store %arg25[%swap3A_314], %get3A_313 {strides = array<i32>} : memref<64xi32, #tpu.memory_space<vmem>>, vector<16xi32>,
      %add3A_316 = arith.constant 16 : i32
      %add3A_317 = arith.addi %mul3A_309, %add3A_316 : i32
      %get3A_318 = arith.index_cast %add3A_317 : i32 to index
      %get3A_319 = tpu.vector_load %arg15[%get3A_318] {strides = array<i32>} : memref<6016xi32, #tpu.memory_space<vmem>>, vector<16xi32>,
      %swap3A_320 = arith.constant 16 : index
      %swap3A_321 = tpu.vector_load %arg25[%swap3A_320] {strides = array<i32>} : memref<64xi32, #tpu.memory_space<vmem>>, vector<16xi32>,
      tpu.vector_store %arg25[%swap3A_320], %get3A_319 {strides = array<i32>} : memref<64xi32, #tpu.memory_space<vmem>>, vector<16xi32>,
      %add3A_322 = arith.constant 32 : i32
      %add3A_323 = arith.addi %mul3A_309, %add3A_322 : i32
      %get3A_324 = arith.index_cast %add3A_323 : i32 to index
      %get3A_325 = tpu.vector_load %arg15[%get3A_324] {strides = array<i32>} : memref<6016xi32, #tpu.memory_space<vmem>>, vector<16xi32>,
      %swap3A_326 = arith.constant 32 : index
      %swap3A_327 = tpu.vector_load %arg25[%swap3A_326] {strides = array<i32>} : memref<64xi32, #tpu.memory_space<vmem>>, vector<16xi32>,
      tpu.vector_store %arg25[%swap3A_326], %get3A_325 {strides = array<i32>} : memref<64xi32, #tpu.memory_space<vmem>>, vector<16xi32>,
      %add3A_328 = arith.constant 48 : i32
      %add3A_329 = arith.addi %mul3A_309, %add3A_328 : i32
      %get3A_330 = arith.index_cast %add3A_329 : i32 to index
      %get3A_331 = tpu.vector_load %arg15[%get3A_330] {strides = array<i32>} : memref<6016xi32, #tpu.memory_space<vmem>>, vector<16xi32>,
      %swap3A_332 = arith.constant 48 : index
      %swap3A_333 = tpu.vector_load %arg25[%swap3A_332] {strides = array<i32>} : memref<64xi32, #tpu.memory_space<vmem>>, vector<16xi32>,
      tpu.vector_store %arg25[%swap3A_332], %get3A_331 {strides = array<i32>} : memref<64xi32, #tpu.memory_space<vmem>>, vector<16xi32>,
      %dma_start3A = arith.constant 0 : i32
      %dma_start3A_334 = arith.constant 0 : i32
      %dma_start3A_335 = tpu.memref_slice %arg6[%dma_start3A, %dma_start3A_334] : memref<10000x128xf32, #tpu.memory_space<hbm>> -> memref<10000x128xf32, #tpu.memory_space<hbm>>
      tpu.enqueue_indirect_dma source(%dma_start3A_335 : memref<10000x128xf32, #tpu.memory_space<hbm>>) target(%arg27 : memref<64x128xf32, #tpu.memory_space<vmem>>) offsets(%arg25 : memref<64xi32, #tpu.memory_space<vmem>>) semaphore(%arg30 : memref<!tpu.dma_semaphore, #tpu.memory_space<semaphore_mem>>)
      %mul3A_336 = arith.constant 64 : i32
      %mul3A_337 = arith.muli %mul3A_303, %mul3A_336 : i32
      %scan3A_338 = arith.constant 0 : i32
      %scan3A_339 = arith.constant 64 : i32
      %scan3A_340 = arith.addi %scan3A_338, %scan3A_339 : i32
      %scan3A_341 = arith.constant 1 : i32
      %scan3A_342:9 = scf.for %scan3A_362 = %scan3A_338 to %scan3A_340 step %scan3A_341 iter_args(%scan3A_363 = %while3A_293, %scan3A_364 = %while3A_294, %scan3A_365 = %while3A_295, %scan3A_366 = %while3A_296, %scan3A_367 = %while3A_297, %scan3A_368 = %while3A_298, %scan3A_369 = %while3A_299, %scan3A_370 = %while3A_300, %scan3A_371 = %while3A_301) -> (vector<16xf32>, vector<16xf32>, vector<16xf32>, vector<16xf32>, vector<16xf32>, vector<16xf32>, vector<16xf32>, vector<16xf32>, i32)  : i32 {
        %add3A_372 = arith.addi %mul3A_337, %scan3A_362 : i32
        %broadcast_in_dim3A_373 = vector.broadcast %add3A_372 : i32 to vector<16xi32>
        %gather3A = tpu.vector_load_idx %arg17[%broadcast_in_dim3A_373] : memref<6016xf32, #tpu.memory_space<vmem>>[vector<16xi32>], vector<16xf32>,
        %broadcast_in_dim3A_374 = vector.broadcast %add3A_372 : i32 to vector<16xi32>
        %gather3A_375 = tpu.vector_load_idx %arg14[%broadcast_in_dim3A_374] : memref<6016xi32, #tpu.memory_space<vmem>>[vector<16xi32>], vector<16xi32>,
        %slice3A = vector.extract_strided_slice %gather3A_375 {offsets = [0], sizes = [1], strides = [1]} : vector<16xi32> to vector<1xi32>
        %squeeze3A = vector.extract %slice3A[0] : i32 from vector<1xi32>
        %sub3A_376 = arith.subi %squeeze3A, %mul3A_2 : i32
        %jit3A_377 = arith.constant 0 : i32
        %jit3A_378 = arith.constant 319 : i32
        %max3A = arith.maxsi %jit3A_377, %sub3A_376 : i32
        %min3A = arith.minsi %jit3A_378, %max3A : i32
        %ne3A_379 = arith.cmpi ne, %min3A, %scan3A_371 : i32
        %convert_element_type3A_380 = arith.extui %ne3A_379 : i1 to i32
        %cond3A_381 = arith.constant 0 : i32
        %cond3A_382 = arith.cmpi ne, %convert_element_type3A_380, %cond3A_381 : i32
        scf.if %cond3A_382 {
          %get3A_442 = arith.index_cast %scan3A_371 : i32 to index
          %get3A_443 = arith.constant 0 : index
          %get3A_444 = tpu.vector_load %arg28[%get3A_442, %get3A_443] {strides = array<i32>} : memref<320x128xf32, #tpu.memory_space<vmem>>, vector<16xf32>,
          %add3A_445 = arith.addf %get3A_444, %scan3A_363 : vector<16xf32>
          %swap3A_446 = arith.index_cast %scan3A_371 : i32 to index
          %swap3A_447 = arith.constant 0 : index
          %swap3A_448 = tpu.vector_load %arg28[%swap3A_446, %swap3A_447] {strides = array<i32>} : memref<320x128xf32, #tpu.memory_space<vmem>>, vector<16xf32>,
          tpu.vector_store %arg28[%swap3A_446, %swap3A_447], %add3A_445 {strides = array<i32>} : memref<320x128xf32, #tpu.memory_space<vmem>>, vector<16xf32>,
          %get3A_449 = arith.index_cast %scan3A_371 : i32 to index
          %get3A_450 = arith.constant 16 : index
          %get3A_451 = tpu.vector_load %arg28[%get3A_449, %get3A_450] {strides = array<i32>} : memref<320x128xf32, #tpu.memory_space<vmem>>, vector<16xf32>,
          %add3A_452 = arith.addf %get3A_451, %scan3A_364 : vector<16xf32>
          %swap3A_453 = arith.index_cast %scan3A_371 : i32 to index
          %swap3A_454 = arith.constant 16 : index
          %swap3A_455 = tpu.vector_load %arg28[%swap3A_453, %swap3A_454] {strides = array<i32>} : memref<320x128xf32, #tpu.memory_space<vmem>>, vector<16xf32>,
          tpu.vector_store %arg28[%swap3A_453, %swap3A_454], %add3A_452 {strides = array<i32>} : memref<320x128xf32, #tpu.memory_space<vmem>>, vector<16xf32>,
          %get3A_456 = arith.index_cast %scan3A_371 : i32 to index
          %get3A_457 = arith.constant 32 : index
          %get3A_458 = tpu.vector_load %arg28[%get3A_456, %get3A_457] {strides = array<i32>} : memref<320x128xf32, #tpu.memory_space<vmem>>, vector<16xf32>,
          %add3A_459 = arith.addf %get3A_458, %scan3A_365 : vector<16xf32>
          %swap3A_460 = arith.index_cast %scan3A_371 : i32 to index
          %swap3A_461 = arith.constant 32 : index
          %swap3A_462 = tpu.vector_load %arg28[%swap3A_460, %swap3A_461] {strides = array<i32>} : memref<320x128xf32, #tpu.memory_space<vmem>>, vector<16xf32>,
          tpu.vector_store %arg28[%swap3A_460, %swap3A_461], %add3A_459 {strides = array<i32>} : memref<320x128xf32, #tpu.memory_space<vmem>>, vector<16xf32>,
          %get3A_463 = arith.index_cast %scan3A_371 : i32 to index
          %get3A_464 = arith.constant 48 : index
          %get3A_465 = tpu.vector_load %arg28[%get3A_463, %get3A_464] {strides = array<i32>} : memref<320x128xf32, #tpu.memory_space<vmem>>, vector<16xf32>,
          %add3A_466 = arith.addf %get3A_465, %scan3A_366 : vector<16xf32>
          %swap3A_467 = arith.index_cast %scan3A_371 : i32 to index
          %swap3A_468 = arith.constant 48 : index
          %swap3A_469 = tpu.vector_load %arg28[%swap3A_467, %swap3A_468] {strides = array<i32>} : memref<320x128xf32, #tpu.memory_space<vmem>>, vector<16xf32>,
          tpu.vector_store %arg28[%swap3A_467, %swap3A_468], %add3A_466 {strides = array<i32>} : memref<320x128xf32, #tpu.memory_space<vmem>>, vector<16xf32>,
          %get3A_470 = arith.index_cast %scan3A_371 : i32 to index
          %get3A_471 = arith.constant 64 : index
          %get3A_472 = tpu.vector_load %arg28[%get3A_470, %get3A_471] {strides = array<i32>} : memref<320x128xf32, #tpu.memory_space<vmem>>, vector<16xf32>,
          %add3A_473 = arith.addf %get3A_472, %scan3A_367 : vector<16xf32>
          %swap3A_474 = arith.index_cast %scan3A_371 : i32 to index
          %swap3A_475 = arith.constant 64 : index
          %swap3A_476 = tpu.vector_load %arg28[%swap3A_474, %swap3A_475] {strides = array<i32>} : memref<320x128xf32, #tpu.memory_space<vmem>>, vector<16xf32>,
          tpu.vector_store %arg28[%swap3A_474, %swap3A_475], %add3A_473 {strides = array<i32>} : memref<320x128xf32, #tpu.memory_space<vmem>>, vector<16xf32>,
          %get3A_477 = arith.index_cast %scan3A_371 : i32 to index
          %get3A_478 = arith.constant 80 : index
          %get3A_479 = tpu.vector_load %arg28[%get3A_477, %get3A_478] {strides = array<i32>} : memref<320x128xf32, #tpu.memory_space<vmem>>, vector<16xf32>,
          %add3A_480 = arith.addf %get3A_479, %scan3A_368 : vector<16xf32>
          %swap3A_481 = arith.index_cast %scan3A_371 : i32 to index
          %swap3A_482 = arith.constant 80 : index
          %swap3A_483 = tpu.vector_load %arg28[%swap3A_481, %swap3A_482] {strides = array<i32>} : memref<320x128xf32, #tpu.memory_space<vmem>>, vector<16xf32>,
          tpu.vector_store %arg28[%swap3A_481, %swap3A_482], %add3A_480 {strides = array<i32>} : memref<320x128xf32, #tpu.memory_space<vmem>>, vector<16xf32>,
          %get3A_484 = arith.index_cast %scan3A_371 : i32 to index
          %get3A_485 = arith.constant 96 : index
          %get3A_486 = tpu.vector_load %arg28[%get3A_484, %get3A_485] {strides = array<i32>} : memref<320x128xf32, #tpu.memory_space<vmem>>, vector<16xf32>,
          %add3A_487 = arith.addf %get3A_486, %scan3A_369 : vector<16xf32>
          %swap3A_488 = arith.index_cast %scan3A_371 : i32 to index
          %swap3A_489 = arith.constant 96 : index
          %swap3A_490 = tpu.vector_load %arg28[%swap3A_488, %swap3A_489] {strides = array<i32>} : memref<320x128xf32, #tpu.memory_space<vmem>>, vector<16xf32>,
          tpu.vector_store %arg28[%swap3A_488, %swap3A_489], %add3A_487 {strides = array<i32>} : memref<320x128xf32, #tpu.memory_space<vmem>>, vector<16xf32>,
          %get3A_491 = arith.index_cast %scan3A_371 : i32 to index
          %get3A_492 = arith.constant 112 : index
          %get3A_493 = tpu.vector_load %arg28[%get3A_491, %get3A_492] {strides = array<i32>} : memref<320x128xf32, #tpu.memory_space<vmem>>, vector<16xf32>,
          %add3A_494 = arith.addf %get3A_493, %scan3A_370 : vector<16xf32>
          %swap3A_495 = arith.index_cast %scan3A_371 : i32 to index
          %swap3A_496 = arith.constant 112 : index
          %swap3A_497 = tpu.vector_load %arg28[%swap3A_495, %swap3A_496] {strides = array<i32>} : memref<320x128xf32, #tpu.memory_space<vmem>>, vector<16xf32>,
          tpu.vector_store %arg28[%swap3A_495, %swap3A_496], %add3A_494 {strides = array<i32>} : memref<320x128xf32, #tpu.memory_space<vmem>>, vector<16xf32>,
        } else {
        }
        %jit3A_383 = arith.constant 0.000000e+00 : f32
        %jit3A_384 = arith.constant 1.000000e+00 : f32
        %select_n3A_385 = arith.select %ne3A_379, %jit3A_383, %jit3A_384 : f32
        %mul3A_386 = vector.broadcast %select_n3A_385 : f32 to vector<16xf32>
        %mul3A_387 = arith.mulf %scan3A_363, %mul3A_386 : vector<16xf32>
        %get3A_388 = arith.index_cast %scan3A_362 : i32 to index
        %get3A_389 = arith.constant 0 : index
        %get3A_390 = tpu.vector_load %arg26[%get3A_388, %get3A_389] {strides = array<i32>} : memref<64x128xf32, #tpu.memory_space<vmem>>, vector<16xf32>,
        %mul3A_391 = arith.mulf %gather3A, %get3A_390 : vector<16xf32>
        %add3A_392 = arith.addf %mul3A_387, %mul3A_391 : vector<16xf32>
        %mul3A_393 = vector.broadcast %select_n3A_385 : f32 to vector<16xf32>
        %mul3A_394 = arith.mulf %scan3A_364, %mul3A_393 : vector<16xf32>
        %get3A_395 = arith.index_cast %scan3A_362 : i32 to index
        %get3A_396 = arith.constant 16 : index
        %get3A_397 = tpu.vector_load %arg26[%get3A_395, %get3A_396] {strides = array<i32>} : memref<64x128xf32, #tpu.memory_space<vmem>>, vector<16xf32>,
        %mul3A_398 = arith.mulf %gather3A, %get3A_397 : vector<16xf32>
        %add3A_399 = arith.addf %mul3A_394, %mul3A_398 : vector<16xf32>
        %mul3A_400 = vector.broadcast %select_n3A_385 : f32 to vector<16xf32>
        %mul3A_401 = arith.mulf %scan3A_365, %mul3A_400 : vector<16xf32>
        %get3A_402 = arith.index_cast %scan3A_362 : i32 to index
        %get3A_403 = arith.constant 32 : index
        %get3A_404 = tpu.vector_load %arg26[%get3A_402, %get3A_403] {strides = array<i32>} : memref<64x128xf32, #tpu.memory_space<vmem>>, vector<16xf32>,
        %mul3A_405 = arith.mulf %gather3A, %get3A_404 : vector<16xf32>
        %add3A_406 = arith.addf %mul3A_401, %mul3A_405 : vector<16xf32>
        %mul3A_407 = vector.broadcast %select_n3A_385 : f32 to vector<16xf32>
        %mul3A_408 = arith.mulf %scan3A_366, %mul3A_407 : vector<16xf32>
        %get3A_409 = arith.index_cast %scan3A_362 : i32 to index
        %get3A_410 = arith.constant 48 : index
        %get3A_411 = tpu.vector_load %arg26[%get3A_409, %get3A_410] {strides = array<i32>} : memref<64x128xf32, #tpu.memory_space<vmem>>, vector<16xf32>,
        %mul3A_412 = arith.mulf %gather3A, %get3A_411 : vector<16xf32>
        %add3A_413 = arith.addf %mul3A_408, %mul3A_412 : vector<16xf32>
        %mul3A_414 = vector.broadcast %select_n3A_385 : f32 to vector<16xf32>
        %mul3A_415 = arith.mulf %scan3A_367, %mul3A_414 : vector<16xf32>
        %get3A_416 = arith.index_cast %scan3A_362 : i32 to index
        %get3A_417 = arith.constant 64 : index
        %get3A_418 = tpu.vector_load %arg26[%get3A_416, %get3A_417] {strides = array<i32>} : memref<64x128xf32, #tpu.memory_space<vmem>>, vector<16xf32>,
        %mul3A_419 = arith.mulf %gather3A, %get3A_418 : vector<16xf32>
        %add3A_420 = arith.addf %mul3A_415, %mul3A_419 : vector<16xf32>
        %mul3A_421 = vector.broadcast %select_n3A_385 : f32 to vector<16xf32>
        %mul3A_422 = arith.mulf %scan3A_368, %mul3A_421 : vector<16xf32>
        %get3A_423 = arith.index_cast %scan3A_362 : i32 to index
        %get3A_424 = arith.constant 80 : index
        %get3A_425 = tpu.vector_load %arg26[%get3A_423, %get3A_424] {strides = array<i32>} : memref<64x128xf32, #tpu.memory_space<vmem>>, vector<16xf32>,
        %mul3A_426 = arith.mulf %gather3A, %get3A_425 : vector<16xf32>
        %add3A_427 = arith.addf %mul3A_422, %mul3A_426 : vector<16xf32>
        %mul3A_428 = vector.broadcast %select_n3A_385 : f32 to vector<16xf32>
        %mul3A_429 = arith.mulf %scan3A_369, %mul3A_428 : vector<16xf32>
        %get3A_430 = arith.index_cast %scan3A_362 : i32 to index
        %get3A_431 = arith.constant 96 : index
        %get3A_432 = tpu.vector_load %arg26[%get3A_430, %get3A_431] {strides = array<i32>} : memref<64x128xf32, #tpu.memory_space<vmem>>, vector<16xf32>,
        %mul3A_433 = arith.mulf %gather3A, %get3A_432 : vector<16xf32>
        %add3A_434 = arith.addf %mul3A_429, %mul3A_433 : vector<16xf32>
        %mul3A_435 = vector.broadcast %select_n3A_385 : f32 to vector<16xf32>
        %mul3A_436 = arith.mulf %scan3A_370, %mul3A_435 : vector<16xf32>
        %get3A_437 = arith.index_cast %scan3A_362 : i32 to index
        %get3A_438 = arith.constant 112 : index
        %get3A_439 = tpu.vector_load %arg26[%get3A_437, %get3A_438] {strides = array<i32>} : memref<64x128xf32, #tpu.memory_space<vmem>>, vector<16xf32>,
        %mul3A_440 = arith.mulf %gather3A, %get3A_439 : vector<16xf32>
        %add3A_441 = arith.addf %mul3A_436, %mul3A_440 : vector<16xf32>
        scf.yield %add3A_392, %add3A_399, %add3A_406, %add3A_413, %add3A_420, %add3A_427, %add3A_434, %add3A_441, %min3A : vector<16xf32>, vector<16xf32>, vector<16xf32>, vector<16xf32>, vector<16xf32>, vector<16xf32>, vector<16xf32>, vector<16xf32>, i32
      }
      %scan3A_343 = arith.constant 64 : i32
      %dma_wait3A_344 = arith.constant 0 : i32
      %dma_wait3A_345 = arith.constant 0 : i32
      %dma_wait3A_346 = tpu.memref_slice %arg6[%dma_wait3A_344, %dma_wait3A_345] : memref<10000x128xf32, #tpu.memory_space<hbm>> -> memref<10000x128xf32, #tpu.memory_space<hbm>>
      tpu.wait_indirect_dma semaphore(%arg30 : memref<!tpu.dma_semaphore, #tpu.memory_space<semaphore_mem>>) src(%dma_wait3A_346 : memref<10000x128xf32, #tpu.memory_space<hbm>>) dst(%arg27 : memref<64x128xf32, #tpu.memory_space<vmem>>)
      %add3A_347 = arith.constant 2 : i32
      %add3A_348 = arith.addi %mul3A_303, %add3A_347 : i32
      %lt3A = arith.cmpi slt, %add3A_348, %mul3A_192 : i32
      %convert_element_type3A_349 = arith.extui %lt3A : i1 to i32
      %cond3A_350 = arith.constant 0 : i32
      %cond3A_351 = arith.cmpi ne, %convert_element_type3A_349, %cond3A_350 : i32
      scf.if %cond3A_351 {
        %add3A_362 = arith.constant 2 : i32
        %add3A_363 = arith.addi %mul3A_303, %add3A_362 : i32
        %mul3A_364 = arith.constant 64 : i32
        %mul3A_365 = arith.muli %add3A_363, %mul3A_364 : i32
        %add3A_366 = arith.constant 0 : i32
        %add3A_367 = arith.addi %mul3A_365, %add3A_366 : i32
        %get3A_368 = arith.index_cast %add3A_367 : i32 to index
        %get3A_369 = tpu.vector_load %arg15[%get3A_368] {strides = array<i32>} : memref<6016xi32, #tpu.memory_space<vmem>>, vector<16xi32>,
        %swap3A_370 = arith.constant 0 : index
        %swap3A_371 = tpu.vector_load %arg24[%swap3A_370] {strides = array<i32>} : memref<64xi32, #tpu.memory_space<vmem>>, vector<16xi32>,
        tpu.vector_store %arg24[%swap3A_370], %get3A_369 {strides = array<i32>} : memref<64xi32, #tpu.memory_space<vmem>>, vector<16xi32>,
        %add3A_372 = arith.constant 16 : i32
        %add3A_373 = arith.addi %mul3A_365, %add3A_372 : i32
        %get3A_374 = arith.index_cast %add3A_373 : i32 to index
        %get3A_375 = tpu.vector_load %arg15[%get3A_374] {strides = array<i32>} : memref<6016xi32, #tpu.memory_space<vmem>>, vector<16xi32>,
        %swap3A_376 = arith.constant 16 : index
        %swap3A_377 = tpu.vector_load %arg24[%swap3A_376] {strides = array<i32>} : memref<64xi32, #tpu.memory_space<vmem>>, vector<16xi32>,
        tpu.vector_store %arg24[%swap3A_376], %get3A_375 {strides = array<i32>} : memref<64xi32, #tpu.memory_space<vmem>>, vector<16xi32>,
        %add3A_378 = arith.constant 32 : i32
        %add3A_379 = arith.addi %mul3A_365, %add3A_378 : i32
        %get3A_380 = arith.index_cast %add3A_379 : i32 to index
        %get3A_381 = tpu.vector_load %arg15[%get3A_380] {strides = array<i32>} : memref<6016xi32, #tpu.memory_space<vmem>>, vector<16xi32>,
        %swap3A_382 = arith.constant 32 : index
        %swap3A_383 = tpu.vector_load %arg24[%swap3A_382] {strides = array<i32>} : memref<64xi32, #tpu.memory_space<vmem>>, vector<16xi32>,
        tpu.vector_store %arg24[%swap3A_382], %get3A_381 {strides = array<i32>} : memref<64xi32, #tpu.memory_space<vmem>>, vector<16xi32>,
        %add3A_384 = arith.constant 48 : i32
        %add3A_385 = arith.addi %mul3A_365, %add3A_384 : i32
        %get3A_386 = arith.index_cast %add3A_385 : i32 to index
        %get3A_387 = tpu.vector_load %arg15[%get3A_386] {strides = array<i32>} : memref<6016xi32, #tpu.memory_space<vmem>>, vector<16xi32>,
        %swap3A_388 = arith.constant 48 : index
        %swap3A_389 = tpu.vector_load %arg24[%swap3A_388] {strides = array<i32>} : memref<64xi32, #tpu.memory_space<vmem>>, vector<16xi32>,
        tpu.vector_store %arg24[%swap3A_388], %get3A_387 {strides = array<i32>} : memref<64xi32, #tpu.memory_space<vmem>>, vector<16xi32>,
        %dma_start3A_390 = arith.constant 0 : i32
        %dma_start3A_391 = arith.constant 0 : i32
        %dma_start3A_392 = tpu.memref_slice %arg6[%dma_start3A_390, %dma_start3A_391] : memref<10000x128xf32, #tpu.memory_space<hbm>> -> memref<10000x128xf32, #tpu.memory_space<hbm>>
        tpu.enqueue_indirect_dma source(%dma_start3A_392 : memref<10000x128xf32, #tpu.memory_space<hbm>>) target(%arg26 : memref<64x128xf32, #tpu.memory_space<vmem>>) offsets(%arg24 : memref<64xi32, #tpu.memory_space<vmem>>) semaphore(%arg29 : memref<!tpu.dma_semaphore, #tpu.memory_space<semaphore_mem>>)
      } else {
      }
      %add3A_352 = arith.constant 1 : i32
      %add3A_353 = arith.addi %mul3A_303, %add3A_352 : i32
      %mul3A_354 = arith.constant 64 : i32
      %mul3A_355 = arith.muli %add3A_353, %mul3A_354 : i32
      %scan3A_356 = arith.constant 0 : i32
      %scan3A_357 = arith.constant 64 : i32
      %scan3A_358 = arith.addi %scan3A_356, %scan3A_357 : i32
      %scan3A_359 = arith.constant 1 : i32
      %scan3A_360:9 = scf.for %scan3A_362 = %scan3A_356 to %scan3A_358 step %scan3A_359 iter_args(%scan3A_363 = %scan3A_342#0, %scan3A_364 = %scan3A_342#1, %scan3A_365 = %scan3A_342#2, %scan3A_366 = %scan3A_342#3, %scan3A_367 = %scan3A_342#4, %scan3A_368 = %scan3A_342#5, %scan3A_369 = %scan3A_342#6, %scan3A_370 = %scan3A_342#7, %scan3A_371 = %scan3A_342#8) -> (vector<16xf32>, vector<16xf32>, vector<16xf32>, vector<16xf32>, vector<16xf32>, vector<16xf32>, vector<16xf32>, vector<16xf32>, i32)  : i32 {
        %add3A_372 = arith.addi %mul3A_355, %scan3A_362 : i32
        %broadcast_in_dim3A_373 = vector.broadcast %add3A_372 : i32 to vector<16xi32>
        %gather3A = tpu.vector_load_idx %arg17[%broadcast_in_dim3A_373] : memref<6016xf32, #tpu.memory_space<vmem>>[vector<16xi32>], vector<16xf32>,
        %broadcast_in_dim3A_374 = vector.broadcast %add3A_372 : i32 to vector<16xi32>
        %gather3A_375 = tpu.vector_load_idx %arg14[%broadcast_in_dim3A_374] : memref<6016xi32, #tpu.memory_space<vmem>>[vector<16xi32>], vector<16xi32>,
        %slice3A = vector.extract_strided_slice %gather3A_375 {offsets = [0], sizes = [1], strides = [1]} : vector<16xi32> to vector<1xi32>
        %squeeze3A = vector.extract %slice3A[0] : i32 from vector<1xi32>
        %sub3A_376 = arith.subi %squeeze3A, %mul3A_2 : i32
        %jit3A_377 = arith.constant 0 : i32
        %jit3A_378 = arith.constant 319 : i32
        %max3A = arith.maxsi %jit3A_377, %sub3A_376 : i32
        %min3A = arith.minsi %jit3A_378, %max3A : i32
        %ne3A_379 = arith.cmpi ne, %min3A, %scan3A_371 : i32
        %convert_element_type3A_380 = arith.extui %ne3A_379 : i1 to i32
        %cond3A_381 = arith.constant 0 : i32
        %cond3A_382 = arith.cmpi ne, %convert_element_type3A_380, %cond3A_381 : i32
        scf.if %cond3A_382 {
          %get3A_442 = arith.index_cast %scan3A_371 : i32 to index
          %get3A_443 = arith.constant 0 : index
          %get3A_444 = tpu.vector_load %arg28[%get3A_442, %get3A_443] {strides = array<i32>} : memref<320x128xf32, #tpu.memory_space<vmem>>, vector<16xf32>,
          %add3A_445 = arith.addf %get3A_444, %scan3A_363 : vector<16xf32>
          %swap3A_446 = arith.index_cast %scan3A_371 : i32 to index
          %swap3A_447 = arith.constant 0 : index
          %swap3A_448 = tpu.vector_load %arg28[%swap3A_446, %swap3A_447] {strides = array<i32>} : memref<320x128xf32, #tpu.memory_space<vmem>>, vector<16xf32>,
          tpu.vector_store %arg28[%swap3A_446, %swap3A_447], %add3A_445 {strides = array<i32>} : memref<320x128xf32, #tpu.memory_space<vmem>>, vector<16xf32>,
          %get3A_449 = arith.index_cast %scan3A_371 : i32 to index
          %get3A_450 = arith.constant 16 : index
          %get3A_451 = tpu.vector_load %arg28[%get3A_449, %get3A_450] {strides = array<i32>} : memref<320x128xf32, #tpu.memory_space<vmem>>, vector<16xf32>,
          %add3A_452 = arith.addf %get3A_451, %scan3A_364 : vector<16xf32>
          %swap3A_453 = arith.index_cast %scan3A_371 : i32 to index
          %swap3A_454 = arith.constant 16 : index
          %swap3A_455 = tpu.vector_load %arg28[%swap3A_453, %swap3A_454] {strides = array<i32>} : memref<320x128xf32, #tpu.memory_space<vmem>>, vector<16xf32>,
          tpu.vector_store %arg28[%swap3A_453, %swap3A_454], %add3A_452 {strides = array<i32>} : memref<320x128xf32, #tpu.memory_space<vmem>>, vector<16xf32>,
          %get3A_456 = arith.index_cast %scan3A_371 : i32 to index
          %get3A_457 = arith.constant 32 : index
          %get3A_458 = tpu.vector_load %arg28[%get3A_456, %get3A_457] {strides = array<i32>} : memref<320x128xf32, #tpu.memory_space<vmem>>, vector<16xf32>,
          %add3A_459 = arith.addf %get3A_458, %scan3A_365 : vector<16xf32>
          %swap3A_460 = arith.index_cast %scan3A_371 : i32 to index
          %swap3A_461 = arith.constant 32 : index
          %swap3A_462 = tpu.vector_load %arg28[%swap3A_460, %swap3A_461] {strides = array<i32>} : memref<320x128xf32, #tpu.memory_space<vmem>>, vector<16xf32>,
          tpu.vector_store %arg28[%swap3A_460, %swap3A_461], %add3A_459 {strides = array<i32>} : memref<320x128xf32, #tpu.memory_space<vmem>>, vector<16xf32>,
          %get3A_463 = arith.index_cast %scan3A_371 : i32 to index
          %get3A_464 = arith.constant 48 : index
          %get3A_465 = tpu.vector_load %arg28[%get3A_463, %get3A_464] {strides = array<i32>} : memref<320x128xf32, #tpu.memory_space<vmem>>, vector<16xf32>,
          %add3A_466 = arith.addf %get3A_465, %scan3A_366 : vector<16xf32>
          %swap3A_467 = arith.index_cast %scan3A_371 : i32 to index
          %swap3A_468 = arith.constant 48 : index
          %swap3A_469 = tpu.vector_load %arg28[%swap3A_467, %swap3A_468] {strides = array<i32>} : memref<320x128xf32, #tpu.memory_space<vmem>>, vector<16xf32>,
          tpu.vector_store %arg28[%swap3A_467, %swap3A_468], %add3A_466 {strides = array<i32>} : memref<320x128xf32, #tpu.memory_space<vmem>>, vector<16xf32>,
          %get3A_470 = arith.index_cast %scan3A_371 : i32 to index
          %get3A_471 = arith.constant 64 : index
          %get3A_472 = tpu.vector_load %arg28[%get3A_470, %get3A_471] {strides = array<i32>} : memref<320x128xf32, #tpu.memory_space<vmem>>, vector<16xf32>,
          %add3A_473 = arith.addf %get3A_472, %scan3A_367 : vector<16xf32>
          %swap3A_474 = arith.index_cast %scan3A_371 : i32 to index
          %swap3A_475 = arith.constant 64 : index
          %swap3A_476 = tpu.vector_load %arg28[%swap3A_474, %swap3A_475] {strides = array<i32>} : memref<320x128xf32, #tpu.memory_space<vmem>>, vector<16xf32>,
          tpu.vector_store %arg28[%swap3A_474, %swap3A_475], %add3A_473 {strides = array<i32>} : memref<320x128xf32, #tpu.memory_space<vmem>>, vector<16xf32>,
          %get3A_477 = arith.index_cast %scan3A_371 : i32 to index
          %get3A_478 = arith.constant 80 : index
          %get3A_479 = tpu.vector_load %arg28[%get3A_477, %get3A_478] {strides = array<i32>} : memref<320x128xf32, #tpu.memory_space<vmem>>, vector<16xf32>,
          %add3A_480 = arith.addf %get3A_479, %scan3A_368 : vector<16xf32>
          %swap3A_481 = arith.index_cast %scan3A_371 : i32 to index
          %swap3A_482 = arith.constant 80 : index
          %swap3A_483 = tpu.vector_load %arg28[%swap3A_481, %swap3A_482] {strides = array<i32>} : memref<320x128xf32, #tpu.memory_space<vmem>>, vector<16xf32>,
          tpu.vector_store %arg28[%swap3A_481, %swap3A_482], %add3A_480 {strides = array<i32>} : memref<320x128xf32, #tpu.memory_space<vmem>>, vector<16xf32>,
          %get3A_484 = arith.index_cast %scan3A_371 : i32 to index
          %get3A_485 = arith.constant 96 : index
          %get3A_486 = tpu.vector_load %arg28[%get3A_484, %get3A_485] {strides = array<i32>} : memref<320x128xf32, #tpu.memory_space<vmem>>, vector<16xf32>,
          %add3A_487 = arith.addf %get3A_486, %scan3A_369 : vector<16xf32>
          %swap3A_488 = arith.index_cast %scan3A_371 : i32 to index
          %swap3A_489 = arith.constant 96 : index
          %swap3A_490 = tpu.vector_load %arg28[%swap3A_488, %swap3A_489] {strides = array<i32>} : memref<320x128xf32, #tpu.memory_space<vmem>>, vector<16xf32>,
          tpu.vector_store %arg28[%swap3A_488, %swap3A_489], %add3A_487 {strides = array<i32>} : memref<320x128xf32, #tpu.memory_space<vmem>>, vector<16xf32>,
          %get3A_491 = arith.index_cast %scan3A_371 : i32 to index
          %get3A_492 = arith.constant 112 : index
          %get3A_493 = tpu.vector_load %arg28[%get3A_491, %get3A_492] {strides = array<i32>} : memref<320x128xf32, #tpu.memory_space<vmem>>, vector<16xf32>,
          %add3A_494 = arith.addf %get3A_493, %scan3A_370 : vector<16xf32>
          %swap3A_495 = arith.index_cast %scan3A_371 : i32 to index
          %swap3A_496 = arith.constant 112 : index
          %swap3A_497 = tpu.vector_load %arg28[%swap3A_495, %swap3A_496] {strides = array<i32>} : memref<320x128xf32, #tpu.memory_space<vmem>>, vector<16xf32>,
          tpu.vector_store %arg28[%swap3A_495, %swap3A_496], %add3A_494 {strides = array<i32>} : memref<320x128xf32, #tpu.memory_space<vmem>>, vector<16xf32>,
        } else {
        }
        %jit3A_383 = arith.constant 0.000000e+00 : f32
        %jit3A_384 = arith.constant 1.000000e+00 : f32
        %select_n3A_385 = arith.select %ne3A_379, %jit3A_383, %jit3A_384 : f32
        %mul3A_386 = vector.broadcast %select_n3A_385 : f32 to vector<16xf32>
        %mul3A_387 = arith.mulf %scan3A_363, %mul3A_386 : vector<16xf32>
        %get3A_388 = arith.index_cast %scan3A_362 : i32 to index
        %get3A_389 = arith.constant 0 : index
        %get3A_390 = tpu.vector_load %arg27[%get3A_388, %get3A_389] {strides = array<i32>} : memref<64x128xf32, #tpu.memory_space<vmem>>, vector<16xf32>,
        %mul3A_391 = arith.mulf %gather3A, %get3A_390 : vector<16xf32>
        %add3A_392 = arith.addf %mul3A_387, %mul3A_391 : vector<16xf32>
        %mul3A_393 = vector.broadcast %select_n3A_385 : f32 to vector<16xf32>
        %mul3A_394 = arith.mulf %scan3A_364, %mul3A_393 : vector<16xf32>
        %get3A_395 = arith.index_cast %scan3A_362 : i32 to index
        %get3A_396 = arith.constant 16 : index
        %get3A_397 = tpu.vector_load %arg27[%get3A_395, %get3A_396] {strides = array<i32>} : memref<64x128xf32, #tpu.memory_space<vmem>>, vector<16xf32>,
        %mul3A_398 = arith.mulf %gather3A, %get3A_397 : vector<16xf32>
        %add3A_399 = arith.addf %mul3A_394, %mul3A_398 : vector<16xf32>
        %mul3A_400 = vector.broadcast %select_n3A_385 : f32 to vector<16xf32>
        %mul3A_401 = arith.mulf %scan3A_365, %mul3A_400 : vector<16xf32>
        %get3A_402 = arith.index_cast %scan3A_362 : i32 to index
        %get3A_403 = arith.constant 32 : index
        %get3A_404 = tpu.vector_load %arg27[%get3A_402, %get3A_403] {strides = array<i32>} : memref<64x128xf32, #tpu.memory_space<vmem>>, vector<16xf32>,
        %mul3A_405 = arith.mulf %gather3A, %get3A_404 : vector<16xf32>
        %add3A_406 = arith.addf %mul3A_401, %mul3A_405 : vector<16xf32>
        %mul3A_407 = vector.broadcast %select_n3A_385 : f32 to vector<16xf32>
        %mul3A_408 = arith.mulf %scan3A_366, %mul3A_407 : vector<16xf32>
        %get3A_409 = arith.index_cast %scan3A_362 : i32 to index
        %get3A_410 = arith.constant 48 : index
        %get3A_411 = tpu.vector_load %arg27[%get3A_409, %get3A_410] {strides = array<i32>} : memref<64x128xf32, #tpu.memory_space<vmem>>, vector<16xf32>,
        %mul3A_412 = arith.mulf %gather3A, %get3A_411 : vector<16xf32>
        %add3A_413 = arith.addf %mul3A_408, %mul3A_412 : vector<16xf32>
        %mul3A_414 = vector.broadcast %select_n3A_385 : f32 to vector<16xf32>
        %mul3A_415 = arith.mulf %scan3A_367, %mul3A_414 : vector<16xf32>
        %get3A_416 = arith.index_cast %scan3A_362 : i32 to index
        %get3A_417 = arith.constant 64 : index
        %get3A_418 = tpu.vector_load %arg27[%get3A_416, %get3A_417] {strides = array<i32>} : memref<64x128xf32, #tpu.memory_space<vmem>>, vector<16xf32>,
        %mul3A_419 = arith.mulf %gather3A, %get3A_418 : vector<16xf32>
        %add3A_420 = arith.addf %mul3A_415, %mul3A_419 : vector<16xf32>
        %mul3A_421 = vector.broadcast %select_n3A_385 : f32 to vector<16xf32>
        %mul3A_422 = arith.mulf %scan3A_368, %mul3A_421 : vector<16xf32>
        %get3A_423 = arith.index_cast %scan3A_362 : i32 to index
        %get3A_424 = arith.constant 80 : index
        %get3A_425 = tpu.vector_load %arg27[%get3A_423, %get3A_424] {strides = array<i32>} : memref<64x128xf32, #tpu.memory_space<vmem>>, vector<16xf32>,
        %mul3A_426 = arith.mulf %gather3A, %get3A_425 : vector<16xf32>
        %add3A_427 = arith.addf %mul3A_422, %mul3A_426 : vector<16xf32>
        %mul3A_428 = vector.broadcast %select_n3A_385 : f32 to vector<16xf32>
        %mul3A_429 = arith.mulf %scan3A_369, %mul3A_428 : vector<16xf32>
        %get3A_430 = arith.index_cast %scan3A_362 : i32 to index
        %get3A_431 = arith.constant 96 : index
        %get3A_432 = tpu.vector_load %arg27[%get3A_430, %get3A_431] {strides = array<i32>} : memref<64x128xf32, #tpu.memory_space<vmem>>, vector<16xf32>,
        %mul3A_433 = arith.mulf %gather3A, %get3A_432 : vector<16xf32>
        %add3A_434 = arith.addf %mul3A_429, %mul3A_433 : vector<16xf32>
        %mul3A_435 = vector.broadcast %select_n3A_385 : f32 to vector<16xf32>
        %mul3A_436 = arith.mulf %scan3A_370, %mul3A_435 : vector<16xf32>
        %get3A_437 = arith.index_cast %scan3A_362 : i32 to index
        %get3A_438 = arith.constant 112 : index
        %get3A_439 = tpu.vector_load %arg27[%get3A_437, %get3A_438] {strides = array<i32>} : memref<64x128xf32, #tpu.memory_space<vmem>>, vector<16xf32>,
        %mul3A_440 = arith.mulf %gather3A, %get3A_439 : vector<16xf32>
        %add3A_441 = arith.addf %mul3A_436, %mul3A_440 : vector<16xf32>
        scf.yield %add3A_392, %add3A_399, %add3A_406, %add3A_413, %add3A_420, %add3A_427, %add3A_434, %add3A_441, %min3A : vector<16xf32>, vector<16xf32>, vector<16xf32>, vector<16xf32>, vector<16xf32>, vector<16xf32>, vector<16xf32>, vector<16xf32>, i32
      }
      %scan3A_361 = arith.constant 64 : i32
      scf.yield %scan3A_360#0, %scan3A_360#1, %scan3A_360#2, %scan3A_360#3, %scan3A_360#4, %scan3A_360#5, %scan3A_360#6, %scan3A_360#7, %scan3A_360#8 : vector<16xf32>, vector<16xf32>, vector<16xf32>, vector<16xf32>, vector<16xf32>, vector<16xf32>, vector<16xf32>, vector<16xf32>, i32
    }
    %get3A = arith.index_cast %while3A_230#8 : i32 to index
    %get3A_231 = arith.constant 0 : index
    %get3A_232 = tpu.vector_load %arg28[%get3A, %get3A_231] {strides = array<i32>} : memref<320x128xf32, #tpu.memory_space<vmem>>, vector<16xf32>,
    %add3A_233 = arith.addf %get3A_232, %while3A_230#0 : vector<16xf32>
    %swap3A = arith.index_cast %while3A_230#8 : i32 to index
    %swap3A_234 = arith.constant 0 : index
    %swap3A_235 = tpu.vector_load %arg28[%swap3A, %swap3A_234] {strides = array<i32>} : memref<320x128xf32, #tpu.memory_space<vmem>>, vector<16xf32>,
    tpu.vector_store %arg28[%swap3A, %swap3A_234], %add3A_233 {strides = array<i32>} : memref<320x128xf32, #tpu.memory_space<vmem>>, vector<16xf32>,
    %get3A_236 = arith.index_cast %while3A_230#8 : i32 to index
    %get3A_237 = arith.constant 16 : index
    %get3A_238 = tpu.vector_load %arg28[%get3A_236, %get3A_237] {strides = array<i32>} : memref<320x128xf32, #tpu.memory_space<vmem>>, vector<16xf32>,
    %add3A_239 = arith.addf %get3A_238, %while3A_230#1 : vector<16xf32>
    %swap3A_240 = arith.index_cast %while3A_230#8 : i32 to index
    %swap3A_241 = arith.constant 16 : index
    %swap3A_242 = tpu.vector_load %arg28[%swap3A_240, %swap3A_241] {strides = array<i32>} : memref<320x128xf32, #tpu.memory_space<vmem>>, vector<16xf32>,
    tpu.vector_store %arg28[%swap3A_240, %swap3A_241], %add3A_239 {strides = array<i32>} : memref<320x128xf32, #tpu.memory_space<vmem>>, vector<16xf32>,
    %get3A_243 = arith.index_cast %while3A_230#8 : i32 to index
    %get3A_244 = arith.constant 32 : index
    %get3A_245 = tpu.vector_load %arg28[%get3A_243, %get3A_244] {strides = array<i32>} : memref<320x128xf32, #tpu.memory_space<vmem>>, vector<16xf32>,
    %add3A_246 = arith.addf %get3A_245, %while3A_230#2 : vector<16xf32>
    %swap3A_247 = arith.index_cast %while3A_230#8 : i32 to index
    %swap3A_248 = arith.constant 32 : index
    %swap3A_249 = tpu.vector_load %arg28[%swap3A_247, %swap3A_248] {strides = array<i32>} : memref<320x128xf32, #tpu.memory_space<vmem>>, vector<16xf32>,
    tpu.vector_store %arg28[%swap3A_247, %swap3A_248], %add3A_246 {strides = array<i32>} : memref<320x128xf32, #tpu.memory_space<vmem>>, vector<16xf32>,
    %get3A_250 = arith.index_cast %while3A_230#8 : i32 to index
    %get3A_251 = arith.constant 48 : index
    %get3A_252 = tpu.vector_load %arg28[%get3A_250, %get3A_251] {strides = array<i32>} : memref<320x128xf32, #tpu.memory_space<vmem>>, vector<16xf32>,
    %add3A_253 = arith.addf %get3A_252, %while3A_230#3 : vector<16xf32>
    %swap3A_254 = arith.index_cast %while3A_230#8 : i32 to index
    %swap3A_255 = arith.constant 48 : index
    %swap3A_256 = tpu.vector_load %arg28[%swap3A_254, %swap3A_255] {strides = array<i32>} : memref<320x128xf32, #tpu.memory_space<vmem>>, vector<16xf32>,
    tpu.vector_store %arg28[%swap3A_254, %swap3A_255], %add3A_253 {strides = array<i32>} : memref<320x128xf32, #tpu.memory_space<vmem>>, vector<16xf32>,
    %get3A_257 = arith.index_cast %while3A_230#8 : i32 to index
    %get3A_258 = arith.constant 64 : index
    %get3A_259 = tpu.vector_load %arg28[%get3A_257, %get3A_258] {strides = array<i32>} : memref<320x128xf32, #tpu.memory_space<vmem>>, vector<16xf32>,
    %add3A_260 = arith.addf %get3A_259, %while3A_230#4 : vector<16xf32>
    %swap3A_261 = arith.index_cast %while3A_230#8 : i32 to index
    %swap3A_262 = arith.constant 64 : index
    %swap3A_263 = tpu.vector_load %arg28[%swap3A_261, %swap3A_262] {strides = array<i32>} : memref<320x128xf32, #tpu.memory_space<vmem>>, vector<16xf32>,
    tpu.vector_store %arg28[%swap3A_261, %swap3A_262], %add3A_260 {strides = array<i32>} : memref<320x128xf32, #tpu.memory_space<vmem>>, vector<16xf32>,
    %get3A_264 = arith.index_cast %while3A_230#8 : i32 to index
    %get3A_265 = arith.constant 80 : index
    %get3A_266 = tpu.vector_load %arg28[%get3A_264, %get3A_265] {strides = array<i32>} : memref<320x128xf32, #tpu.memory_space<vmem>>, vector<16xf32>,
    %add3A_267 = arith.addf %get3A_266, %while3A_230#5 : vector<16xf32>
    %swap3A_268 = arith.index_cast %while3A_230#8 : i32 to index
    %swap3A_269 = arith.constant 80 : index
    %swap3A_270 = tpu.vector_load %arg28[%swap3A_268, %swap3A_269] {strides = array<i32>} : memref<320x128xf32, #tpu.memory_space<vmem>>, vector<16xf32>,
    tpu.vector_store %arg28[%swap3A_268, %swap3A_269], %add3A_267 {strides = array<i32>} : memref<320x128xf32, #tpu.memory_space<vmem>>, vector<16xf32>,
    %get3A_271 = arith.index_cast %while3A_230#8 : i32 to index
    %get3A_272 = arith.constant 96 : index
    %get3A_273 = tpu.vector_load %arg28[%get3A_271, %get3A_272] {strides = array<i32>} : memref<320x128xf32, #tpu.memory_space<vmem>>, vector<16xf32>,
    %add3A_274 = arith.addf %get3A_273, %while3A_230#6 : vector<16xf32>
    %swap3A_275 = arith.index_cast %while3A_230#8 : i32 to index
    %swap3A_276 = arith.constant 96 : index
    %swap3A_277 = tpu.vector_load %arg28[%swap3A_275, %swap3A_276] {strides = array<i32>} : memref<320x128xf32, #tpu.memory_space<vmem>>, vector<16xf32>,
    tpu.vector_store %arg28[%swap3A_275, %swap3A_276], %add3A_274 {strides = array<i32>} : memref<320x128xf32, #tpu.memory_space<vmem>>, vector<16xf32>,
    %get3A_278 = arith.index_cast %while3A_230#8 : i32 to index
    %get3A_279 = arith.constant 112 : index
    %get3A_280 = tpu.vector_load %arg28[%get3A_278, %get3A_279] {strides = array<i32>} : memref<320x128xf32, #tpu.memory_space<vmem>>, vector<16xf32>,
    %add3A_281 = arith.addf %get3A_280, %while3A_230#7 : vector<16xf32>
    %swap3A_282 = arith.index_cast %while3A_230#8 : i32 to index
    %swap3A_283 = arith.constant 112 : index
    %swap3A_284 = tpu.vector_load %arg28[%swap3A_282, %swap3A_283] {strides = array<i32>} : memref<320x128xf32, #tpu.memory_space<vmem>>, vector<16xf32>,
    tpu.vector_store %arg28[%swap3A_282, %swap3A_283], %add3A_281 {strides = array<i32>} : memref<320x128xf32, #tpu.memory_space<vmem>>, vector<16xf32>,
    %scan3A_285 = arith.constant 0 : i32
    %scan3A_286 = arith.constant 0 : i32
    %scan3A_287 = arith.constant 320 : i32
    %scan3A_288 = arith.addi %scan3A_286, %scan3A_287 : i32
    %scan3A_289 = arith.constant 1 : i32
    %scan3A_290 = scf.for %scan3A_292 = %scan3A_286 to %scan3A_288 step %scan3A_289 iter_args(%scan3A_293 = %scan3A_285) -> (i32)  : i32 {
      %add3A_294 = vector.broadcast %scan3A_292 : i32 to vector<16xi32>
      %add3A_295 = arith.addi %add3A_294, %iota3A : vector<16xi32>
      %gather3A = tpu.vector_load_idx %arg19[%add3A_295] : memref<336xi32, #tpu.memory_space<vmem>>[vector<16xi32>], vector<16xi32>,
      %slice3A = vector.extract_strided_slice %gather3A {offsets = [1], sizes = [1], strides = [1]} : vector<16xi32> to vector<1xi32>
      %squeeze3A = vector.extract %slice3A[0] : i32 from vector<1xi32>
      %slice3A_296 = vector.extract_strided_slice %gather3A {offsets = [0], sizes = [1], strides = [1]} : vector<16xi32> to vector<1xi32>
      %squeeze3A_297 = vector.extract %slice3A_296[0] : i32 from vector<1xi32>
      %eq3A = arith.cmpi eq, %squeeze3A, %squeeze3A_297 : i32
      %convert_element_type3A_298 = arith.extui %eq3A : i1 to i32
      %cond3A_299 = arith.constant 0 : i32
      %cond3A_300 = arith.cmpi ne, %convert_element_type3A_298, %cond3A_299 : i32
      scf.if %cond3A_300 {
        %get3A_302 = arith.constant 0 : index
        %get3A_303 = tpu.vector_load %arg11[%get3A_302] {strides = array<i32>} : memref<128xf32, #tpu.memory_space<vmem>>, vector<16xf32>,
        %mul3A_304 = arith.constant 9.99999974E-5 : f32
        %mul3A_305 = vector.broadcast %mul3A_304 : f32 to vector<16xf32>
        %mul3A_306 = arith.mulf %get3A_303, %mul3A_305 : vector<16xf32>
        %swap3A_307 = arith.index_cast %scan3A_292 : i32 to index
        %swap3A_308 = arith.constant 0 : index
        %swap3A_309 = tpu.vector_load %arg28[%swap3A_307, %swap3A_308] {strides = array<i32>} : memref<320x128xf32, #tpu.memory_space<vmem>>, vector<16xf32>,
        tpu.vector_store %arg28[%swap3A_307, %swap3A_308], %mul3A_306 {strides = array<i32>} : memref<320x128xf32, #tpu.memory_space<vmem>>, vector<16xf32>,
        %get3A_310 = arith.constant 16 : index
        %get3A_311 = tpu.vector_load %arg11[%get3A_310] {strides = array<i32>} : memref<128xf32, #tpu.memory_space<vmem>>, vector<16xf32>,
        %mul3A_312 = arith.constant 9.99999974E-5 : f32
        %mul3A_313 = vector.broadcast %mul3A_312 : f32 to vector<16xf32>
        %mul3A_314 = arith.mulf %get3A_311, %mul3A_313 : vector<16xf32>
        %swap3A_315 = arith.index_cast %scan3A_292 : i32 to index
        %swap3A_316 = arith.constant 16 : index
        %swap3A_317 = tpu.vector_load %arg28[%swap3A_315, %swap3A_316] {strides = array<i32>} : memref<320x128xf32, #tpu.memory_space<vmem>>, vector<16xf32>,
        tpu.vector_store %arg28[%swap3A_315, %swap3A_316], %mul3A_314 {strides = array<i32>} : memref<320x128xf32, #tpu.memory_space<vmem>>, vector<16xf32>,
        %get3A_318 = arith.constant 32 : index
        %get3A_319 = tpu.vector_load %arg11[%get3A_318] {strides = array<i32>} : memref<128xf32, #tpu.memory_space<vmem>>, vector<16xf32>,
        %mul3A_320 = arith.constant 9.99999974E-5 : f32
        %mul3A_321 = vector.broadcast %mul3A_320 : f32 to vector<16xf32>
        %mul3A_322 = arith.mulf %get3A_319, %mul3A_321 : vector<16xf32>
        %swap3A_323 = arith.index_cast %scan3A_292 : i32 to index
        %swap3A_324 = arith.constant 32 : index
        %swap3A_325 = tpu.vector_load %arg28[%swap3A_323, %swap3A_324] {strides = array<i32>} : memref<320x128xf32, #tpu.memory_space<vmem>>, vector<16xf32>,
        tpu.vector_store %arg28[%swap3A_323, %swap3A_324], %mul3A_322 {strides = array<i32>} : memref<320x128xf32, #tpu.memory_space<vmem>>, vector<16xf32>,
        %get3A_326 = arith.constant 48 : index
        %get3A_327 = tpu.vector_load %arg11[%get3A_326] {strides = array<i32>} : memref<128xf32, #tpu.memory_space<vmem>>, vector<16xf32>,
        %mul3A_328 = arith.constant 9.99999974E-5 : f32
        %mul3A_329 = vector.broadcast %mul3A_328 : f32 to vector<16xf32>
        %mul3A_330 = arith.mulf %get3A_327, %mul3A_329 : vector<16xf32>
        %swap3A_331 = arith.index_cast %scan3A_292 : i32 to index
        %swap3A_332 = arith.constant 48 : index
        %swap3A_333 = tpu.vector_load %arg28[%swap3A_331, %swap3A_332] {strides = array<i32>} : memref<320x128xf32, #tpu.memory_space<vmem>>, vector<16xf32>,
        tpu.vector_store %arg28[%swap3A_331, %swap3A_332], %mul3A_330 {strides = array<i32>} : memref<320x128xf32, #tpu.memory_space<vmem>>, vector<16xf32>,
        %get3A_334 = arith.constant 64 : index
        %get3A_335 = tpu.vector_load %arg11[%get3A_334] {strides = array<i32>} : memref<128xf32, #tpu.memory_space<vmem>>, vector<16xf32>,
        %mul3A_336 = arith.constant 9.99999974E-5 : f32
        %mul3A_337 = vector.broadcast %mul3A_336 : f32 to vector<16xf32>
        %mul3A_338 = arith.mulf %get3A_335, %mul3A_337 : vector<16xf32>
        %swap3A_339 = arith.index_cast %scan3A_292 : i32 to index
        %swap3A_340 = arith.constant 64 : index
        %swap3A_341 = tpu.vector_load %arg28[%swap3A_339, %swap3A_340] {strides = array<i32>} : memref<320x128xf32, #tpu.memory_space<vmem>>, vector<16xf32>,
        tpu.vector_store %arg28[%swap3A_339, %swap3A_340], %mul3A_338 {strides = array<i32>} : memref<320x128xf32, #tpu.memory_space<vmem>>, vector<16xf32>,
        %get3A_342 = arith.constant 80 : index
        %get3A_343 = tpu.vector_load %arg11[%get3A_342] {strides = array<i32>} : memref<128xf32, #tpu.memory_space<vmem>>, vector<16xf32>,
        %mul3A_344 = arith.constant 9.99999974E-5 : f32
        %mul3A_345 = vector.broadcast %mul3A_344 : f32 to vector<16xf32>
        %mul3A_346 = arith.mulf %get3A_343, %mul3A_345 : vector<16xf32>
        %swap3A_347 = arith.index_cast %scan3A_292 : i32 to index
        %swap3A_348 = arith.constant 80 : index
        %swap3A_349 = tpu.vector_load %arg28[%swap3A_347, %swap3A_348] {strides = array<i32>} : memref<320x128xf32, #tpu.memory_space<vmem>>, vector<16xf32>,
        tpu.vector_store %arg28[%swap3A_347, %swap3A_348], %mul3A_346 {strides = array<i32>} : memref<320x128xf32, #tpu.memory_space<vmem>>, vector<16xf32>,
        %get3A_350 = arith.constant 96 : index
        %get3A_351 = tpu.vector_load %arg11[%get3A_350] {strides = array<i32>} : memref<128xf32, #tpu.memory_space<vmem>>, vector<16xf32>,
        %mul3A_352 = arith.constant 9.99999974E-5 : f32
        %mul3A_353 = vector.broadcast %mul3A_352 : f32 to vector<16xf32>
        %mul3A_354 = arith.mulf %get3A_351, %mul3A_353 : vector<16xf32>
        %swap3A_355 = arith.index_cast %scan3A_292 : i32 to index
        %swap3A_356 = arith.constant 96 : index
        %swap3A_357 = tpu.vector_load %arg28[%swap3A_355, %swap3A_356] {strides = array<i32>} : memref<320x128xf32, #tpu.memory_space<vmem>>, vector<16xf32>,
        tpu.vector_store %arg28[%swap3A_355, %swap3A_356], %mul3A_354 {strides = array<i32>} : memref<320x128xf32, #tpu.memory_space<vmem>>, vector<16xf32>,
        %get3A_358 = arith.constant 112 : index
        %get3A_359 = tpu.vector_load %arg11[%get3A_358] {strides = array<i32>} : memref<128xf32, #tpu.memory_space<vmem>>, vector<16xf32>,
        %mul3A_360 = arith.constant 9.99999974E-5 : f32
        %mul3A_361 = vector.broadcast %mul3A_360 : f32 to vector<16xf32>
        %mul3A_362 = arith.mulf %get3A_359, %mul3A_361 : vector<16xf32>
        %swap3A_363 = arith.index_cast %scan3A_292 : i32 to index
        %swap3A_364 = arith.constant 112 : index
        %swap3A_365 = tpu.vector_load %arg28[%swap3A_363, %swap3A_364] {strides = array<i32>} : memref<320x128xf32, #tpu.memory_space<vmem>>, vector<16xf32>,
        tpu.vector_store %arg28[%swap3A_363, %swap3A_364], %mul3A_362 {strides = array<i32>} : memref<320x128xf32, #tpu.memory_space<vmem>>, vector<16xf32>,
      } else {
      }
      %scan3A_301 = arith.constant 0 : i32
      scf.yield %scan3A_301 : i32
    }
    %scan3A_291 = arith.constant 320 : i32
    "tpu.region"() ({
      %run_scoped3A = tpu.sem_alloc : memref<!tpu.dma_semaphore, #tpu.memory_space<semaphore_mem>>
      %dma_start3A = arith.constant 0 : i32
      %dma_start3A_292 = tpu.memref_slice %arg8[%mul3A_2, %dma_start3A] : memref<10240x128xf32, #tpu.memory_space<hbm>> -> memref<320x128xf32, #tpu.memory_space<hbm>>
      %dma_start3A_293 = arith.constant 0 : i32
      %dma_start3A_294 = tpu.memref_slice %arg8[%mul3A_2, %dma_start3A_293] : memref<10240x128xf32, #tpu.memory_space<hbm>> -> memref<320x128xf32, #tpu.memory_space<hbm>>
      tpu.enqueue_dma source(%arg28 : memref<320x128xf32, #tpu.memory_space<vmem>>) target(%dma_start3A_294 : memref<320x128xf32, #tpu.memory_space<hbm>>) target_semaphore(%run_scoped3A : memref<!tpu.dma_semaphore, #tpu.memory_space<semaphore_mem>>)
      %dma_wait3A = arith.constant 0 : i32
      %dma_wait3A_295 = tpu.memref_slice %arg8[%mul3A_2, %dma_wait3A] : memref<10240x128xf32, #tpu.memory_space<hbm>> -> memref<320x128xf32, #tpu.memory_space<hbm>>
      %dma_wait3A_296 = arith.constant 0 : i32
      %dma_wait3A_297 = tpu.memref_slice %arg8[%mul3A_2, %dma_wait3A_296] : memref<10240x128xf32, #tpu.memory_space<hbm>> -> memref<320x128xf32, #tpu.memory_space<hbm>>
      tpu.wait_dma2 semaphore(%run_scoped3A : memref<!tpu.dma_semaphore, #tpu.memory_space<semaphore_mem>>) src(%arg28 : memref<320x128xf32, #tpu.memory_space<vmem>>) dst(%dma_wait3A_297 : memref<320x128xf32, #tpu.memory_space<hbm>>)
      tpu.yield
    }) : () -> ()
    return
  }
}

module attributes {stable_mosaic.version = 14 : i64} {
  func.func @_tc_body(%arg0: i32, %arg1: memref<1000x128xf32, #tpu.memory_space<vmem>>, %arg2: memref<128x128xf32, #tpu.memory_space<vmem>>, %arg3: memref<128x2xf32, #tpu.memory_space<vmem>>, %arg4: memref<1000x128xf32, #tpu.memory_space<vmem>>, %arg5: memref<1000x2xf32, #tpu.memory_space<vmem>>, %arg6: memref<1x128xf32, #tpu.memory_space<vmem>>) attributes {dimension_semantics = [#tpu.dimension_semantics<arbitrary>], iteration_bounds = array<i64: 10>, scalar_prefetch = 0 : i64, scratch_operands = 0 : i64, tpu.core_type = #tpu.core_type<tc>, window_params = [{transform_indices = @transform_0, window_bounds = array<i64: 1000, 128>}, {pipeline_mode = #tpu.pipeline_mode<synchronous>, transform_indices = @transform_1, window_bounds = array<i64: 128, 128>}, {pipeline_mode = #tpu.pipeline_mode<synchronous>, transform_indices = @transform_2, window_bounds = array<i64: 128, 2>}, {transform_indices = @transform_3, window_bounds = array<i64: 1000, 128>}, {transform_indices = @transform_4, window_bounds = array<i64: 1000, 2>}, {pipeline_mode = #tpu.pipeline_mode<synchronous>, transform_indices = @transform_5, window_bounds = array<i64: 1, 128>}]} {
    %get3A = arith.constant 0 : index
    %get3A_0 = arith.constant 0 : index
    %get3A_1 = vector.load %arg1[%get3A, %get3A_0] : memref<1000x128xf32, #tpu.memory_space<vmem>>, vector<1000x128xf32>
    %get3A_2 = arith.constant 0 : index
    %get3A_3 = arith.constant 0 : index
    %get3A_4 = vector.load %arg2[%get3A_2, %get3A_3] : memref<128x128xf32, #tpu.memory_space<vmem>>, vector<128x128xf32>
    %dot_general3A = arith.constant dense<0.000000e+00> : vector<1000x128xf32>
    %dot_general3A_5 = tpu.matmul %get3A_1, %get3A_4, %dot_general3A {dimension_numbers = #tpu.dot_dimension_numbers<[1], [0], [0], [1], [0, 0, 1, 1], [], []>, transpose_lhs_hint = false} : vector<1000x128xf32>, vector<128x128xf32>, vector<1000x128xf32> -> vector<1000x128xf32>
    %swap3A = arith.constant 0 : index
    %swap3A_6 = arith.constant 0 : index
    %swap3A_7 = vector.load %arg4[%swap3A, %swap3A_6] : memref<1000x128xf32, #tpu.memory_space<vmem>>, vector<1000x128xf32>
    tpu.vector_store %arg4[%swap3A, %swap3A_6], %dot_general3A_5 {strides = array<i32>} : memref<1000x128xf32, #tpu.memory_space<vmem>>, vector<1000x128xf32>,
    %get3A_8 = arith.constant 0 : index
    %get3A_9 = arith.constant 0 : index
    %get3A_10 = vector.load %arg3[%get3A_8, %get3A_9] : memref<128x2xf32, #tpu.memory_space<vmem>>, vector<128x2xf32>
    %dot_general3A_11 = arith.constant dense<0.000000e+00> : vector<1000x2xf32>
    %dot_general3A_12 = tpu.matmul %dot_general3A_5, %get3A_10, %dot_general3A_11 {dimension_numbers = #tpu.dot_dimension_numbers<[1], [0], [0], [1], [0, 0, 1, 1], [], []>, transpose_lhs_hint = false} : vector<1000x128xf32>, vector<128x2xf32>, vector<1000x2xf32> -> vector<1000x2xf32>
    %swap3A_13 = arith.constant 0 : index
    %swap3A_14 = arith.constant 0 : index
    %swap3A_15 = vector.load %arg5[%swap3A_13, %swap3A_14] : memref<1000x2xf32, #tpu.memory_space<vmem>>, vector<1000x2xf32>
    tpu.vector_store %arg5[%swap3A_13, %swap3A_14], %dot_general3A_12 {strides = array<i32>} : memref<1000x2xf32, #tpu.memory_space<vmem>>, vector<1000x2xf32>,
    %eq3A = arith.constant 0 : i32
    %eq3A_16 = arith.cmpi eq, %arg0, %eq3A : i32
    %convert_element_type3A = arith.extui %eq3A_16 : i1 to i32
    %cond3A = arith.constant 0 : i32
    %cond3A_17 = arith.cmpi ne, %convert_element_type3A, %cond3A : i32
    scf.if %cond3A_17 {
      %broadcast_in_dim3A_25 = arith.constant 0.000000e+00 : f32
      %broadcast_in_dim3A_26 = vector.broadcast %broadcast_in_dim3A_25 : f32 to vector<1x128xf32>
      %swap3A_27 = arith.constant 0 : index
      %swap3A_28 = arith.constant 0 : index
      %swap3A_29 = vector.load %arg6[%swap3A_27, %swap3A_28] : memref<1x128xf32, #tpu.memory_space<vmem>>, vector<1x128xf32>
      tpu.vector_store %arg6[%swap3A_27, %swap3A_28], %broadcast_in_dim3A_26 {strides = array<i32>} : memref<1x128xf32, #tpu.memory_space<vmem>>, vector<1x128xf32>,
    } else {
    }
    %get3A_18 = arith.constant 0 : index
    %get3A_19 = arith.constant 0 : index
    %get3A_20 = vector.load %arg6[%get3A_18, %get3A_19] : memref<1x128xf32, #tpu.memory_space<vmem>>, vector<1x128xf32>
    %reduce_sum3A = arith.constant dense<0.000000e+00> : vector<128xf32>
    %reduce_sum3A_21 = vector.multi_reduction <add>, %dot_general3A_5, %reduce_sum3A [0] : vector<1000x128xf32> to vector<128xf32>
    %broadcast_in_dim3A = vector.shape_cast %reduce_sum3A_21 : vector<128xf32> to vector<1x128xf32>
    %add3A = arith.addf %get3A_20, %broadcast_in_dim3A : vector<1x128xf32>
    %swap3A_22 = arith.constant 0 : index
    %swap3A_23 = arith.constant 0 : index
    %swap3A_24 = vector.load %arg6[%swap3A_22, %swap3A_23] : memref<1x128xf32, #tpu.memory_space<vmem>>, vector<1x128xf32>
    tpu.vector_store %arg6[%swap3A_22, %swap3A_23], %add3A {strides = array<i32>} : memref<1x128xf32, #tpu.memory_space<vmem>>, vector<1x128xf32>,
    return
  }
  func.func @transform_0(%arg0: i32) -> (i32, i32) {
    %c0_i32 = arith.constant 0 : i32
    %c0_i32_0 = arith.constant 0 : i32
    return %arg0, %c0_i32 : i32, i32
  }
  func.func @transform_1(%arg0: i32) -> (i32, i32) {
    %c0_i32 = arith.constant 0 : i32
    %c0_i32_0 = arith.constant 0 : i32
    %c0_i32_1 = arith.constant 0 : i32
    return %c0_i32, %c0_i32_0 : i32, i32
  }
  func.func @transform_2(%arg0: i32) -> (i32, i32) {
    %c0_i32 = arith.constant 0 : i32
    %c0_i32_0 = arith.constant 0 : i32
    %c0_i32_1 = arith.constant 0 : i32
    return %c0_i32, %c0_i32_0 : i32, i32
  }
  func.func @transform_3(%arg0: i32) -> (i32, i32) {
    %c0_i32 = arith.constant 0 : i32
    %c0_i32_0 = arith.constant 0 : i32
    return %arg0, %c0_i32 : i32, i32
  }
  func.func @transform_4(%arg0: i32) -> (i32, i32) {
    %c0_i32 = arith.constant 0 : i32
    %c0_i32_0 = arith.constant 0 : i32
    return %arg0, %c0_i32 : i32, i32
  }
  func.func @transform_5(%arg0: i32) -> (i32, i32) {
    %c0_i32 = arith.constant 0 : i32
    %c0_i32_0 = arith.constant 0 : i32
    %c0_i32_1 = arith.constant 0 : i32
    return %c0_i32, %c0_i32_0 : i32, i32
  }
}

</mosaic_0001>

<sc_bundles>
// kernel: kernel.5.cloned.1.call-start
scs
__scs_entry_jumppad:
0x0: {  	(pc) =	sbr.rel $0x88, $3  }
0x1: {  	(tag) =	ssettag $0x0;
	lr =	simm.s32 $0x1  }
0x2: {  	[smem:$0x3F9D] =	sst lr;
	_ =	strace $0xD0000000  }
0x3: {  	_ = 	snop  }
0x4: {  	_ = 	snop  }
0x5: {  	_ = 	snop  }
0x6: {  	_ = 	snop  }
0x7: {  	_ = 	snop  }
__scs_overlays_trampoline_lowered:
0x8: {  	[smem:$0x3FAC] =	sst s0  }
0x9: {  	[smem:$0x3FAD] =	sst s1  }
0xa: {  	[smem:$0x3FAE] =	sst s2  }
0xb: {  	[smem:$0x3FAF] =	sst s3  }
0xc: {  	[smem:$0x3FB0] =	sst s4  }
0xd: {  	[smem:$0x3FB1] =	sst s5  }
0xe: {  	[smem:$0x3FB2] =	sst s6  }
0xf: {  	[smem:$0x3FB3] =	sst s7  }
0x10: {  	[smem:$0x3FB4] =	sst s8  }
0x11: {  	[smem:$0x3FB5] =	sst s9;
	s0 =	simm.s32 @!p0 $0x0  }
0x12: {  	s1 =	sld [smem:$0x3F9B];
	s0 =	simm.s32 @p0 $0x1  }
0x13: {  	[smem:$0x3FB6] =	sst s0;
	s0 =	simm.s32 @!p1 $0x0  }
0x14: {  	s2 =	sld [smem:$0x3F9A];
	s0 =	simm.s32 @p1 $0x1  }
0x15: {  	[smem:$0x3FB7] =	sst s0;
	s0 =	simm.s32 @!p2 $0x0  }
0x16: {  	s3 =	sld [smem:$0x3FDB];
	s0 =	simm.s32 @p2 $0x1  }
0x17: {  	s4 =	simm.s32 $0x1BF5;
	[smem:$0x3FB9] =	sst s0  }
0x18: {  	s0 =	sld [smem:$0x3F9C];
	_ =	swait.ge [sflag:s4], $0x0  }
0x19: {  	s7 =	sld [smem:$0x3F9D]  }
0x1a: {  	s8 =	sadd.s32 $0xFFFFE003, lr  }
0x1b: {  	s9 =	sadd.s32 $0xFFFFFEF7, lr;
	s5 =	simm.s32 $0xFFFFFFFF;
	p2 =	slt.u32 s8, $0xFFFFF086  }
0x1c: {  	p1 =	slt.u32 s9, $0xF7A;
	s5 =	simm.s32 @!p2 $0x0  }
0x1d: {  	s5 =	simm.s32 @p1 $0x1;
	p0 =	seq.s32 s7, s2  }
0x1e: {  	s7 =	smul.u32 @!p0 $0xF7A, s2;
	p2 =	seq.s32 @!p0 s5, $0x0  }
0x1f: {  	s9 =	smul.u32 $0xF7A, s1;
	s8 =	simm.s32 @!p0 $0x1BF5;
	p2 =	por !p2, p0  }
0x20: {  	[sflag:s8] =	ssyncset.s32 @!p0 $0xFFFFF086;
	s6 =	sadd.s32 @!p0 s3, s7;
	s7 =	simm.s32 @!p0 $0x108  }
0x21: {  	s3 =	sadd.s32 s3, s9;
	s6 =	sadd.s32 @!p0 $0x88, s6;
	s7 =	simm.s32 @p2 $0x1082  }
0x22: {  	[simem:s7], [sflag:s8] =	dma.local @!p0 [hbm:s6], $0xF7A  }
0x23: {  	s9 =	sor.u32 $0xD0000000, s2;
	s6 =	simm.s32 $0x108;
	_ =	swait.ge @!p0 [sflag:s8], $0x0  }
0x24: {  	s3 =	sadd.s32 $0x88, s3;
	s6 =	simm.s32 @!p1 $0x1082;
	[sflag:s4] =	ssyncset.s32 $0xFFFFF086  }
0x25: {  	[simem:s6], [sflag:s4] =	dma.local [hbm:s3], $0xF7A  }
0x26: {  	[smem:$0x3F9D] =	sst s1;
	(tag) =	ssettag s2;
	_ =	strace s9  }
0x27: {  	s1 =	sld [smem:$0x3FAD]  }
0x28: {  	s2 =	sld [smem:$0x3FAE]  }
0x29: {  	s4 =	sld [smem:$0x3FB0]  }
0x2a: {  	p0 =	seq.s32 s5, $0x0;
	s5 =	sld [smem:$0x3FB1]  }
0x2b: {  	s6 =	sld [smem:$0x3FB2]  }
0x2c: {  	s7 =	sld [smem:$0x3FB3]  }
0x2d: {  	s3 =	simm.s32 $0x108;
	s8 =	sld [smem:$0x3FB4]  }
0x2e: {  	s3 =	simm.s32 @!p0 $0x1082;
	s9 =	sld [smem:$0x3FB5]  }
0x2f: {  	lr =	sadd.s32 s0, s3;
	s0 =	sld [smem:$0x3FAC]  }
0x30: {  	s3 =	sld [smem:$0x3FAF]  }
0x31: {  	[smem:$0x3FB8] =	sst s10  }
0x32: {  	s10 =	sld [smem:$0x3FB6];
	_ =	sdelay $0x3  }
0x33: {  	p0 =	seq.s32 s10, $0x1;
	s10 =	sld [smem:$0x3FB8];
	_ =	sdelay $0x3  }
0x34: {  	[smem:$0x3FB8] =	sst s10  }
0x35: {  	s10 =	sld [smem:$0x3FB7];
	_ =	sdelay $0x3  }
0x36: {  	p1 =	seq.s32 s10, $0x1;
	s10 =	sld [smem:$0x3FB8];
	_ =	sdelay $0x3  }
0x37: {  	[smem:$0x3FB8] =	sst s10  }
0x38: {  	s10 =	sld [smem:$0x3FB9]  }
0x39: {  	_ = 	snop;
	(pc) =	sbr.ind lr, $3  }
0x3a: {  	_ = 	snop  }
0x3b: {  	_ = 	snop  }
0x3c: {  	p2 =	seq.s32 s10, $0x1;
	s10 =	sld [smem:$0x3FB8]  }
0x3d: {  	_ =	shalt  }
0x3e: {  	_ =	shalt  }
0x3f: {  	_ =	shalt  }
0x40: {  	_ =	shalt  }
0x41: {  	_ =	shalt  }
0x42: {  	_ =	shalt  }
0x43: {  	_ =	shalt  }
0x44: {  	_ =	shalt  }
0x45: {  	_ =	shalt  }
0x46: {  	_ =	shalt  }
0x47: {  	_ =	shalt  }
0x48: {  	_ =	shalt  }
0x49: {  	_ =	shalt  }
0x4a: {  	_ =	shalt  }
0x4b: {  	_ =	shalt  }
0x4c: {  	_ =	shalt  }
0x4d: {  	_ =	shalt  }
0x4e: {  	_ =	shalt  }
0x4f: {  	_ =	shalt  }
0x50: {  	_ =	shalt  }
0x51: {  	_ =	shalt  }
0x52: {  	_ =	shalt  }
0x53: {  	_ =	shalt  }
0x54: {  	_ =	shalt  }
0x55: {  	_ =	shalt  }
0x56: {  	_ =	shalt  }
0x57: {  	_ =	shalt  }
0x58: {  	_ =	shalt  }
0x59: {  	_ =	shalt  }
0x5a: {  	_ =	shalt  }
0x5b: {  	_ =	shalt  }
0x5c: {  	_ =	shalt  }
0x5d: {  	_ =	shalt  }
0x5e: {  	_ =	shalt  }
0x5f: {  	_ =	shalt  }
0x60: {  	_ =	shalt  }
0x61: {  	_ =	shalt  }
0x62: {  	_ =	shalt  }
0x63: {  	_ =	shalt  }
0x64: {  	_ =	shalt  }
0x65: {  	_ =	shalt  }
0x66: {  	_ =	shalt  }
0x67: {  	_ =	shalt  }
0x68: {  	_ =	shalt  }
0x69: {  	_ =	shalt  }
0x6a: {  	_ =	shalt  }
0x6b: {  	_ =	shalt  }
0x6c: {  	_ =	shalt  }
0x6d: {  	_ =	shalt  }
0x6e: {  	_ =	shalt  }
0x6f: {  	_ =	shalt  }
0x70: {  	_ =	shalt  }
0x71: {  	_ =	shalt  }
0x72: {  	_ =	shalt  }
0x73: {  	_ =	shalt  }
0x74: {  	_ =	shalt  }
0x75: {  	_ =	shalt  }
0x76: {  	_ =	shalt  }
0x77: {  	_ =	shalt  }
0x78: {  	_ =	shalt  }
0x79: {  	_ =	shalt  }
0x7a: {  	_ =	shalt  }
0x7b: {  	_ =	shalt  }
0x7c: {  	_ =	shalt  }
0x7d: {  	_ =	shalt  }
0x7e: {  	_ =	shalt  }
0x7f: {  	_ =	shalt  }
0x80: {  	_ =	shalt  }
0x81: {  	_ =	shalt  }
0x82: {  	_ =	shalt  }
0x83: {  	_ =	shalt  }
0x84: {  	_ =	shalt  }
0x85: {  	_ =	shalt  }
0x86: {  	_ =	shalt  }
0x87: {  	_ =	shalt  }
.Lfunc_end0:
.L_simem_size_0:
called_computation_lowered:
.L_overlay_start_0:
0x88: {  	s2 =	sld [smem:$0x3FD9]  }
0x89: {  	s3 =	sld [smem:$0x3FFE];
	_ =	sdelay $0x1  }
0x8a: {  	s1 =	srdreg.scid  }
0x8b: {  	s0 =	sand.u32 $0x1, s1  }
0x8c: {  	s16 =	sshll.u32 s0, $0xA;
	s2 =	sadd.s32 s3, s2  }
0x8d: {  	s2 =	sadd.s32 s2, s16  }
0x8e: {  	[smem:$0x3FC4] =	sst s2  }
0x8f: {  	_ = 	snop  }
0x90: {  	(tm) =	ssettm $0x1  }
0x91: {  	s17 =	sld [smem:$0x3FFB];
	_ =	sdelay $0x3  }
0x92: {  	_ =	strace s17  }
0x93: {  	s2 =	sld [smem:$0x3FFC];
	_ =	sdelay $0x3  }
0x94: {  	_ =	strace s2  }
0x95: {  	s2 =	sld [smem:$0x3FFD];
	_ =	sdelay $0x3  }
0x96: {  	_ =	strace s2  }
0x97: {  	_ =	strace $0x8FFFFFFF  }
0x98: {  	s18 =	sld [smem:$0x3FDB];
	_ =	sdelay $0x1  }
0x99: {  	s19 =	simm.s32 $_scs_section_size  }
0x9a: {  	s4 =	simm.s32 $_size__tile_overlayer_lowered;
	s5 =	simm.s32 $_tile_overlayer_lowered  }
0x9b: {  	s22 =	simm.s32 $0x1BFF;
	s21 =	sshll.u32 s5, $0x1;
	s2 =	sadd.s32 s19, s18  }
0x9c: {  	s6 =	simm.s32 $0x0;
	s20 =	sshll.u32 s4, $0x1;
	s4 =	sadd.s32 s21, s2  }
0x9d: {  	[timem:s6], [sflag:s22] =	dma.local [hbm:s4], s20  }
0x9e: {  	_ =	swait.ge [sflag:s22], s20  }
0x9f: {  	s3 =	ssub.s32 $0x0, s20;
	[sflag:s22] =	ssyncset.done $0x0  }
0xa0: {  	[sflag:s22] =	ssyncadd.s32 s3;
	_ =	sdelay $0x1  }
0xa1: {  	s23 =	simm.s32 $0x1B8B  }
0xa2: {  	_ =	swait.ge [sflag:s23], $0x1  }
0xa3: {  	[sflag:s23] =	ssyncset.done $0x0  }
0xa4: {  	s25 =	simm.s32 $0x1B8E;
	s24 =	sld [smem:$0x3FFE];
	[sflag:s23] =	ssyncadd.s32 $0xFFFFFFFF  }
0xa5: {  	s26 =	simm.s32 $execute0_lowered;
	[smem:$0x3FD2] =	sst s25  }
0xa6: {  	s4 =	sshll.u32 s26, $0x1;
	_ =	strace $0x80000046;
	[dreg:$0x1] =	wrdreg $0xFFFFFFFF  }
0xa7: {  	s28 =	simm.s32 $_size_execute0_lowered;
	s2 =	sadd.s32 s2, s4;
	[dreg:$0x0] =	wrdreg $0x0  }
0xa8: {  	s4 =	sshll.u32 s28, $0x1;
	[dreg:$0x2] =	wrdreg s2  }
0xa9: {  	[dreg:$0x3] =	wrdreg s4  }
0xaa: {  	[dreg:$0x4] =	wrdreg $0xC0  }
0xab: {  	_ =	task [dreg:s6], $0x5FFFF  }
0xac: {  	[dreg:$0x1] =	wrdreg $0xFFFFFFFF  }
0xad: {  	[dreg:$0x0] =	wrdreg $0x60  }
0xae: {  	[dreg:$0x2] =	wrdreg s24  }
0xaf: {  	[dreg:$0x3] =	wrdreg $0x9  }
0xb0: {  	_ =	task.clear_ibuf [dreg:s6], $0x4FFFF;
	_ =	strace $0x90000046  }
0xb1: {  	s29 =	simm.s32 $0x9;
	_ =	strace $0x80000048  }
0xb2: {  	_ =	swait.ge [sflag:s29], $0x1  }
0xb3: {  	[sflag:s29] =	ssyncadd.s32 $0xFFFFFFFF  }
0xb4: {  	_ =	strace $0x90000048  }
0xb5: {  	_ =	sfence  }
0xb6: {  	s30 =	sld [smem:$0x0];
	_ =	sdelay $0x2  }
0xb7: {  	s31 =	sshll.u32 s1, $0xD;
	s1 =	sshrl.u32 s1, $0x2  }
0xb8: {  	s3 =	sand.u32 $0x4000, s31;
	s1 =	sadd.s32 s1, s30  }
0xb9: {  	s0 =	sor.u32 s3, s0;
	s1 =	sshll.u32 s1, $0x11  }
0xba: {  	s0 =	sor.u32 s1, s0  }
0xbb: {  	s0 =	sadd.s32 $0x8F2B, s0  }
0xbc: {  	[sflag:s0] =	ssyncadd.remote.s32 $0x1  }
0xbd: {  	_ =	sfence.sel $0xFFFF  }
0xbe: {  	[dreg:$0x0] =	wrdreg $0xFFFFFFFF;
	(pc) =	sbr.abs _section_cstart, $3  }
0xbf: {  	[dreg:$0x1] =	wrdreg $0xFFFFFFFF  }
0xc0: {  	_ =	task.clear_ibuf [dreg:s6], $0x2FFFF;
	_ =	strace $0x9FFFFFFF  }
0xc1: {  	(tm) =	ssettm $0x7FFFFFFF  }
tec
execute0_lowered:
.L_overlay_start_1:
0x0: {  	(tag) =	ssettag $0x1  }
0x1: {  	s3 =	rddreg [dreg:$0x0];
	s1 =	srdreg.scid  }
0x2: {  	s0 =	rddreg [dreg:$0x1];
	s4 =	sand.u32 $0x1, s1  }
0x3: {  	s2 =	simm.s32 $0x0;
	v1 =	vimm.s32 $0xEDCBA987;
	s1 =	stileid.u32;
	s5 =	sshll.u32 s4, $0x4  }
0x4: {  	v0 =	vlaneseq.u32;
	v2 =	vimm.s32 $0x65432100;
	v3 =	vimm.s32 $0xFFEDCBA9;
	s10 =	simm.s32 $0x2800;
	s11 =	simm.s32 $0x0;
	s5 =	sor.u32 s1, s5  }
0x5: {  	v4 =	vimm.s32 $0x87654321;
	vm0 =	vcmask $0x3F3C;
	[smem:$0x7FF] =	sst s2;
	v1 =	vunpack.c.l.s4.s8 v1;
	s4 =	ssub.s32 $0x2, s4;
	s6 =	smul.u32 $0x271, s5  }
0x6: {  	v2 =	vunpack.c.l.s4.s8 v2;
	v3 =	vunpack.c.l.s4.s8 v3;
	v4 =	vunpack.c.l.s4.s8 v4;
	_ =	strace $0x80000047;
	s8 =	sshrl.u32 s4, $0x1;
	s7 =	smul.u32 $0x480, s5  }
0x7: {  	v6 =	vmul.u32 $0xFFFFFFFF, v0;
	v5 =	vunpack.c.0.s8.s32 v1;
	v1 =	vimm.s32 $0x0;
	s5 =	sshll.u32 s5, $0x2;
	s8 =	ssub.s32 s4, s8;
	s6 =	sadd.s32 s6, s3  }
0x8: {  	v7 =	vunpack.c.0.s8.s32 v2;
	v8 =	vunpack.c.0.s8.s32 v3;
	v9 =	vunpack.c.0.s8.s32 v4;
	s9 =	sadd.s32 s5, s3;
	s7 =	sadd.s32 s7, s3;
	s3 =	sadd.s32 $0x5800, s6  }
0x9: {  	v2 =	vadd.s32 $0x1388, v6;
	v4 =	vor.u32 $0x80000000, v0;
	v5 =	vand.u32 $0xF, v5;
	s4 =	sadd.s32 $0x800, s6;
	s5 =	sadd.s32 $0xA800, s7;
	s6 =	sadd.s32 $0x13800, s9  }
0xa: {  	v6 =	vcombine.low v9, v8;
	v3 =	vcombine.low v7, v5;
	v5 =	vadd.s32 $0x1, v0;
	s7 =	smax.u32 s8, $0x1;
	s8 =	simm.s32 $0x1;
	s9 =	simm.s32 $0x4C00  }
.LBB2_1:
0xb: {  	[tilespmem:s2], [sflag:$0x1] =	stream.linear.gather [hbm4b:s3+s2], $0x1388, $0x38;
	[tilespmem:$0x4C80] =	vst v63  }
0xc: {  	_ =	swait.ge [sflag:s8], $0x1388  }
0xd: {  	[sflag:s8] =	ssyncset.done $0x0  }
0xe: {  	s12 =	simm.s32 $0x1400;
	[sflag:s8] =	ssyncadd.s32 $0xFFFFEC78  }
0xf: {  	[tilespmem:s12], [sflag:$0x1] =	stream.linear.gather [hbm4b:s4+s2], $0x1388, $0x38;
	[tilespmem:$0x4C80] =	vst v63  }
0x10: {  	_ =	swait.ge [sflag:s8], $0x1388  }
0x11: {  	[sflag:s8] =	ssyncset.done $0x0  }
0x12: {  	[sflag:s8] =	ssyncadd.s32 $0xFFFFEC78  }
0x13: {  	[tilespmem:$0x4C00] =	vst v1  }
0x14: {  	[tilespmem:$0x4C10] =	vst v1  }
0x15: {  	[tilespmem:$0x4C20] =	vst v1  }
0x16: {  	v8 =	vld [tilespmem:s2+$0x0]  }
0x17: {  	s13 =	simm.s32 $0x10;
	s14 =	simm.s32 $0x0;
	s15 =	simm.s32 $0x0;
	v7 =	vld [tilespmem:s12+$0x0]  }
.LBB2_2:
0x18: {  	p0 =	sne.s32 s13, $0x1380;
	_ =	sdelay $0x2  }
0x19: {  	v8 =	vshll.u32 v8, $0xE  }
0x1a: {  	v9 =	vmov s14;
	s14 =	smov.u32 s13;
	v7 =	vadd.s32 v7, v8  }
0x1b: {  	vm1 =	vlt.u32 v9, v2;
	v7 =	vxor.u32 $0x80000000, v7  }
0x1c: {  	v7 =	vnsel vm1, $0xFFFFFFFF, v7  }
0x1d: {  	(xrf1) =	vsort.ascd.msk.u32 $0xffff, v7, v0;
	_ =	sdelay $0xd  }
0x1e: {  	v7, _, _ =	vpop (xrf1)  }
0x1f: {  	v8 =	vxor.u32 $0x80000000, v7  }
0x20: {  	v9 =	vshra.s32 v8, $0xE  }
0x21: {  	v9 =	vmul.u32 $0x199A, v9;
	_ =	sdelay $0x1  }
0x22: {  	vm1 =	vne.s32 v7, $0xFFFFFFFF;
	v7 =	vshra.s32 v9, $0x15  }
0x23: {  	v7 =	vnsel vm1, $0x20, v7  }
0x24: {  	v9 =	vperm.xlane v7, v3;
	_ =	sdelay $0x1  }
0x25: {  	vm2 =	veq.s32 v7, v9  }
0x26: {  	v9 =	vsel vm2, $0x80000000, v4  }
0x27: {  	(xrf0) =	vmax.scan.msk.u32 $0xffff, v9;
	_ =	sdelay $0x1  }
0x28: {  	v9 =	vld.idx.msk [tilespmem:v7+s9+$0x0], $0xffff;
	_ =	sdelay $0x3  }
0x29: {  	v10, _, _ =	vpop (xrf0)  }
0x2a: {  	v10 =	vxor.u32 $0x7FFFFFFF, v10  }
0x2b: {  	vm2 =	vlt.s32 v7, $0x1F;
	v9 =	vadd.s32 v10, v9;
	v10 =	vperm.xlane v7, v6  }
0x2c: {  	v11 =	vnsel vm2, $0x1F, v7;
	v9 =	vadd.s32 v5, v9  }
0x2d: {  	v11 =	vmul.u32 $0x120, v11;
	vm2 =	vlt.s32 v9, $0x11F;
	vm3 =	vne.s32 v7, v10  }
0x2e: {  	v9 =	vnsel vm2, $0x11F, v9;
	vm2 =	vmor vm3, vm0  }
0x2f: {  	v10 =	vadd.s32 v11, v9;
	vm2 =	vmand vm1, vm2;
	_ =	sdelay $0x3  }
.Ltmp0:
0x30: {  	(pc) =	sbr.rel @p0 .LBB2_2-.Ltmp0, $4  }
0x31: {  	[tilespmem:v10+s10+$0x0] =	vst.idx.msk vm1, v8;
	v8 =	vadd.s32 $0x1, v9  }
0x32: {  	s15 =	sadd.s32 $0x10, s15;
	[tilespmem:v7+s9+$0x0] =	vst.idx.msk vm2, v8  }
0x33: {  	s12 =	sadd.s32 $0x10, s12;
	v8 =	vld [tilespmem:s15+$0x0]  }
0x34: {  	s13 =	sadd.s32 $0x10, s13;
	v7 =	vld [tilespmem:s12+$0x0]  }
0x35: {  	_ =	sdelay $0x2  }
0x36: {  	v8 =	vshll.u32 v8, $0xE  }
0x37: {  	v9 =	vmov s14;
	v7 =	vadd.s32 v7, v8  }
0x38: {  	vm1 =	vlt.u32 v9, v2;
	v7 =	vxor.u32 $0x80000000, v7  }
0x39: {  	v7 =	vnsel vm1, $0xFFFFFFFF, v7  }
0x3a: {  	(xrf1) =	vsort.ascd.msk.u32 $0xffff, v7, v0;
	_ =	sdelay $0xd  }
0x3b: {  	v7, _, _ =	vpop (xrf1)  }
0x3c: {  	v8 =	vxor.u32 $0x80000000, v7  }
0x3d: {  	v59 =	vshra.s32 v8, $0xE  }
0x3e: {  	v9 =	vmul.u32 $0x199A, v59;
	_ =	sdelay $0x1  }
0x3f: {  	vm1 =	vne.s32 v7, $0xFFFFFFFF;
	v7 =	vshra.s32 v9, $0x15  }
0x40: {  	v7 =	vnsel vm1, $0x20, v7  }
0x41: {  	v60 =	vperm.xlane v7, v3;
	_ =	sdelay $0x1  }
0x42: {  	vm2 =	veq.s32 v7, v60  }
0x43: {  	v9 =	vsel vm2, $0x80000000, v4  }
0x44: {  	(xrf0) =	vmax.scan.msk.u32 $0xffff, v9;
	_ =	sdelay $0x2  }
0x45: {  	v61 =	vld.idx.msk [tilespmem:v7+s9+$0x0], $0xffff;
	_ =	sdelay $0x2  }
0x46: {  	v10, _, _ =	vpop (xrf0)  }
0x47: {  	v10 =	vxor.u32 $0x7FFFFFFF, v10  }
0x48: {  	v62 =	vperm.xlane v7, v6;
	vm2 =	vlt.s32 v7, $0x1F;
	v9 =	vadd.s32 v10, v61  }
0x49: {  	v11 =	vnsel vm2, $0x1F, v7;
	v9 =	vadd.s32 v5, v9  }
0x4a: {  	vm3 =	vne.s32 v7, v62;
	v11 =	vmul.u32 $0x120, v11;
	vm2 =	vlt.s32 v9, $0x11F  }
0x4b: {  	v9 =	vnsel vm2, $0x11F, v9;
	vm2 =	vmor vm3, vm0  }
0x4c: {  	v63 =	vadd.s32 v11, v9;
	vm2 =	vmand vm1, vm2;
	_ =	sdelay $0x4  }
0x4d: {  	[tilespmem:v63+s10+$0x0] =	vst.idx.msk vm1, v8;
	v8 =	vadd.s32 $0x1, v9  }
0x4e: {  	[tilespmem:v7+s9+$0x0] =	vst.idx.msk vm2, v8  }
0x4f: {  	[hbm4b:s5+s2] =	stream.linear.scatter [tilespmem:s10], [sflag:$0x1], $0x2400, $0x38;
	[tilespmem:$0x4C80] =	vst v63  }
0x50: {  	s11 =	sadd.s32 $0x1, s11;
	_ =	swait.ge [sflag:s8], $0x2400  }
0x51: {  	p0 =	sne.s32 s11, s7;
	[sflag:s8] =	ssyncset.done $0x0  }
.Ltmp1:
0x52: {  	[sflag:s8] =	ssyncadd.s32 $0xFFFFDC00;
	(pc) =	sbr.rel @p0 .LBB2_1-.Ltmp1, $4  }
0x53: {  	[hbm4b:s6+s2] =	stream.linear.scatter [tilespmem:s9], [sflag:$0x1], $0x20, $0x38;
	[tilespmem:$0x4C80] =	vst v63  }
0x54: {  	_ =	swait.ge [sflag:s8], $0x20  }
0x55: {  	[sflag:s8] =	ssyncset.done $0x0  }
0x56: {  	[sflag:s8] =	ssyncadd.s32 $0xFFFFFFE0  }
0x57: {  	_ =	sfence.sel $0x180000  }
0x58: {  	[bflag:$0x0] =	sbarrier.arrive $0xFFFF  }
0x59: {  	p0 =	sne.s32 s1, $0x0;
	_ =	strace $0x90000047  }
0x5a: {  	s0 =	sadd.s32 @!p0 $0x100000, s0;
	[bflag:$0x2] =	sbarrier.arrive $0xFFFF  }
0x5b: {  	[sflag:s0] =	ssyncadd.tile.s32 @!p0 $0x1;
	_ =	shalt  }
.Lfunc_end2:
_tile_overlayer_lowered:
.L_overlay_start_2:
0x5c: {  	(tag) =	ssettag $0x2  }
0x5d: {  	s0 =	rddreg [dreg:$0x0];
	s2 =	stileid.u32  }
0x5e: {  	s1 =	rddreg [dreg:$0x1];
	p0 =	sne.s32 s2, $0x0  }
0x5f: {  	s3 =	rddreg [dreg:$0x2];
	[bflag:$0x3] =	sbarrier.arrive $0xFFFF;
	s2 =	simm.s32 @!p0 $0x1C01  }
0x60: {  	[timem:s3], [sflag:s2] =	dma.local @!p0 [hbm:s0], s1  }
0x61: {  	s0 =	simm.s32 @!p0 $0x1  }
0x62: {  	_ =	swait.ge @!p0 [sflag:s0], s1  }
0x63: {  	s1 =	ssub.s32 @!p0 $0x0, s1;
	[sflag:s0] =	ssyncset.done @!p0 $0x0  }
0x64: {  	[sflag:s0] =	ssyncadd.s32 @!p0 s1  }
0x65: {  	[bflag:$0x3] =	sbarrier.arrive $0xFFFF  }
0x66: {  	_ =	shalt  }

// kernel: kernel.8.cloned.1.call-start
scs
__scs_entry_jumppad:
0x0: {  	(pc) =	sbr.rel $0x88, $3  }
0x1: {  	(tag) =	ssettag $0x0;
	lr =	simm.s32 $0x1  }
0x2: {  	[smem:$0x3F9D] =	sst lr;
	_ =	strace $0xD0000000  }
0x3: {  	_ = 	snop  }
0x4: {  	_ = 	snop  }
0x5: {  	_ = 	snop  }
0x6: {  	_ = 	snop  }
0x7: {  	_ = 	snop  }
__scs_overlays_trampoline_lowered:
0x8: {  	[smem:$0x3FAC] =	sst s0  }
0x9: {  	[smem:$0x3FAD] =	sst s1  }
0xa: {  	[smem:$0x3FAE] =	sst s2  }
0xb: {  	[smem:$0x3FAF] =	sst s3  }
0xc: {  	[smem:$0x3FB0] =	sst s4  }
0xd: {  	[smem:$0x3FB1] =	sst s5  }
0xe: {  	[smem:$0x3FB2] =	sst s6  }
0xf: {  	[smem:$0x3FB3] =	sst s7  }
0x10: {  	[smem:$0x3FB4] =	sst s8  }
0x11: {  	[smem:$0x3FB5] =	sst s9;
	s0 =	simm.s32 @!p0 $0x0  }
0x12: {  	s1 =	sld [smem:$0x3F9B];
	s0 =	simm.s32 @p0 $0x1  }
0x13: {  	[smem:$0x3FB6] =	sst s0;
	s0 =	simm.s32 @!p1 $0x0  }
0x14: {  	s2 =	sld [smem:$0x3F9A];
	s0 =	simm.s32 @p1 $0x1  }
0x15: {  	[smem:$0x3FB7] =	sst s0;
	s0 =	simm.s32 @!p2 $0x0  }
0x16: {  	s3 =	sld [smem:$0x3FDB];
	s0 =	simm.s32 @p2 $0x1  }
0x17: {  	s4 =	simm.s32 $0x1BF5;
	[smem:$0x3FB9] =	sst s0  }
0x18: {  	s0 =	sld [smem:$0x3F9C];
	_ =	swait.ge [sflag:s4], $0x0  }
0x19: {  	s7 =	sld [smem:$0x3F9D]  }
0x1a: {  	s8 =	sadd.s32 $0xFFFFE003, lr  }
0x1b: {  	s9 =	sadd.s32 $0xFFFFFEF7, lr;
	s5 =	simm.s32 $0xFFFFFFFF;
	p2 =	slt.u32 s8, $0xFFFFF086  }
0x1c: {  	p1 =	slt.u32 s9, $0xF7A;
	s5 =	simm.s32 @!p2 $0x0  }
0x1d: {  	s5 =	simm.s32 @p1 $0x1;
	p0 =	seq.s32 s7, s2  }
0x1e: {  	s7 =	smul.u32 @!p0 $0xF7A, s2;
	p2 =	seq.s32 @!p0 s5, $0x0  }
0x1f: {  	s9 =	smul.u32 $0xF7A, s1;
	s8 =	simm.s32 @!p0 $0x1BF5;
	p2 =	por !p2, p0  }
0x20: {  	[sflag:s8] =	ssyncset.s32 @!p0 $0xFFFFF086;
	s6 =	sadd.s32 @!p0 s3, s7;
	s7 =	simm.s32 @!p0 $0x108  }
0x21: {  	s3 =	sadd.s32 s3, s9;
	s6 =	sadd.s32 @!p0 $0x88, s6;
	s7 =	simm.s32 @p2 $0x1082  }
0x22: {  	[simem:s7], [sflag:s8] =	dma.local @!p0 [hbm:s6], $0xF7A  }
0x23: {  	s9 =	sor.u32 $0xD0000000, s2;
	s6 =	simm.s32 $0x108;
	_ =	swait.ge @!p0 [sflag:s8], $0x0  }
0x24: {  	s3 =	sadd.s32 $0x88, s3;
	s6 =	simm.s32 @!p1 $0x1082;
	[sflag:s4] =	ssyncset.s32 $0xFFFFF086  }
0x25: {  	[simem:s6], [sflag:s4] =	dma.local [hbm:s3], $0xF7A  }
0x26: {  	[smem:$0x3F9D] =	sst s1;
	(tag) =	ssettag s2;
	_ =	strace s9  }
0x27: {  	s1 =	sld [smem:$0x3FAD]  }
0x28: {  	s2 =	sld [smem:$0x3FAE]  }
0x29: {  	s4 =	sld [smem:$0x3FB0]  }
0x2a: {  	p0 =	seq.s32 s5, $0x0;
	s5 =	sld [smem:$0x3FB1]  }
0x2b: {  	s6 =	sld [smem:$0x3FB2]  }
0x2c: {  	s7 =	sld [smem:$0x3FB3]  }
0x2d: {  	s3 =	simm.s32 $0x108;
	s8 =	sld [smem:$0x3FB4]  }
0x2e: {  	s3 =	simm.s32 @!p0 $0x1082;
	s9 =	sld [smem:$0x3FB5]  }
0x2f: {  	lr =	sadd.s32 s0, s3;
	s0 =	sld [smem:$0x3FAC]  }
0x30: {  	s3 =	sld [smem:$0x3FAF]  }
0x31: {  	[smem:$0x3FB8] =	sst s10  }
0x32: {  	s10 =	sld [smem:$0x3FB6];
	_ =	sdelay $0x3  }
0x33: {  	p0 =	seq.s32 s10, $0x1;
	s10 =	sld [smem:$0x3FB8];
	_ =	sdelay $0x3  }
0x34: {  	[smem:$0x3FB8] =	sst s10  }
0x35: {  	s10 =	sld [smem:$0x3FB7];
	_ =	sdelay $0x3  }
0x36: {  	p1 =	seq.s32 s10, $0x1;
	s10 =	sld [smem:$0x3FB8];
	_ =	sdelay $0x3  }
0x37: {  	[smem:$0x3FB8] =	sst s10  }
0x38: {  	s10 =	sld [smem:$0x3FB9]  }
0x39: {  	_ = 	snop;
	(pc) =	sbr.ind lr, $3  }
0x3a: {  	_ = 	snop  }
0x3b: {  	_ = 	snop  }
0x3c: {  	p2 =	seq.s32 s10, $0x1;
	s10 =	sld [smem:$0x3FB8]  }
0x3d: {  	_ =	shalt  }
0x3e: {  	_ =	shalt  }
0x3f: {  	_ =	shalt  }
0x40: {  	_ =	shalt  }
0x41: {  	_ =	shalt  }
0x42: {  	_ =	shalt  }
0x43: {  	_ =	shalt  }
0x44: {  	_ =	shalt  }
0x45: {  	_ =	shalt  }
0x46: {  	_ =	shalt  }
0x47: {  	_ =	shalt  }
0x48: {  	_ =	shalt  }
0x49: {  	_ =	shalt  }
0x4a: {  	_ =	shalt  }
0x4b: {  	_ =	shalt  }
0x4c: {  	_ =	shalt  }
0x4d: {  	_ =	shalt  }
0x4e: {  	_ =	shalt  }
0x4f: {  	_ =	shalt  }
0x50: {  	_ =	shalt  }
0x51: {  	_ =	shalt  }
0x52: {  	_ =	shalt  }
0x53: {  	_ =	shalt  }
0x54: {  	_ =	shalt  }
0x55: {  	_ =	shalt  }
0x56: {  	_ =	shalt  }
0x57: {  	_ =	shalt  }
0x58: {  	_ =	shalt  }
0x59: {  	_ =	shalt  }
0x5a: {  	_ =	shalt  }
0x5b: {  	_ =	shalt  }
0x5c: {  	_ =	shalt  }
0x5d: {  	_ =	shalt  }
0x5e: {  	_ =	shalt  }
0x5f: {  	_ =	shalt  }
0x60: {  	_ =	shalt  }
0x61: {  	_ =	shalt  }
0x62: {  	_ =	shalt  }
0x63: {  	_ =	shalt  }
0x64: {  	_ =	shalt  }
0x65: {  	_ =	shalt  }
0x66: {  	_ =	shalt  }
0x67: {  	_ =	shalt  }
0x68: {  	_ =	shalt  }
0x69: {  	_ =	shalt  }
0x6a: {  	_ =	shalt  }
0x6b: {  	_ =	shalt  }
0x6c: {  	_ =	shalt  }
0x6d: {  	_ =	shalt  }
0x6e: {  	_ =	shalt  }
0x6f: {  	_ =	shalt  }
0x70: {  	_ =	shalt  }
0x71: {  	_ =	shalt  }
0x72: {  	_ =	shalt  }
0x73: {  	_ =	shalt  }
0x74: {  	_ =	shalt  }
0x75: {  	_ =	shalt  }
0x76: {  	_ =	shalt  }
0x77: {  	_ =	shalt  }
0x78: {  	_ =	shalt  }
0x79: {  	_ =	shalt  }
0x7a: {  	_ =	shalt  }
0x7b: {  	_ =	shalt  }
0x7c: {  	_ =	shalt  }
0x7d: {  	_ =	shalt  }
0x7e: {  	_ =	shalt  }
0x7f: {  	_ =	shalt  }
0x80: {  	_ =	shalt  }
0x81: {  	_ =	shalt  }
0x82: {  	_ =	shalt  }
0x83: {  	_ =	shalt  }
0x84: {  	_ =	shalt  }
0x85: {  	_ =	shalt  }
0x86: {  	_ =	shalt  }
0x87: {  	_ =	shalt  }
.Lfunc_end0:
.L_simem_size_0:
called_computation.1_lowered:
.L_overlay_start_0:
0x88: {  	s2 =	sld [smem:$0x3FD9]  }
0x89: {  	s3 =	sld [smem:$0x3FFE];
	_ =	sdelay $0x1  }
0x8a: {  	s1 =	srdreg.scid  }
0x8b: {  	s0 =	sand.u32 $0x1, s1  }
0x8c: {  	s17 =	sshll.u32 s0, $0xA;
	s2 =	sadd.s32 s3, s2  }
0x8d: {  	s2 =	sadd.s32 s2, s17  }
0x8e: {  	[smem:$0x3FC4] =	sst s2  }
0x8f: {  	_ = 	snop  }
0x90: {  	s2 =	sld [smem:$0x3FD0];
	(tm) =	ssettm $0x1  }
0x91: {  	s18 =	sld [smem:$0x3FFB];
	_ =	sdelay $0x3  }
0x92: {  	_ =	strace s18  }
0x93: {  	s3 =	sld [smem:$0x3FFC];
	_ =	sdelay $0x3  }
0x94: {  	_ =	strace s3  }
0x95: {  	s3 =	sld [smem:$0x3FFD];
	_ =	sdelay $0x3  }
0x96: {  	_ =	strace s3  }
0x97: {  	_ =	strace $0x8FFFFFFF  }
0x98: {  	s19 =	sld [smem:$0x3FDB];
	_ =	sdelay $0x1  }
0x99: {  	s4 =	simm.s32 $_scs_section_size  }
0x9a: {  	s5 =	simm.s32 $_size__tile_overlayer_lowered;
	s6 =	simm.s32 $_tile_overlayer_lowered  }
0x9b: {  	s22 =	simm.s32 $0x1BFF;
	s21 =	sshll.u32 s6, $0x1;
	s3 =	sadd.s32 s4, s19  }
0x9c: {  	s7 =	simm.s32 $0x0;
	s20 =	sshll.u32 s5, $0x1;
	s5 =	sadd.s32 s21, s3  }
0x9d: {  	[timem:s7], [sflag:s22] =	dma.local [hbm:s5], s20  }
0x9e: {  	_ =	swait.ge [sflag:s22], s20  }
0x9f: {  	s4 =	ssub.s32 $0x0, s20;
	[sflag:s22] =	ssyncset.done $0x0  }
0xa0: {  	[sflag:s22] =	ssyncadd.s32 s4;
	_ =	sdelay $0x1  }
0xa1: {  	s23 =	simm.s32 $0x1B8B  }
0xa2: {  	_ =	swait.ge [sflag:s23], $0x1  }
0xa3: {  	[sflag:s23] =	ssyncset.done $0x0  }
0xa4: {  	s25 =	simm.s32 $0x1B8E;
	s24 =	sld [smem:$0x3FFE];
	[sflag:s23] =	ssyncadd.s32 $0xFFFFFFFF  }
0xa5: {  	s26 =	simm.s32 $execute0_lowered;
	[smem:$0x3FD2] =	sst s25  }
0xa6: {  	s5 =	sshll.u32 s26, $0x1;
	_ =	strace $0x80000049;
	[dreg:$0x1] =	wrdreg $0xFFFFFFFF  }
0xa7: {  	s28 =	simm.s32 $_size_execute0_lowered;
	s3 =	sadd.s32 s3, s5;
	[dreg:$0x0] =	wrdreg $0x0  }
0xa8: {  	s5 =	sshll.u32 s28, $0x1;
	[dreg:$0x2] =	wrdreg s3  }
0xa9: {  	[dreg:$0x3] =	wrdreg s5  }
0xaa: {  	[dreg:$0x4] =	wrdreg $0xC0  }
0xab: {  	_ =	task [dreg:s7], $0x5FFFF  }
0xac: {  	[dreg:$0x1] =	wrdreg $0xFFFFFFFF  }
0xad: {  	[dreg:$0x0] =	wrdreg $0x60  }
0xae: {  	[dreg:$0x2] =	wrdreg s24  }
0xaf: {  	[dreg:$0x3] =	wrdreg s2  }
0xb0: {  	[dreg:$0x4] =	wrdreg $0x9  }
0xb1: {  	_ =	task.clear_ibuf [dreg:s7], $0x5FFFF;
	_ =	strace $0x90000049  }
0xb2: {  	s29 =	simm.s32 $0x9;
	_ =	strace $0x8000004B  }
0xb3: {  	_ =	swait.ge [sflag:s29], $0x1  }
0xb4: {  	[sflag:s29] =	ssyncadd.s32 $0xFFFFFFFF  }
0xb5: {  	_ =	strace $0x9000004B  }
0xb6: {  	_ =	sfence  }
0xb7: {  	s30 =	sld [smem:$0x0];
	_ =	sdelay $0x2  }
0xb8: {  	s31 =	sshll.u32 s1, $0xD;
	s1 =	sshrl.u32 s1, $0x2  }
0xb9: {  	s3 =	sand.u32 $0x4000, s31;
	s1 =	sadd.s32 s1, s30  }
0xba: {  	s0 =	sor.u32 s3, s0;
	s1 =	sshll.u32 s1, $0x11  }
0xbb: {  	s0 =	sor.u32 s1, s0  }
0xbc: {  	s0 =	sadd.s32 $0x8F2B, s0  }
0xbd: {  	[sflag:s0] =	ssyncadd.remote.s32 $0x1  }
0xbe: {  	_ =	sfence.sel $0xFFFF  }
0xbf: {  	[dreg:$0x0] =	wrdreg $0xFFFFFFFF;
	(pc) =	sbr.abs _section_cstart, $3  }
0xc0: {  	[dreg:$0x1] =	wrdreg $0xFFFFFFFF  }
0xc1: {  	_ =	task.clear_ibuf [dreg:s7], $0x2FFFF;
	_ =	strace $0x9FFFFFFF  }
0xc2: {  	(tm) =	ssettm $0x7FFFFFFF  }
0xc3: {  	_ =	shalt  }
tec
execute0_lowered:
.L_overlay_start_1:
0x0: {  	(tag) =	ssettag $0x1  }
0x1: {  	s0 =	srdreg.scid;
	s1 =	rddreg [dreg:$0x0]  }
0x2: {  	s2 =	stileid.u32;
	s3 =	simm.s32 $0x0;
	s14 =	simm.s32 $0x2780  }
0x3: {  	s16 =	simm.s32 $0x4F80;
	s17 =	simm.s32 $0x3;
	s18 =	simm.s32 $0x1  }
0x4: {  	s19 =	simm.s32 $0xD580;
	s20 =	simm.s32 $0xD700;
	s21 =	simm.s32 $0xD880  }
0x5: {  	s22 =	simm.s32 $0x7780;
	s28 =	simm.s32 $0xDB80;
	s29 =	simm.s32 $0xBE00  }
0x6: {  	s30 =	simm.s32 $0x2;
	s0 =	sand.u32 $0x1, s0;
	s5 =	smul.u32 $0x120, s2  }
0x7: {  	[smem:$0x7FF] =	sst s3;
	s6 =	sadd.s32 $0x13800, s1;
	s24 =	sadd.s32 $0x14200, s1  }
0x8: {  	v1 =	vimm.s32 $0x65432100;
	s26 =	sadd.s32 $0x13C00, s1;
	_ =	strace $0x8000004A;
	[dreg:$0x3] =	wrdreg s6  }
0x9: {  	v2 =	vimm.s32 $0xEDCBA987;
	v4 =	vimm.s32 $0x87654321;
	s31 =	sadd.s32 $0x13A00, s1;
	s4 =	smul.u32 $0x1200, s0;
	[dreg:$0x4] =	wrdreg s24  }
0xa: {  	vm0 =	vcmask $0x3F3C;
	vm1 =	vcmask $0x3F04;
	v11 =	vimm.f32 $-3.399999950e+38;
	s23 =	sshll.u32 s0, $0x4;
	s0 =	ssub.s32 $0x2, s0;
	[dreg:$0x5] =	wrdreg s26  }
0xb: {  	v3 =	vunpack.c.l.s4.s8 v2;
	v2 =	vimm.s32 $0xFFEDCBA9;
	v5 =	vunpack.c.l.s4.s8 v1;
	[dreg:$0x6] =	wrdreg s31;
	s24 =	simm.s32 $0xA680;
	s26 =	simm.s32 $0xDA00  }
0xc: {  	v4 =	vunpack.c.l.s4.s8 v4;
	v1 =	vimm.s32 $0x0;
	v6 =	vunpack.c.l.s4.s8 v2;
	s7 =	sshrl.u32 s0, $0x1;
	s4 =	sadd.s32 s5, s4;
	s5 =	sor.u32 s2, s23  }
0xd: {  	v2 =	vimm.s32 $0xFFFFFFFF;
	v7 =	vunpack.c.0.s8.s32 v3;
	v5 =	vunpack.c.0.s8.s32 v5;
	s0 =	ssub.s32 s0, s7;
	s2 =	simm.s32 $0x4;
	s25 =	smul.u32 $0x1400, s5  }
0xe: {  	v9 =	vunpack.c.0.s8.s32 v4;
	v4 =	vlaneseq.u32;
	v8 =	vunpack.c.0.s8.s32 v6;
	s23 =	simm.s32 $0x8F00;
	s4 =	sshrl.u32 s4, $0x3;
	s8 =	smul.u32 $0x140, s5  }
0xf: {  	v3 =	vimm.f32 $0.0e+00;
	v10 =	vadd.s32 $0x1, v4;
	s0 =	smax.u32 s0, $0x1;
	v6 =	vand.u32 $0xF, v7;
	s4 =	sadd.s32 s4, s1;
	s1 =	sadd.s32 s25, s1  }
0x10: {  	[dreg:$0x8] =	wrdreg s0;
	v5 =	vcombine.low v5, v6;
	v6 =	vor.u32 $0x80000000, v4;
	v7 =	vcombine.low v9, v8;
	s12 =	sadd.s32 $0xA800, s4;
	s1 =	sadd.s32 $0x14800, s1  }
0x11: {  	v8 =	vadd.s32 $0x2, v4;
	v9 =	vimm.s32 $0x140;
	v0 =	vmov s8;
	s25 =	simm.s32 $0xDD00;
	[dreg:$0x7] =	wrdreg s1;
	s1 =	simm.s32 $0x0  }
.LBB2_1:
0x12: {  	[dreg:$0x9] =	wrdreg s1  }
0x13: {  	s0 =	rddreg [dreg:$0x4]  }
0x14: {  	[tilespmem:s3], [sflag:$0x4] =	stream.linear.gather [hbm4b:s0+s3], $0x2780, $0x38;
	[tilespmem:$0x1E580] =	vst v63  }
0x15: {  	_ =	swait.ge [sflag:s2], $0x2780  }
0x16: {  	[sflag:s2] =	ssyncset.done $0x0  }
0x17: {  	s11 =	rddreg [dreg:$0x5];
	[sflag:s2] =	ssyncadd.s32 $0xFFFFD880  }
0x18: {  	[tilespmem:s14], [sflag:$0x4] =	stream.linear.gather [hbm4b:s11+s3], $0x2780, $0x38;
	[tilespmem:$0x1E580] =	vst v63  }
0x19: {  	_ =	swait.ge [sflag:s2], $0x2780  }
0x1a: {  	[sflag:s2] =	ssyncset.done $0x0  }
0x1b: {  	s15 =	simm.s32 $0x4F00;
	s13 =	rddreg [dreg:$0x6];
	[sflag:s2] =	ssyncadd.s32 $0xFFFFD880  }
0x1c: {  	[tilespmem:s15], [sflag:$0x4] =	stream.linear.gather [hbm4b:s13+s3], $0x80, $0x38;
	[tilespmem:$0x1E580] =	vst v63  }
0x1d: {  	_ =	swait.ge [sflag:s2], $0x80  }
0x1e: {  	[sflag:s2] =	ssyncset.done $0x0  }
0x1f: {  	s31 =	rddreg [dreg:$0x3];
	[sflag:s2] =	ssyncadd.s32 $0xFFFFFF80  }
0x20: {  	[tilespmem:s16], [sflag:$0x4] =	stream.linear.gather [hbm4b:s31+s3], $0x400, $0x38;
	[tilespmem:$0x1E580] =	vst v63  }
0x21: {  	_ =	swait.ge [sflag:s2], $0x400  }
0x22: {  	s1 =	simm.s32 $0x5380;
	[sflag:s2] =	ssyncset.done $0x0  }
0x23: {  	s4 =	sadd.s32 $0x0, s12;
	s0 =	simm.s32 $0x480;
	[sflag:s2] =	ssyncadd.s32 $0xFFFFFC00  }
.LBB2_2:
0x24: {  	[tilespmem:s1], [sflag:$0x3] =	stream.linear.gather [hbm4b:s4+s3], $0x120, $0x38;
	[tilespmem:$0x1E580] =	vst v63  }
0x25: {  	s4 =	smov.u32 s0;
	p0 =	sne.s32 s0, $0x8B80  }
.Ltmp0:
0x26: {  	s0 =	sadd.s32 $0x480, s0;
	(pc) =	sbr.rel @p0 .LBB2_2-.Ltmp0, $3  }
0x27: {  	_ =	sdelay $0x1  }
0x28: {  	s1 =	sshra.s32 s4, $0x2  }
0x29: {  	s4 =	sadd.s32 s4, s12;
	s1 =	sadd.s32 $0x5380, s1  }
0x2a: {  	[tilespmem:s1], [sflag:$0x3] =	stream.linear.gather [hbm4b:s4+s3], $0x120, $0x38;
	[tilespmem:$0x1E580] =	vst v63  }
0x2b: {  	[tilespmem:$0xD580] =	vst v1  }
0x2c: {  	[tilespmem:$0xD590] =	vst v1  }
0x2d: {  	[tilespmem:$0xD5A0] =	vst v1  }
0x2e: {  	[tilespmem:$0xD5B0] =	vst v1  }
0x2f: {  	[tilespmem:$0xD5C0] =	vst v1  }
0x30: {  	[tilespmem:$0xD5D0] =	vst v1  }
0x31: {  	[tilespmem:$0xD5E0] =	vst v1  }
0x32: {  	[tilespmem:$0xD5F0] =	vst v1  }
0x33: {  	[tilespmem:$0xD600] =	vst v1  }
0x34: {  	[tilespmem:$0xD610] =	vst v1  }
0x35: {  	[tilespmem:$0xD620] =	vst v1  }
0x36: {  	[tilespmem:$0xD630] =	vst v1  }
0x37: {  	[tilespmem:$0xD640] =	vst v1  }
0x38: {  	[tilespmem:$0xD650] =	vst v1  }
0x39: {  	[tilespmem:$0xD660] =	vst v1  }
0x3a: {  	[tilespmem:$0xD670] =	vst v1  }
0x3b: {  	[tilespmem:$0xD680] =	vst v1  }
0x3c: {  	[tilespmem:$0xD690] =	vst v1  }
0x3d: {  	[tilespmem:$0xD6A0] =	vst v1  }
0x3e: {  	[tilespmem:$0xD6B0] =	vst v1  }
0x3f: {  	s0 =	simm.s32 $0x0;
	s1 =	simm.s32 $0x40;
	s4 =	simm.s32 $0x0;
	[tilespmem:$0xD6C0] =	vst v1  }
.LBB2_4:
0x40: {  	p0 =	sne.s32 s1, $0x9C00;
	[tilespmem:s4+$0xDD00] =	vst v2;
	s4 =	smov.u32 s1;
	s1 =	sadd.s32 $0x40, s1  }
.Ltmp1:
0x41: {  	(pc) =	sbr.rel @p0 .LBB2_4-.Ltmp1, $2  }
0x42: {  	_ =	sdelay $0x2  }
0x43: {  	s4 =	sshra.s32 s4, $0x2  }
0x44: {  	[tilespmem:s4+$0xDD00] =	vst v2  }
.LBB2_6:
0x45: {  	p0 =	sne.s32 s0, $0x5DC0  }
.Ltmp2:
0x46: {  	_ = 	snop;
	(pc) =	sbr.rel @p0 .LBB2_6-.Ltmp2, $3  }
0x47: {  	_ =	sdelay $0x1  }
0x48: {  	s1 =	sshra.s32 s0, $0x2  }
0x49: {  	s0 =	sadd.s32 $0x40, s0;
	[tilespmem:s1+$0x8F00] =	vst v1  }
0x4a: {  	s0 =	simm.s32 $0x0;
	s1 =	simm.s32 $0x200  }
.LBB2_8:
0x4b: {  	p0 =	sne.s32 s1, $0x27E00;
	[tilespmem:s0+$0x145F0] =	vst v3  }
0x4c: {  	[tilespmem:s0+$0x14580] =	vst v3  }
0x4d: {  	[tilespmem:s0+$0x14590] =	vst v3  }
.Ltmp3:
0x4e: {  	[tilespmem:s0+$0x145A0] =	vst v3;
	(pc) =	sbr.rel @p0 .LBB2_8-.Ltmp3, $4  }
0x4f: {  	[tilespmem:s0+$0x145B0] =	vst v3  }
0x50: {  	[tilespmem:s0+$0x145C0] =	vst v3  }
0x51: {  	[tilespmem:s0+$0x145D0] =	vst v3  }
0x52: {  	[tilespmem:s0+$0x145E0] =	vst v3;
	s0 =	sshra.s32 s1, $0x2;
	s1 =	sadd.s32 $0x200, s1  }
0x53: {  	[tilespmem:s0+$0x145F0] =	vst v3  }
0x54: {  	[tilespmem:s0+$0x14580] =	vst v3  }
0x55: {  	[tilespmem:s0+$0x14590] =	vst v3  }
0x56: {  	[tilespmem:s0+$0x145A0] =	vst v3  }
0x57: {  	[tilespmem:s0+$0x145B0] =	vst v3  }
0x58: {  	[tilespmem:s0+$0x145C0] =	vst v3  }
0x59: {  	[tilespmem:s0+$0x145D0] =	vst v3  }
0x5a: {  	[tilespmem:s0+$0x145E0] =	vst v3  }
0x5b: {  	_ =	swait.ge [sflag:s17], $0x120  }
0x5c: {  	[sflag:s17] =	ssyncset.done $0x0  }
0x5d: {  	[sflag:s17] =	ssyncadd.s32 $0xFFFFFEE0  }
0x5e: {  	_ =	swait.ge [sflag:s17], $0x120  }
0x5f: {  	[sflag:s17] =	ssyncset.done $0x0  }
0x60: {  	[sflag:s17] =	ssyncadd.s32 $0xFFFFFEE0  }
0x61: {  	_ =	swait.ge [sflag:s17], $0x120  }
0x62: {  	[sflag:s17] =	ssyncset.done $0x0  }
0x63: {  	[sflag:s17] =	ssyncadd.s32 $0xFFFFFEE0  }
0x64: {  	_ =	swait.ge [sflag:s17], $0x120  }
0x65: {  	[sflag:s17] =	ssyncset.done $0x0  }
0x66: {  	[sflag:s17] =	ssyncadd.s32 $0xFFFFFEE0  }
0x67: {  	_ =	swait.ge [sflag:s17], $0x120  }
0x68: {  	[sflag:s17] =	ssyncset.done $0x0  }
0x69: {  	[sflag:s17] =	ssyncadd.s32 $0xFFFFFEE0  }
0x6a: {  	_ =	swait.ge [sflag:s17], $0x120  }
0x6b: {  	[sflag:s17] =	ssyncset.done $0x0  }
0x6c: {  	[sflag:s17] =	ssyncadd.s32 $0xFFFFFEE0  }
0x6d: {  	_ =	swait.ge [sflag:s17], $0x120  }
0x6e: {  	[sflag:s17] =	ssyncset.done $0x0  }
0x6f: {  	[sflag:s17] =	ssyncadd.s32 $0xFFFFFEE0  }
0x70: {  	_ =	swait.ge [sflag:s17], $0x120  }
0x71: {  	[sflag:s17] =	ssyncset.done $0x0  }
0x72: {  	[sflag:s17] =	ssyncadd.s32 $0xFFFFFEE0  }
0x73: {  	_ =	swait.ge [sflag:s17], $0x120  }
0x74: {  	[sflag:s17] =	ssyncset.done $0x0  }
0x75: {  	[sflag:s17] =	ssyncadd.s32 $0xFFFFFEE0  }
0x76: {  	_ =	swait.ge [sflag:s17], $0x120  }
0x77: {  	[sflag:s17] =	ssyncset.done $0x0  }
0x78: {  	[sflag:s17] =	ssyncadd.s32 $0xFFFFFEE0  }
0x79: {  	_ =	swait.ge [sflag:s17], $0x120  }
0x7a: {  	[sflag:s17] =	ssyncset.done $0x0  }
0x7b: {  	[sflag:s17] =	ssyncadd.s32 $0xFFFFFEE0  }
0x7c: {  	_ =	swait.ge [sflag:s17], $0x120  }
0x7d: {  	[sflag:s17] =	ssyncset.done $0x0  }
0x7e: {  	[sflag:s17] =	ssyncadd.s32 $0xFFFFFEE0  }
0x7f: {  	_ =	swait.ge [sflag:s17], $0x120  }
0x80: {  	[sflag:s17] =	ssyncset.done $0x0  }
0x81: {  	[sflag:s17] =	ssyncadd.s32 $0xFFFFFEE0  }
0x82: {  	_ =	swait.ge [sflag:s17], $0x120  }
0x83: {  	[sflag:s17] =	ssyncset.done $0x0  }
0x84: {  	[sflag:s17] =	ssyncadd.s32 $0xFFFFFEE0  }
0x85: {  	_ =	swait.ge [sflag:s17], $0x120  }
0x86: {  	[sflag:s17] =	ssyncset.done $0x0  }
0x87: {  	[sflag:s17] =	ssyncadd.s32 $0xFFFFFEE0  }
0x88: {  	_ =	swait.ge [sflag:s17], $0x120  }
0x89: {  	[sflag:s17] =	ssyncset.done $0x0  }
0x8a: {  	[sflag:s17] =	ssyncadd.s32 $0xFFFFFEE0  }
0x8b: {  	_ =	swait.ge [sflag:s17], $0x120  }
0x8c: {  	[sflag:s17] =	ssyncset.done $0x0  }
0x8d: {  	[sflag:s17] =	ssyncadd.s32 $0xFFFFFEE0  }
0x8e: {  	_ =	swait.ge [sflag:s17], $0x120  }
0x8f: {  	[sflag:s17] =	ssyncset.done $0x0  }
0x90: {  	[sflag:s17] =	ssyncadd.s32 $0xFFFFFEE0  }
0x91: {  	_ =	swait.ge [sflag:s17], $0x120  }
0x92: {  	[sflag:s17] =	ssyncset.done $0x0  }
0x93: {  	[sflag:s17] =	ssyncadd.s32 $0xFFFFFEE0  }
0x94: {  	_ =	swait.ge [sflag:s17], $0x120  }
0x95: {  	[sflag:s17] =	ssyncset.done $0x0  }
0x96: {  	[sflag:s17] =	ssyncadd.s32 $0xFFFFFEE0  }
0x97: {  	_ =	swait.ge [sflag:s17], $0x120  }
0x98: {  	[sflag:s17] =	ssyncset.done $0x0  }
0x99: {  	[sflag:s17] =	ssyncadd.s32 $0xFFFFFEE0  }
0x9a: {  	_ =	swait.ge [sflag:s17], $0x120  }
0x9b: {  	[sflag:s17] =	ssyncset.done $0x0  }
0x9c: {  	[sflag:s17] =	ssyncadd.s32 $0xFFFFFEE0  }
0x9d: {  	_ =	swait.ge [sflag:s17], $0x120  }
0x9e: {  	[sflag:s17] =	ssyncset.done $0x0  }
0x9f: {  	[sflag:s17] =	ssyncadd.s32 $0xFFFFFEE0  }
0xa0: {  	_ =	swait.ge [sflag:s17], $0x120  }
0xa1: {  	[sflag:s17] =	ssyncset.done $0x0  }
0xa2: {  	[sflag:s17] =	ssyncadd.s32 $0xFFFFFEE0  }
0xa3: {  	_ =	swait.ge [sflag:s17], $0x120  }
0xa4: {  	[sflag:s17] =	ssyncset.done $0x0  }
0xa5: {  	[sflag:s17] =	ssyncadd.s32 $0xFFFFFEE0  }
0xa6: {  	_ =	swait.ge [sflag:s17], $0x120  }
0xa7: {  	[sflag:s17] =	ssyncset.done $0x0  }
0xa8: {  	[sflag:s17] =	ssyncadd.s32 $0xFFFFFEE0  }
0xa9: {  	_ =	swait.ge [sflag:s17], $0x120  }
0xaa: {  	[sflag:s17] =	ssyncset.done $0x0  }
0xab: {  	[sflag:s17] =	ssyncadd.s32 $0xFFFFFEE0  }
0xac: {  	_ =	swait.ge [sflag:s17], $0x120  }
0xad: {  	[sflag:s17] =	ssyncset.done $0x0  }
0xae: {  	[sflag:s17] =	ssyncadd.s32 $0xFFFFFEE0  }
0xaf: {  	_ =	swait.ge [sflag:s17], $0x120  }
0xb0: {  	[sflag:s17] =	ssyncset.done $0x0  }
0xb1: {  	[sflag:s17] =	ssyncadd.s32 $0xFFFFFEE0  }
0xb2: {  	_ =	swait.ge [sflag:s17], $0x120  }
0xb3: {  	[sflag:s17] =	ssyncset.done $0x0  }
0xb4: {  	[sflag:s17] =	ssyncadd.s32 $0xFFFFFEE0  }
0xb5: {  	_ =	swait.ge [sflag:s17], $0x120  }
.Ltmp4:
0xb6: {  	[sflag:s17] =	ssyncset.done $0x0;
	(pc) =	sbr.rel .LBB2_10-.Ltmp4, $4  }
0xb7: {  	[sflag:s17] =	ssyncadd.s32 $0xFFFFFEE0  }
0xb8: {  	_ =	swait.ge [sflag:s17], $0x120  }
0xb9: {  	[sflag:s17] =	ssyncset.done $0x0  }
0xba: {  	s4 =	simm.s32 $0x0;
	s6 =	simm.s32 $0x5380;
	[sflag:s17] =	ssyncadd.s32 $0xFFFFFEE0  }
.LBB2_12:
0xbb: {  	s0 =	simm.s32 $0x0  }
.LBB2_16:
0xbc: {  	s0 =	sadd.s32 @p0 $0x10, s0  }
0xbd: {  	s7 =	smov.u32 @p0 s0  }
0xbe: {  	v14 =	vor.u32 s7, v4  }
0xbf: {  	v57 =	vxor.u32 $0x80000000, v13;
	vm2 =	vlt.s32 v14, v12  }
0xc0: {  	v12 =	vnsel vm2, $0xFFFFFFFF, v57  }
0xc1: {  	(xrf1) =	vsort.ascd.msk.u32 $0xffff, v12, v4;
	_ =	sdelay $0xd  }
0xc2: {  	v12, _, _ =	vpop (xrf1)  }
0xc3: {  	v58 =	vshra.s32 v12, $0xE  }
0xc4: {  	v13 =	vxor.u32 $0xFFFE0000, v58  }
0xc5: {  	vm2 =	veq.s32 v12, $0xFFFFFFFF;
	v59 =	vsub.s32 v13, v0  }
0xc6: {  	v12 =	vsel vm2, $0x140, v59  }
0xc7: {  	v60 =	vperm.xlane v12, v5;
	_ =	sdelay $0x1  }
0xc8: {  	vm2 =	veq.s32 v12, v60  }
0xc9: {  	v13 =	vsel vm2, $0x80000000, v6  }
0xca: {  	(xrf0) =	vmax.scan.msk.u32 $0xffff, v13  }
0xcb: {  	v61 =	vperm.xlane v12, v7;
	_ =	sdelay $0x1  }
0xcc: {  	vm2 =	vne.s32 v12, v61;
	v62 =	vld.idx.msk [tilespmem:v12+s19+$0x0], $0xffff  }
0xcd: {  	vm2 =	vmor vm2, vm0;
	_ =	sdelay $0x1  }
0xce: {  	v63, _, _ =	vpop (xrf0)  }
0xcf: {  	v13 =	vxor.u32 $0x7FFFFFFF, v63  }
0xd0: {  	v13 =	vadd.s32 v13, v62  }
0xd1: {  	v13 =	vadd.s32 v8, v13  }
0xd2: {  	[tilespmem:v12+s19+$0x0] =	vst.idx.msk vm2, v13  }
.LBB2_17:
0xd3: {  	s4 =	sadd.s32 $0x1, s4  }
0xd4: {  	p0 =	sne.s32 s4, $0x20  }
.Ltmp5:
0xd5: {  	_ = 	snop;
	(pc) =	sbr.rel @!p0 .LBB2_18-.Ltmp5, $2  }
0xd6: {  	_ =	sdelay $0x2  }
0xd7: {  	s6 =	sadd.s32 $0x120, s6  }
.LBB2_10:
0xd8: {  	s0 =	sshll.u32 s4, $0x5  }
0xd9: {  	s0 =	sor.u32 s5, s0  }
0xda: {  	v12 =	vmov s0;
	_ =	sdelay $0x4  }
0xdb: {  	v12 =	vld.idx.msk [tilespmem:v12+s16+$0x0], $0xffff;
	_ =	sdelay $0x4  }
0xdc: {  	(v2sf) =	vpush v12, $0x0;
	_ =	sdelay $0xe  }
0xdd: {  	s15 =	spop (v2sf)  }
0xde: {  	s0 =	sadd.s32 $0xF, s15  }
0xdf: {  	s1 =	sand.u32 $0xF, s0  }
0xe0: {  	s31 =	sshra.s32 s0, $0x1F;
	p1 =	slt.s32 s0, $0x1;
	p0 =	sne.s32 s1, $0x0  }
0xe1: {  	s1 =	sshrl.u32 s31, $0x1C;
	p0 =	por !p1, !p0  }
0xe2: {  	s0 =	sadd.s32 s1, s0;
	s1 =	simm.s32 $0x1;
	p0 =	por !p0, !p0  }
0xe3: {  	s0 =	sshra.s32 s0, $0x4;
	s1 =	simm.s32 @!p0 $0x0  }
0xe4: {  	s0 =	ssub.s32 s0, s1  }
0xe5: {  	p0 =	slt.s32 s0, $0x1  }
.Ltmp6:
0xe6: {  	_ = 	snop;
	(pc) =	sbr.rel @p0 .LBB2_17-.Ltmp6, $1  }
0xe7: {  	_ =	sdelay $0x3  }
0xe8: {  	p1 =	sne.s32 s0, $0x1  }
.Ltmp7:
0xe9: {  	_ = 	snop;
	(pc) =	sbr.rel @!p1 .LBB2_12-.Ltmp7, $3  }
0xea: {  	_ =	sdelay $0x1  }
0xeb: {  	v13 =	vld [tilespmem:s6+$0x0]  }
0xec: {  	v12 =	vbroadcast v12, $0x0;
	s7 =	simm.s32 $0x0;
	s0 =	sadd.s32 $0xFFFFFFFF, s0;
	p0 =	por $0x0, $0x0  }
0xed: {  	_ =	sdelay $0x1  }
0xee: {  	v14 =	vor.u32 s7, v4  }
0xef: {  	vm2 =	vlt.s32 v14, v12;
	v13 =	vxor.u32 $0x80000000, v13  }
0xf0: {  	v13 =	vnsel vm2, $0xFFFFFFFF, v13  }
0xf1: {  	(xrf1) =	vsort.ascd.msk.u32 $0xffff, v13, v4;
	_ =	sdelay $0xd  }
0xf2: {  	v13, _, _ =	vpop (xrf1)  }
0xf3: {  	v14 =	vshra.s32 v13, $0xE  }
0xf4: {  	v14 =	vxor.u32 $0xFFFE0000, v14  }
0xf5: {  	vm2 =	veq.s32 v13, $0xFFFFFFFF;
	v13 =	vsub.s32 v14, v0  }
0xf6: {  	v13 =	vsel vm2, $0x140, v13  }
0xf7: {  	v14 =	vperm.xlane v13, v5;
	_ =	sdelay $0x1  }
0xf8: {  	vm2 =	veq.s32 v13, v14  }
0xf9: {  	v14 =	vsel vm2, $0x80000000, v6  }
0xfa: {  	(xrf0) =	vmax.scan.msk.u32 $0xffff, v14  }
0xfb: {  	v14 =	vperm.xlane v13, v7;
	_ =	sdelay $0x1  }
0xfc: {  	v15 =	vld.idx.msk [tilespmem:v13+s19+$0x0], $0xffff;
	vm2 =	vne.s32 v13, v14  }
0xfd: {  	vm2 =	vmor vm2, vm0;
	_ =	sdelay $0x1  }
0xfe: {  	v14, _, _ =	vpop (xrf0)  }
0xff: {  	p1 =	sne.s32 s0, $0x1;
	v14 =	vxor.u32 $0x7FFFFFFF, v14  }
.Ltmp8:
0x100: {  	v14 =	vadd.s32 v14, v15;
	(pc) =	sbr.rel @!p1 .LBB2_14-.Ltmp8, $4  }
0x101: {  	v14 =	vadd.s32 v8, v14  }
0x102: {  	s1 =	sadd.s32 $0x10, s6;
	[tilespmem:v13+s19+$0x0] =	vst.idx.msk vm2, v14  }
0x103: {  	v13 =	vld [tilespmem:s1+$0x0]  }
0x104: {  	s9 =	sadd.s32 $0xFFFFFFFF, s0;
	p0 =	por $0x1, $0x1;
	s0 =	simm.s32 $0x0  }
.LBB2_15:
0x105: {  	p1 =	sne.s32 s9, $0x1;
	_ =	sdelay $0x1  }
0x106: {  	s0 =	sadd.s32 $0x10, s0  }
0x107: {  	v14 =	vor.u32 s0, v4  }
0x108: {  	v13 =	vxor.u32 $0x80000000, v13;
	vm2 =	vlt.s32 v14, v12  }
0x109: {  	v13 =	vnsel vm2, $0xFFFFFFFF, v13  }
0x10a: {  	(xrf1) =	vsort.ascd.msk.u32 $0xffff, v13, v4;
	_ =	sdelay $0xd  }
0x10b: {  	v13, _, _ =	vpop (xrf1)  }
0x10c: {  	v14 =	vshra.s32 v13, $0xE  }
0x10d: {  	v14 =	vxor.u32 $0xFFFE0000, v14  }
0x10e: {  	vm2 =	veq.s32 v13, $0xFFFFFFFF;
	v13 =	vsub.s32 v14, v0  }
0x10f: {  	v13 =	vsel vm2, $0x140, v13  }
0x110: {  	v14 =	vperm.xlane v13, v5;
	_ =	sdelay $0x1  }
0x111: {  	vm2 =	veq.s32 v13, v14  }
0x112: {  	v14 =	vsel vm2, $0x80000000, v6  }
0x113: {  	(xrf0) =	vmax.scan.msk.u32 $0xffff, v14  }
0x114: {  	v14 =	vperm.xlane v13, v7  }
0x115: {  	v15 =	vld.idx.msk [tilespmem:v13+s19+$0x0], $0xffff  }
0x116: {  	vm2 =	vne.s32 v13, v14  }
0x117: {  	vm2 =	vmor vm2, vm0;
	_ =	sdelay $0x1  }
0x118: {  	v14, _, _ =	vpop (xrf0)  }
.Ltmp9:
0x119: {  	v14 =	vxor.u32 $0x7FFFFFFF, v14;
	(pc) =	sbr.rel @p1 .LBB2_15-.Ltmp9, $4  }
0x11a: {  	v14 =	vadd.s32 v14, v15  }
0x11b: {  	v14 =	vadd.s32 v8, v14  }
0x11c: {  	s1 =	sadd.s32 $0x10, s1;
	[tilespmem:v13+s19+$0x0] =	vst.idx.msk vm2, v14  }
0x11d: {  	s9 =	sadd.s32 $0xFFFFFFFF, s9;
	v13 =	vld [tilespmem:s1+$0x0]  }
.Ltmp10:
0x11e: {  	_ = 	snop;
	(pc) =	sbr.rel .LBB2_16-.Ltmp10, $1  }
0x11f: {  	_ =	sdelay $0x3  }
.LBB2_14:
.Ltmp11:
0x120: {  	(pc) =	sbr.rel .LBB2_16-.Ltmp11, $2  }
0x121: {  	_ =	sdelay $0x2  }
0x122: {  	s0 =	simm.s32 $0x0  }
.LBB2_18:
0x123: {  	s6 =	simm.s32 $0x0  }
0x124: {  	s1 =	simm.s32 $0x10;
	v14 =	vld [tilespmem:s6+$0xD580]  }
0x125: {  	v12 =	vld [tilespmem:s1+$0xD580];
	_ =	sdelay $0x3  }
0x126: {  	(xrf0) =	vadd.scan.msk.s32 $0xffff, v14  }
0x127: {  	(xrf0) =	vadd.scan.msk.s32 $0xffff, v12;
	_ =	sdelay $0x4  }
0x128: {  	s0 =	simm.s32 $0x20;
	v17, _, _ =	vpop (xrf0)  }
0x129: {  	v15 =	vld [tilespmem:s0+$0xD580];
	(v2sf) =	vpush v17, $0xF;
	v16, _, _ =	vpop (xrf0)  }
0x12a: {  	(v2sf) =	vpush v16, $0xF;
	_ =	sdelay $0x3  }
0x12b: {  	s4 =	simm.s32 $0x30;
	(xrf0) =	vadd.scan.msk.s32 $0xffff, v15  }
0x12c: {  	v13 =	vld [tilespmem:s4+$0xD580];
	_ =	sdelay $0x3  }
0x12d: {  	s7 =	simm.s32 $0x0;
	s9 =	simm.s32 $0x100  }
.LBB2_19:
0x12e: {  	s10 =	sshra.s32 s9, $0x2;
	p0 =	sne.s32 s9, $0x4C0;
	s9 =	sadd.s32 $0x40, s9;
	(xrf0) =	vadd.scan.msk.s32 $0xffff, v13;
	v18, _, _ =	vpop (xrf0);
	v19 =	vsub.s32 s7, v14;
	v14 =	vmov v12;
	v12 =	vmov v15  }
.Ltmp12:
0x12f: {  	v15 =	vmovc v13;
	(v2sf) =	vpush v18, $0xF;
	v19 =	vadd.s32 v17, v19;
	v17 =	vmovc v16;
	v16 =	vmov v18;
	v13 =	vld [tilespmem:s10+$0xD580];
	(pc) =	sbr.rel @p0 .LBB2_19-.Ltmp12, $4  }
0x130: {  	[tilespmem:s6+$0xD700] =	vst v19  }
0x131: {  	[tilespmem:s6+$0xD880] =	vst v19;
	s6 =	smov.u32 s1;
	s1 =	smov.u32 s0;
	s0 =	smov.u32 s4  }
0x132: {  	s4 =	smov.u32 s10;
	s11 =	spop (v2sf)  }
0x133: {  	s7 =	sadd.s32 s7, s11  }
0x134: {  	(xrf0) =	vadd.scan.msk.s32 $0xffff, v13;
	_ =	sdelay $0x2  }
0x135: {  	v18, _, _ =	vpop (xrf0)  }
0x136: {  	(v2sf) =	vpush v18, $0xF;
	_ =	sdelay $0x1  }
0x137: {  	v19, _, _ =	vpop (xrf0)  }
0x138: {  	(v2sf) =	vpush v19, $0xF;
	_ =	sdelay $0x7  }
0x139: {  	s9 =	spop (v2sf);
	v14 =	vsub.s32 s7, v14  }
0x13a: {  	v14 =	vadd.s32 v17, v14;
	s9 =	sadd.s32 s7, s9  }
0x13b: {  	[tilespmem:s6+$0xD700] =	vst v14;
	v12 =	vsub.s32 s9, v12;
	s10 =	spop (v2sf)  }
0x13c: {  	[tilespmem:s6+$0xD880] =	vst v14;
	v12 =	vadd.s32 v16, v12;
	s11 =	sadd.s32 s9, s10  }
0x13d: {  	[tilespmem:s1+$0xD700] =	vst v12;
	v14 =	vsub.s32 s11, v15;
	s13 =	spop (v2sf)  }
0x13e: {  	[tilespmem:s1+$0xD880] =	vst v12;
	v12 =	vadd.s32 v18, v14;
	s15 =	sadd.s32 s11, s13  }
.Ltmp13:
0x13f: {  	[tilespmem:s0+$0xD700] =	vst v12;
	v13 =	vsub.s32 s15, v13;
	(pc) =	sbr.rel .LBB2_21-.Ltmp13, $4  }
0x140: {  	[tilespmem:s0+$0xD880] =	vst v12;
	v12 =	vadd.s32 v19, v13;
	s31 =	spop (v2sf)  }
0x141: {  	[tilespmem:s4+$0xD700] =	vst v12;
	s7 =	sadd.s32 s15, s31  }
0x142: {  	[tilespmem:s4+$0xD880] =	vst v12;
	v12 =	vmov s7  }
0x143: {  	s6 =	simm.s32 $0x5380;
	s4 =	simm.s32 $0x0;
	[tilespmem:v9+s20+$0x0] =	vst.idx.msk $0xffff, v12  }
.LBB2_24:
0x144: {  	_ =	sdelay $0x4  }
0x145: {  	[tilespmem:v14+s21+$0x0] =	vst.idx.msk vm3, v15  }
.LBB2_25:
0x146: {  	s4 =	sadd.s32 $0x1, s4  }
0x147: {  	p0 =	sne.s32 s4, $0x20  }
.Ltmp14:
0x148: {  	_ = 	snop;
	(pc) =	sbr.rel @!p0 .LBB2_26-.Ltmp14, $2  }
0x149: {  	_ =	sdelay $0x2  }
0x14a: {  	s6 =	sadd.s32 $0x120, s6  }
.LBB2_21:
0x14b: {  	s0 =	sshll.u32 s4, $0x5  }
0x14c: {  	s0 =	sor.u32 s5, s0  }
0x14d: {  	v13 =	vmov s0;
	_ =	sdelay $0x4  }
0x14e: {  	v13 =	vld.idx.msk [tilespmem:v13+s16+$0x0], $0xffff;
	_ =	sdelay $0x4  }
0x14f: {  	(v2sf) =	vpush v13, $0x0;
	_ =	sdelay $0xe  }
0x150: {  	s15 =	spop (v2sf)  }
0x151: {  	s0 =	sadd.s32 $0xF, s15  }
0x152: {  	s1 =	sand.u32 $0xF, s0  }
0x153: {  	s31 =	sshra.s32 s0, $0x1F;
	p1 =	slt.s32 s0, $0x1;
	p0 =	sne.s32 s1, $0x0  }
0x154: {  	s1 =	sshrl.u32 s31, $0x1C;
	p0 =	por !p1, !p0  }
0x155: {  	s0 =	sadd.s32 s1, s0;
	s1 =	simm.s32 $0x1;
	p0 =	por !p0, !p0  }
0x156: {  	s0 =	sshra.s32 s0, $0x4;
	s1 =	simm.s32 @!p0 $0x0  }
0x157: {  	s0 =	ssub.s32 s0, s1  }
0x158: {  	p0 =	slt.s32 s0, $0x1  }
.Ltmp15:
0x159: {  	_ = 	snop;
	(pc) =	sbr.rel @p0 .LBB2_25-.Ltmp15, $1  }
0x15a: {  	_ =	sdelay $0x3  }
0x15b: {  	v14 =	vld [tilespmem:s6+$0x0];
	_ =	sdelay $0x2  }
0x15c: {  	v13 =	vbroadcast v13, $0x0;
	s9 =	simm.s32 $0x0  }
0x15d: {  	v15 =	vor.u32 s9, v4  }
0x15e: {  	vm2 =	vlt.s32 v15, v13;
	v14 =	vxor.u32 $0x80000000, v14  }
0x15f: {  	v14 =	vnsel vm2, $0xFFFFFFFF, v14  }
0x160: {  	(xrf1) =	vsort.ascd.msk.u32 $0xffff, v14, v4;
	_ =	sdelay $0xd  }
0x161: {  	v15, _, _ =	vpop (xrf1)  }
0x162: {  	v14 =	vshra.s32 v15, $0xE  }
0x163: {  	v16 =	vxor.u32 $0xFFFE0000, v14  }
0x164: {  	vm2 =	vne.s32 v15, $0xFFFFFFFF;
	v14 =	vsub.s32 v16, v0  }
0x165: {  	v14 =	vnsel vm2, $0x140, v14  }
0x166: {  	v17 =	vperm.xlane v14, v5;
	_ =	sdelay $0x1  }
0x167: {  	vm3 =	veq.s32 v14, v17  }
0x168: {  	v17 =	vsel vm3, $0x80000000, v6  }
0x169: {  	(xrf0) =	vmax.scan.msk.u32 $0xffff, v17;
	_ =	sdelay $0x2  }
0x16a: {  	v17 =	vld.idx.msk [tilespmem:v14+s21+$0x0], $0xffff;
	_ =	sdelay $0x2  }
0x16b: {  	v18, _, _ =	vpop (xrf0)  }
0x16c: {  	v18 =	vxor.u32 $0x80000000, v18  }
0x16d: {  	v17 =	vsub.s32 v17, v18  }
0x16e: {  	v18 =	vadd.s32 v4, v17  }
0x16f: {  	v19 =	vperm.xlane v14, v7;
	vm3 =	vgt.s32 v18, $0x0  }
0x170: {  	v18 =	vnsel vm3, $0x0, v18  }
0x171: {  	vm3 =	vne.s32 v14, v19;
	v18 =	vmin.u32 v18, $0x177F  }
0x172: {  	p0 =	sne.s32 s0, $0x1;
	vm3 =	vmor vm3, vm0  }
.Ltmp16:
0x173: {  	_ = 	snop;
	(pc) =	sbr.rel @!p0 .LBB2_24-.Ltmp16, $3  }
0x174: {  	_ =	sdelay $0x1  }
0x175: {  	v15 =	vand.u32 $0x3FFF, v15;
	[tilespmem:v18+s22+$0x0] =	vst.idx.msk vm2, v16  }
0x176: {  	s1 =	sadd.s32 $0xFFFFFFFF, s0;
	s10 =	smov.u32 s6;
	[tilespmem:v18+s23+$0x0] =	vst.idx.msk vm2, v15;
	v15 =	vadd.s32 v10, v17  }
.LBB2_23:
0x177: {  	p0 =	sne.s32 s1, $0x1;
	[tilespmem:v14+s21+$0x0] =	vst.idx.msk vm3, v15;
	s10 =	sadd.s32 $0x10, s10;
	s9 =	sadd.s32 $0x10, s9  }
0x178: {  	s1 =	sadd.s32 $0xFFFFFFFF, s1;
	v14 =	vld [tilespmem:s10+$0x0];
	_ =	sdelay $0x3  }
0x179: {  	v15 =	vor.u32 s9, v4  }
0x17a: {  	vm2 =	vlt.s32 v15, v13;
	v14 =	vxor.u32 $0x80000000, v14  }
0x17b: {  	v14 =	vnsel vm2, $0xFFFFFFFF, v14  }
0x17c: {  	(xrf1) =	vsort.ascd.msk.u32 $0xffff, v14, v4;
	_ =	sdelay $0xd  }
0x17d: {  	v15, _, _ =	vpop (xrf1)  }
0x17e: {  	v14 =	vshra.s32 v15, $0xE  }
0x17f: {  	v16 =	vxor.u32 $0xFFFE0000, v14  }
0x180: {  	vm2 =	vne.s32 v15, $0xFFFFFFFF;
	v14 =	vsub.s32 v16, v0  }
0x181: {  	v14 =	vnsel vm2, $0x140, v14  }
0x182: {  	v17 =	vperm.xlane v14, v5;
	v18 =	vperm.xlane v14, v7;
	_ =	sdelay $0x1  }
0x183: {  	vm3 =	veq.s32 v14, v17;
	vm4 =	vne.s32 v14, v18  }
0x184: {  	v17 =	vsel vm3, $0x80000000, v6  }
0x185: {  	(xrf0) =	vmax.scan.msk.u32 $0xffff, v17;
	_ =	sdelay $0x1  }
0x186: {  	v17 =	vld.idx.msk [tilespmem:v14+s21+$0x0], $0xffff;
	_ =	sdelay $0x3  }
0x187: {  	v18, _, _ =	vpop (xrf0)  }
0x188: {  	v18 =	vxor.u32 $0x80000000, v18  }
0x189: {  	v17 =	vsub.s32 v17, v18  }
0x18a: {  	v18 =	vadd.s32 v4, v17  }
0x18b: {  	vm3 =	vgt.s32 v18, $0x0  }
0x18c: {  	v18 =	vnsel vm3, $0x0, v18  }
0x18d: {  	v18 =	vmin.u32 v18, $0x177F  }
0x18e: {  	vm3 =	vmor vm4, vm0  }
.Ltmp17:
0x18f: {  	(pc) =	sbr.rel @p0 .LBB2_23-.Ltmp17, $3  }
0x190: {  	_ =	sdelay $0x1  }
0x191: {  	v15 =	vand.u32 $0x3FFF, v15;
	[tilespmem:v18+s22+$0x0] =	vst.idx.msk vm2, v16  }
0x192: {  	[tilespmem:v18+s23+$0x0] =	vst.idx.msk vm2, v15;
	v15 =	vadd.s32 v10, v17  }
.Ltmp18:
0x193: {  	_ = 	snop;
	(pc) =	sbr.rel .LBB2_24-.Ltmp18, $1  }
0x194: {  	_ =	sdelay $0x3  }
.LBB2_26:
0x195: {  	s0 =	sadd.s32 $0x7F, s7  }
0x196: {  	s1 =	sand.u32 $0x7F, s0  }
0x197: {  	s4 =	sshra.s32 s0, $0x1F;
	p0 =	slt.s32 s0, $0x1;
	p1 =	sne.s32 s1, $0x0  }
0x198: {  	s15 =	sshrl.u32 s4, $0x19;
	p0 =	por !p0, !p1  }
0x199: {  	s1 =	simm.s32 $0x1;
	s0 =	sadd.s32 s15, s0;
	p0 =	por !p0, !p0  }
0x19a: {  	s0 =	sshra.s32 s0, $0x7;
	s1 =	simm.s32 @!p0 $0x0  }
0x19b: {  	s4 =	ssub.s32 s0, s1  }
0x19c: {  	s1 =	sshll.u32 s4, $0x3  }
0x19d: {  	p1 =	slt.s32 s4, $0x1;
	p0 =	sne.s32 s1, $0x1  }
.Ltmp19:
0x19e: {  	s0 =	simm.s32 @!p0 $0x0;
	(pc) =	sbr.rel @p1 .LBB2_35-.Ltmp19, $4  }
0x19f: {  	s0 =	simm.s32 @p0 $0x1  }
0x1a0: {  	[smem:$0x7FC] =	sst s0;
	s0 =	simm.s32 @!p1 $0x0  }
0x1a1: {  	s31 =	sadd.s32 $0xFFFFFFFF, s7;
	[dreg:$0xa] =	wrdreg s1;
	s0 =	simm.s32 @p1 $0x1  }
0x1a2: {  	v13 =	vmov s31;
	[smem:$0x7FD] =	sst s0  }
0x1a3: {  	s6 =	sld [smem:$0x7FC];
	_ =	sdelay $0x2  }
0x1a4: {  	p2 =	seq.s32 s6, $0x1  }
.Ltmp20:
0x1a5: {  	_ = 	snop;
	(pc) =	sbr.rel @!p2 .LBB2_28-.Ltmp20, $4  }
0x1a6: {  	_ = 	snop  }
0x1a7: {  	s0 =	simm.s32 $0x0  }
0x1a8: {  	s1 =	simm.s32 $0xA680;
	s31 =	rddreg [dreg:$0xa];
	v14 =	vor.u32 s0, v4  }
0x1a9: {  	p0 =	por $0x0, $0x0;
	p1 =	por $0x0, $0x0;
	s0 =	sadd.s32 $0xFFFFFFFF, s31;
	vm2 =	vlt.s32 v14, v13  }
0x1aa: {  	v14 =	vsel vm2, v14, v13;
	_ =	sdelay $0x4  }
0x1ab: {  	v15 =	vld.idx.msk [tilespmem:v14+s23+$0x0], $0xffff  }
0x1ac: {  	v14 =	vld.idx.msk [tilespmem:v14+s22+$0x0], $0xffff;
	_ =	sdelay $0x6  }
0x1ad: {  	v15 =	vld.idx.msk [tilespmem:v15+s14+$0x0], $0xffff  }
0x1ae: {  	p2 =	sne.s32 s0, $0x1;
	v16 =	vld.idx.msk [tilespmem:v14+s3+$0x0], $0xffff  }
.Ltmp21:
0x1af: {  	_ = 	snop;
	(pc) =	sbr.rel @!p2 .LBB2_30-.Ltmp21, $4  }
0x1b0: {  	_ = 	snop  }
0x1b1: {  	s9 =	simm.s32 $0x10  }
0x1b2: {  	v14 =	vor.u32 s9, v4  }
0x1b3: {  	s0 =	sadd.s32 $0xFFFFFFFF, s0;
	p0 =	por $0x1, $0x1;
	vm2 =	vlt.s32 v14, v13;
	v15 =	vadd.f32 v15, v16  }
0x1b4: {  	v14 =	vsel vm2, v14, v13  }
0x1b5: {  	v16 =	vmul.f32 $2.000000030e-01, v15  }
0x1b6: {  	vm2 =	vgt.f32 v15, $0.0e+00  }
0x1b7: {  	v15 =	vsel vm2, v15, v16  }
0x1b8: {  	[tilespmem:s1+$0x0] =	vst v15  }
0x1b9: {  	v15 =	vld.idx.msk [tilespmem:v14+s23+$0x0], $0xffff  }
0x1ba: {  	v14 =	vld.idx.msk [tilespmem:v14+s22+$0x0], $0xffff;
	_ =	sdelay $0x6  }
0x1bb: {  	v15 =	vld.idx.msk [tilespmem:v15+s14+$0x0], $0xffff  }
0x1bc: {  	p2 =	sne.s32 s0, $0x1;
	v16 =	vld.idx.msk [tilespmem:v14+s3+$0x0], $0xffff  }
.Ltmp22:
0x1bd: {  	_ = 	snop;
	(pc) =	sbr.rel @!p2 .LBB2_32-.Ltmp22, $4  }
0x1be: {  	_ = 	snop  }
0x1bf: {  	s9 =	simm.s32 $0x20  }
0x1c0: {  	v14 =	vor.u32 s9, v4  }
0x1c1: {  	s10 =	sadd.s32 $0xFFFFFFFF, s0;
	p1 =	por $0x1, $0x1;
	s0 =	simm.s32 $0xA680;
	vm2 =	vlt.s32 v14, v13;
	v15 =	vadd.f32 v15, v16  }
.LBB2_33:
0x1c2: {  	p2 =	sne.s32 s10, $0x1;
	v14 =	vsel vm2, v14, v13  }
0x1c3: {  	v16 =	vmul.f32 $2.000000030e-01, v15  }
0x1c4: {  	vm2 =	vgt.f32 v15, $0.0e+00  }
0x1c5: {  	s0 =	sadd.s32 $0x10, s0;
	v15 =	vsel vm2, v15, v16  }
0x1c6: {  	[tilespmem:s0+$0x0] =	vst v15  }
0x1c7: {  	v15 =	vld.idx.msk [tilespmem:v14+s23+$0x0], $0xffff  }
0x1c8: {  	v14 =	vld.idx.msk [tilespmem:v14+s22+$0x0], $0xffff;
	_ =	sdelay $0x6  }
0x1c9: {  	v15 =	vld.idx.msk [tilespmem:v15+s14+$0x0], $0xffff  }
0x1ca: {  	v16 =	vld.idx.msk [tilespmem:v14+s3+$0x0], $0xffff;
	_ =	sdelay $0x1  }
.Ltmp23:
0x1cb: {  	(pc) =	sbr.rel @p2 .LBB2_33-.Ltmp23, $4  }
0x1cc: {  	_ = 	snop  }
0x1cd: {  	s9 =	sadd.s32 $0x10, s9  }
0x1ce: {  	v14 =	vor.u32 s9, v4  }
0x1cf: {  	s10 =	sadd.s32 $0xFFFFFFFF, s10;
	vm2 =	vlt.s32 v14, v13;
	v15 =	vadd.f32 v15, v16  }
.LBB2_34:
0x1d0: {  	v14 =	vsel vm2, v14, v13  }
0x1d1: {  	v16 =	vmul.f32 @p0 $2.000000030e-01, v15  }
0x1d2: {  	s0 =	sadd.s32 @p1 $0x10, s0;
	s9 =	simm.s32 $0xA680;
	vm2 =	vgt.f32 @p0 v15, $0.0e+00  }
0x1d3: {  	s9 =	smov.u32 @p1 s0;
	v15 =	vsel @p0 vm2, v15, v16  }
0x1d4: {  	[tilespmem:s9+$0x0] =	vst @p0 v15  }
0x1d5: {  	v15 =	vld.idx.msk [tilespmem:v14+s23+$0x0], $0xffff  }
0x1d6: {  	v14 =	vld.idx.msk [tilespmem:v14+s22+$0x0], $0xffff;
	_ =	sdelay $0x6  }
0x1d7: {  	v15 =	vld.idx.msk [tilespmem:v15+s14+$0x0], $0xffff  }
0x1d8: {  	v14 =	vld.idx.msk [tilespmem:v14+s3+$0x0], $0xffff;
	_ =	sdelay $0x4  }
0x1d9: {  	v14 =	vadd.f32 v15, v14;
	_ =	sdelay $0x1  }
0x1da: {  	v15 =	vmul.f32 $2.000000030e-01, v14  }
0x1db: {  	s0 =	sadd.s32 @p0 $0x10, s9;
	vm2 =	vgt.f32 v14, $0.0e+00  }
0x1dc: {  	s1 =	smov.u32 @p0 s0;
	v14 =	vsel vm2, v14, v15  }
0x1dd: {  	[tilespmem:s1+$0x0] =	vst v14  }
.LBB2_35:
0x1de: {  	s0 =	sadd.s32 $0xF, s7  }
0x1df: {  	s1 =	sand.u32 $0xF, s0  }
0x1e0: {  	s7 =	sshra.s32 s0, $0x1F;
	p0 =	slt.s32 s0, $0x1;
	p1 =	sne.s32 s1, $0x0  }
0x1e1: {  	s31 =	sshrl.u32 s7, $0x1C;
	p0 =	por !p0, !p1  }
0x1e2: {  	s1 =	simm.s32 $0x1;
	s0 =	sadd.s32 s31, s0;
	p0 =	por !p0, !p0  }
0x1e3: {  	s0 =	sshra.s32 s0, $0x4;
	s1 =	simm.s32 @!p0 $0x0  }
0x1e4: {  	s0 =	ssub.s32 s0, s1  }
0x1e5: {  	p0 =	sgt.s32 s0, $0x0  }
.Ltmp24:
0x1e6: {  	_ = 	snop;
	(pc) =	sbr.rel @!p0 .LBB2_36-.Ltmp24, $1  }
0x1e7: {  	_ =	sdelay $0x3  }
0x1e8: {  	s1 =	simm.s32 $0x0  }
.LBB2_41:
0x1e9: {  	v14 =	vor.u32 s1, v4  }
0x1ea: {  	vm2 =	vlt.s32 v14, v13  }
0x1eb: {  	v15 =	vsel vm2, v14, v13;
	_ =	sdelay $0x4  }
0x1ec: {  	v16 =	vld.idx.msk [tilespmem:v15+s22+$0x0], $0xffff;
	_ =	sdelay $0x2  }
0x1ed: {  	v17 =	vld.idx.msk [tilespmem:v15+s23+$0x0], $0xffff;
	_ =	sdelay $0x1  }
0x1ee: {  	v16 =	vsub.s32 v16, v0  }
0x1ef: {  	vm2 =	vgt.s32 v16, $0x0  }
0x1f0: {  	v16 =	vnsel vm2, $0x0, v16  }
0x1f1: {  	v18 =	vshll.u32 v17, $0x9;
	v16 =	vmin.u32 v16, $0x13F  }
0x1f2: {  	v18 =	vor.u32 v18, v16  }
0x1f3: {  	vm2 =	vlt.s32 v14, v12;
	v14 =	vxor.u32 $0x80000000, v18  }
0x1f4: {  	v14 =	vnsel vm2, $0xFFFFFFFF, v14  }
0x1f5: {  	(xrf1) =	vsort.ascd.msk.u32 $0xffff, v14, v4;
	_ =	sdelay $0xd  }
0x1f6: {  	v14, v61, _ =	vpop (xrf1)  }
0x1f7: {  	v19 =	vxor.u32 $0x80000000, v14  }
0x1f8: {  	v20 =	vperm.xlane v19, v5;
	_ =	sdelay $0x1  }
0x1f9: {  	v18 =	vadd.s32 s1, v61;
	vm4 =	vne.s32 v14, $0xFFFFFFFF;
	vm3 =	veq.s32 v19, v20  }
0x1fa: {  	vm5 =	vgt.s32 v18, $0x0;
	vm3 =	vmand vm3, vm4  }
0x1fb: {  	v14 =	vnsel vm5, $0x0, v18;
	vm3 =	vmand vm3, vm1  }
0x1fc: {  	v14 =	vmin.u32 v14, $0x177F;
	_ =	sdelay $0x4  }
0x1fd: {  	[tilespmem:v14+s24+$0x0] =	vst.idx.msk vm3, v11  }
0x1fe: {  	v14 =	vld.idx.msk [tilespmem:v16+s20+$0x0], $0xffff  }
0x1ff: {  	v62 =	vld.idx.msk [tilespmem:v17+s25+$0x0], $0xffff;
	_ =	sdelay $0x1  }
0x200: {  	v63 =	vperm.xlane v19, v7;
	_ =	sdelay $0x1  }
0x201: {  	v19 =	vshra.s32 v19, $0x9;
	v17 =	vshra.s32 v63, $0x9  }
0x202: {  	vm14 =	vne.s32 v19, v17;
	vm3 =	vge.s32 v62, v14  }
0x203: {  	vm15 =	vgt.s32 v19, $0x0;
	vm2 =	vmand vm2, vm3;
	vm3 =	vmor vm14, vm0  }
0x204: {  	v14 =	vnsel vm15, $0x0, v19;
	vm3 =	vmand vm4, vm3  }
0x205: {  	p0 =	seq.s32 s0, $0x1;
	v14 =	vmin.u32 v14, $0x270F  }
.Ltmp25:
0x206: {  	_ = 	snop;
	(pc) =	sbr.rel @!p0 .LBB2_41-.Ltmp25, $3  }
0x207: {  	_ =	sdelay $0x1  }
0x208: {  	[tilespmem:v15+s24+$0x0] =	vst.idx.msk vm2, v11  }
0x209: {  	s0 =	sadd.s32 $0xFFFFFFFF, s0;
	s1 =	sadd.s32 $0x10, s1;
	[tilespmem:v14+s25+$0x0] =	vst.idx.msk vm3, v18  }
.LBB2_36:
.Ltmp26:
0x20a: {  	(pc) =	sbr.rel .LBB2_37-.Ltmp26, $2  }
0x20b: {  	_ =	sdelay $0x2  }
0x20c: {  	s7 =	simm.s32 $0x0  }
.LBB2_39:
0x20d: {  	s0 =	simm.f32 $0.0e+00;
	v15 =	vimm.f32 $-3.399999950e+38  }
.LBB2_79:
0x20e: {  	v14 =	vmov s0  }
0x20f: {  	(erf) = vrcp.f32 v14;
	_ =	sdelay $0x3  }
0x210: {  	v14 =	vmov s7;
	_ =	sdelay $0x4  }
0x211: {  	[tilespmem:v14+s26+$0x0] =	vst.idx.msk $0xffff, v15;
	v15 =	vpop (erf)  }
0x212: {  	[tilespmem:v14+s28+$0x0] =	vst.idx.msk $0xffff, v15  }
.LBB2_80:
0x213: {  	s7 =	sadd.s32 $0x1, s7  }
0x214: {  	p0 =	seq.s32 s7, $0x140  }
.Ltmp27:
0x215: {  	_ = 	snop;
	(pc) =	sbr.rel @p0 .LBB2_42-.Ltmp27, $1  }
0x216: {  	_ =	sdelay $0x3  }
.LBB2_37:
0x217: {  	v14 =	vadd.s32 s7, v4;
	_ =	sdelay $0x4  }
0x218: {  	v14 =	vld.idx.msk [tilespmem:v14+s20+$0x0], $0xffff;
	_ =	sdelay $0x4  }
0x219: {  	(v2sf) =	vpush v14, $0x0  }
0x21a: {  	(v2sf) =	vpush v14, $0x1;
	_ =	sdelay $0xd  }
0x21b: {  	s10 =	spop (v2sf)  }
0x21c: {  	s0 =	spop (v2sf)  }
0x21d: {  	p0 =	sle.s32 s0, s10  }
.Ltmp28:
0x21e: {  	_ = 	snop;
	(pc) =	sbr.rel @p0 .LBB2_80-.Ltmp28, $1  }
0x21f: {  	_ =	sdelay $0x3  }
0x220: {  	s1 =	ssub.s32 s0, s10  }
0x221: {  	s1 =	sadd.s32 $0xF, s1  }
0x222: {  	s9 =	sand.u32 $0xF, s1  }
0x223: {  	s11 =	sshra.s32 s1, $0x1F;
	p0 =	slt.s32 s1, $0x1;
	p1 =	sne.s32 s9, $0x0  }
0x224: {  	s31 =	sshrl.u32 s11, $0x1C;
	p0 =	por !p0, !p1  }
0x225: {  	s9 =	simm.s32 $0x1;
	s1 =	sadd.s32 s31, s1;
	p0 =	por !p0, !p0  }
0x226: {  	s1 =	sshra.s32 s1, $0x4;
	s9 =	simm.s32 @!p0 $0x0  }
0x227: {  	s13 =	ssub.s32 s1, s9  }
0x228: {  	p0 =	slt.s32 s13, $0x1  }
.Ltmp29:
0x229: {  	_ = 	snop;
	(pc) =	sbr.rel @p0 .LBB2_39-.Ltmp29, $1  }
0x22a: {  	_ =	sdelay $0x3  }
0x22b: {  	p5 =	seq.s32 s13, $0x1  }
.Ltmp30:
0x22c: {  	_ = 	snop;
	(pc) =	sbr.rel @p5 .LBB2_45-.Ltmp30, $4  }
0x22d: {  	s0 =	sadd.s32 $0xFFFFFFFF, s0  }
0x22e: {  	s9 =	simm.f32 $-3.399999950e+38;
	v19 =	vadd.s32 s10, v4;
	s11 =	sadd.s32 $0xFFFFFFFF, s13;
	v16 =	vmov s0  }
0x22f: {  	v14 =	vbroadcast v14, $0x1;
	s15 =	sadd.s32 $0x10, s10;
	p0 =	por $0x0, $0x0;
	p1 =	por $0x0, $0x0;
	vm2 =	vlt.s32 v19, v16  }
0x230: {  	p2 =	por $0x0, $0x0;
	p3 =	por $0x0, $0x0;
	p4 =	por $0x0, $0x0;
	v15 =	vsel vm2, v19, v16  }
0x231: {  	p5 =	seq.s32 s11, $0x1  }
.Ltmp31:
0x232: {  	_ = 	snop;
	(pc) =	sbr.rel @p5 .LBB2_47-.Ltmp31, $4  }
0x233: {  	_ = 	snop  }
0x234: {  	v17 =	vadd.s32 s15, v4  }
0x235: {  	vm2 =	vlt.s32 v17, v16  }
0x236: {  	v18 =	vld.idx.msk [tilespmem:v15+s24+$0x0], $0xffff;
	s1 =	sadd.s32 $0xFFFFFFFF, s11;
	s0 =	sadd.s32 $0x10, s15;
	p0 =	por $0x1, $0x1;
	v15 =	vsel vm2, v17, v16  }
0x237: {  	p5 =	seq.s32 s1, $0x1  }
.Ltmp32:
0x238: {  	_ = 	snop;
	(pc) =	sbr.rel @p5 .LBB2_49-.Ltmp32, $4  }
0x239: {  	_ = 	snop  }
0x23a: {  	v20 =	vadd.s32 s0, v4;
	vm2 =	vlt.s32 v19, v14  }
0x23b: {  	vm3 =	vlt.s32 v20, v16;
	v18 =	vnsel vm2, $0xFF7FC99E, v18  }
0x23c: {  	v22 =	vld.idx.msk [tilespmem:v15+s24+$0x0], $0xffff;
	s1 =	sadd.s32 $0xFFFFFFFF, s1;
	s0 =	sadd.s32 $0x10, s0;
	p1 =	por $0x1, $0x1;
	v15 =	vsel vm3, v20, v16;
	(xrf0) =	vmax.scan.msk.f32 $0xffff, v18  }
0x23d: {  	_ =	sdelay $0x4  }
0x23e: {  	v19, _, _ =	vpop (xrf0)  }
0x23f: {  	(v2sf) =	vpush v19, $0xF;
	_ =	sdelay $0x8  }
0x240: {  	p5 =	seq.s32 s1, $0x1  }
.Ltmp33:
0x241: {  	_ = 	snop;
	(pc) =	sbr.rel @p5 .LBB2_51-.Ltmp33, $4  }
0x242: {  	_ = 	snop  }
0x243: {  	v21 =	vadd.s32 s0, v4;
	vm2 =	vlt.s32 v17, v14  }
0x244: {  	vm3 =	vlt.s32 v21, v16;
	v17 =	vnsel vm2, $0xFF7FC99E, v22  }
0x245: {  	v18 =	vld.idx.msk [tilespmem:v15+s24+$0x0], $0xffff;
	s1 =	sadd.s32 $0xFFFFFFFF, s1;
	s0 =	sadd.s32 $0x10, s0;
	p2 =	por $0x1, $0x1;
	v15 =	vsel vm3, v21, v16;
	(xrf0) =	vmax.scan.msk.f32 $0xffff, v17  }
0x246: {  	_ =	sdelay $0x4  }
0x247: {  	v19, _, _ =	vpop (xrf0)  }
0x248: {  	(v2sf) =	vpush v19, $0xF;
	_ =	sdelay $0x3  }
0x249: {  	p5 =	seq.s32 s1, $0x1  }
.Ltmp34:
0x24a: {  	_ = 	snop;
	(pc) =	sbr.rel @p5 .LBB2_53-.Ltmp34, $4  }
0x24b: {  	_ = 	snop  }
0x24c: {  	v17 =	vadd.s32 s0, v4;
	vm2 =	vlt.s32 v20, v14  }
0x24d: {  	vm3 =	vlt.s32 v17, v16;
	v18 =	vnsel vm2, $0xFF7FC99E, v18  }
0x24e: {  	v22 =	vld.idx.msk [tilespmem:v15+s24+$0x0], $0xffff;
	s1 =	sadd.s32 $0xFFFFFFFF, s1;
	s0 =	sadd.s32 $0x10, s0;
	p3 =	por $0x1, $0x1;
	v15 =	vsel vm3, v17, v16;
	(xrf0) =	vmax.scan.msk.f32 $0xffff, v18  }
0x24f: {  	_ =	sdelay $0x4  }
0x250: {  	vm2 =	vlt.s32 v21, v14;
	v21, _, _ =	vpop (xrf0)  }
0x251: {  	(v2sf) =	vpush v21, $0xF;
	_ =	sdelay $0x3  }
0x252: {  	v20 =	vadd.s32 s0, v4;
	p5 =	seq.s32 s1, $0x1  }
.Ltmp35:
0x253: {  	vm3 =	vlt.s32 v20, v16;
	v19 =	vnsel vm2, $0xFF7FC99E, v22;
	(pc) =	sbr.rel @p5 .LBB2_55-.Ltmp35, $3  }
0x254: {  	v18 =	vld.idx.msk [tilespmem:v15+s24+$0x0], $0xffff;
	v15 =	vsel vm3, v20, v16;
	(xrf0) =	vmax.scan.msk.f32 $0xffff, v19;
	_ =	sdelay $0x1  }
0x255: {  	s1 =	sadd.s32 $0xFFFFFFFF, s1  }
0x256: {  	s31 =	sadd.s32 $0x10, s0;
	p4 =	por $0x1, $0x1;
	s0 =	simm.f32 $-3.399999950e+38  }
.LBB2_56:
0x257: {  	p5 =	seq.s32 s1, $0x1;
	s1 =	sadd.s32 $0xFFFFFFFF, s1;
	vm2 =	vlt.s32 v17, v14;
	s6 =	spop (v2sf);
	v17 =	vmov v20;
	v20 =	vadd.s32 s31, v4  }
.Ltmp36:
0x258: {  	vm3 =	vlt.s32 v20, v16;
	v21 =	vnsel vm2, $0xFF7FC99E, v18;
	v18 =	vld.idx.msk [tilespmem:v15+s24+$0x0], $0xffff;
	s0 =	smax.f32 s0, s6;
	(pc) =	sbr.rel @!p5 .LBB2_56-.Ltmp36, $3  }
0x259: {  	v15 =	vsel vm3, v20, v16;
	(xrf0) =	vmax.scan.msk.f32 $0xffff, v21;
	v19, _, _ =	vpop (xrf0)  }
0x25a: {  	(v2sf) =	vpush v19, $0xF;
	_ =	sdelay $0x1  }
0x25b: {  	s31 =	sadd.s32 $0x10, s31  }
0x25c: {  	v19 =	vmov v17;
	v17 =	vmov v20  }
.LBB2_58:
0x25d: {  	_ =	sdelay $0x3  }
0x25e: {  	v15 =	vld.idx.msk [tilespmem:v15+s24+$0x0], $0xffff;
	_ =	sdelay $0x1  }
0x25f: {  	vm2 =	vlt.s32 @p0 v19, v14  }
0x260: {  	v18 =	vnsel @p0 vm2, $0xFF7FC99E, v18  }
0x261: {  	vm2 =	vlt.s32 v17, v14;
	(xrf0) =	vmax.scan.msk.f32 @p0 $0xffff, v18  }
0x262: {  	v15 =	vnsel vm2, $0xFF7FC99E, v15  }
0x263: {  	(xrf0) =	vmax.scan.msk.f32 $0xffff, v15;
	_ =	sdelay $0x1  }
0x264: {  	v15, _, _ =	vpop @p1 (xrf0)  }
0x265: {  	(v2sf) =	vpush @p1 v15, $0xF  }
0x266: {  	v15, _, _ =	vpop @p0 (xrf0)  }
0x267: {  	(v2sf) =	vpush @p0 v15, $0xF  }
0x268: {  	v15, _, _ =	vpop (xrf0)  }
0x269: {  	(v2sf) =	vpush v15, $0xF;
	_ =	sdelay $0x4  }
0x26a: {  	s1 =	spop @p4 (v2sf)  }
0x26b: {  	s0 =	smax.f32 @p4 s0, s1;
	s1 =	simm.f32 $-3.399999950e+38  }
0x26c: {  	s1 =	smov.u32 @p4 s0;
	s0 =	spop @p3 (v2sf)  }
0x26d: {  	s0 =	smax.f32 @p3 s1, s0;
	s1 =	simm.f32 $-3.399999950e+38  }
0x26e: {  	s1 =	smov.u32 @p3 s0;
	s0 =	spop @p2 (v2sf)  }
0x26f: {  	s0 =	smax.f32 @p2 s1, s0;
	s1 =	simm.f32 $-3.399999950e+38  }
0x270: {  	s1 =	smov.u32 @p2 s0;
	s0 =	spop @p1 (v2sf)  }
0x271: {  	s0 =	smax.f32 @p1 s1, s0;
	s1 =	simm.f32 $-3.399999950e+38  }
0x272: {  	s1 =	smov.u32 @p1 s0;
	s0 =	spop @p0 (v2sf)  }
0x273: {  	s0 =	smax.f32 @p0 s1, s0  }
0x274: {  	s9 =	smov.u32 @p0 s0;
	s31 =	spop (v2sf)  }
0x275: {  	p1 =	sne.s32 s13, $0x1;
	p0 =	por $0x0, $0x0;
	s0 =	smax.f32 s9, s31  }
.Ltmp37:
0x276: {  	v15 =	vmov s0;
	s0 =	simm.s32 @!p0 $0x0;
	(pc) =	sbr.rel @!p1 .LBB2_59-.Ltmp37, $4  }
0x277: {  	p5 =	por $0x0, $0x0;
	s0 =	simm.s32 @p0 $0x1;
	p0 =	por $0x0, $0x0  }
0x278: {  	p6 =	por $0x0, $0x0;
	v18 =	vadd.s32 s10, v4;
	[smem:$0x7FA] =	sst s0;
	s0 =	simm.s32 @!p0 $0x0  }
0x279: {  	p4 =	por $0x0, $0x0;
	p3 =	por $0x0, $0x0;
	vm2 =	vlt.s32 v18, v16;
	s0 =	simm.s32 @p0 $0x1  }
0x27a: {  	v17 =	vsel vm2, v18, v16;
	p2 =	por $0x0, $0x0;
	s9 =	simm.f32 $0.0e+00;
	[smem:$0x7FB] =	sst s0  }
0x27b: {  	p1 =	sne.s32 s11, $0x1  }
.Ltmp38:
0x27c: {  	_ = 	snop;
	(pc) =	sbr.rel @!p1 .LBB2_61-.Ltmp38, $4  }
0x27d: {  	_ = 	snop  }
0x27e: {  	v25 =	vadd.s32 s15, v4  }
0x27f: {  	vm2 =	vlt.s32 v25, v16  }
0x280: {  	v22 =	vld.idx.msk [tilespmem:v17+s24+$0x0], $0xffff;
	s0 =	sadd.s32 $0xFFFFFFFF, s11;
	s1 =	sadd.s32 $0x10, s15;
	p2 =	por $0x1, $0x1;
	v17 =	vsel vm2, v25, v16  }
0x281: {  	_ =	sdelay $0x2  }
0x282: {  	p1 =	sne.s32 s0, $0x1  }
.Ltmp39:
0x283: {  	v19 =	vsub.f32 v22, v15;
	(pc) =	sbr.rel @!p1 .LBB2_63-.Ltmp39, $4  }
0x284: {  	_ = 	snop  }
0x285: {  	v24 =	vadd.s32 s1, v4;
	v19 =	vmul.f32 $1.442695020e+00, v19  }
0x286: {  	vm2 =	vlt.s32 v24, v16  }
0x287: {  	s0 =	sadd.s32 $0xFFFFFFFF, s0;
	s1 =	sadd.s32 $0x10, s1;
	p3 =	por $0x1, $0x1;
	v22 =	vld.idx.msk [tilespmem:v17+s24+$0x0], $0xffff;
	v17 =	vsel vm2, v24, v16;
	(erf) = vpow2.f32 v19  }
0x288: {  	_ =	sdelay $0x2  }
0x289: {  	p1 =	sne.s32 s0, $0x1  }
.Ltmp40:
0x28a: {  	v20 =	vsub.f32 v22, v15;
	(pc) =	sbr.rel @!p1 .LBB2_65-.Ltmp40, $4  }
0x28b: {  	_ = 	snop  }
0x28c: {  	v19 =	vadd.s32 s1, v4;
	v20 =	vmul.f32 $1.442695020e+00, v20  }
0x28d: {  	vm2 =	vlt.s32 v19, v16  }
0x28e: {  	s0 =	sadd.s32 $0xFFFFFFFF, s0;
	s1 =	sadd.s32 $0x10, s1;
	p4 =	por $0x1, $0x1;
	v22 =	vld.idx.msk [tilespmem:v17+s24+$0x0], $0xffff;
	v17 =	vsel vm2, v19, v16;
	(erf) = vpow2.f32 v20  }
0x28f: {  	_ =	sdelay $0x2  }
0x290: {  	p1 =	sne.s32 s0, $0x1  }
.Ltmp41:
0x291: {  	v21 =	vsub.f32 v22, v15;
	(pc) =	sbr.rel @!p1 .LBB2_67-.Ltmp41, $4  }
0x292: {  	_ = 	snop  }
0x293: {  	v20 =	vadd.s32 s1, v4;
	v23 =	vpop (erf);
	vm2 =	vlt.s32 v18, v14;
	v21 =	vmul.f32 $1.442695020e+00, v21  }
0x294: {  	vm3 =	vlt.s32 v20, v16;
	v18 =	vnsel vm2, $0x0, v23  }
0x295: {  	s0 =	sadd.s32 $0xFFFFFFFF, s0;
	s10 =	sadd.s32 $0x10, s1;
	p5 =	por $0x1, $0x1;
	(xrf2) =	vadd.scan.msk.f32 $0xffff, v18;
	v22 =	vld.idx.msk [tilespmem:v17+s24+$0x0], $0xffff;
	v17 =	vsel vm3, v20, v16;
	(erf) = vpow2.f32 v21  }
0x296: {  	_ =	sdelay $0x2  }
0x297: {  	p1 =	sne.s32 s0, $0x1  }
.Ltmp42:
0x298: {  	v18 =	vsub.f32 v22, v15;
	(pc) =	sbr.rel @!p1 .LBB2_69-.Ltmp42, $4  }
0x299: {  	_ = 	snop  }
0x29a: {  	v21 =	vadd.s32 s10, v4;
	v23 =	vpop (erf);
	vm2 =	vlt.s32 v25, v14;
	v18 =	vmul.f32 $1.442695020e+00, v18  }
0x29b: {  	vm3 =	vlt.s32 v21, v16;
	v23 =	vnsel vm2, $0x0, v23  }
0x29c: {  	s1 =	sadd.s32 $0xFFFFFFFF, s0;
	s0 =	sadd.s32 $0x10, s10;
	p6 =	por $0x1, $0x1;
	(xrf2) =	vadd.scan.msk.f32 $0xffff, v23;
	v22 =	vld.idx.msk [tilespmem:v17+s24+$0x0], $0xffff;
	v17 =	vsel vm3, v21, v16;
	(erf) = vpow2.f32 v18  }
0x29d: {  	v63, _, _ =	vpop (xrf2)  }
0x29e: {  	(v2sf) =	vpush v63, $0xF;
	_ =	sdelay $0x7  }
0x29f: {  	p1 =	sne.s32 s1, $0x1  }
.Ltmp43:
0x2a0: {  	v22 =	vsub.f32 v22, v15;
	(pc) =	sbr.rel @!p1 .LBB2_71-.Ltmp43, $4  }
0x2a1: {  	p0 =	por $0x1, $0x1  }
0x2a2: {  	v18 =	vadd.s32 s0, v4;
	v23 =	vpop (erf);
	vm2 =	vlt.s32 v24, v14;
	s6 =	simm.s32 @!p0 $0x0;
	v25 =	vmul.f32 $1.442695020e+00, v22  }
0x2a3: {  	v23 =	vnsel vm2, $0x0, v23;
	vm2 =	vlt.s32 v18, v16;
	s6 =	simm.s32 @p0 $0x1  }
0x2a4: {  	s1 =	sadd.s32 $0xFFFFFFFF, s1;
	s0 =	sadd.s32 $0x10, s0;
	(xrf2) =	vadd.scan.msk.f32 $0xffff, v23;
	[smem:$0x7FA] =	sst s6;
	v22 =	vld.idx.msk [tilespmem:v17+s24+$0x0], $0xffff;
	v17 =	vsel vm2, v18, v16;
	(erf) = vpow2.f32 v25  }
0x2a5: {  	_ =	sdelay $0x3  }
0x2a6: {  	v26, _, _ =	vpop (xrf2);
	v22 =	vsub.f32 v22, v15  }
0x2a7: {  	(v2sf) =	vpush v26, $0xF  }
0x2a8: {  	v23 =	vpop (erf);
	vm2 =	vlt.s32 v19, v14;
	v25 =	vmul.f32 $1.442695020e+00, v22  }
0x2a9: {  	v23 =	vnsel vm2, $0x0, v23  }
0x2aa: {  	(xrf2) =	vadd.scan.msk.f32 $0xffff, v23;
	(erf) = vpow2.f32 v25  }
0x2ab: {  	p1 =	sne.s32 s1, $0x1  }
.Ltmp44:
0x2ac: {  	_ = 	snop;
	(pc) =	sbr.rel @!p1 .LBB2_73-.Ltmp44, $4  }
0x2ad: {  	_ = 	snop  }
0x2ae: {  	v24 =	vadd.s32 s0, v4  }
0x2af: {  	vm2 =	vlt.s32 v24, v16  }
0x2b0: {  	s10 =	sadd.s32 $0xFFFFFFFF, s1;
	s1 =	sadd.s32 $0x10, s0;
	v22 =	vld.idx.msk [tilespmem:v17+s24+$0x0], $0xffff;
	v17 =	vsel vm2, v24, v16  }
0x2b1: {  	_ = 	snop  }
0x2b2: {  	v27, _, _ =	vpop (xrf2)  }
0x2b3: {  	(v2sf) =	vpush v27, $0xF;
	_ =	sdelay $0x1  }
0x2b4: {  	v22 =	vsub.f32 v22, v15  }
0x2b5: {  	v23 =	vpop (erf);
	vm2 =	vlt.s32 v20, v14  }
0x2b6: {  	v25 =	vadd.s32 s1, v4;
	p1 =	sne.s32 s10, $0x1;
	v23 =	vnsel vm2, $0x0, v23;
	v26 =	vmul.f32 $1.442695020e+00, v22  }
.Ltmp45:
0x2b7: {  	vm2 =	vlt.s32 v25, v16;
	(xrf2) =	vadd.scan.msk.f32 $0xffff, v23;
	(pc) =	sbr.rel @!p1 .LBB2_75-.Ltmp45, $4  }
0x2b8: {  	p0 =	por $0x1, $0x1;
	v22 =	vld.idx.msk [tilespmem:v17+s24+$0x0], $0xffff;
	v17 =	vsel vm2, v25, v16;
	(erf) = vpow2.f32 v26  }
0x2b9: {  	s6 =	simm.s32 @!p0 $0x0  }
0x2ba: {  	s0 =	sadd.s32 $0xFFFFFFFF, s10;
	s6 =	simm.s32 @p0 $0x1  }
0x2bb: {  	s1 =	sadd.s32 $0x10, s1;
	s10 =	simm.f32 $0.0e+00;
	[smem:$0x7FB] =	sst s6;
	v23 =	vmov v21  }
.LBB2_76:
0x2bc: {  	v26 =	vadd.s32 s1, v4;
	p1 =	sne.s32 s0, $0x1  }
.Ltmp46:
0x2bd: {  	s0 =	sadd.s32 $0xFFFFFFFF, s0;
	v27 =	vsub.f32 v22, v15;
	vm2 =	vlt.s32 v26, v16;
	v22 =	vld.idx.msk [tilespmem:v17+s24+$0x0], $0xffff;
	s6 =	spop (v2sf);
	(pc) =	sbr.rel @p1 .LBB2_76-.Ltmp46, $4  }
0x2be: {  	v17 =	vsel vm2, v26, v16;
	v28 =	vpop (erf);
	s10 =	sadd.f32 s6, s10  }
0x2bf: {  	v27 =	vmul.f32 $1.442695020e+00, v27;
	vm2 =	vlt.s32 v23, v14;
	v23 =	vmov v18;
	v29, _, _ =	vpop (xrf2)  }
0x2c0: {  	v18 =	vmovc v24;
	v24 =	vmovc v25;
	v25 =	vmov v26;
	v28 =	vnsel vm2, $0x0, v28;
	(v2sf) =	vpush v29, $0xF  }
0x2c1: {  	s1 =	sadd.s32 $0x10, s1;
	(erf) = vpow2.f32 v27;
	(xrf2) =	vadd.scan.msk.f32 $0xffff, v28  }
0x2c2: {  	v26 =	vmov v18;
	v16 =	vmov v24;
	v18 =	vmov v25;
	p1 =	por $0x1, $0x1  }
.LBB2_78:
0x2c3: {  	_ =	sdelay $0x3  }
0x2c4: {  	v17 =	vld.idx.msk [tilespmem:v17+s24+$0x0], $0xffff;
	_ =	sdelay $0x3  }
0x2c5: {  	v22 =	vsub.f32 @p2 v22, v15  }
0x2c6: {  	v17 =	vsub.f32 v17, v15  }
0x2c7: {  	v22 =	vmul.f32 @p2 $1.442695020e+00, v22  }
0x2c8: {  	v17 =	vmul.f32 $1.442695020e+00, v17  }
0x2c9: {  	(erf) = vpow2.f32 @p2 v22;
	_ =	sdelay $0x2  }
0x2ca: {  	v22 =	vpop @p4 (erf);
	(erf) = vpow2.f32 v17;
	v17 =	vmov @p3 v26  }
0x2cb: {  	vm2 =	vlt.s32 @p4 v23, v14;
	v17 =	vpsel p3, v17, v20  }
0x2cc: {  	v22 =	vnsel @p4 vm2, $0x0, v22;
	v20 =	vpop @p3 (erf);
	vm2 =	vlt.s32 @p3 v17, v14  }
0x2cd: {  	v17 =	vnsel @p3 vm2, $0x0, v20  }
0x2ce: {  	v16 =	vpsel p2, v16, v21;
	(xrf2) =	vadd.scan.msk.f32 @p4 $0xffff, v22  }
0x2cf: {  	v16 =	vpsel p2, v16, v19;
	v20, _, _ =	vpop @p6 (xrf2)  }
0x2d0: {  	vm2 =	vlt.s32 @p2 v16, v14;
	(xrf2) =	vadd.scan.msk.f32 @p3 $0xffff, v17;
	v17 =	vpop @p2 (erf)  }
0x2d1: {  	v16 =	vnsel @p2 vm2, $0x0, v17;
	_ =	sdelay $0x1  }
0x2d2: {  	(v2sf) =	vpush @p6 v20, $0xF;
	v17, _, _ =	vpop @p5 (xrf2)  }
0x2d3: {  	vm2 =	vlt.s32 v18, v14;
	(xrf2) =	vadd.scan.msk.f32 @p2 $0xffff, v16;
	v16 =	vpop (erf)  }
0x2d4: {  	s0 =	sld [smem:$0x7FB];
	v14 =	vnsel vm2, $0x0, v16  }
0x2d5: {  	(v2sf) =	vpush @p5 v17, $0xF  }
0x2d6: {  	(xrf2) =	vadd.scan.msk.f32 $0xffff, v14  }
0x2d7: {  	p0 =	seq.s32 s0, $0x1;
	v14, _, _ =	vpop @p4 (xrf2)  }
0x2d8: {  	s0 =	spop @p0 (v2sf);
	(v2sf) =	vpush @p4 v14, $0xF  }
0x2d9: {  	s0 =	sadd.f32 @p0 s0, s10  }
0x2da: {  	s1 =	simm.f32 $0.0e+00;
	s15 =	sld [smem:$0x7FA];
	v14, _, _ =	vpop @p3 (xrf2)  }
0x2db: {  	s1 =	smov.u32 @p0 s0;
	s0 =	spop @p1 (v2sf);
	(v2sf) =	vpush @p3 v14, $0xF  }
0x2dc: {  	s0 =	sadd.f32 @p1 s0, s1  }
0x2dd: {  	p0 =	seq.s32 s15, $0x1;
	s1 =	simm.f32 $0.0e+00;
	v14, _, _ =	vpop @p2 (xrf2)  }
0x2de: {  	s1 =	smov.u32 @p1 s0;
	s0 =	spop @p0 (v2sf);
	(v2sf) =	vpush @p2 v14, $0xF  }
0x2df: {  	s0 =	sadd.f32 @p0 s0, s1  }
0x2e0: {  	s1 =	simm.f32 $0.0e+00;
	v14, _, _ =	vpop (xrf2)  }
0x2e1: {  	s1 =	smov.u32 @p0 s0;
	s0 =	spop @p6 (v2sf);
	(v2sf) =	vpush v14, $0xF  }
0x2e2: {  	s0 =	sadd.f32 @p6 s0, s1  }
0x2e3: {  	s1 =	simm.f32 $0.0e+00  }
0x2e4: {  	s1 =	smov.u32 @p6 s0;
	s0 =	spop @p5 (v2sf)  }
0x2e5: {  	s0 =	sadd.f32 @p5 s0, s1  }
0x2e6: {  	s1 =	simm.f32 $0.0e+00  }
0x2e7: {  	s1 =	smov.u32 @p5 s0;
	s0 =	spop @p4 (v2sf)  }
0x2e8: {  	s0 =	sadd.f32 @p4 s0, s1  }
0x2e9: {  	s1 =	simm.f32 $0.0e+00  }
0x2ea: {  	s1 =	smov.u32 @p4 s0;
	s0 =	spop @p3 (v2sf)  }
0x2eb: {  	s0 =	sadd.f32 @p3 s0, s1  }
0x2ec: {  	s1 =	simm.f32 $0.0e+00  }
0x2ed: {  	s1 =	smov.u32 @p3 s0;
	s0 =	spop @p2 (v2sf)  }
.Ltmp47:
0x2ee: {  	s0 =	sadd.f32 @p2 s0, s1;
	(pc) =	sbr.rel .LBB2_79-.Ltmp47, $3  }
0x2ef: {  	_ = 	snop  }
0x2f0: {  	s31 =	spop (v2sf);
	s9 =	smov.u32 @p2 s0  }
0x2f1: {  	s0 =	sadd.f32 s31, s9;
	_ =	sdelay $0x1  }
.LBB2_45:
.Ltmp48:
0x2f2: {  	(pc) =	sbr.rel .LBB2_58-.Ltmp48, $2  }
0x2f3: {  	_ =	sdelay $0x2  }
0x2f4: {  	v17 =	vmov v19;
	s0 =	simm.f32 $-3.399999950e+38  }
.LBB2_59:
.Ltmp49:
0x2f5: {  	(pc) =	sbr.rel .LBB2_78-.Ltmp49, $2  }
0x2f6: {  	_ =	sdelay $0x2  }
0x2f7: {  	s10 =	simm.f32 $0.0e+00;
	p1 =	por $0x0, $0x0  }
.LBB2_47:
.Ltmp50:
0x2f8: {  	(pc) =	sbr.rel .LBB2_58-.Ltmp50, $2  }
0x2f9: {  	_ =	sdelay $0x2  }
0x2fa: {  	s0 =	simm.f32 $-3.399999950e+38  }
.LBB2_61:
.Ltmp51:
0x2fb: {  	(pc) =	sbr.rel .LBB2_78-.Ltmp51, $2  }
0x2fc: {  	_ =	sdelay $0x2  }
0x2fd: {  	v16 =	vmov v18;
	s10 =	simm.f32 $0.0e+00;
	v18 =	vmov v25;
	p1 =	por $0x0, $0x0  }
.LBB2_49:
.Ltmp52:
0x2fe: {  	_ = 	snop;
	(pc) =	sbr.rel .LBB2_58-.Ltmp52, $2  }
0x2ff: {  	_ =	sdelay $0x2  }
0x300: {  	v19 =	vmov v17;
	v17 =	vmov v20;
	s0 =	simm.f32 $-3.399999950e+38;
	v18 =	vmov v22  }
.LBB2_63:
.Ltmp53:
0x301: {  	(pc) =	sbr.rel .LBB2_78-.Ltmp53, $2  }
0x302: {  	_ =	sdelay $0x2  }
0x303: {  	v26 =	vmov v18;
	s10 =	simm.f32 $0.0e+00;
	v16 =	vmov v25;
	v18 =	vmov v24;
	p1 =	por $0x0, $0x0  }
.LBB2_51:
.Ltmp54:
0x304: {  	(pc) =	sbr.rel .LBB2_58-.Ltmp54, $2  }
0x305: {  	_ =	sdelay $0x2  }
0x306: {  	v19 =	vmov v20;
	v17 =	vmov v21;
	s0 =	simm.f32 $-3.399999950e+38  }
.LBB2_65:
.Ltmp55:
0x307: {  	(pc) =	sbr.rel .LBB2_78-.Ltmp55, $2  }
0x308: {  	_ =	sdelay $0x2  }
0x309: {  	v23 =	vmovc v18;
	v18 =	vmov v19;
	s10 =	simm.f32 $0.0e+00;
	v26 =	vmov v25;
	v16 =	vmov v24;
	p1 =	por $0x0, $0x0  }
.LBB2_53:
.Ltmp56:
0x30a: {  	_ = 	snop;
	(pc) =	sbr.rel .LBB2_58-.Ltmp56, $2  }
0x30b: {  	_ =	sdelay $0x3  }
0x30c: {  	v19 =	vmov v21;
	s0 =	simm.f32 $-3.399999950e+38;
	v18 =	vmov v22  }
.LBB2_67:
.Ltmp57:
0x30d: {  	(pc) =	sbr.rel .LBB2_78-.Ltmp57, $2  }
0x30e: {  	_ =	sdelay $0x2  }
0x30f: {  	v16 =	vmovc v19;
	v18 =	vmov v20;
	s10 =	simm.f32 $0.0e+00;
	v23 =	vmov v25;
	v26 =	vmov v24;
	p1 =	por $0x0, $0x0  }
.LBB2_55:
.Ltmp58:
0x310: {  	(pc) =	sbr.rel .LBB2_58-.Ltmp58, $2  }
0x311: {  	_ =	sdelay $0x2  }
0x312: {  	v19 =	vmov v17;
	v17 =	vmov v20;
	s0 =	simm.f32 $-3.399999950e+38  }
.LBB2_69:
.Ltmp59:
0x313: {  	(pc) =	sbr.rel .LBB2_78-.Ltmp59, $2  }
0x314: {  	_ =	sdelay $0x2  }
0x315: {  	v26 =	vmovc v19;
	v16 =	vmov v20;
	v18 =	vmov v21;
	s10 =	simm.f32 $0.0e+00;
	v23 =	vmov v24;
	p1 =	por $0x0, $0x0  }
.LBB2_71:
.Ltmp60:
0x316: {  	(pc) =	sbr.rel .LBB2_78-.Ltmp60, $2  }
0x317: {  	_ =	sdelay $0x3  }
0x318: {  	v26 =	vmov v20;
	v16 =	vmov v21;
	s10 =	simm.f32 $0.0e+00;
	v23 =	vmov v19;
	p1 =	por $0x0, $0x0  }
.LBB2_73:
.Ltmp61:
0x319: {  	(pc) =	sbr.rel .LBB2_78-.Ltmp61, $2  }
0x31a: {  	_ =	sdelay $0x3  }
0x31b: {  	v16 =	vmovc v18;
	s10 =	simm.f32 $0.0e+00;
	v23 =	vmov v20;
	v26 =	vmov v21;
	v18 =	vmov v24;
	p1 =	por $0x1, $0x1  }
.LBB2_75:
.Ltmp62:
0x31c: {  	(pc) =	sbr.rel .LBB2_78-.Ltmp62, $2  }
0x31d: {  	_ =	sdelay $0x2  }
0x31e: {  	v26 =	vmovc v18;
	s10 =	simm.f32 $0.0e+00;
	v23 =	vmov v21;
	v16 =	vmov v24;
	v18 =	vmov v25;
	p1 =	por $0x1, $0x1  }
.LBB2_42:
0x31f: {  	s0 =	sld [smem:$0x7FD];
	_ =	sdelay $0x2  }
0x320: {  	p0 =	seq.s32 s0, $0x1  }
.Ltmp63:
0x321: {  	_ = 	snop;
	(pc) =	sbr.rel @p0 .LBB2_43-.Ltmp63, $2  }
0x322: {  	_ =	sdelay $0x2  }
0x323: {  	s1 =	simm.s32 $0x0  }
0x324: {  	s1 =	sld [smem:$0x7FC];
	_ =	sdelay $0x2  }
0x325: {  	p2 =	seq.s32 s1, $0x1  }
.Ltmp64:
0x326: {  	_ = 	snop;
	(pc) =	sbr.rel @!p2 .LBB2_82-.Ltmp64, $3  }
0x327: {  	_ =	sdelay $0x1  }
0x328: {  	s7 =	simm.s32 $0xBE00;
	s0 =	simm.s32 $0x0;
	s31 =	rddreg [dreg:$0xa]  }
0x329: {  	p0 =	por $0x0, $0x0;
	p1 =	por $0x0, $0x0;
	v17 =	vor.u32 s0, v4;
	s0 =	sadd.s32 $0xFFFFFFFF, s31  }
0x32a: {  	vm2 =	vlt.s32 v17, v13  }
0x32b: {  	v14 =	vsel vm2, v17, v13;
	_ =	sdelay $0x4  }
0x32c: {  	v15 =	vld.idx.msk [tilespmem:v14+s22+$0x0], $0xffff;
	_ =	sdelay $0x4  }
0x32d: {  	v15 =	vsub.s32 v15, v0  }
0x32e: {  	vm2 =	vgt.s32 v15, $0x0  }
0x32f: {  	v15 =	vnsel vm2, $0x0, v15  }
0x330: {  	v15 =	vmin.u32 v15, $0x13F;
	_ =	sdelay $0x3  }
0x331: {  	v14 =	vld.idx.msk [tilespmem:v14+s24+$0x0], $0xffff  }
0x332: {  	v16 =	vld.idx.msk [tilespmem:v15+s26+$0x0], $0xffff;
	_ =	sdelay $0x3  }
0x333: {  	p2 =	sne.s32 s0, $0x1  }
.Ltmp65:
0x334: {  	v14 =	vsub.f32 v14, v16;
	(pc) =	sbr.rel @!p2 .LBB2_84-.Ltmp65, $4  }
0x335: {  	_ = 	snop  }
0x336: {  	v14 =	vmul.f32 $1.442695020e+00, v14  }
0x337: {  	s1 =	simm.s32 $0x10  }
0x338: {  	s0 =	sadd.s32 $0xFFFFFFFF, s0;
	p0 =	por $0x1, $0x1;
	v16 =	vld.idx.msk [tilespmem:v15+s28+$0x0], $0xffff;
	(erf) = vpow2.f32 v14;
	v14 =	vor.u32 s1, v4  }
0x339: {  	_ =	sdelay $0x6  }
0x33a: {  	vm2 =	vlt.s32 v14, v13  }
0x33b: {  	v15 =	vsel vm2, v14, v13;
	v18 =	vpop (erf)  }
0x33c: {  	v16 =	vmul.f32 v18, v16  }
0x33d: {  	vm2 =	vlt.s32 v17, v12  }
0x33e: {  	v16 =	vnsel vm2, $0x0, v16  }
0x33f: {  	[tilespmem:s7+$0x0] =	vst v16  }
0x340: {  	v16 =	vld.idx.msk [tilespmem:v15+s22+$0x0], $0xffff;
	_ =	sdelay $0x4  }
0x341: {  	v16 =	vsub.s32 v16, v0  }
0x342: {  	vm2 =	vgt.s32 v16, $0x0  }
0x343: {  	v16 =	vnsel vm2, $0x0, v16  }
0x344: {  	v16 =	vmin.u32 v16, $0x13F;
	_ =	sdelay $0x3  }
0x345: {  	v15 =	vld.idx.msk [tilespmem:v15+s24+$0x0], $0xffff  }
0x346: {  	v17 =	vld.idx.msk [tilespmem:v16+s26+$0x0], $0xffff;
	_ =	sdelay $0x4  }
0x347: {  	v15 =	vsub.f32 v15, v17;
	_ =	sdelay $0x1  }
0x348: {  	v15 =	vmul.f32 $1.442695020e+00, v15;
	_ =	sdelay $0x1  }
0x349: {  	(erf) = vpow2.f32 v15;
	_ =	sdelay $0x1  }
0x34a: {  	p2 =	sne.s32 s0, $0x1  }
.Ltmp66:
0x34b: {  	_ = 	snop;
	(pc) =	sbr.rel @!p2 .LBB2_86-.Ltmp66, $4  }
0x34c: {  	_ = 	snop  }
0x34d: {  	v16 =	vld.idx.msk [tilespmem:v16+s28+$0x0], $0xffff  }
0x34e: {  	s1 =	simm.s32 $0x20  }
0x34f: {  	s6 =	sadd.s32 $0xFFFFFFFF, s0;
	p1 =	por $0x1, $0x1;
	s0 =	simm.s32 $0xBE00;
	v15 =	vor.u32 s1, v4  }
.LBB2_87:
0x350: {  	p2 =	sne.s32 s6, $0x1;
	vm2 =	vlt.s32 v15, v13  }
0x351: {  	v17 =	vsel vm2, v15, v13;
	v18 =	vpop (erf)  }
0x352: {  	v16 =	vmul.f32 v18, v16  }
0x353: {  	vm2 =	vlt.s32 v14, v12;
	v14 =	vmov v15  }
0x354: {  	s0 =	sadd.s32 $0x10, s0;
	v15 =	vnsel vm2, $0x0, v16  }
0x355: {  	[tilespmem:s0+$0x0] =	vst v15  }
0x356: {  	v15 =	vld.idx.msk [tilespmem:v17+s22+$0x0], $0xffff;
	_ =	sdelay $0x5  }
0x357: {  	v15 =	vsub.s32 v15, v0  }
0x358: {  	vm2 =	vgt.s32 v15, $0x0  }
0x359: {  	v15 =	vnsel vm2, $0x0, v15  }
0x35a: {  	v15 =	vmin.u32 v15, $0x13F;
	_ =	sdelay $0x3  }
0x35b: {  	v16 =	vld.idx.msk [tilespmem:v17+s24+$0x0], $0xffff  }
0x35c: {  	v17 =	vld.idx.msk [tilespmem:v15+s26+$0x0], $0xffff;
	_ =	sdelay $0x5  }
0x35d: {  	v16 =	vsub.f32 v16, v17;
	_ =	sdelay $0x1  }
0x35e: {  	v16 =	vmul.f32 $1.442695020e+00, v16;
	_ =	sdelay $0x1  }
0x35f: {  	(erf) = vpow2.f32 v16;
	_ =	sdelay $0x2  }
.Ltmp67:
0x360: {  	(pc) =	sbr.rel @p2 .LBB2_87-.Ltmp67, $3  }
0x361: {  	v16 =	vld.idx.msk [tilespmem:v15+s28+$0x0], $0xffff;
	_ =	sdelay $0x1  }
0x362: {  	s1 =	sadd.s32 $0x10, s1  }
0x363: {  	s6 =	sadd.s32 $0xFFFFFFFF, s6;
	v15 =	vor.u32 s1, v4  }
0x364: {  	v17 =	vmov v14  }
.LBB2_89:
0x365: {  	vm2 =	vlt.s32 v15, v13  }
0x366: {  	v14 =	vpop @p0 (erf);
	v13 =	vsel vm2, v15, v13  }
0x367: {  	v14 =	vmul.f32 @p0 v14, v16  }
0x368: {  	s0 =	sadd.s32 @p1 $0x10, s0;
	s1 =	simm.s32 $0xBE00;
	vm2 =	vlt.s32 @p0 v17, v12  }
0x369: {  	s1 =	smov.u32 @p1 s0;
	v14 =	vnsel @p0 vm2, $0x0, v14  }
0x36a: {  	[tilespmem:s1+$0x0] =	vst @p0 v14  }
0x36b: {  	v14 =	vld.idx.msk [tilespmem:v13+s22+$0x0], $0xffff;
	_ =	sdelay $0x4  }
0x36c: {  	v14 =	vsub.s32 v14, v0  }
0x36d: {  	vm2 =	vgt.s32 v14, $0x0  }
0x36e: {  	v14 =	vnsel vm2, $0x0, v14  }
0x36f: {  	v14 =	vmin.u32 v14, $0x13F;
	_ =	sdelay $0x3  }
0x370: {  	v13 =	vld.idx.msk [tilespmem:v13+s24+$0x0], $0xffff  }
0x371: {  	v16 =	vld.idx.msk [tilespmem:v14+s26+$0x0], $0xffff;
	_ =	sdelay $0x4  }
0x372: {  	v13 =	vsub.f32 v13, v16;
	_ =	sdelay $0x1  }
0x373: {  	v13 =	vmul.f32 $1.442695020e+00, v13;
	_ =	sdelay $0x1  }
0x374: {  	(erf) = vpow2.f32 v13;
	_ =	sdelay $0x4  }
0x375: {  	v13 =	vld.idx.msk [tilespmem:v14+s28+$0x0], $0xffff;
	_ =	sdelay $0x3  }
0x376: {  	v14 =	vpop (erf)  }
0x377: {  	v13 =	vmul.f32 v14, v13  }
0x378: {  	s0 =	sadd.s32 @p0 $0x10, s1;
	vm2 =	vlt.s32 v15, v12  }
0x379: {  	s7 =	smov.u32 @p0 s0;
	v12 =	vnsel vm2, $0x0, v13  }
0x37a: {  	[tilespmem:s7+$0x0] =	vst v12  }
0x37b: {  	v12 =	vld [tilespmem:$0x8F00]  }
0x37c: {  	v13 =	vld [tilespmem:$0x8F10]  }
0x37d: {  	v14 =	vld [tilespmem:$0x8F20]  }
0x37e: {  	v15 =	vld [tilespmem:$0x8F30];
	_ =	sdelay $0x1  }
0x37f: {  	[tilespmem:$0x10480] =	vst v12  }
0x380: {  	s6 =	simm.s32 $0x40;
	s25 =	rddreg [dreg:$0x1];
	[tilespmem:$0x10490] =	vst v13  }
0x381: {  	s31 =	simm.s32 $0x10480;
	s2 =	simm.s32 $0x10580;
	s9 =	sshll.u32 s4, $0x1;
	v19 =	vimm.f32 $0.0e+00;
	v18 =	vimm.f32 $0.0e+00;
	[tilespmem:$0x104A0] =	vst v14  }
0x382: {  	s10 =	simm.s32 $0x0;
	s11 =	simm.s32 $0x0;
	v17 =	vimm.f32 $0.0e+00;
	v16 =	vimm.f32 $0.0e+00;
	s7 =	simm.s32 $0x0;
	[tilespmem:$0x104B0] =	vst v15;
	v15 =	vimm.f32 $0.0e+00  }
0x383: {  	v14 =	vimm.f32 $0.0e+00;
	v12 =	vimm.f32 $0.0e+00;
	v13 =	vimm.f32 $0.0e+00;
	[tilespmem:s2], [sflag:$0x1] =	stream.indirect.gather [hbm4b:s25+s6], $0x80, s31, s6, $0xb8;
	[tilespmem:$0x1E580] =	vst v63  }
.LBB2_90:
0x384: {  	_ =	swait.ge [sflag:s18], $0x2000  }
0x385: {  	s0 =	sshll.u32 s11, $0x9;
	[sflag:s18] =	ssyncset.done $0x0  }
0x386: {  	s0 =	sshra.s32 s0, $0x2;
	[sflag:s18] =	ssyncadd.s32 $0xFFFFE000  }
0x387: {  	v20 =	vld [tilespmem:s0+$0x8F40];
	_ =	sdelay $0x4  }
0x388: {  	[tilespmem:$0x10500] =	vst v20  }
0x389: {  	v20 =	vld [tilespmem:s0+$0x8F50];
	_ =	sdelay $0x4  }
0x38a: {  	[tilespmem:$0x10510] =	vst v20  }
0x38b: {  	v20 =	vld [tilespmem:s0+$0x8F60];
	_ =	sdelay $0x4  }
0x38c: {  	[tilespmem:$0x10520] =	vst v20  }
0x38d: {  	v21 =	vld [tilespmem:s0+$0x8F70]  }
0x38e: {  	s13 =	sadd.s32 $0x0, s10  }
0x38f: {  	v20 =	vmov s13;
	_ =	sdelay $0x1  }
0x390: {  	s1 =	simm.s32 $0x40  }
0x391: {  	s2 =	simm.s32 $0x10500;
	s15 =	rddreg [dreg:$0x1];
	s13 =	simm.s32 $0x12580;
	[tilespmem:$0x10530] =	vst v21  }
0x392: {  	[tilespmem:s13], [sflag:$0x2] =	stream.indirect.gather [hbm4b:s15+s1], $0x80, s2, s1, $0xb8;
	[tilespmem:$0x1E580] =	vst v63  }
0x393: {  	v21 =	vld.idx.msk [tilespmem:v20+s22+$0x0], $0xffff;
	_ =	sdelay $0x4  }
0x394: {  	(v2sf) =	vpush v21, $0x0;
	_ =	sdelay $0x9  }
0x395: {  	s25 =	sadd.s32 $0x1, s10  }
0x396: {  	s31 =	simm.s32 $0x2;
	s15 =	simm.s32 $0x105C0;
	s13 =	simm.s32 $0x105C0;
	v21 =	vmov s25  }
.LBB2_91:
0x397: {  	_ =	sdelay $0x1  }
0x398: {  	s15 =	sadd.s32 $0x80, s15  }
0x399: {  	s1 =	smov.u32 s31;
	s31 =	sadd.s32 $0x1, s31;
	s0 =	spop (v2sf)  }
0x39a: {  	p0 =	sne.s32 s31, $0x40;
	s0 =	ssub.s32 s0, s8  }
0x39b: {  	p1 =	sgt.s32 s0, $0x0  }
0x39c: {  	s0 =	simm.s32 @!p1 $0x0  }
0x39d: {  	s2 =	smin.u32 s0, $0x13F  }
0x39e: {  	p1 =	seq.s32 s2, s7  }
0x39f: {  	s25 =	sshll.u32 @!p1 s7, $0x7;
	s0 =	simm.f32 @!p1 $0.0e+00;
	s7 =	smov.u32 s2  }
0x3a0: {  	v22 =	vld.idx.msk [tilespmem:v20+s29+$0x0], $0xffff;
	s2 =	sand.u32 @!p1 $0x3FFFFF80, s25;
	s0 =	simm.f32 @p1 $1.000000000e+00;
	v20 =	vmov v21  }
0x3a1: {  	v21 =	vld @!p1 [tilespmem:s2+$0x145F0]  }
0x3a2: {  	v23 =	vld @!p1 [tilespmem:s2+$0x145A0]  }
0x3a3: {  	v24 =	vld @!p1 [tilespmem:s2+$0x145B0]  }
0x3a4: {  	v25 =	vld @!p1 [tilespmem:s2+$0x145D0]  }
0x3a5: {  	v26 =	vld @!p1 [tilespmem:s2+$0x14590]  }
0x3a6: {  	v27 =	vld @!p1 [tilespmem:s2+$0x14580];
	v21 =	vadd.f32 @!p1 v21, v15  }
0x3a7: {  	v23 =	vadd.f32 @!p1 v23, v16;
	v28 =	vld @!p1 [tilespmem:s2+$0x145E0]  }
0x3a8: {  	v24 =	vadd.f32 @!p1 v24, v13;
	v29 =	vld @!p1 [tilespmem:s2+$0x145C0];
	[tilespmem:s2+$0x145F0] =	vst @!p1 v21  }
0x3a9: {  	[tilespmem:s2+$0x145A0] =	vst @!p1 v23;
	v21 =	vadd.f32 @!p1 v25, v14  }
0x3aa: {  	v23 =	vadd.f32 @!p1 v26, v19;
	[tilespmem:s2+$0x145B0] =	vst @!p1 v24  }
0x3ab: {  	v24 =	vadd.f32 @!p1 v27, v18;
	[tilespmem:s2+$0x145D0] =	vst @!p1 v21  }
0x3ac: {  	[tilespmem:s2+$0x14590] =	vst @!p1 v23;
	v21 =	vadd.f32 @!p1 v28, v17  }
0x3ad: {  	[tilespmem:s2+$0x14580] =	vst @!p1 v24;
	v23 =	vadd.f32 @!p1 v29, v12  }
0x3ae: {  	[tilespmem:s2+$0x145E0] =	vst @!p1 v21  }
0x3af: {  	[tilespmem:s2+$0x145C0] =	vst @!p1 v23  }
0x3b0: {  	v21 =	vld [tilespmem:s13+$0xFFFFFFC0]  }
0x3b1: {  	v23 =	vld.idx.msk [tilespmem:v20+s22+$0x0], $0xffff  }
0x3b2: {  	v24 =	vld [tilespmem:s13+$0xFFFFFFD0]  }
0x3b3: {  	v25 =	vld [tilespmem:s13+$0xFFFFFFE0]  }
0x3b4: {  	v26 =	vld [tilespmem:s13+$0xFFFFFFF0]  }
0x3b5: {  	v18 =	vmul.f32 s0, v18;
	v21 =	vmul.f32 v21, v22;
	v27 =	vld [tilespmem:s13+$0x30]  }
0x3b6: {  	v19 =	vmul.f32 s0, v19;
	v17 =	vmul.f32 s0, v17;
	v28 =	vld [tilespmem:s13+$0x0]  }
0x3b7: {  	(v2sf) =	vpush v23, $0x0;
	v18 =	vadd.f32 v18, v21;
	v21 =	vmul.f32 v24, v22;
	v23 =	vld [tilespmem:s13+$0x20]  }
0x3b8: {  	v16 =	vmul.f32 s0, v16;
	v24 =	vmul.f32 v25, v22;
	v25 =	vld [tilespmem:s13+$0x10];
	s13 =	smov.u32 s15  }
0x3b9: {  	v13 =	vmul.f32 s0, v13;
	v19 =	vadd.f32 v21, v19;
	v21 =	vmul.f32 v26, v22  }
0x3ba: {  	v15 =	vmul.f32 s0, v15;
	v16 =	vadd.f32 v24, v16;
	v24 =	vmul.f32 v27, v22  }
0x3bb: {  	v12 =	vmul.f32 s0, v12;
	v13 =	vadd.f32 v21, v13;
	v21 =	vmul.f32 v28, v22  }
0x3bc: {  	v14 =	vmul.f32 s0, v14;
	v23 =	vmul.f32 v23, v22;
	v15 =	vadd.f32 v24, v15  }
0x3bd: {  	v12 =	vadd.f32 v21, v12;
	v21 =	vmul.f32 v25, v22  }
.Ltmp68:
0x3be: {  	v17 =	vadd.f32 v23, v17;
	(pc) =	sbr.rel @p0 .LBB2_91-.Ltmp68, $3  }
0x3bf: {  	v14 =	vadd.f32 v21, v14;
	_ =	sdelay $0x1  }
0x3c0: {  	s0 =	sadd.s32 s1, s10  }
0x3c1: {  	v21 =	vmov s0  }
0x3c2: {  	_ =	sdelay $0x2  }
0x3c3: {  	s0 =	spop (v2sf)  }
0x3c4: {  	s0 =	ssub.s32 s0, s8  }
0x3c5: {  	p0 =	sgt.s32 s0, $0x0  }
0x3c6: {  	s0 =	simm.s32 @!p0 $0x0  }
0x3c7: {  	s0 =	smin.u32 s0, $0x13F  }
0x3c8: {  	p1 =	seq.s32 s0, s7  }
0x3c9: {  	s1 =	sshll.u32 @!p1 s7, $0x7  }
0x3ca: {  	v20 =	vld.idx.msk [tilespmem:v20+s29+$0x0], $0xffff;
	s1 =	sand.u32 @!p1 $0x3FFFFF80, s1  }
0x3cb: {  	v22 =	vld @!p1 [tilespmem:s1+$0x145F0]  }
0x3cc: {  	v23 =	vld @!p1 [tilespmem:s1+$0x145A0]  }
0x3cd: {  	v24 =	vld @!p1 [tilespmem:s1+$0x145B0]  }
0x3ce: {  	v25 =	vld @!p1 [tilespmem:s1+$0x145D0]  }
0x3cf: {  	v26 =	vld @!p1 [tilespmem:s1+$0x14590]  }
0x3d0: {  	v27 =	vld @!p1 [tilespmem:s1+$0x14580];
	v22 =	vadd.f32 @!p1 v22, v15  }
0x3d1: {  	v28 =	vld @!p1 [tilespmem:s1+$0x145E0];
	v23 =	vadd.f32 @!p1 v23, v16  }
0x3d2: {  	v29 =	vld @!p1 [tilespmem:s1+$0x145C0];
	v24 =	vadd.f32 @!p1 v24, v13;
	[tilespmem:s1+$0x145F0] =	vst @!p1 v22  }
0x3d3: {  	[tilespmem:s1+$0x145A0] =	vst @!p1 v23;
	v22 =	vadd.f32 @!p1 v25, v14  }
0x3d4: {  	v23 =	vadd.f32 @!p1 v26, v19;
	[tilespmem:s1+$0x145B0] =	vst @!p1 v24  }
0x3d5: {  	v24 =	vadd.f32 @!p1 v27, v18;
	[tilespmem:s1+$0x145D0] =	vst @!p1 v22  }
0x3d6: {  	[tilespmem:s1+$0x14590] =	vst @!p1 v23;
	v22 =	vadd.f32 @!p1 v28, v17  }
0x3d7: {  	[tilespmem:s1+$0x14580] =	vst @!p1 v24;
	v23 =	vadd.f32 @!p1 v29, v12  }
0x3d8: {  	[tilespmem:s1+$0x145E0] =	vst @!p1 v22  }
0x3d9: {  	[tilespmem:s1+$0x145C0] =	vst @!p1 v23  }
0x3da: {  	v22 =	vld.idx.msk [tilespmem:v21+s22+$0x0], $0xffff;
	_ =	sdelay $0x4  }
0x3db: {  	(v2sf) =	vpush v22, $0x0;
	_ =	sdelay $0xd  }
0x3dc: {  	v23 =	vld [tilespmem:s13+$0xFFFFFFD0]  }
0x3dd: {  	v24 =	vld [tilespmem:s13+$0xFFFFFFE0];
	s25 =	spop (v2sf)  }
0x3de: {  	v52 =	vld [tilespmem:s13+$0xFFFFFFF0];
	s1 =	ssub.s32 s25, s8  }
0x3df: {  	v22 =	vld [tilespmem:s13+$0xFFFFFFC0];
	p0 =	sgt.s32 s1, $0x0  }
0x3e0: {  	v53 =	vld [tilespmem:s13+$0x30];
	s1 =	simm.s32 @!p0 $0x0  }
0x3e1: {  	v54 =	vld [tilespmem:s13+$0x0];
	s7 =	smin.u32 s1, $0x13F  }
0x3e2: {  	v55 =	vld [tilespmem:s13+$0x20];
	s1 =	simm.f32 @!p1 $0.0e+00;
	p0 =	seq.s32 s7, s0  }
0x3e3: {  	v56 =	vld [tilespmem:s13+$0x10];
	v23 =	vmul.f32 v23, v20;
	v25 =	vmul.f32 v52, v20;
	s1 =	simm.f32 @p1 $1.000000000e+00;
	s0 =	sshll.u32 @!p0 s0, $0x7  }
0x3e4: {  	v21 =	vld.idx.msk [tilespmem:v21+s29+$0x0], $0xffff;
	v22 =	vmul.f32 v22, v20;
	v18 =	vmul.f32 s1, v18;
	s0 =	sand.u32 @!p0 $0x3FFFFF80, s0  }
0x3e5: {  	v19 =	vmul.f32 s1, v19;
	v15 =	vmul.f32 s1, v15;
	v30 =	vld @!p0 [tilespmem:s0+$0x145F0]  }
0x3e6: {  	v13 =	vmul.f32 s1, v13;
	v18 =	vadd.f32 v18, v22;
	v22 =	vmul.f32 v53, v20;
	v26 =	vld @!p0 [tilespmem:s0+$0x145A0]  }
0x3e7: {  	v24 =	vmul.f32 v24, v20;
	v16 =	vmul.f32 s1, v16;
	v19 =	vadd.f32 v23, v19;
	v23 =	vld @!p0 [tilespmem:s0+$0x145B0]  }
0x3e8: {  	v13 =	vadd.f32 v25, v13;
	v25 =	vld @!p0 [tilespmem:s0+$0x14580];
	v15 =	vadd.f32 v22, v15  }
0x3e9: {  	v57 =	vmul.f32 v56, v20;
	v14 =	vmul.f32 s1, v14;
	v16 =	vadd.f32 v24, v16;
	v22 =	vld @!p0 [tilespmem:s0+$0x145D0]  }
0x3ea: {  	v28 =	vmul.f32 v55, v20;
	v12 =	vmul.f32 s1, v12;
	v29 =	vld @!p0 [tilespmem:s0+$0x14590];
	v30 =	vadd.f32 @!p0 v30, v15  }
0x3eb: {  	v24 =	vadd.f32 v57, v14;
	v20 =	vmul.f32 v54, v20;
	v14 =	vadd.f32 @!p0 v26, v16;
	v26 =	vld @!p0 [tilespmem:s0+$0x145E0]  }
0x3ec: {  	v17 =	vmul.f32 s1, v17;
	v23 =	vadd.f32 @!p0 v23, v13;
	[tilespmem:s0+$0x145F0] =	vst @!p0 v30;
	v30 =	vld @!p0 [tilespmem:s0+$0x145C0]  }
0x3ed: {  	v12 =	vadd.f32 v20, v12;
	v20 =	vadd.f32 @!p0 v25, v18;
	[tilespmem:s0+$0x145A0] =	vst @!p0 v14  }
0x3ee: {  	v17 =	vadd.f32 v28, v17;
	v14 =	vadd.f32 @!p0 v22, v24;
	[tilespmem:s0+$0x145B0] =	vst @!p0 v23  }
0x3ef: {  	v22 =	vadd.f32 @!p0 v29, v19;
	[tilespmem:s0+$0x14580] =	vst @!p0 v20  }
0x3f0: {  	[tilespmem:s0+$0x145D0] =	vst @!p0 v14;
	v14 =	vadd.f32 @!p0 v26, v17  }
0x3f1: {  	[tilespmem:s0+$0x14590] =	vst @!p0 v22;
	v20 =	vadd.f32 @!p0 v30, v12  }
0x3f2: {  	[tilespmem:s0+$0x145E0] =	vst @!p0 v14  }
0x3f3: {  	s2 =	sadd.s32 $0x80, s15;
	[tilespmem:s0+$0x145C0] =	vst @!p0 v20  }
0x3f4: {  	v14 =	vld [tilespmem:s2+$0xFFFFFFC0]  }
0x3f5: {  	v22 =	vld [tilespmem:s2+$0xFFFFFFD0]  }
0x3f6: {  	v23 =	vld [tilespmem:s2+$0xFFFFFFE0]  }
0x3f7: {  	v58 =	vld [tilespmem:s2+$0xFFFFFFF0]  }
0x3f8: {  	v59 =	vld [tilespmem:s2+$0x30]  }
0x3f9: {  	s13 =	sshll.u32 s11, $0x1;
	v60 =	vld [tilespmem:s2+$0x0]  }
0x3fa: {  	s0 =	sadd.s32 $0x2, s13;
	v61 =	vld [tilespmem:s2+$0x20]  }
0x3fb: {  	v62 =	vld [tilespmem:s2+$0x10];
	_ =	swait.ge [sflag:s30], $0x2000;
	p1 =	sge.s32 s0, s9  }
0x3fc: {  	[sflag:s30] =	ssyncset.done $0x0;
	s0 =	sshll.u32 @!p1 s0, $0x8  }
0x3fd: {  	[sflag:s30] =	ssyncadd.s32 $0xFFFFE000;
	s0 =	sshra.s32 @!p1 s0, $0x2  }
0x3fe: {  	v20 =	vld @!p1 [tilespmem:s0+$0x8F00];
	_ =	sdelay $0x4  }
0x3ff: {  	[tilespmem:$0x10480] =	vst @!p1 v20  }
0x400: {  	v20 =	vld @!p1 [tilespmem:s0+$0x8F10];
	_ =	sdelay $0x4  }
0x401: {  	[tilespmem:$0x10490] =	vst @!p1 v20  }
0x402: {  	v20 =	vld @!p1 [tilespmem:s0+$0x8F20];
	_ =	sdelay $0x4  }
0x403: {  	[tilespmem:$0x104A0] =	vst @!p1 v20  }
0x404: {  	v30 =	vld @!p1 [tilespmem:s0+$0x8F30]  }
0x405: {  	s15 =	sadd.s32 $0x0, s6  }
0x406: {  	v20 =	vmov s15  }
0x407: {  	s0 =	simm.f32 @!p0 $0.0e+00  }
0x408: {  	s1 =	simm.s32 @!p1 $0x40;
	s0 =	simm.f32 @p0 $1.000000000e+00  }
0x409: {  	s2 =	simm.s32 @!p1 $0x10480;
	s13 =	simm.s32 @!p1 $0x10580;
	v14 =	vmul.f32 v14, v21;
	s15 =	rddreg [dreg:$0x1];
	v18 =	vmul.f32 s0, v18;
	[tilespmem:$0x104B0] =	vst @!p1 v30  }
0x40a: {  	v31 =	vmul.f32 s0, v17;
	v17 =	vmul.f32 v22, v21;
	[tilespmem:s13], [sflag:$0x1] =	stream.indirect.gather @!p1 [hbm4b:s15+s1], $0x80, s2, s1, $0xb8;
	[tilespmem:$0x1E580] =	vst v63  }
0x40b: {  	v22 =	vmul.f32 s0, v16;
	v16 =	vadd.f32 v18, v14;
	v14 =	vmul.f32 v23, v21;
	v23 =	vld.idx.msk [tilespmem:v20+s22+$0x0], $0xffff;
	_ =	sdelay $0x4  }
0x40c: {  	(v2sf) =	vpush v23, $0x0;
	_ =	sdelay $0x3  }
0x40d: {  	v63 =	vmul.f32 v61, v21  }
0x40e: {  	v19 =	vmul.f32 s0, v19;
	v13 =	vmul.f32 s0, v13  }
0x40f: {  	v15 =	vmul.f32 s0, v15;
	v18 =	vmul.f32 v58, v21  }
0x410: {  	v12 =	vmul.f32 s0, v12;
	v17 =	vadd.f32 v17, v19;
	v19 =	vmul.f32 v59, v21  }
0x411: {  	v24 =	vmul.f32 s0, v24;
	v14 =	vadd.f32 v14, v22;
	v13 =	vadd.f32 v18, v13  }
0x412: {  	v22 =	vmul.f32 v60, v21;
	v18 =	vadd.f32 v19, v15;
	v15 =	vmul.f32 v62, v21  }
0x413: {  	s25 =	sadd.s32 $0x1, s6;
	v19 =	vadd.f32 v63, v31  }
0x414: {  	s31 =	simm.s32 $0x2;
	s15 =	simm.s32 $0x125C0;
	v21 =	vmov s25;
	s13 =	simm.s32 $0x125C0;
	v12 =	vadd.f32 v22, v12;
	v15 =	vadd.f32 v15, v24  }
.LBB2_93:
0x415: {  	_ =	sdelay $0x1  }
0x416: {  	s15 =	sadd.s32 $0x80, s15  }
0x417: {  	s1 =	smov.u32 s31;
	s31 =	sadd.s32 $0x1, s31;
	s0 =	spop (v2sf)  }
0x418: {  	p0 =	sne.s32 s31, $0x40;
	s0 =	ssub.s32 s0, s8  }
0x419: {  	p1 =	sgt.s32 s0, $0x0  }
0x41a: {  	s0 =	simm.s32 @!p1 $0x0  }
0x41b: {  	s2 =	smin.u32 s0, $0x13F  }
0x41c: {  	p1 =	seq.s32 s2, s7  }
0x41d: {  	s25 =	sshll.u32 @!p1 s7, $0x7;
	s0 =	simm.f32 @!p1 $0.0e+00;
	s7 =	smov.u32 s2  }
0x41e: {  	v22 =	vld.idx.msk [tilespmem:v20+s29+$0x0], $0xffff;
	s2 =	sand.u32 @!p1 $0x3FFFFF80, s25;
	s0 =	simm.f32 @p1 $1.000000000e+00;
	v20 =	vmov v21  }
0x41f: {  	v21 =	vld @!p1 [tilespmem:s2+$0x145F0]  }
0x420: {  	v23 =	vld @!p1 [tilespmem:s2+$0x145A0]  }
0x421: {  	v24 =	vld @!p1 [tilespmem:s2+$0x145B0]  }
0x422: {  	v25 =	vld @!p1 [tilespmem:s2+$0x145D0]  }
0x423: {  	v26 =	vld @!p1 [tilespmem:s2+$0x14590]  }
0x424: {  	v27 =	vld @!p1 [tilespmem:s2+$0x14580];
	v21 =	vadd.f32 @!p1 v21, v18  }
0x425: {  	v23 =	vadd.f32 @!p1 v23, v14;
	v28 =	vld @!p1 [tilespmem:s2+$0x145E0]  }
0x426: {  	v24 =	vadd.f32 @!p1 v24, v13;
	v29 =	vld @!p1 [tilespmem:s2+$0x145C0];
	[tilespmem:s2+$0x145F0] =	vst @!p1 v21  }
0x427: {  	[tilespmem:s2+$0x145A0] =	vst @!p1 v23;
	v21 =	vadd.f32 @!p1 v25, v15  }
0x428: {  	v23 =	vadd.f32 @!p1 v26, v17;
	[tilespmem:s2+$0x145B0] =	vst @!p1 v24  }
0x429: {  	v24 =	vadd.f32 @!p1 v27, v16;
	[tilespmem:s2+$0x145D0] =	vst @!p1 v21  }
0x42a: {  	[tilespmem:s2+$0x14590] =	vst @!p1 v23;
	v21 =	vadd.f32 @!p1 v28, v19  }
0x42b: {  	[tilespmem:s2+$0x14580] =	vst @!p1 v24;
	v23 =	vadd.f32 @!p1 v29, v12  }
0x42c: {  	[tilespmem:s2+$0x145E0] =	vst @!p1 v21  }
0x42d: {  	[tilespmem:s2+$0x145C0] =	vst @!p1 v23  }
0x42e: {  	v21 =	vld [tilespmem:s13+$0xFFFFFFC0]  }
0x42f: {  	v23 =	vld.idx.msk [tilespmem:v20+s22+$0x0], $0xffff  }
0x430: {  	v24 =	vld [tilespmem:s13+$0xFFFFFFD0]  }
0x431: {  	v25 =	vld [tilespmem:s13+$0xFFFFFFE0]  }
0x432: {  	v26 =	vld [tilespmem:s13+$0xFFFFFFF0]  }
0x433: {  	v16 =	vmul.f32 s0, v16;
	v21 =	vmul.f32 v21, v22;
	v27 =	vld [tilespmem:s13+$0x30]  }
0x434: {  	v17 =	vmul.f32 s0, v17;
	v19 =	vmul.f32 s0, v19;
	v28 =	vld [tilespmem:s13+$0x0]  }
0x435: {  	(v2sf) =	vpush v23, $0x0;
	v16 =	vadd.f32 v16, v21;
	v21 =	vmul.f32 v24, v22;
	v23 =	vld [tilespmem:s13+$0x20]  }
0x436: {  	v14 =	vmul.f32 s0, v14;
	v24 =	vmul.f32 v25, v22;
	v25 =	vld [tilespmem:s13+$0x10];
	s13 =	smov.u32 s15  }
0x437: {  	v13 =	vmul.f32 s0, v13;
	v17 =	vadd.f32 v21, v17;
	v21 =	vmul.f32 v26, v22  }
0x438: {  	v18 =	vmul.f32 s0, v18;
	v14 =	vadd.f32 v24, v14;
	v24 =	vmul.f32 v27, v22  }
0x439: {  	v12 =	vmul.f32 s0, v12;
	v13 =	vadd.f32 v21, v13;
	v21 =	vmul.f32 v28, v22  }
0x43a: {  	v15 =	vmul.f32 s0, v15;
	v23 =	vmul.f32 v23, v22;
	v18 =	vadd.f32 v24, v18  }
0x43b: {  	v12 =	vadd.f32 v21, v12;
	v21 =	vmul.f32 v25, v22  }
.Ltmp69:
0x43c: {  	v19 =	vadd.f32 v23, v19;
	(pc) =	sbr.rel @p0 .LBB2_93-.Ltmp69, $3  }
0x43d: {  	v15 =	vadd.f32 v21, v15;
	_ =	sdelay $0x1  }
0x43e: {  	s0 =	sadd.s32 s1, s6  }
0x43f: {  	v21 =	vmov s0  }
0x440: {  	_ =	sdelay $0x2  }
0x441: {  	s0 =	spop (v2sf)  }
0x442: {  	s0 =	ssub.s32 s0, s8  }
0x443: {  	p0 =	sgt.s32 s0, $0x0  }
0x444: {  	s0 =	simm.s32 @!p0 $0x0  }
0x445: {  	s0 =	smin.u32 s0, $0x13F  }
0x446: {  	p1 =	seq.s32 s0, s7  }
0x447: {  	s1 =	sshll.u32 @!p1 s7, $0x7  }
0x448: {  	v20 =	vld.idx.msk [tilespmem:v20+s29+$0x0], $0xffff;
	s1 =	sand.u32 @!p1 $0x3FFFFF80, s1  }
0x449: {  	v22 =	vld @!p1 [tilespmem:s1+$0x145F0]  }
0x44a: {  	v23 =	vld @!p1 [tilespmem:s1+$0x145A0]  }
0x44b: {  	v24 =	vld @!p1 [tilespmem:s1+$0x145B0]  }
0x44c: {  	v25 =	vld @!p1 [tilespmem:s1+$0x145D0]  }
0x44d: {  	v26 =	vld @!p1 [tilespmem:s1+$0x14590]  }
0x44e: {  	v27 =	vld @!p1 [tilespmem:s1+$0x14580];
	v22 =	vadd.f32 @!p1 v22, v18  }
0x44f: {  	v28 =	vld @!p1 [tilespmem:s1+$0x145E0];
	v23 =	vadd.f32 @!p1 v23, v14  }
0x450: {  	v29 =	vld @!p1 [tilespmem:s1+$0x145C0];
	v24 =	vadd.f32 @!p1 v24, v13;
	[tilespmem:s1+$0x145F0] =	vst @!p1 v22  }
0x451: {  	[tilespmem:s1+$0x145A0] =	vst @!p1 v23;
	v22 =	vadd.f32 @!p1 v25, v15  }
0x452: {  	v23 =	vadd.f32 @!p1 v26, v17;
	[tilespmem:s1+$0x145B0] =	vst @!p1 v24  }
0x453: {  	v24 =	vadd.f32 @!p1 v27, v16;
	[tilespmem:s1+$0x145D0] =	vst @!p1 v22  }
0x454: {  	[tilespmem:s1+$0x14590] =	vst @!p1 v23;
	v22 =	vadd.f32 @!p1 v28, v19  }
0x455: {  	[tilespmem:s1+$0x14580] =	vst @!p1 v24;
	v23 =	vadd.f32 @!p1 v29, v12  }
0x456: {  	[tilespmem:s1+$0x145E0] =	vst @!p1 v22  }
0x457: {  	[tilespmem:s1+$0x145C0] =	vst @!p1 v23  }
0x458: {  	v22 =	vld.idx.msk [tilespmem:v21+s22+$0x0], $0xffff;
	_ =	sdelay $0x4  }
0x459: {  	(v2sf) =	vpush v22, $0x0;
	_ =	sdelay $0xd  }
0x45a: {  	v49 =	vld [tilespmem:s13+$0xFFFFFFC0]  }
0x45b: {  	v23 =	vld [tilespmem:s13+$0xFFFFFFD0];
	s25 =	spop (v2sf)  }
0x45c: {  	v24 =	vld [tilespmem:s13+$0xFFFFFFE0];
	s1 =	ssub.s32 s25, s8  }
0x45d: {  	v51 =	vld [tilespmem:s13+$0x30];
	p0 =	sgt.s32 s1, $0x0  }
0x45e: {  	v50 =	vld [tilespmem:s13+$0xFFFFFFF0];
	s1 =	simm.s32 @!p0 $0x0  }
0x45f: {  	v52 =	vld [tilespmem:s13+$0x0];
	s7 =	smin.u32 s1, $0x13F  }
0x460: {  	v53 =	vld [tilespmem:s13+$0x20];
	p0 =	seq.s32 s7, s0  }
0x461: {  	v54 =	vld [tilespmem:s13+$0x10];
	v22 =	vmul.f32 v49, v20;
	v23 =	vmul.f32 v23, v20;
	s1 =	simm.f32 @!p1 $0.0e+00;
	s0 =	sshll.u32 @!p0 s0, $0x7  }
0x462: {  	v55 =	vld.idx.msk [tilespmem:v21+s29+$0x0], $0xffff;
	v56 =	vmul.f32 v51, v20;
	v24 =	vmul.f32 v24, v20;
	s1 =	simm.f32 @p1 $1.000000000e+00;
	s0 =	sand.u32 @!p0 $0x3FFFFF80, s0  }
0x463: {  	v25 =	vmul.f32 v50, v20;
	v17 =	vmul.f32 s1, v17;
	v30 =	vld @!p0 [tilespmem:s0+$0x145F0]  }
0x464: {  	v16 =	vmul.f32 s1, v16;
	v18 =	vmul.f32 s1, v18;
	v26 =	vld @!p0 [tilespmem:s0+$0x145A0]  }
0x465: {  	v14 =	vmul.f32 s1, v14;
	v13 =	vmul.f32 s1, v13;
	v17 =	vadd.f32 v23, v17;
	v23 =	vld @!p0 [tilespmem:s0+$0x145B0]  }
0x466: {  	v57 =	vmul.f32 v54, v20;
	v16 =	vadd.f32 v16, v22;
	v22 =	vadd.f32 v56, v18;
	v18 =	vld @!p0 [tilespmem:s0+$0x145D0]  }
0x467: {  	v15 =	vmul.f32 s1, v15;
	v14 =	vadd.f32 v24, v14;
	v13 =	vadd.f32 v25, v13;
	v25 =	vld @!p0 [tilespmem:s0+$0x14580]  }
0x468: {  	v28 =	vmul.f32 v53, v20;
	v29 =	vld @!p0 [tilespmem:s0+$0x14590];
	v30 =	vadd.f32 @!p0 v30, v22  }
0x469: {  	v19 =	vmul.f32 s1, v19;
	v15 =	vadd.f32 v57, v15;
	v24 =	vadd.f32 @!p0 v26, v14;
	v26 =	vld @!p0 [tilespmem:s0+$0x145E0]  }
0x46a: {  	v20 =	vmul.f32 v52, v20;
	v12 =	vmul.f32 s1, v12;
	v23 =	vadd.f32 @!p0 v23, v13;
	[tilespmem:s0+$0x145F0] =	vst @!p0 v30;
	v30 =	vld @!p0 [tilespmem:s0+$0x145C0]  }
0x46b: {  	v19 =	vadd.f32 v28, v19;
	v18 =	vadd.f32 @!p0 v18, v15;
	[tilespmem:s0+$0x145A0] =	vst @!p0 v24  }
0x46c: {  	v12 =	vadd.f32 v20, v12;
	v20 =	vadd.f32 @!p0 v25, v16;
	[tilespmem:s0+$0x145B0] =	vst @!p0 v23  }
0x46d: {  	v24 =	vadd.f32 @!p0 v29, v17;
	[tilespmem:s0+$0x145D0] =	vst @!p0 v18  }
0x46e: {  	[tilespmem:s0+$0x14580] =	vst @!p0 v20;
	v18 =	vadd.f32 @!p0 v26, v19  }
0x46f: {  	[tilespmem:s0+$0x14590] =	vst @!p0 v24;
	v20 =	vadd.f32 @!p0 v30, v12  }
0x470: {  	[tilespmem:s0+$0x145E0] =	vst @!p0 v18  }
0x471: {  	s31 =	sadd.s32 $0x80, s15;
	[tilespmem:s0+$0x145C0] =	vst @!p0 v20  }
0x472: {  	v18 =	vld [tilespmem:s31+$0xFFFFFFC0]  }
0x473: {  	v20 =	vld [tilespmem:s31+$0xFFFFFFD0]  }
0x474: {  	s0 =	simm.f32 @!p0 $0.0e+00;
	v23 =	vld [tilespmem:s31+$0xFFFFFFE0]  }
0x475: {  	v24 =	vld [tilespmem:s31+$0xFFFFFFF0];
	s0 =	simm.f32 @p0 $1.000000000e+00  }
0x476: {  	v58 =	vld [tilespmem:s31+$0x30];
	v16 =	vmul.f32 s0, v16  }
0x477: {  	v59 =	vld [tilespmem:s31+$0x0];
	v17 =	vmul.f32 s0, v17;
	v60 =	vmul.f32 s0, v19  }
0x478: {  	v61 =	vld [tilespmem:s31+$0x20];
	v14 =	vmul.f32 s0, v14;
	v13 =	vmul.f32 s0, v13  }
0x479: {  	v22 =	vmul.f32 s0, v22;
	v19 =	vmul.f32 v20, v55;
	v20 =	vld [tilespmem:s31+$0x10]  }
0x47a: {  	s11 =	sadd.s32 $0x1, s11;
	v12 =	vmul.f32 s0, v12;
	v18 =	vmul.f32 v18, v55  }
0x47b: {  	p0 =	sne.s32 s11, s4;
	v62 =	vmul.f32 s0, v15;
	v23 =	vmul.f32 v23, v55  }
.Ltmp70:
0x47c: {  	v24 =	vmul.f32 v24, v55;
	v18 =	vadd.f32 v16, v18;
	v19 =	vadd.f32 v19, v17;
	(pc) =	sbr.rel @p0 .LBB2_90-.Ltmp70, $4  }
0x47d: {  	v17 =	vmul.f32 v58, v55;
	v16 =	vadd.f32 v23, v14;
	v14 =	vmul.f32 v59, v55  }
0x47e: {  	v63 =	vmul.f32 v61, v55;
	v13 =	vadd.f32 v24, v13;
	v20 =	vmul.f32 v20, v55  }
0x47f: {  	v15 =	vadd.f32 v17, v22;
	v12 =	vadd.f32 v14, v12  }
0x480: {  	s10 =	sadd.s32 $0x80, s10;
	s6 =	sadd.s32 $0x80, s6;
	v17 =	vadd.f32 v63, v60;
	v14 =	vadd.f32 v20, v62  }
.Ltmp71:
0x481: {  	(pc) =	sbr.rel .LBB2_96-.Ltmp71, $3  }
0x482: {  	_ =	sdelay $0x1  }
0x483: {  	s0 =	sshll.u32 s7, $0x9  }
0x484: {  	s2 =	simm.s32 $0x4;
	s25 =	simm.s32 $0xDD00;
	s1 =	simm.s32 $0x0  }
.LBB2_43:
0x485: {  	v18 =	vimm.f32 $0.0e+00;
	v19 =	vimm.f32 $0.0e+00  }
0x486: {  	v16 =	vimm.f32 $0.0e+00;
	v13 =	vimm.f32 $0.0e+00;
	v12 =	vimm.f32 $0.0e+00  }
0x487: {  	v14 =	vimm.f32 $0.0e+00;
	v17 =	vimm.f32 $0.0e+00;
	v15 =	vimm.f32 $0.0e+00;
	s0 =	simm.s32 $0x0  }
.LBB2_96:
0x488: {  	s0 =	sshrl.u32 s0, $0x2  }
0x489: {  	v20 =	vld [tilespmem:s0+$0x14580]  }
0x48a: {  	v21 =	vld [tilespmem:s0+$0x14590]  }
0x48b: {  	v22 =	vld [tilespmem:s0+$0x145A0]  }
0x48c: {  	v23 =	vld [tilespmem:s0+$0x145B0]  }
0x48d: {  	v24 =	vld [tilespmem:s0+$0x145C0]  }
0x48e: {  	v61 =	vld [tilespmem:s0+$0x145D0];
	v18 =	vadd.f32 v20, v18  }
0x48f: {  	v62 =	vld [tilespmem:s0+$0x145E0];
	v19 =	vadd.f32 v21, v19  }
0x490: {  	v63 =	vld [tilespmem:s0+$0x145F0];
	v16 =	vadd.f32 v22, v16;
	[tilespmem:s0+$0x14580] =	vst v18  }
0x491: {  	v13 =	vadd.f32 v23, v13;
	[tilespmem:s0+$0x14590] =	vst v19  }
0x492: {  	v12 =	vadd.f32 v24, v12;
	[tilespmem:s0+$0x145A0] =	vst v16  }
0x493: {  	[tilespmem:s0+$0x145B0] =	vst v13;
	v13 =	vadd.f32 v61, v14;
	v14 =	vadd.s32 s1, v4  }
0x494: {  	[tilespmem:s0+$0x145C0] =	vst v12;
	v12 =	vadd.f32 v62, v17  }
0x495: {  	[tilespmem:s0+$0x145D0] =	vst v13;
	v13 =	vadd.f32 v63, v15  }
0x496: {  	[tilespmem:s0+$0x145E0] =	vst v12  }
0x497: {  	[tilespmem:s0+$0x145F0] =	vst v13  }
0x498: {  	v12 =	vld.idx.msk [tilespmem:v14+s20+$0x0], $0xffff;
	_ =	sdelay $0x4  }
0x499: {  	(v2sf) =	vpush v12, $0x1  }
0x49a: {  	(v2sf) =	vpush v12, $0x0;
	_ =	sdelay $0xd  }
0x49b: {  	s15 =	spop (v2sf)  }
0x49c: {  	s31 =	spop (v2sf)  }
0x49d: {  	p0 =	sne.s32 s15, s31  }
0x49e: {  	v12 =	vld @!p0 [tilespmem:$0x4F00];
	_ =	sdelay $0x4  }
0x49f: {  	v12 =	vmul.f32 @!p0 $9.999999740e-05, v12  }
0x4a0: {  	s4 =	simm.s32 $0x145C0  }
0x4a1: {  	[tilespmem:s4+$0xFFFFFFC0] =	vst @!p0 v12  }
0x4a2: {  	v12 =	vld @!p0 [tilespmem:$0x4F10];
	_ =	sdelay $0x4  }
0x4a3: {  	v12 =	vmul.f32 @!p0 $9.999999740e-05, v12;
	_ =	sdelay $0x1  }
0x4a4: {  	[tilespmem:s4+$0xFFFFFFD0] =	vst @!p0 v12  }
0x4a5: {  	v12 =	vld @!p0 [tilespmem:$0x4F20];
	_ =	sdelay $0x4  }
0x4a6: {  	v12 =	vmul.f32 @!p0 $9.999999740e-05, v12;
	_ =	sdelay $0x1  }
0x4a7: {  	[tilespmem:s4+$0xFFFFFFE0] =	vst @!p0 v12  }
0x4a8: {  	v12 =	vld @!p0 [tilespmem:$0x4F30];
	_ =	sdelay $0x4  }
0x4a9: {  	v12 =	vmul.f32 @!p0 $9.999999740e-05, v12;
	_ =	sdelay $0x1  }
0x4aa: {  	[tilespmem:s4+$0xFFFFFFF0] =	vst @!p0 v12  }
0x4ab: {  	v12 =	vld @!p0 [tilespmem:$0x4F40];
	_ =	sdelay $0x4  }
0x4ac: {  	v12 =	vmul.f32 @!p0 $9.999999740e-05, v12;
	_ =	sdelay $0x1  }
0x4ad: {  	[tilespmem:s4+$0x0] =	vst @!p0 v12  }
0x4ae: {  	v12 =	vld @!p0 [tilespmem:$0x4F50];
	_ =	sdelay $0x4  }
0x4af: {  	v12 =	vmul.f32 @!p0 $9.999999740e-05, v12;
	_ =	sdelay $0x1  }
0x4b0: {  	[tilespmem:s4+$0x10] =	vst @!p0 v12  }
0x4b1: {  	v12 =	vld @!p0 [tilespmem:$0x4F60];
	_ =	sdelay $0x4  }
0x4b2: {  	v12 =	vmul.f32 @!p0 $9.999999740e-05, v12;
	_ =	sdelay $0x1  }
0x4b3: {  	[tilespmem:s4+$0x20] =	vst @!p0 v12  }
0x4b4: {  	s6 =	simm.s32 $0x1;
	v12 =	vld @!p0 [tilespmem:$0x4F70]  }
.LBB2_97:
0x4b5: {  	_ =	sdelay $0x1  }
0x4b6: {  	v13 =	vadd.s32 s6, v4  }
0x4b7: {  	s6 =	sadd.s32 $0x1, s6  }
0x4b8: {  	p1 =	sne.s32 s6, $0x140;
	v12 =	vmul.f32 @!p0 $9.999999740e-05, v12;
	_ =	sdelay $0x1  }
0x4b9: {  	[tilespmem:s4+$0x30] =	vst @!p0 v12  }
0x4ba: {  	v12 =	vld.idx.msk [tilespmem:v13+s20+$0x0], $0xffff;
	_ =	sdelay $0x5  }
0x4bb: {  	(v2sf) =	vpush v12, $0x1  }
0x4bc: {  	(v2sf) =	vpush v12, $0x0;
	_ =	sdelay $0xd  }
0x4bd: {  	s0 =	spop (v2sf)  }
0x4be: {  	s1 =	spop (v2sf)  }
0x4bf: {  	p0 =	sne.s32 s0, s1  }
0x4c0: {  	v12 =	vld @!p0 [tilespmem:$0x4F00];
	_ =	sdelay $0x4  }
0x4c1: {  	v12 =	vmul.f32 @!p0 $9.999999740e-05, v12  }
0x4c2: {  	s4 =	sadd.s32 $0x80, s4  }
0x4c3: {  	[tilespmem:s4+$0xFFFFFFC0] =	vst @!p0 v12  }
0x4c4: {  	v12 =	vld @!p0 [tilespmem:$0x4F10];
	_ =	sdelay $0x4  }
0x4c5: {  	v12 =	vmul.f32 @!p0 $9.999999740e-05, v12;
	_ =	sdelay $0x1  }
0x4c6: {  	[tilespmem:s4+$0xFFFFFFD0] =	vst @!p0 v12  }
0x4c7: {  	v12 =	vld @!p0 [tilespmem:$0x4F20];
	_ =	sdelay $0x4  }
0x4c8: {  	v12 =	vmul.f32 @!p0 $9.999999740e-05, v12;
	_ =	sdelay $0x1  }
0x4c9: {  	[tilespmem:s4+$0xFFFFFFE0] =	vst @!p0 v12  }
0x4ca: {  	v12 =	vld @!p0 [tilespmem:$0x4F30];
	_ =	sdelay $0x4  }
0x4cb: {  	v12 =	vmul.f32 @!p0 $9.999999740e-05, v12;
	_ =	sdelay $0x1  }
0x4cc: {  	[tilespmem:s4+$0xFFFFFFF0] =	vst @!p0 v12  }
0x4cd: {  	v12 =	vld @!p0 [tilespmem:$0x4F40];
	_ =	sdelay $0x4  }
0x4ce: {  	v12 =	vmul.f32 @!p0 $9.999999740e-05, v12;
	_ =	sdelay $0x1  }
0x4cf: {  	[tilespmem:s4+$0x0] =	vst @!p0 v12  }
0x4d0: {  	v12 =	vld @!p0 [tilespmem:$0x4F50];
	_ =	sdelay $0x4  }
0x4d1: {  	v12 =	vmul.f32 @!p0 $9.999999740e-05, v12;
	_ =	sdelay $0x1  }
0x4d2: {  	[tilespmem:s4+$0x10] =	vst @!p0 v12  }
0x4d3: {  	v12 =	vld @!p0 [tilespmem:$0x4F60];
	_ =	sdelay $0x3  }
.Ltmp72:
0x4d4: {  	(pc) =	sbr.rel @p1 .LBB2_97-.Ltmp72, $3  }
0x4d5: {  	v12 =	vmul.f32 @!p0 $9.999999740e-05, v12;
	_ =	sdelay $0x1  }
0x4d6: {  	[tilespmem:s4+$0x20] =	vst @!p0 v12  }
0x4d7: {  	v12 =	vld @!p0 [tilespmem:$0x4F70]  }
0x4d8: {  	_ =	sdelay $0x3  }
0x4d9: {  	v12 =	vmul.f32 @!p0 $9.999999740e-05, v12;
	_ =	sdelay $0x1  }
0x4da: {  	s0 =	rddreg [dreg:$0x7];
	s1 =	simm.s32 $0x14580;
	[tilespmem:s4+$0x30] =	vst @!p0 v12  }
0x4db: {  	[hbm4b:s0+s3] =	stream.linear.scatter [tilespmem:s1], [sflag:$0x4], $0xA000, $0x38;
	[tilespmem:$0x1E580] =	vst v63  }
0x4dc: {  	_ =	swait.ge [sflag:s2], $0xA000  }
0x4dd: {  	s15 =	rddreg [dreg:$0x9]  }
0x4de: {  	s31 =	rddreg [dreg:$0x8];
	s1 =	sadd.s32 $0x1, s15  }
0x4df: {  	p0 =	sne.s32 s1, s31  }
.Ltmp73:
0x4e0: {  	_ = 	snop;
	(pc) =	sbr.rel @p0 .LBB2_1-.Ltmp73, $4  }
.Ltmp74:
0x4e1: {  	_ = 	snop;
	(pc) =	sbr.rel @!p0 .LBB2_99-.Ltmp74, $4  }
0x4e2: {  	_ = 	snop  }
0x4e3: {  	[sflag:s2] =	ssyncset.done $0x0  }
0x4e4: {  	[sflag:s2] =	ssyncadd.s32 $0xFFFF6000  }
0x4e5: {  	_ = 	snop  }
.LBB2_28:
.Ltmp75:
0x4e6: {  	(pc) =	sbr.rel .LBB2_34-.Ltmp75, $2  }
0x4e7: {  	_ =	sdelay $0x2  }
0x4e8: {  	s0 =	simm.s32 $0xA680  }
.LBB2_82:
.Ltmp76:
0x4e9: {  	(pc) =	sbr.rel .LBB2_89-.Ltmp76, $2  }
0x4ea: {  	_ =	sdelay $0x2  }
0x4eb: {  	v15 =	vmov v17;
	s0 =	simm.s32 $0xBE00  }
.LBB2_30:
.Ltmp77:
0x4ec: {  	(pc) =	sbr.rel .LBB2_34-.Ltmp77, $2  }
0x4ed: {  	_ =	sdelay $0x2  }
0x4ee: {  	s0 =	simm.s32 $0xA680  }
.LBB2_84:
.Ltmp78:
0x4ef: {  	(pc) =	sbr.rel .LBB2_89-.Ltmp78, $2  }
0x4f0: {  	_ =	sdelay $0x2  }
0x4f1: {  	v15 =	vmov v14;
	s0 =	simm.s32 $0xBE00  }
.LBB2_32:
.Ltmp79:
0x4f2: {  	(pc) =	sbr.rel .LBB2_34-.Ltmp79, $2  }
0x4f3: {  	_ =	sdelay $0x2  }
0x4f4: {  	s0 =	simm.s32 $0xA680  }
.LBB2_86:
.Ltmp80:
0x4f5: {  	(pc) =	sbr.rel .LBB2_89-.Ltmp80, $2  }
0x4f6: {  	_ =	sdelay $0x2  }
0x4f7: {  	v17 =	vmov v14;
	s0 =	simm.s32 $0xBE00  }
.LBB2_99:
0x4f8: {  	_ =	sfence.sel $0x180000  }
0x4f9: {  	[bflag:$0x0] =	sbarrier.arrive $0xFFFF  }
0x4fa: {  	_ =	strace $0x9000004A  }
0x4fb: {  	s0 =	stileid.u32;
	[bflag:$0x2] =	sbarrier.arrive $0xFFFF  }
0x4fc: {  	p0 =	sne.s32 s0, $0x0;
	s0 =	rddreg [dreg:$0x2]  }
0x4fd: {  	s0 =	sadd.s32 @!p0 $0x100000, s0  }
0x4fe: {  	[sflag:s0] =	ssyncadd.tile.s32 @!p0 $0x1;
	_ =	shalt  }
.Lfunc_end2:
_tile_overlayer_lowered:
.L_overlay_start_2:
0x4ff: {  	(tag) =	ssettag $0x2  }
0x500: {  	s0 =	rddreg [dreg:$0x0];
	s2 =	stileid.u32  }
0x501: {  	s1 =	rddreg [dreg:$0x1];
	p0 =	sne.s32 s2, $0x0  }
0x502: {  	s3 =	rddreg [dreg:$0x2];
	[bflag:$0x3] =	sbarrier.arrive $0xFFFF;
	s2 =	simm.s32 @!p0 $0x1C04  }
0x503: {  	[timem:s3], [sflag:s2] =	dma.local @!p0 [hbm:s0], s1  }
0x504: {  	s0 =	simm.s32 @!p0 $0x4  }
0x505: {  	_ =	swait.ge @!p0 [sflag:s0], s1  }
0x506: {  	s1 =	ssub.s32 @!p0 $0x0, s1;
	[sflag:s0] =	ssyncset.done @!p0 $0x0  }
0x507: {  	[sflag:s0] =	ssyncadd.s32 @!p0 s1  }
0x508: {  	[bflag:$0x3] =	sbarrier.arrive $0xFFFF  }
0x509: {  	_ =	shalt  }

</sc_bundles>
